<compile_context>
chip_gen: v7x
topology: tpu7x:2x2x1
jax: 0.10.2.dev20260603
libtpu: 0.0.44.dev20260713+nightly
codegen_flags: <defaults>
</compile_context>

<pallas_src>
import jax
import jax.numpy as jnp
from jax import lax
from jax.experimental import pallas as pl
from jax.experimental.pallas import tpu as pltpu
from jax.experimental.pallas import tpu_sc as plsc

_N = 10000
_D = 128
_DH = 64
_B = 64
_E = 320000

_NCORE = 2
_NSUB = 16
_CH = 128
_GCH = 16
_NGRP = 10
_CPT = _GCH * _NGRP
_EPT = _CH * _CPT
_ROWS2D = 2592
_NPAD = 10240


def _sc_agg(src_hbm, dst_hbm, xs_hbm, out_hbm,
            sg0, sg1, dg0, dg1, dw, r0, r1, r2, r3, r4, r5, r6, r7,
            zbuf, agg_sh,
            sgs0, sgs1, dgs0, dgs1, g0, g1, g2, g3, g4, g5, g6, g7):
    c = lax.axis_index("c")
    s = lax.axis_index("s")

    zeros16 = jnp.zeros((16,), jnp.float32)

    def _zb(r, carry):
        for jj in range(_DH // 16):
            zbuf[r, pl.ds(jj * 16, 16)] = zeros16
        return carry

    lax.fori_loop(0, 128, _zb, 0)

    gsem = (g0, g1, g2, g3, g4, g5, g6, g7)
    rows = (r0, r1, r2, r3, r4, r5, r6, r7)
    sg = (sg0, sg1)
    dg = (dg0, dg1)
    sgs = (sgs0, sgs1)
    dgs = (dgs0, dgs1)

    for i in range(5):
        pltpu.make_async_copy(zbuf, agg_sh.at[pl.ds(s * 640 + i * 128, 128)],
                              gsem[i]).start()
    for i in range(5):
        pltpu.make_async_copy(zbuf, agg_sh.at[pl.ds(s * 640 + i * 128, 128)],
                              gsem[i]).wait()
    plsc.subcore_barrier()

    rbase = s * _CPT

    def _sload(G, p):
        return pltpu.make_async_copy(src_hbm.at[pl.ds(rbase + G * _GCH, _GCH)],
                                     sg[p], sgs[p])

    def _dload(G, p):
        return pltpu.make_async_copy(dst_hbm.at[pl.ds(rbase + G * _GCH, _GCH)],
                                     dg[p], dgs[p])

    def _gather(p, j, rb):
        return pltpu.make_async_copy(xs_hbm.at[c].at[sg[p].at[j]],
                                     rows[rb], gsem[rb])

    def _scatter(p, j, rb):
        for jj in range(_CH // 16):
            dw[pl.ds(jj * 16, 16)] = dg[p][j, pl.ds(jj * 16, 16)]
        pltpu.sync_copy(rows[rb], agg_sh.at[dw], add=True)

    _sload(0, 0).start()
    _dload(0, 0).start()
    _sload(1, 1).start()
    _dload(1, 1).start()
    _sload(0, 0).wait()
    _dload(0, 0).wait()
    for j in range(7):
        _gather(0, j, j).start()

    @pl.loop(0, _NGRP, step=2)
    def _grp(g):
        for gg in range(2):
            p = gg
            for j in range(_GCH):
                rb = j % 8
                _gather(p, j, rb).wait()
                if j == 8:
                    _sload(g + gg + 1, 1 - p).wait()
                    _dload(g + gg + 1, 1 - p).wait()
                _scatter(p, j, rb)
                if j < 9:
                    _gather(p, j + 7, (j + 7) % 8).start()
                else:
                    _gather(1 - p, j - 9, (j + 7) % 8).start()
                if j == 15:
                    _sload(g + gg + 2, p).start()
                    _dload(g + gg + 2, p).start()

    for j in range(7):
        _gather(0, j, j).wait()
    _sload(_NGRP + 1, 1).wait()
    _dload(_NGRP + 1, 1).wait()
    plsc.subcore_barrier()

    wrows = 624
    pltpu.sync_copy(agg_sh.at[pl.ds(s * wrows, wrows)],
                    out_hbm.at[c, pl.ds(s * wrows, wrows)])

    tail = _N - wrows * _NSUB

    @pl.when(s == 0)
    def _wb_tail():
        pltpu.sync_copy(agg_sh.at[pl.ds(wrows * _NSUB, tail)],
                        out_hbm.at[c, pl.ds(wrows * _NSUB, tail)])


def _tc_dense(x_ref, a_ref, bcol_ref, brow_ref, W1_ref, b1_ref, g_ref, bb_ref,
              W2_ref, b2_ref, l1W_ref, l1b_ref, l2W_ref, l2b_ref,
              sig_ref, out_ref):
    h = x_ref[...] + jnp.concatenate([a_ref[0], a_ref[1]], axis=1)
    h = jnp.dot(h, W1_ref[...], preferred_element_type=jnp.float32) + b1_ref[...]
    mean = jnp.mean(h, axis=0)
    hcen = h - mean
    var = jnp.mean(hcen * hcen, axis=0)
    h = hcen * (g_ref[...] * lax.rsqrt(var + 1e-5)) + bb_ref[...]
    h = jnp.maximum(h, 0.0)
    h = jnp.dot(h, W2_ref[...], preferred_element_type=jnp.float32) + b2_ref[...]
    h = jnp.maximum(h, 0.0)

    bcol = bcol_ref[...]
    segs = lax.broadcasted_iota(jnp.int32, (_B, _N), 0)
    P = (brow_ref[...] == segs).astype(jnp.float32)
    h_add = jnp.dot(P, h, preferred_element_type=jnp.float32,
                    precision=lax.Precision.HIGHEST)

    rowid = lax.broadcasted_iota(jnp.int32, (_B, 1), 0)

    def _mbody(b, acc):
        m = jnp.max(jnp.where(bcol == b, h, -jnp.inf), axis=0)
        return jnp.where(rowid == b, m.reshape(1, _D), acc)

    h_max = lax.fori_loop(0, _B, _mbody,
                          jnp.full((_B, _D), -jnp.inf, jnp.float32))

    hc = jnp.concatenate([h_add, h_max], axis=1)
    hc = jnp.dot(hc, l1W_ref[...], preferred_element_type=jnp.float32) + l1b_ref[...]
    hc = jnp.maximum(hc, 0.0)
    o = jnp.dot(hc, l2W_ref[...], preferred_element_type=jnp.float32) + l2b_ref[...]
    out_ref[...] = o
    sig_ref[...] = 1.0 / (1.0 + jnp.exp(-o))


def _run_sc_agg(x, src, dst):
    pad = _ROWS2D * _CH - _E
    src2 = jnp.concatenate([src, jnp.zeros((pad,), jnp.int32)]).reshape(_ROWS2D, _CH)
    dst2 = jnp.concatenate(
        [dst, _N + (jnp.arange(pad, dtype=jnp.int32) % (_NPAD - _N))]
    ).reshape(_ROWS2D, _CH)
    xs = jnp.stack([x[:, :_DH], x[:, _DH:]])

    return pl.kernel(
        _sc_agg,
        out_type=jax.ShapeDtypeStruct((_NCORE, _N, _DH), jnp.float32),
        mesh=plsc.VectorSubcoreMesh(core_axis_name="c", subcore_axis_name="s"),
        compiler_params=pltpu.CompilerParams(use_tc_tiling_on_sc=False),
        scratch_types=[
            pltpu.VMEM((_GCH, _CH), jnp.int32),
            pltpu.VMEM((_GCH, _CH), jnp.int32),
            pltpu.VMEM((_GCH, _CH), jnp.int32),
            pltpu.VMEM((_GCH, _CH), jnp.int32),
            pltpu.VMEM((_CH,), jnp.int32),
        ] + [pltpu.VMEM((_CH, _DH), jnp.float32)] * 8 + [
            pltpu.VMEM((128, _DH), jnp.float32),
            pltpu.VMEM_SHARED((_NPAD, _DH), jnp.float32),
        ] + [pltpu.SemaphoreType.DMA] * 12,
    )(src2, dst2, xs)


def kernel(x, edge_index, batch, W1, b1, bn_g, bn_b, W2, b2, l1W, l1b, l2W, l2b):
    agg2 = _run_sc_agg(x, edge_index[0], edge_index[1])

    bcol = batch.astype(jnp.int32).reshape(_N, 1)
    brow = batch.astype(jnp.int32).reshape(1, _N)

    sig, out = pl.pallas_call(
        _tc_dense,
        out_shape=[
            jax.ShapeDtypeStruct((_B, 1), jnp.float32),
            jax.ShapeDtypeStruct((_B, 1), jnp.float32),
        ],
    )(x, agg2, bcol, brow,
      W1, b1.reshape(1, _D), bn_g.reshape(1, _D), bn_b.reshape(1, _D),
      W2, b2.reshape(1, _D), l1W, l1b.reshape(1, 2 * _D),
      l2W, l2b.reshape(1, 1))
    return (sig, out)

# --- scband reference (transcript-rebuilt; emitter-appended) ---
"""Pipeline reference for scband-gin-72971494359663 (READ-ONLY COPY).

The authoritative reference and input builder live on the scoring server;
editing this copy changes nothing except your own understanding.
"""

import jax, jax.numpy as jnp
import numpy as np

N = 10000
E = 320000
D = 128
B = 64


def setup_inputs(seed: int = 0) -> dict:
    key = jax.random.key(seed)
    ks = jax.random.split(key, 13)
    x = jax.random.normal(ks[0], (N, D), dtype=jnp.float32)
    edge_index = jax.random.randint(ks[1], (2, E), 0, N)
    batch = jnp.sort(jax.random.randint(ks[2], (N,), 0, B))
    s = 0.05
    W1 = jax.random.normal(ks[3], (D, D), dtype=jnp.float32) * s
    b1 = jnp.zeros((D,), dtype=jnp.float32)
    bn_g = jnp.ones((D,), dtype=jnp.float32)
    bn_b = jnp.zeros((D,), dtype=jnp.float32)
    W2 = jax.random.normal(ks[4], (D, D), dtype=jnp.float32) * s
    b2 = jnp.zeros((D,), dtype=jnp.float32)
    l1W = jax.random.normal(ks[5], (2 * D, 2 * D), dtype=jnp.float32) * s
    l1b = jnp.zeros((2 * D,), dtype=jnp.float32)
    l2W = jax.random.normal(ks[6], (2 * D, 1), dtype=jnp.float32) * s
    l2b = jnp.zeros((1,), dtype=jnp.float32)
    return {"x": x, "edge_index": edge_index, "batch": batch,
            "W1": W1, "b1": b1, "bn_g": bn_g, "bn_b": bn_b,
            "W2": W2, "b2": b2, "l1W": l1W, "l1b": l1b,
            "l2W": l2W, "l2b": l2b}


def reference(x, edge_index, batch, W1, b1, bn_g, bn_b, W2, b2, l1W, l1b, l2W, l2b):
    src = edge_index[0]
    dst = edge_index[1]
    # GINConv: (1 + eps) * x + sum_{j in N(i)} x_j  (eps = 0)
    agg = jax.ops.segment_sum(x[src], dst, num_segments=N)
    h = x + agg
    # nn = Linear -> BatchNorm1d (training-mode batch stats) -> ReLU -> Linear -> ReLU
    h = h @ W1 + b1
    mean = jnp.mean(h, axis=0)
    var = jnp.var(h, axis=0)
    h = (h - mean) / jnp.sqrt(var + 1e-5) * bn_g + bn_b
    h = jax.nn.relu(h)
    h = h @ W2 + b2
    h = jax.nn.relu(h)
    # global_add_pool / global_max_pool over graph batch ids
    h_add = jax.ops.segment_sum(h, batch, num_segments=B)
    h_max = jax.ops.segment_max(h, batch, num_segments=B)
    hc = jnp.concatenate([h_add, h_max], axis=1)
    hc = hc @ l1W + l1b
    hc = jax.nn.relu(hc)
    out = hc @ l2W + l2b
    return (jax.nn.sigmoid(out), out)

if __name__ == "__main__":
    import jax
    _d = setup_inputs()
    print(jax.jit(kernel)(*tuple(_d.values())))

</pallas_src>

<mosaic_0001>
#map = affine_map<(d0, d1) -> (0, 0)>
#map1 = affine_map<(d0, d1) -> (0, 0, 0)>
module attributes {stable_mosaic.version = 14 : i64} {
  func.func @_sc_agg(%arg0: i32, %arg1: i32, %arg2: memref<2592x128xi32, #tpu.memory_space<hbm>>, %arg3: memref<2592x128xi32, #tpu.memory_space<hbm>>, %arg4: memref<2x10000x64xf32, #tpu.memory_space<hbm>>, %arg5: memref<2x10000x64xf32, #tpu.memory_space<hbm>>, %arg6: memref<16x128xi32, #tpu.memory_space<vmem>>, %arg7: memref<16x128xi32, #tpu.memory_space<vmem>>, %arg8: memref<16x128xi32, #tpu.memory_space<vmem>>, %arg9: memref<16x128xi32, #tpu.memory_space<vmem>>, %arg10: memref<128xi32, #tpu.memory_space<vmem>>, %arg11: memref<128x64xf32, #tpu.memory_space<vmem>>, %arg12: memref<128x64xf32, #tpu.memory_space<vmem>>, %arg13: memref<128x64xf32, #tpu.memory_space<vmem>>, %arg14: memref<128x64xf32, #tpu.memory_space<vmem>>, %arg15: memref<128x64xf32, #tpu.memory_space<vmem>>, %arg16: memref<128x64xf32, #tpu.memory_space<vmem>>, %arg17: memref<128x64xf32, #tpu.memory_space<vmem>>, %arg18: memref<128x64xf32, #tpu.memory_space<vmem>>, %arg19: memref<128x64xf32, #tpu.memory_space<vmem>>, %arg20: memref<10240x64xf32, #tpu.memory_space<vmem_shared>>, %arg21: memref<!tpu.dma_semaphore, #tpu.memory_space<semaphore_mem>>, %arg22: memref<!tpu.dma_semaphore, #tpu.memory_space<semaphore_mem>>, %arg23: memref<!tpu.dma_semaphore, #tpu.memory_space<semaphore_mem>>, %arg24: memref<!tpu.dma_semaphore, #tpu.memory_space<semaphore_mem>>, %arg25: memref<!tpu.dma_semaphore, #tpu.memory_space<semaphore_mem>>, %arg26: memref<!tpu.dma_semaphore, #tpu.memory_space<semaphore_mem>>, %arg27: memref<!tpu.dma_semaphore, #tpu.memory_space<semaphore_mem>>, %arg28: memref<!tpu.dma_semaphore, #tpu.memory_space<semaphore_mem>>, %arg29: memref<!tpu.dma_semaphore, #tpu.memory_space<semaphore_mem>>, %arg30: memref<!tpu.dma_semaphore, #tpu.memory_space<semaphore_mem>>, %arg31: memref<!tpu.dma_semaphore, #tpu.memory_space<semaphore_mem>>, %arg32: memref<!tpu.dma_semaphore, #tpu.memory_space<semaphore_mem>>) attributes {dimension_semantics = [#tpu.dimension_semantics<core_parallel>, #tpu.dimension_semantics<subcore_parallel>], iteration_bounds = array<i64: 2, 16>, scalar_prefetch = 0 : i64, scratch_operands = 27 : i64, tpu.core_type = #tpu.core_type<sc_vector_subcore>, window_params = [{transform_indices = #map}, {transform_indices = #map}, {transform_indices = #map1}, {transform_indices = #map1}]} {
    %broadcast_in_dim3A = arith.constant 0.000000e+00 : f32
    %broadcast_in_dim3A_0 = vector.broadcast %broadcast_in_dim3A : f32 to vector<16xf32>
    %scan3A = arith.constant 0 : i32
    %scan3A_1 = arith.constant 0 : i32
    %scan3A_2 = arith.constant 128 : i32
    %scan3A_3 = arith.addi %scan3A_1, %scan3A_2 : i32
    %scan3A_4 = arith.constant 1 : i32
    scf.for %scan3A_298 = %scan3A_1 to %scan3A_3 step %scan3A_4  : i32 {
      %swap3A = arith.index_cast %scan3A_298 : i32 to index
      %swap3A_299 = arith.constant 0 : index
      %swap3A_300 = tpu.vector_load %arg19[%swap3A, %swap3A_299] {strides = array<i32>} : memref<128x64xf32, #tpu.memory_space<vmem>>, vector<1x16xf32>,
      %swap3A_301 = vector.shape_cast %swap3A_300 : vector<1x16xf32> to vector<16xf32>
      %swap3A_302 = vector.shape_cast %broadcast_in_dim3A_0 : vector<16xf32> to vector<1x16xf32>
      tpu.vector_store %arg19[%swap3A, %swap3A_299], %swap3A_302 {strides = array<i32>} : memref<128x64xf32, #tpu.memory_space<vmem>>, vector<1x16xf32>,
      %swap3A_303 = arith.index_cast %scan3A_298 : i32 to index
      %swap3A_304 = arith.constant 16 : index
      %swap3A_305 = tpu.vector_load %arg19[%swap3A_303, %swap3A_304] {strides = array<i32>} : memref<128x64xf32, #tpu.memory_space<vmem>>, vector<1x16xf32>,
      %swap3A_306 = vector.shape_cast %swap3A_305 : vector<1x16xf32> to vector<16xf32>
      %swap3A_307 = vector.shape_cast %broadcast_in_dim3A_0 : vector<16xf32> to vector<1x16xf32>
      tpu.vector_store %arg19[%swap3A_303, %swap3A_304], %swap3A_307 {strides = array<i32>} : memref<128x64xf32, #tpu.memory_space<vmem>>, vector<1x16xf32>,
      %swap3A_308 = arith.index_cast %scan3A_298 : i32 to index
      %swap3A_309 = arith.constant 32 : index
      %swap3A_310 = tpu.vector_load %arg19[%swap3A_308, %swap3A_309] {strides = array<i32>} : memref<128x64xf32, #tpu.memory_space<vmem>>, vector<1x16xf32>,
      %swap3A_311 = vector.shape_cast %swap3A_310 : vector<1x16xf32> to vector<16xf32>
      %swap3A_312 = vector.shape_cast %broadcast_in_dim3A_0 : vector<16xf32> to vector<1x16xf32>
      tpu.vector_store %arg19[%swap3A_308, %swap3A_309], %swap3A_312 {strides = array<i32>} : memref<128x64xf32, #tpu.memory_space<vmem>>, vector<1x16xf32>,
      %swap3A_313 = arith.index_cast %scan3A_298 : i32 to index
      %swap3A_314 = arith.constant 48 : index
      %swap3A_315 = tpu.vector_load %arg19[%swap3A_313, %swap3A_314] {strides = array<i32>} : memref<128x64xf32, #tpu.memory_space<vmem>>, vector<1x16xf32>,
      %swap3A_316 = vector.shape_cast %swap3A_315 : vector<1x16xf32> to vector<16xf32>
      %swap3A_317 = vector.shape_cast %broadcast_in_dim3A_0 : vector<16xf32> to vector<1x16xf32>
      tpu.vector_store %arg19[%swap3A_313, %swap3A_314], %swap3A_317 {strides = array<i32>} : memref<128x64xf32, #tpu.memory_space<vmem>>, vector<1x16xf32>,
    }
    %scan3A_5 = arith.constant 128 : i32
    %mul3A = arith.constant 640 : i32
    %mul3A_6 = arith.muli %arg1, %mul3A : i32
    %add3A = arith.constant 0 : i32
    %add3A_7 = arith.addi %mul3A_6, %add3A : i32
    %dma_start3A = arith.constant 0 : i32
    %dma_start3A_8 = tpu.memref_slice %arg20[%add3A_7, %dma_start3A] : memref<10240x64xf32, #tpu.memory_space<vmem_shared>> -> memref<128x64xf32, #tpu.memory_space<vmem_shared>>
    %dma_start3A_9 = arith.constant 0 : i32
    %dma_start3A_10 = tpu.memref_slice %arg20[%add3A_7, %dma_start3A_9] : memref<10240x64xf32, #tpu.memory_space<vmem_shared>> -> memref<128x64xf32, #tpu.memory_space<vmem_shared>>
    tpu.enqueue_dma source(%arg19 : memref<128x64xf32, #tpu.memory_space<vmem>>) target(%dma_start3A_10 : memref<128x64xf32, #tpu.memory_space<vmem_shared>>) target_semaphore(%arg25 : memref<!tpu.dma_semaphore, #tpu.memory_space<semaphore_mem>>)
    %mul3A_11 = arith.constant 640 : i32
    %mul3A_12 = arith.muli %arg1, %mul3A_11 : i32
    %add3A_13 = arith.constant 128 : i32
    %add3A_14 = arith.addi %mul3A_12, %add3A_13 : i32
    %dma_start3A_15 = arith.constant 0 : i32
    %dma_start3A_16 = tpu.memref_slice %arg20[%add3A_14, %dma_start3A_15] : memref<10240x64xf32, #tpu.memory_space<vmem_shared>> -> memref<128x64xf32, #tpu.memory_space<vmem_shared>>
    %dma_start3A_17 = arith.constant 0 : i32
    %dma_start3A_18 = tpu.memref_slice %arg20[%add3A_14, %dma_start3A_17] : memref<10240x64xf32, #tpu.memory_space<vmem_shared>> -> memref<128x64xf32, #tpu.memory_space<vmem_shared>>
    tpu.enqueue_dma source(%arg19 : memref<128x64xf32, #tpu.memory_space<vmem>>) target(%dma_start3A_18 : memref<128x64xf32, #tpu.memory_space<vmem_shared>>) target_semaphore(%arg26 : memref<!tpu.dma_semaphore, #tpu.memory_space<semaphore_mem>>)
    %mul3A_19 = arith.constant 640 : i32
    %mul3A_20 = arith.muli %arg1, %mul3A_19 : i32
    %add3A_21 = arith.constant 256 : i32
    %add3A_22 = arith.addi %mul3A_20, %add3A_21 : i32
    %dma_start3A_23 = arith.constant 0 : i32
    %dma_start3A_24 = tpu.memref_slice %arg20[%add3A_22, %dma_start3A_23] : memref<10240x64xf32, #tpu.memory_space<vmem_shared>> -> memref<128x64xf32, #tpu.memory_space<vmem_shared>>
    %dma_start3A_25 = arith.constant 0 : i32
    %dma_start3A_26 = tpu.memref_slice %arg20[%add3A_22, %dma_start3A_25] : memref<10240x64xf32, #tpu.memory_space<vmem_shared>> -> memref<128x64xf32, #tpu.memory_space<vmem_shared>>
    tpu.enqueue_dma source(%arg19 : memref<128x64xf32, #tpu.memory_space<vmem>>) target(%dma_start3A_26 : memref<128x64xf32, #tpu.memory_space<vmem_shared>>) target_semaphore(%arg27 : memref<!tpu.dma_semaphore, #tpu.memory_space<semaphore_mem>>)
    %mul3A_27 = arith.constant 640 : i32
    %mul3A_28 = arith.muli %arg1, %mul3A_27 : i32
    %add3A_29 = arith.constant 384 : i32
    %add3A_30 = arith.addi %mul3A_28, %add3A_29 : i32
    %dma_start3A_31 = arith.constant 0 : i32
    %dma_start3A_32 = tpu.memref_slice %arg20[%add3A_30, %dma_start3A_31] : memref<10240x64xf32, #tpu.memory_space<vmem_shared>> -> memref<128x64xf32, #tpu.memory_space<vmem_shared>>
    %dma_start3A_33 = arith.constant 0 : i32
    %dma_start3A_34 = tpu.memref_slice %arg20[%add3A_30, %dma_start3A_33] : memref<10240x64xf32, #tpu.memory_space<vmem_shared>> -> memref<128x64xf32, #tpu.memory_space<vmem_shared>>
    tpu.enqueue_dma source(%arg19 : memref<128x64xf32, #tpu.memory_space<vmem>>) target(%dma_start3A_34 : memref<128x64xf32, #tpu.memory_space<vmem_shared>>) target_semaphore(%arg28 : memref<!tpu.dma_semaphore, #tpu.memory_space<semaphore_mem>>)
    %mul3A_35 = arith.constant 640 : i32
    %mul3A_36 = arith.muli %arg1, %mul3A_35 : i32
    %add3A_37 = arith.constant 512 : i32
    %add3A_38 = arith.addi %mul3A_36, %add3A_37 : i32
    %dma_start3A_39 = arith.constant 0 : i32
    %dma_start3A_40 = tpu.memref_slice %arg20[%add3A_38, %dma_start3A_39] : memref<10240x64xf32, #tpu.memory_space<vmem_shared>> -> memref<128x64xf32, #tpu.memory_space<vmem_shared>>
    %dma_start3A_41 = arith.constant 0 : i32
    %dma_start3A_42 = tpu.memref_slice %arg20[%add3A_38, %dma_start3A_41] : memref<10240x64xf32, #tpu.memory_space<vmem_shared>> -> memref<128x64xf32, #tpu.memory_space<vmem_shared>>
    tpu.enqueue_dma source(%arg19 : memref<128x64xf32, #tpu.memory_space<vmem>>) target(%dma_start3A_42 : memref<128x64xf32, #tpu.memory_space<vmem_shared>>) target_semaphore(%arg29 : memref<!tpu.dma_semaphore, #tpu.memory_space<semaphore_mem>>)
    %mul3A_43 = arith.constant 640 : i32
    %mul3A_44 = arith.muli %arg1, %mul3A_43 : i32
    %add3A_45 = arith.constant 0 : i32
    %add3A_46 = arith.addi %mul3A_44, %add3A_45 : i32
    %dma_wait3A = arith.constant 0 : i32
    %dma_wait3A_47 = tpu.memref_slice %arg20[%add3A_46, %dma_wait3A] : memref<10240x64xf32, #tpu.memory_space<vmem_shared>> -> memref<128x64xf32, #tpu.memory_space<vmem_shared>>
    %dma_wait3A_48 = arith.constant 0 : i32
    %dma_wait3A_49 = tpu.memref_slice %arg20[%add3A_46, %dma_wait3A_48] : memref<10240x64xf32, #tpu.memory_space<vmem_shared>> -> memref<128x64xf32, #tpu.memory_space<vmem_shared>>
    tpu.wait_dma2 semaphore(%arg25 : memref<!tpu.dma_semaphore, #tpu.memory_space<semaphore_mem>>) src(%arg19 : memref<128x64xf32, #tpu.memory_space<vmem>>) dst(%dma_wait3A_49 : memref<128x64xf32, #tpu.memory_space<vmem_shared>>)
    %mul3A_50 = arith.constant 640 : i32
    %mul3A_51 = arith.muli %arg1, %mul3A_50 : i32
    %add3A_52 = arith.constant 128 : i32
    %add3A_53 = arith.addi %mul3A_51, %add3A_52 : i32
    %dma_wait3A_54 = arith.constant 0 : i32
    %dma_wait3A_55 = tpu.memref_slice %arg20[%add3A_53, %dma_wait3A_54] : memref<10240x64xf32, #tpu.memory_space<vmem_shared>> -> memref<128x64xf32, #tpu.memory_space<vmem_shared>>
    %dma_wait3A_56 = arith.constant 0 : i32
    %dma_wait3A_57 = tpu.memref_slice %arg20[%add3A_53, %dma_wait3A_56] : memref<10240x64xf32, #tpu.memory_space<vmem_shared>> -> memref<128x64xf32, #tpu.memory_space<vmem_shared>>
    tpu.wait_dma2 semaphore(%arg26 : memref<!tpu.dma_semaphore, #tpu.memory_space<semaphore_mem>>) src(%arg19 : memref<128x64xf32, #tpu.memory_space<vmem>>) dst(%dma_wait3A_57 : memref<128x64xf32, #tpu.memory_space<vmem_shared>>)
    %mul3A_58 = arith.constant 640 : i32
    %mul3A_59 = arith.muli %arg1, %mul3A_58 : i32
    %add3A_60 = arith.constant 256 : i32
    %add3A_61 = arith.addi %mul3A_59, %add3A_60 : i32
    %dma_wait3A_62 = arith.constant 0 : i32
    %dma_wait3A_63 = tpu.memref_slice %arg20[%add3A_61, %dma_wait3A_62] : memref<10240x64xf32, #tpu.memory_space<vmem_shared>> -> memref<128x64xf32, #tpu.memory_space<vmem_shared>>
    %dma_wait3A_64 = arith.constant 0 : i32
    %dma_wait3A_65 = tpu.memref_slice %arg20[%add3A_61, %dma_wait3A_64] : memref<10240x64xf32, #tpu.memory_space<vmem_shared>> -> memref<128x64xf32, #tpu.memory_space<vmem_shared>>
    tpu.wait_dma2 semaphore(%arg27 : memref<!tpu.dma_semaphore, #tpu.memory_space<semaphore_mem>>) src(%arg19 : memref<128x64xf32, #tpu.memory_space<vmem>>) dst(%dma_wait3A_65 : memref<128x64xf32, #tpu.memory_space<vmem_shared>>)
    %mul3A_66 = arith.constant 640 : i32
    %mul3A_67 = arith.muli %arg1, %mul3A_66 : i32
    %add3A_68 = arith.constant 384 : i32
    %add3A_69 = arith.addi %mul3A_67, %add3A_68 : i32
    %dma_wait3A_70 = arith.constant 0 : i32
    %dma_wait3A_71 = tpu.memref_slice %arg20[%add3A_69, %dma_wait3A_70] : memref<10240x64xf32, #tpu.memory_space<vmem_shared>> -> memref<128x64xf32, #tpu.memory_space<vmem_shared>>
    %dma_wait3A_72 = arith.constant 0 : i32
    %dma_wait3A_73 = tpu.memref_slice %arg20[%add3A_69, %dma_wait3A_72] : memref<10240x64xf32, #tpu.memory_space<vmem_shared>> -> memref<128x64xf32, #tpu.memory_space<vmem_shared>>
    tpu.wait_dma2 semaphore(%arg28 : memref<!tpu.dma_semaphore, #tpu.memory_space<semaphore_mem>>) src(%arg19 : memref<128x64xf32, #tpu.memory_space<vmem>>) dst(%dma_wait3A_73 : memref<128x64xf32, #tpu.memory_space<vmem_shared>>)
    %mul3A_74 = arith.constant 640 : i32
    %mul3A_75 = arith.muli %arg1, %mul3A_74 : i32
    %add3A_76 = arith.constant 512 : i32
    %add3A_77 = arith.addi %mul3A_75, %add3A_76 : i32
    %dma_wait3A_78 = arith.constant 0 : i32
    %dma_wait3A_79 = tpu.memref_slice %arg20[%add3A_77, %dma_wait3A_78] : memref<10240x64xf32, #tpu.memory_space<vmem_shared>> -> memref<128x64xf32, #tpu.memory_space<vmem_shared>>
    %dma_wait3A_80 = arith.constant 0 : i32
    %dma_wait3A_81 = tpu.memref_slice %arg20[%add3A_77, %dma_wait3A_80] : memref<10240x64xf32, #tpu.memory_space<vmem_shared>> -> memref<128x64xf32, #tpu.memory_space<vmem_shared>>
    tpu.wait_dma2 semaphore(%arg29 : memref<!tpu.dma_semaphore, #tpu.memory_space<semaphore_mem>>) src(%arg19 : memref<128x64xf32, #tpu.memory_space<vmem>>) dst(%dma_wait3A_81 : memref<128x64xf32, #tpu.memory_space<vmem_shared>>)
    %barrier3A = arith.constant 0 : index
    tpu.barrier barrier_id(%barrier3A)
    %mul3A_82 = arith.constant 160 : i32
    %mul3A_83 = arith.muli %arg1, %mul3A_82 : i32
    %add3A_84 = arith.constant 0 : i32
    %add3A_85 = arith.addi %mul3A_83, %add3A_84 : i32
    %dma_start3A_86 = arith.constant 0 : i32
    %dma_start3A_87 = tpu.memref_slice %arg2[%add3A_85, %dma_start3A_86] : memref<2592x128xi32, #tpu.memory_space<hbm>> -> memref<16x128xi32, #tpu.memory_space<hbm>>
    %dma_start3A_88 = arith.constant 0 : i32
    %dma_start3A_89 = tpu.memref_slice %arg2[%add3A_85, %dma_start3A_88] : memref<2592x128xi32, #tpu.memory_space<hbm>> -> memref<16x128xi32, #tpu.memory_space<hbm>>
    tpu.enqueue_dma source(%dma_start3A_89 : memref<16x128xi32, #tpu.memory_space<hbm>>) target(%arg6 : memref<16x128xi32, #tpu.memory_space<vmem>>) target_semaphore(%arg21 : memref<!tpu.dma_semaphore, #tpu.memory_space<semaphore_mem>>)
    %add3A_90 = arith.constant 0 : i32
    %add3A_91 = arith.addi %mul3A_83, %add3A_90 : i32
    %dma_start3A_92 = arith.constant 0 : i32
    %dma_start3A_93 = tpu.memref_slice %arg3[%add3A_91, %dma_start3A_92] : memref<2592x128xi32, #tpu.memory_space<hbm>> -> memref<16x128xi32, #tpu.memory_space<hbm>>
    %dma_start3A_94 = arith.constant 0 : i32
    %dma_start3A_95 = tpu.memref_slice %arg3[%add3A_91, %dma_start3A_94] : memref<2592x128xi32, #tpu.memory_space<hbm>> -> memref<16x128xi32, #tpu.memory_space<hbm>>
    tpu.enqueue_dma source(%dma_start3A_95 : memref<16x128xi32, #tpu.memory_space<hbm>>) target(%arg8 : memref<16x128xi32, #tpu.memory_space<vmem>>) target_semaphore(%arg23 : memref<!tpu.dma_semaphore, #tpu.memory_space<semaphore_mem>>)
    %add3A_96 = arith.constant 16 : i32
    %add3A_97 = arith.addi %mul3A_83, %add3A_96 : i32
    %dma_start3A_98 = arith.constant 0 : i32
    %dma_start3A_99 = tpu.memref_slice %arg2[%add3A_97, %dma_start3A_98] : memref<2592x128xi32, #tpu.memory_space<hbm>> -> memref<16x128xi32, #tpu.memory_space<hbm>>
    %dma_start3A_100 = arith.constant 0 : i32
    %dma_start3A_101 = tpu.memref_slice %arg2[%add3A_97, %dma_start3A_100] : memref<2592x128xi32, #tpu.memory_space<hbm>> -> memref<16x128xi32, #tpu.memory_space<hbm>>
    tpu.enqueue_dma source(%dma_start3A_101 : memref<16x128xi32, #tpu.memory_space<hbm>>) target(%arg7 : memref<16x128xi32, #tpu.memory_space<vmem>>) target_semaphore(%arg22 : memref<!tpu.dma_semaphore, #tpu.memory_space<semaphore_mem>>)
    %add3A_102 = arith.constant 16 : i32
    %add3A_103 = arith.addi %mul3A_83, %add3A_102 : i32
    %dma_start3A_104 = arith.constant 0 : i32
    %dma_start3A_105 = tpu.memref_slice %arg3[%add3A_103, %dma_start3A_104] : memref<2592x128xi32, #tpu.memory_space<hbm>> -> memref<16x128xi32, #tpu.memory_space<hbm>>
    %dma_start3A_106 = arith.constant 0 : i32
    %dma_start3A_107 = tpu.memref_slice %arg3[%add3A_103, %dma_start3A_106] : memref<2592x128xi32, #tpu.memory_space<hbm>> -> memref<16x128xi32, #tpu.memory_space<hbm>>
    tpu.enqueue_dma source(%dma_start3A_107 : memref<16x128xi32, #tpu.memory_space<hbm>>) target(%arg9 : memref<16x128xi32, #tpu.memory_space<vmem>>) target_semaphore(%arg24 : memref<!tpu.dma_semaphore, #tpu.memory_space<semaphore_mem>>)
    %add3A_108 = arith.constant 0 : i32
    %add3A_109 = arith.addi %mul3A_83, %add3A_108 : i32
    %dma_wait3A_110 = arith.constant 0 : i32
    %dma_wait3A_111 = tpu.memref_slice %arg2[%add3A_109, %dma_wait3A_110] : memref<2592x128xi32, #tpu.memory_space<hbm>> -> memref<16x128xi32, #tpu.memory_space<hbm>>
    %dma_wait3A_112 = arith.constant 0 : i32
    %dma_wait3A_113 = tpu.memref_slice %arg2[%add3A_109, %dma_wait3A_112] : memref<2592x128xi32, #tpu.memory_space<hbm>> -> memref<16x128xi32, #tpu.memory_space<hbm>>
    tpu.wait_dma2 semaphore(%arg21 : memref<!tpu.dma_semaphore, #tpu.memory_space<semaphore_mem>>) src(%dma_wait3A_113 : memref<16x128xi32, #tpu.memory_space<hbm>>) dst(%arg6 : memref<16x128xi32, #tpu.memory_space<vmem>>)
    %add3A_114 = arith.constant 0 : i32
    %add3A_115 = arith.addi %mul3A_83, %add3A_114 : i32
    %dma_wait3A_116 = arith.constant 0 : i32
    %dma_wait3A_117 = tpu.memref_slice %arg3[%add3A_115, %dma_wait3A_116] : memref<2592x128xi32, #tpu.memory_space<hbm>> -> memref<16x128xi32, #tpu.memory_space<hbm>>
    %dma_wait3A_118 = arith.constant 0 : i32
    %dma_wait3A_119 = tpu.memref_slice %arg3[%add3A_115, %dma_wait3A_118] : memref<2592x128xi32, #tpu.memory_space<hbm>> -> memref<16x128xi32, #tpu.memory_space<hbm>>
    tpu.wait_dma2 semaphore(%arg23 : memref<!tpu.dma_semaphore, #tpu.memory_space<semaphore_mem>>) src(%dma_wait3A_119 : memref<16x128xi32, #tpu.memory_space<hbm>>) dst(%arg8 : memref<16x128xi32, #tpu.memory_space<vmem>>)
    %dma_start3A_120 = arith.constant 0 : i32
    %dma_start3A_121 = arith.constant 0 : i32
    %dma_start3A_122 = tpu.memref_slice %arg6[%dma_start3A_120, %dma_start3A_121] : memref<16x128xi32, #tpu.memory_space<vmem>> -> memref<1x128xi32, #tpu.memory_space<vmem>>
    %dma_start3A_123 = tpu.memref_squeeze %dma_start3A_122 : memref<1x128xi32, #tpu.memory_space<vmem>> -> memref<128xi32, #tpu.memory_space<vmem>>
    %dma_start3A_124 = arith.constant 0 : i32
    %dma_start3A_125 = arith.constant 0 : i32
    %dma_start3A_126 = tpu.memref_slice %arg4[%arg0, %dma_start3A_124, %dma_start3A_125] : memref<2x10000x64xf32, #tpu.memory_space<hbm>> -> memref<1x10000x64xf32, #tpu.memory_space<hbm>>
    %dma_start3A_127 = tpu.memref_squeeze %dma_start3A_126 : memref<1x10000x64xf32, #tpu.memory_space<hbm>> -> memref<10000x64xf32, #tpu.memory_space<hbm>>
    %dma_start3A_128 = arith.constant 0 : i32
    %dma_start3A_129 = arith.constant 0 : i32
    %dma_start3A_130 = tpu.memref_slice %dma_start3A_127[%dma_start3A_128, %dma_start3A_129] : memref<10000x64xf32, #tpu.memory_space<hbm>> -> memref<10000x64xf32, #tpu.memory_space<hbm>>
    tpu.enqueue_indirect_dma source(%dma_start3A_130 : memref<10000x64xf32, #tpu.memory_space<hbm>>) target(%arg11 : memref<128x64xf32, #tpu.memory_space<vmem>>) offsets(%dma_start3A_123 : memref<128xi32, #tpu.memory_space<vmem>>) semaphore(%arg25 : memref<!tpu.dma_semaphore, #tpu.memory_space<semaphore_mem>>)
    %dma_start3A_131 = arith.constant 1 : i32
    %dma_start3A_132 = arith.constant 0 : i32
    %dma_start3A_133 = tpu.memref_slice %arg6[%dma_start3A_131, %dma_start3A_132] : memref<16x128xi32, #tpu.memory_space<vmem>> -> memref<1x128xi32, #tpu.memory_space<vmem>>
    %dma_start3A_134 = tpu.memref_squeeze %dma_start3A_133 : memref<1x128xi32, #tpu.memory_space<vmem>> -> memref<128xi32, #tpu.memory_space<vmem>>
    %dma_start3A_135 = arith.constant 0 : i32
    %dma_start3A_136 = arith.constant 0 : i32
    %dma_start3A_137 = tpu.memref_slice %arg4[%arg0, %dma_start3A_135, %dma_start3A_136] : memref<2x10000x64xf32, #tpu.memory_space<hbm>> -> memref<1x10000x64xf32, #tpu.memory_space<hbm>>
    %dma_start3A_138 = tpu.memref_squeeze %dma_start3A_137 : memref<1x10000x64xf32, #tpu.memory_space<hbm>> -> memref<10000x64xf32, #tpu.memory_space<hbm>>
    %dma_start3A_139 = arith.constant 0 : i32
    %dma_start3A_140 = arith.constant 0 : i32
    %dma_start3A_141 = tpu.memref_slice %dma_start3A_138[%dma_start3A_139, %dma_start3A_140] : memref<10000x64xf32, #tpu.memory_space<hbm>> -> memref<10000x64xf32, #tpu.memory_space<hbm>>
    tpu.enqueue_indirect_dma source(%dma_start3A_141 : memref<10000x64xf32, #tpu.memory_space<hbm>>) target(%arg12 : memref<128x64xf32, #tpu.memory_space<vmem>>) offsets(%dma_start3A_134 : memref<128xi32, #tpu.memory_space<vmem>>) semaphore(%arg26 : memref<!tpu.dma_semaphore, #tpu.memory_space<semaphore_mem>>)
    %dma_start3A_142 = arith.constant 2 : i32
    %dma_start3A_143 = arith.constant 0 : i32
    %dma_start3A_144 = tpu.memref_slice %arg6[%dma_start3A_142, %dma_start3A_143] : memref<16x128xi32, #tpu.memory_space<vmem>> -> memref<1x128xi32, #tpu.memory_space<vmem>>
    %dma_start3A_145 = tpu.memref_squeeze %dma_start3A_144 : memref<1x128xi32, #tpu.memory_space<vmem>> -> memref<128xi32, #tpu.memory_space<vmem>>
    %dma_start3A_146 = arith.constant 0 : i32
    %dma_start3A_147 = arith.constant 0 : i32
    %dma_start3A_148 = tpu.memref_slice %arg4[%arg0, %dma_start3A_146, %dma_start3A_147] : memref<2x10000x64xf32, #tpu.memory_space<hbm>> -> memref<1x10000x64xf32, #tpu.memory_space<hbm>>
    %dma_start3A_149 = tpu.memref_squeeze %dma_start3A_148 : memref<1x10000x64xf32, #tpu.memory_space<hbm>> -> memref<10000x64xf32, #tpu.memory_space<hbm>>
    %dma_start3A_150 = arith.constant 0 : i32
    %dma_start3A_151 = arith.constant 0 : i32
    %dma_start3A_152 = tpu.memref_slice %dma_start3A_149[%dma_start3A_150, %dma_start3A_151] : memref<10000x64xf32, #tpu.memory_space<hbm>> -> memref<10000x64xf32, #tpu.memory_space<hbm>>
    tpu.enqueue_indirect_dma source(%dma_start3A_152 : memref<10000x64xf32, #tpu.memory_space<hbm>>) target(%arg13 : memref<128x64xf32, #tpu.memory_space<vmem>>) offsets(%dma_start3A_145 : memref<128xi32, #tpu.memory_space<vmem>>) semaphore(%arg27 : memref<!tpu.dma_semaphore, #tpu.memory_space<semaphore_mem>>)
    %dma_start3A_153 = arith.constant 3 : i32
    %dma_start3A_154 = arith.constant 0 : i32
    %dma_start3A_155 = tpu.memref_slice %arg6[%dma_start3A_153, %dma_start3A_154] : memref<16x128xi32, #tpu.memory_space<vmem>> -> memref<1x128xi32, #tpu.memory_space<vmem>>
    %dma_start3A_156 = tpu.memref_squeeze %dma_start3A_155 : memref<1x128xi32, #tpu.memory_space<vmem>> -> memref<128xi32, #tpu.memory_space<vmem>>
    %dma_start3A_157 = arith.constant 0 : i32
    %dma_start3A_158 = arith.constant 0 : i32
    %dma_start3A_159 = tpu.memref_slice %arg4[%arg0, %dma_start3A_157, %dma_start3A_158] : memref<2x10000x64xf32, #tpu.memory_space<hbm>> -> memref<1x10000x64xf32, #tpu.memory_space<hbm>>
    %dma_start3A_160 = tpu.memref_squeeze %dma_start3A_159 : memref<1x10000x64xf32, #tpu.memory_space<hbm>> -> memref<10000x64xf32, #tpu.memory_space<hbm>>
    %dma_start3A_161 = arith.constant 0 : i32
    %dma_start3A_162 = arith.constant 0 : i32
    %dma_start3A_163 = tpu.memref_slice %dma_start3A_160[%dma_start3A_161, %dma_start3A_162] : memref<10000x64xf32, #tpu.memory_space<hbm>> -> memref<10000x64xf32, #tpu.memory_space<hbm>>
    tpu.enqueue_indirect_dma source(%dma_start3A_163 : memref<10000x64xf32, #tpu.memory_space<hbm>>) target(%arg14 : memref<128x64xf32, #tpu.memory_space<vmem>>) offsets(%dma_start3A_156 : memref<128xi32, #tpu.memory_space<vmem>>) semaphore(%arg28 : memref<!tpu.dma_semaphore, #tpu.memory_space<semaphore_mem>>)
    %dma_start3A_164 = arith.constant 4 : i32
    %dma_start3A_165 = arith.constant 0 : i32
    %dma_start3A_166 = tpu.memref_slice %arg6[%dma_start3A_164, %dma_start3A_165] : memref<16x128xi32, #tpu.memory_space<vmem>> -> memref<1x128xi32, #tpu.memory_space<vmem>>
    %dma_start3A_167 = tpu.memref_squeeze %dma_start3A_166 : memref<1x128xi32, #tpu.memory_space<vmem>> -> memref<128xi32, #tpu.memory_space<vmem>>
    %dma_start3A_168 = arith.constant 0 : i32
    %dma_start3A_169 = arith.constant 0 : i32
    %dma_start3A_170 = tpu.memref_slice %arg4[%arg0, %dma_start3A_168, %dma_start3A_169] : memref<2x10000x64xf32, #tpu.memory_space<hbm>> -> memref<1x10000x64xf32, #tpu.memory_space<hbm>>
    %dma_start3A_171 = tpu.memref_squeeze %dma_start3A_170 : memref<1x10000x64xf32, #tpu.memory_space<hbm>> -> memref<10000x64xf32, #tpu.memory_space<hbm>>
    %dma_start3A_172 = arith.constant 0 : i32
    %dma_start3A_173 = arith.constant 0 : i32
    %dma_start3A_174 = tpu.memref_slice %dma_start3A_171[%dma_start3A_172, %dma_start3A_173] : memref<10000x64xf32, #tpu.memory_space<hbm>> -> memref<10000x64xf32, #tpu.memory_space<hbm>>
    tpu.enqueue_indirect_dma source(%dma_start3A_174 : memref<10000x64xf32, #tpu.memory_space<hbm>>) target(%arg15 : memref<128x64xf32, #tpu.memory_space<vmem>>) offsets(%dma_start3A_167 : memref<128xi32, #tpu.memory_space<vmem>>) semaphore(%arg29 : memref<!tpu.dma_semaphore, #tpu.memory_space<semaphore_mem>>)
    %dma_start3A_175 = arith.constant 5 : i32
    %dma_start3A_176 = arith.constant 0 : i32
    %dma_start3A_177 = tpu.memref_slice %arg6[%dma_start3A_175, %dma_start3A_176] : memref<16x128xi32, #tpu.memory_space<vmem>> -> memref<1x128xi32, #tpu.memory_space<vmem>>
    %dma_start3A_178 = tpu.memref_squeeze %dma_start3A_177 : memref<1x128xi32, #tpu.memory_space<vmem>> -> memref<128xi32, #tpu.memory_space<vmem>>
    %dma_start3A_179 = arith.constant 0 : i32
    %dma_start3A_180 = arith.constant 0 : i32
    %dma_start3A_181 = tpu.memref_slice %arg4[%arg0, %dma_start3A_179, %dma_start3A_180] : memref<2x10000x64xf32, #tpu.memory_space<hbm>> -> memref<1x10000x64xf32, #tpu.memory_space<hbm>>
    %dma_start3A_182 = tpu.memref_squeeze %dma_start3A_181 : memref<1x10000x64xf32, #tpu.memory_space<hbm>> -> memref<10000x64xf32, #tpu.memory_space<hbm>>
    %dma_start3A_183 = arith.constant 0 : i32
    %dma_start3A_184 = arith.constant 0 : i32
    %dma_start3A_185 = tpu.memref_slice %dma_start3A_182[%dma_start3A_183, %dma_start3A_184] : memref<10000x64xf32, #tpu.memory_space<hbm>> -> memref<10000x64xf32, #tpu.memory_space<hbm>>
    tpu.enqueue_indirect_dma source(%dma_start3A_185 : memref<10000x64xf32, #tpu.memory_space<hbm>>) target(%arg16 : memref<128x64xf32, #tpu.memory_space<vmem>>) offsets(%dma_start3A_178 : memref<128xi32, #tpu.memory_space<vmem>>) semaphore(%arg30 : memref<!tpu.dma_semaphore, #tpu.memory_space<semaphore_mem>>)
    %dma_start3A_186 = arith.constant 6 : i32
    %dma_start3A_187 = arith.constant 0 : i32
    %dma_start3A_188 = tpu.memref_slice %arg6[%dma_start3A_186, %dma_start3A_187] : memref<16x128xi32, #tpu.memory_space<vmem>> -> memref<1x128xi32, #tpu.memory_space<vmem>>
    %dma_start3A_189 = tpu.memref_squeeze %dma_start3A_188 : memref<1x128xi32, #tpu.memory_space<vmem>> -> memref<128xi32, #tpu.memory_space<vmem>>
    %dma_start3A_190 = arith.constant 0 : i32
    %dma_start3A_191 = arith.constant 0 : i32
    %dma_start3A_192 = tpu.memref_slice %arg4[%arg0, %dma_start3A_190, %dma_start3A_191] : memref<2x10000x64xf32, #tpu.memory_space<hbm>> -> memref<1x10000x64xf32, #tpu.memory_space<hbm>>
    %dma_start3A_193 = tpu.memref_squeeze %dma_start3A_192 : memref<1x10000x64xf32, #tpu.memory_space<hbm>> -> memref<10000x64xf32, #tpu.memory_space<hbm>>
    %dma_start3A_194 = arith.constant 0 : i32
    %dma_start3A_195 = arith.constant 0 : i32
    %dma_start3A_196 = tpu.memref_slice %dma_start3A_193[%dma_start3A_194, %dma_start3A_195] : memref<10000x64xf32, #tpu.memory_space<hbm>> -> memref<10000x64xf32, #tpu.memory_space<hbm>>
    tpu.enqueue_indirect_dma source(%dma_start3A_196 : memref<10000x64xf32, #tpu.memory_space<hbm>>) target(%arg17 : memref<128x64xf32, #tpu.memory_space<vmem>>) offsets(%dma_start3A_189 : memref<128xi32, #tpu.memory_space<vmem>>) semaphore(%arg31 : memref<!tpu.dma_semaphore, #tpu.memory_space<semaphore_mem>>)
    %scan3A_197 = arith.constant 0 : i32
    %scan3A_198 = arith.constant 5 : i32
    %scan3A_199 = arith.addi %scan3A_197, %scan3A_198 : i32
    %scan3A_200 = arith.constant 1 : i32
    scf.for %scan3A_298 = %scan3A_197 to %scan3A_199 step %scan3A_200  : i32 {
      %mul3A_299 = arith.constant 2 : i32
      %mul3A_300 = arith.muli %scan3A_298, %mul3A_299 : i32
      %add3A_301 = arith.constant 0 : i32
      %add3A_302 = arith.addi %add3A_301, %mul3A_300 : i32
      %dma_wait3A_303 = arith.constant 0 : i32
      %dma_wait3A_304 = arith.constant 0 : i32
      %dma_wait3A_305 = tpu.memref_slice %arg6[%dma_wait3A_303, %dma_wait3A_304] : memref<16x128xi32, #tpu.memory_space<vmem>> -> memref<1x128xi32, #tpu.memory_space<vmem>>
      %dma_wait3A_306 = tpu.memref_squeeze %dma_wait3A_305 : memref<1x128xi32, #tpu.memory_space<vmem>> -> memref<128xi32, #tpu.memory_space<vmem>>
      %dma_wait3A_307 = arith.constant 0 : i32
      %dma_wait3A_308 = arith.constant 0 : i32
      %dma_wait3A_309 = tpu.memref_slice %arg4[%arg0, %dma_wait3A_307, %dma_wait3A_308] : memref<2x10000x64xf32, #tpu.memory_space<hbm>> -> memref<1x10000x64xf32, #tpu.memory_space<hbm>>
      %dma_wait3A_310 = tpu.memref_squeeze %dma_wait3A_309 : memref<1x10000x64xf32, #tpu.memory_space<hbm>> -> memref<10000x64xf32, #tpu.memory_space<hbm>>
      %dma_wait3A_311 = arith.constant 0 : i32
      %dma_wait3A_312 = arith.constant 0 : i32
      %dma_wait3A_313 = tpu.memref_slice %dma_wait3A_310[%dma_wait3A_311, %dma_wait3A_312] : memref<10000x64xf32, #tpu.memory_space<hbm>> -> memref<10000x64xf32, #tpu.memory_space<hbm>>
      tpu.wait_indirect_dma semaphore(%arg25 : memref<!tpu.dma_semaphore, #tpu.memory_space<semaphore_mem>>) src(%dma_wait3A_313 : memref<10000x64xf32, #tpu.memory_space<hbm>>) dst(%arg11 : memref<128x64xf32, #tpu.memory_space<vmem>>)
      %get3A = arith.constant 0 : i32
      %get3A_314 = arith.index_cast %get3A : i32 to index
      %get3A_315 = arith.constant 0 : index
      %get3A_316 = tpu.vector_load %arg8[%get3A_314, %get3A_315] {strides = array<i32>} : memref<16x128xi32, #tpu.memory_space<vmem>>, vector<1x16xi32>,
      %get3A_317 = vector.shape_cast %get3A_316 : vector<1x16xi32> to vector<16xi32>
      %swap3A = arith.constant 0 : index
      %swap3A_318 = tpu.vector_load %arg10[%swap3A] {strides = array<i32>} : memref<128xi32, #tpu.memory_space<vmem>>, vector<16xi32>,
      %swap3A_319 = vector.shape_cast %swap3A_318 : vector<16xi32> to vector<16xi32>
      %swap3A_320 = vector.shape_cast %get3A_317 : vector<16xi32> to vector<16xi32>
      tpu.vector_store %arg10[%swap3A], %swap3A_320 {strides = array<i32>} : memref<128xi32, #tpu.memory_space<vmem>>, vector<16xi32>,
      %get3A_321 = arith.constant 0 : i32
      %get3A_322 = arith.index_cast %get3A_321 : i32 to index
      %get3A_323 = arith.constant 16 : index
      %get3A_324 = tpu.vector_load %arg8[%get3A_322, %get3A_323] {strides = array<i32>} : memref<16x128xi32, #tpu.memory_space<vmem>>, vector<1x16xi32>,
      %get3A_325 = vector.shape_cast %get3A_324 : vector<1x16xi32> to vector<16xi32>
      %swap3A_326 = arith.constant 16 : index
      %swap3A_327 = tpu.vector_load %arg10[%swap3A_326] {strides = array<i32>} : memref<128xi32, #tpu.memory_space<vmem>>, vector<16xi32>,
      %swap3A_328 = vector.shape_cast %swap3A_327 : vector<16xi32> to vector<16xi32>
      %swap3A_329 = vector.shape_cast %get3A_325 : vector<16xi32> to vector<16xi32>
      tpu.vector_store %arg10[%swap3A_326], %swap3A_329 {strides = array<i32>} : memref<128xi32, #tpu.memory_space<vmem>>, vector<16xi32>,
      %get3A_330 = arith.constant 0 : i32
      %get3A_331 = arith.index_cast %get3A_330 : i32 to index
      %get3A_332 = arith.constant 32 : index
      %get3A_333 = tpu.vector_load %arg8[%get3A_331, %get3A_332] {strides = array<i32>} : memref<16x128xi32, #tpu.memory_space<vmem>>, vector<1x16xi32>,
      %get3A_334 = vector.shape_cast %get3A_333 : vector<1x16xi32> to vector<16xi32>
      %swap3A_335 = arith.constant 32 : index
      %swap3A_336 = tpu.vector_load %arg10[%swap3A_335] {strides = array<i32>} : memref<128xi32, #tpu.memory_space<vmem>>, vector<16xi32>,
      %swap3A_337 = vector.shape_cast %swap3A_336 : vector<16xi32> to vector<16xi32>
      %swap3A_338 = vector.shape_cast %get3A_334 : vector<16xi32> to vector<16xi32>
      tpu.vector_store %arg10[%swap3A_335], %swap3A_338 {strides = array<i32>} : memref<128xi32, #tpu.memory_space<vmem>>, vector<16xi32>,
      %get3A_339 = arith.constant 0 : i32
      %get3A_340 = arith.index_cast %get3A_339 : i32 to index
      %get3A_341 = arith.constant 48 : index
      %get3A_342 = tpu.vector_load %arg8[%get3A_340, %get3A_341] {strides = array<i32>} : memref<16x128xi32, #tpu.memory_space<vmem>>, vector<1x16xi32>,
      %get3A_343 = vector.shape_cast %get3A_342 : vector<1x16xi32> to vector<16xi32>
      %swap3A_344 = arith.constant 48 : index
      %swap3A_345 = tpu.vector_load %arg10[%swap3A_344] {strides = array<i32>} : memref<128xi32, #tpu.memory_space<vmem>>, vector<16xi32>,
      %swap3A_346 = vector.shape_cast %swap3A_345 : vector<16xi32> to vector<16xi32>
      %swap3A_347 = vector.shape_cast %get3A_343 : vector<16xi32> to vector<16xi32>
      tpu.vector_store %arg10[%swap3A_344], %swap3A_347 {strides = array<i32>} : memref<128xi32, #tpu.memory_space<vmem>>, vector<16xi32>,
      %get3A_348 = arith.constant 0 : i32
      %get3A_349 = arith.index_cast %get3A_348 : i32 to index
      %get3A_350 = arith.constant 64 : index
      %get3A_351 = tpu.vector_load %arg8[%get3A_349, %get3A_350] {strides = array<i32>} : memref<16x128xi32, #tpu.memory_space<vmem>>, vector<1x16xi32>,
      %get3A_352 = vector.shape_cast %get3A_351 : vector<1x16xi32> to vector<16xi32>
      %swap3A_353 = arith.constant 64 : index
      %swap3A_354 = tpu.vector_load %arg10[%swap3A_353] {strides = array<i32>} : memref<128xi32, #tpu.memory_space<vmem>>, vector<16xi32>,
      %swap3A_355 = vector.shape_cast %swap3A_354 : vector<16xi32> to vector<16xi32>
      %swap3A_356 = vector.shape_cast %get3A_352 : vector<16xi32> to vector<16xi32>
      tpu.vector_store %arg10[%swap3A_353], %swap3A_356 {strides = array<i32>} : memref<128xi32, #tpu.memory_space<vmem>>, vector<16xi32>,
      %get3A_357 = arith.constant 0 : i32
      %get3A_358 = arith.index_cast %get3A_357 : i32 to index
      %get3A_359 = arith.constant 80 : index
      %get3A_360 = tpu.vector_load %arg8[%get3A_358, %get3A_359] {strides = array<i32>} : memref<16x128xi32, #tpu.memory_space<vmem>>, vector<1x16xi32>,
      %get3A_361 = vector.shape_cast %get3A_360 : vector<1x16xi32> to vector<16xi32>
      %swap3A_362 = arith.constant 80 : index
      %swap3A_363 = tpu.vector_load %arg10[%swap3A_362] {strides = array<i32>} : memref<128xi32, #tpu.memory_space<vmem>>, vector<16xi32>,
      %swap3A_364 = vector.shape_cast %swap3A_363 : vector<16xi32> to vector<16xi32>
      %swap3A_365 = vector.shape_cast %get3A_361 : vector<16xi32> to vector<16xi32>
      tpu.vector_store %arg10[%swap3A_362], %swap3A_365 {strides = array<i32>} : memref<128xi32, #tpu.memory_space<vmem>>, vector<16xi32>,
      %get3A_366 = arith.constant 0 : i32
      %get3A_367 = arith.index_cast %get3A_366 : i32 to index
      %get3A_368 = arith.constant 96 : index
      %get3A_369 = tpu.vector_load %arg8[%get3A_367, %get3A_368] {strides = array<i32>} : memref<16x128xi32, #tpu.memory_space<vmem>>, vector<1x16xi32>,
      %get3A_370 = vector.shape_cast %get3A_369 : vector<1x16xi32> to vector<16xi32>
      %swap3A_371 = arith.constant 96 : index
      %swap3A_372 = tpu.vector_load %arg10[%swap3A_371] {strides = array<i32>} : memref<128xi32, #tpu.memory_space<vmem>>, vector<16xi32>,
      %swap3A_373 = vector.shape_cast %swap3A_372 : vector<16xi32> to vector<16xi32>
      %swap3A_374 = vector.shape_cast %get3A_370 : vector<16xi32> to vector<16xi32>
      tpu.vector_store %arg10[%swap3A_371], %swap3A_374 {strides = array<i32>} : memref<128xi32, #tpu.memory_space<vmem>>, vector<16xi32>,
      %get3A_375 = arith.constant 0 : i32
      %get3A_376 = arith.index_cast %get3A_375 : i32 to index
      %get3A_377 = arith.constant 112 : index
      %get3A_378 = tpu.vector_load %arg8[%get3A_376, %get3A_377] {strides = array<i32>} : memref<16x128xi32, #tpu.memory_space<vmem>>, vector<1x16xi32>,
      %get3A_379 = vector.shape_cast %get3A_378 : vector<1x16xi32> to vector<16xi32>
      %swap3A_380 = arith.constant 112 : index
      %swap3A_381 = tpu.vector_load %arg10[%swap3A_380] {strides = array<i32>} : memref<128xi32, #tpu.memory_space<vmem>>, vector<16xi32>,
      %swap3A_382 = vector.shape_cast %swap3A_381 : vector<16xi32> to vector<16xi32>
      %swap3A_383 = vector.shape_cast %get3A_379 : vector<16xi32> to vector<16xi32>
      tpu.vector_store %arg10[%swap3A_380], %swap3A_383 {strides = array<i32>} : memref<128xi32, #tpu.memory_space<vmem>>, vector<16xi32>,
      "tpu.region"() ({
        %run_scoped3A = tpu.sem_alloc : memref<!tpu.dma_semaphore, #tpu.memory_space<semaphore_mem>>
        %dma_start3A_3397 = arith.constant 0 : i32
        %dma_start3A_3398 = arith.constant 0 : i32
        %dma_start3A_3399 = tpu.memref_slice %arg20[%dma_start3A_3397, %dma_start3A_3398] : memref<10240x64xf32, #tpu.memory_space<vmem_shared>> -> memref<10240x64xf32, #tpu.memory_space<vmem_shared>>
        tpu.enqueue_indirect_dma source(%arg11 : memref<128x64xf32, #tpu.memory_space<vmem>>) target(%dma_start3A_3399 : memref<10240x64xf32, #tpu.memory_space<vmem_shared>>) offsets(%arg10 : memref<128xi32, #tpu.memory_space<vmem>>) semaphore(%run_scoped3A : memref<!tpu.dma_semaphore, #tpu.memory_space<semaphore_mem>>) {add = true}
        %dma_wait3A_3400 = arith.constant 0 : i32
        %dma_wait3A_3401 = arith.constant 0 : i32
        %dma_wait3A_3402 = tpu.memref_slice %arg20[%dma_wait3A_3400, %dma_wait3A_3401] : memref<10240x64xf32, #tpu.memory_space<vmem_shared>> -> memref<10240x64xf32, #tpu.memory_space<vmem_shared>>
        tpu.wait_indirect_dma semaphore(%run_scoped3A : memref<!tpu.dma_semaphore, #tpu.memory_space<semaphore_mem>>) src(%arg11 : memref<128x64xf32, #tpu.memory_space<vmem>>) dst(%dma_wait3A_3402 : memref<10240x64xf32, #tpu.memory_space<vmem_shared>>)
        tpu.yield
      }) : () -> ()
      %dma_start3A_384 = arith.constant 7 : i32
      %dma_start3A_385 = arith.constant 0 : i32
      %dma_start3A_386 = tpu.memref_slice %arg6[%dma_start3A_384, %dma_start3A_385] : memref<16x128xi32, #tpu.memory_space<vmem>> -> memref<1x128xi32, #tpu.memory_space<vmem>>
      %dma_start3A_387 = tpu.memref_squeeze %dma_start3A_386 : memref<1x128xi32, #tpu.memory_space<vmem>> -> memref<128xi32, #tpu.memory_space<vmem>>
      %dma_start3A_388 = arith.constant 0 : i32
      %dma_start3A_389 = arith.constant 0 : i32
      %dma_start3A_390 = tpu.memref_slice %arg4[%arg0, %dma_start3A_388, %dma_start3A_389] : memref<2x10000x64xf32, #tpu.memory_space<hbm>> -> memref<1x10000x64xf32, #tpu.memory_space<hbm>>
      %dma_start3A_391 = tpu.memref_squeeze %dma_start3A_390 : memref<1x10000x64xf32, #tpu.memory_space<hbm>> -> memref<10000x64xf32, #tpu.memory_space<hbm>>
      %dma_start3A_392 = arith.constant 0 : i32
      %dma_start3A_393 = arith.constant 0 : i32
      %dma_start3A_394 = tpu.memref_slice %dma_start3A_391[%dma_start3A_392, %dma_start3A_393] : memref<10000x64xf32, #tpu.memory_space<hbm>> -> memref<10000x64xf32, #tpu.memory_space<hbm>>
      tpu.enqueue_indirect_dma source(%dma_start3A_394 : memref<10000x64xf32, #tpu.memory_space<hbm>>) target(%arg18 : memref<128x64xf32, #tpu.memory_space<vmem>>) offsets(%dma_start3A_387 : memref<128xi32, #tpu.memory_space<vmem>>) semaphore(%arg32 : memref<!tpu.dma_semaphore, #tpu.memory_space<semaphore_mem>>)
      %dma_wait3A_395 = arith.constant 1 : i32
      %dma_wait3A_396 = arith.constant 0 : i32
      %dma_wait3A_397 = tpu.memref_slice %arg6[%dma_wait3A_395, %dma_wait3A_396] : memref<16x128xi32, #tpu.memory_space<vmem>> -> memref<1x128xi32, #tpu.memory_space<vmem>>
      %dma_wait3A_398 = tpu.memref_squeeze %dma_wait3A_397 : memref<1x128xi32, #tpu.memory_space<vmem>> -> memref<128xi32, #tpu.memory_space<vmem>>
      %dma_wait3A_399 = arith.constant 0 : i32
      %dma_wait3A_400 = arith.constant 0 : i32
      %dma_wait3A_401 = tpu.memref_slice %arg4[%arg0, %dma_wait3A_399, %dma_wait3A_400] : memref<2x10000x64xf32, #tpu.memory_space<hbm>> -> memref<1x10000x64xf32, #tpu.memory_space<hbm>>
      %dma_wait3A_402 = tpu.memref_squeeze %dma_wait3A_401 : memref<1x10000x64xf32, #tpu.memory_space<hbm>> -> memref<10000x64xf32, #tpu.memory_space<hbm>>
      %dma_wait3A_403 = arith.constant 0 : i32
      %dma_wait3A_404 = arith.constant 0 : i32
      %dma_wait3A_405 = tpu.memref_slice %dma_wait3A_402[%dma_wait3A_403, %dma_wait3A_404] : memref<10000x64xf32, #tpu.memory_space<hbm>> -> memref<10000x64xf32, #tpu.memory_space<hbm>>
      tpu.wait_indirect_dma semaphore(%arg26 : memref<!tpu.dma_semaphore, #tpu.memory_space<semaphore_mem>>) src(%dma_wait3A_405 : memref<10000x64xf32, #tpu.memory_space<hbm>>) dst(%arg12 : memref<128x64xf32, #tpu.memory_space<vmem>>)
      %get3A_406 = arith.constant 1 : i32
      %get3A_407 = arith.index_cast %get3A_406 : i32 to index
      %get3A_408 = arith.constant 0 : index
      %get3A_409 = tpu.vector_load %arg8[%get3A_407, %get3A_408] {strides = array<i32>} : memref<16x128xi32, #tpu.memory_space<vmem>>, vector<1x16xi32>,
      %get3A_410 = vector.shape_cast %get3A_409 : vector<1x16xi32> to vector<16xi32>
      %swap3A_411 = arith.constant 0 : index
      %swap3A_412 = tpu.vector_load %arg10[%swap3A_411] {strides = array<i32>} : memref<128xi32, #tpu.memory_space<vmem>>, vector<16xi32>,
      %swap3A_413 = vector.shape_cast %swap3A_412 : vector<16xi32> to vector<16xi32>
      %swap3A_414 = vector.shape_cast %get3A_410 : vector<16xi32> to vector<16xi32>
      tpu.vector_store %arg10[%swap3A_411], %swap3A_414 {strides = array<i32>} : memref<128xi32, #tpu.memory_space<vmem>>, vector<16xi32>,
      %get3A_415 = arith.constant 1 : i32
      %get3A_416 = arith.index_cast %get3A_415 : i32 to index
      %get3A_417 = arith.constant 16 : index
      %get3A_418 = tpu.vector_load %arg8[%get3A_416, %get3A_417] {strides = array<i32>} : memref<16x128xi32, #tpu.memory_space<vmem>>, vector<1x16xi32>,
      %get3A_419 = vector.shape_cast %get3A_418 : vector<1x16xi32> to vector<16xi32>
      %swap3A_420 = arith.constant 16 : index
      %swap3A_421 = tpu.vector_load %arg10[%swap3A_420] {strides = array<i32>} : memref<128xi32, #tpu.memory_space<vmem>>, vector<16xi32>,
      %swap3A_422 = vector.shape_cast %swap3A_421 : vector<16xi32> to vector<16xi32>
      %swap3A_423 = vector.shape_cast %get3A_419 : vector<16xi32> to vector<16xi32>
      tpu.vector_store %arg10[%swap3A_420], %swap3A_423 {strides = array<i32>} : memref<128xi32, #tpu.memory_space<vmem>>, vector<16xi32>,
      %get3A_424 = arith.constant 1 : i32
      %get3A_425 = arith.index_cast %get3A_424 : i32 to index
      %get3A_426 = arith.constant 32 : index
      %get3A_427 = tpu.vector_load %arg8[%get3A_425, %get3A_426] {strides = array<i32>} : memref<16x128xi32, #tpu.memory_space<vmem>>, vector<1x16xi32>,
      %get3A_428 = vector.shape_cast %get3A_427 : vector<1x16xi32> to vector<16xi32>
      %swap3A_429 = arith.constant 32 : index
      %swap3A_430 = tpu.vector_load %arg10[%swap3A_429] {strides = array<i32>} : memref<128xi32, #tpu.memory_space<vmem>>, vector<16xi32>,
      %swap3A_431 = vector.shape_cast %swap3A_430 : vector<16xi32> to vector<16xi32>
      %swap3A_432 = vector.shape_cast %get3A_428 : vector<16xi32> to vector<16xi32>
      tpu.vector_store %arg10[%swap3A_429], %swap3A_432 {strides = array<i32>} : memref<128xi32, #tpu.memory_space<vmem>>, vector<16xi32>,
      %get3A_433 = arith.constant 1 : i32
      %get3A_434 = arith.index_cast %get3A_433 : i32 to index
      %get3A_435 = arith.constant 48 : index
      %get3A_436 = tpu.vector_load %arg8[%get3A_434, %get3A_435] {strides = array<i32>} : memref<16x128xi32, #tpu.memory_space<vmem>>, vector<1x16xi32>,
      %get3A_437 = vector.shape_cast %get3A_436 : vector<1x16xi32> to vector<16xi32>
      %swap3A_438 = arith.constant 48 : index
      %swap3A_439 = tpu.vector_load %arg10[%swap3A_438] {strides = array<i32>} : memref<128xi32, #tpu.memory_space<vmem>>, vector<16xi32>,
      %swap3A_440 = vector.shape_cast %swap3A_439 : vector<16xi32> to vector<16xi32>
      %swap3A_441 = vector.shape_cast %get3A_437 : vector<16xi32> to vector<16xi32>
      tpu.vector_store %arg10[%swap3A_438], %swap3A_441 {strides = array<i32>} : memref<128xi32, #tpu.memory_space<vmem>>, vector<16xi32>,
      %get3A_442 = arith.constant 1 : i32
      %get3A_443 = arith.index_cast %get3A_442 : i32 to index
      %get3A_444 = arith.constant 64 : index
      %get3A_445 = tpu.vector_load %arg8[%get3A_443, %get3A_444] {strides = array<i32>} : memref<16x128xi32, #tpu.memory_space<vmem>>, vector<1x16xi32>,
      %get3A_446 = vector.shape_cast %get3A_445 : vector<1x16xi32> to vector<16xi32>
      %swap3A_447 = arith.constant 64 : index
      %swap3A_448 = tpu.vector_load %arg10[%swap3A_447] {strides = array<i32>} : memref<128xi32, #tpu.memory_space<vmem>>, vector<16xi32>,
      %swap3A_449 = vector.shape_cast %swap3A_448 : vector<16xi32> to vector<16xi32>
      %swap3A_450 = vector.shape_cast %get3A_446 : vector<16xi32> to vector<16xi32>
      tpu.vector_store %arg10[%swap3A_447], %swap3A_450 {strides = array<i32>} : memref<128xi32, #tpu.memory_space<vmem>>, vector<16xi32>,
      %get3A_451 = arith.constant 1 : i32
      %get3A_452 = arith.index_cast %get3A_451 : i32 to index
      %get3A_453 = arith.constant 80 : index
      %get3A_454 = tpu.vector_load %arg8[%get3A_452, %get3A_453] {strides = array<i32>} : memref<16x128xi32, #tpu.memory_space<vmem>>, vector<1x16xi32>,
      %get3A_455 = vector.shape_cast %get3A_454 : vector<1x16xi32> to vector<16xi32>
      %swap3A_456 = arith.constant 80 : index
      %swap3A_457 = tpu.vector_load %arg10[%swap3A_456] {strides = array<i32>} : memref<128xi32, #tpu.memory_space<vmem>>, vector<16xi32>,
      %swap3A_458 = vector.shape_cast %swap3A_457 : vector<16xi32> to vector<16xi32>
      %swap3A_459 = vector.shape_cast %get3A_455 : vector<16xi32> to vector<16xi32>
      tpu.vector_store %arg10[%swap3A_456], %swap3A_459 {strides = array<i32>} : memref<128xi32, #tpu.memory_space<vmem>>, vector<16xi32>,
      %get3A_460 = arith.constant 1 : i32
      %get3A_461 = arith.index_cast %get3A_460 : i32 to index
      %get3A_462 = arith.constant 96 : index
      %get3A_463 = tpu.vector_load %arg8[%get3A_461, %get3A_462] {strides = array<i32>} : memref<16x128xi32, #tpu.memory_space<vmem>>, vector<1x16xi32>,
      %get3A_464 = vector.shape_cast %get3A_463 : vector<1x16xi32> to vector<16xi32>
      %swap3A_465 = arith.constant 96 : index
      %swap3A_466 = tpu.vector_load %arg10[%swap3A_465] {strides = array<i32>} : memref<128xi32, #tpu.memory_space<vmem>>, vector<16xi32>,
      %swap3A_467 = vector.shape_cast %swap3A_466 : vector<16xi32> to vector<16xi32>
      %swap3A_468 = vector.shape_cast %get3A_464 : vector<16xi32> to vector<16xi32>
      tpu.vector_store %arg10[%swap3A_465], %swap3A_468 {strides = array<i32>} : memref<128xi32, #tpu.memory_space<vmem>>, vector<16xi32>,
      %get3A_469 = arith.constant 1 : i32
      %get3A_470 = arith.index_cast %get3A_469 : i32 to index
      %get3A_471 = arith.constant 112 : index
      %get3A_472 = tpu.vector_load %arg8[%get3A_470, %get3A_471] {strides = array<i32>} : memref<16x128xi32, #tpu.memory_space<vmem>>, vector<1x16xi32>,
      %get3A_473 = vector.shape_cast %get3A_472 : vector<1x16xi32> to vector<16xi32>
      %swap3A_474 = arith.constant 112 : index
      %swap3A_475 = tpu.vector_load %arg10[%swap3A_474] {strides = array<i32>} : memref<128xi32, #tpu.memory_space<vmem>>, vector<16xi32>,
      %swap3A_476 = vector.shape_cast %swap3A_475 : vector<16xi32> to vector<16xi32>
      %swap3A_477 = vector.shape_cast %get3A_473 : vector<16xi32> to vector<16xi32>
      tpu.vector_store %arg10[%swap3A_474], %swap3A_477 {strides = array<i32>} : memref<128xi32, #tpu.memory_space<vmem>>, vector<16xi32>,
      "tpu.region"() ({
        %run_scoped3A = tpu.sem_alloc : memref<!tpu.dma_semaphore, #tpu.memory_space<semaphore_mem>>
        %dma_start3A_3397 = arith.constant 0 : i32
        %dma_start3A_3398 = arith.constant 0 : i32
        %dma_start3A_3399 = tpu.memref_slice %arg20[%dma_start3A_3397, %dma_start3A_3398] : memref<10240x64xf32, #tpu.memory_space<vmem_shared>> -> memref<10240x64xf32, #tpu.memory_space<vmem_shared>>
        tpu.enqueue_indirect_dma source(%arg12 : memref<128x64xf32, #tpu.memory_space<vmem>>) target(%dma_start3A_3399 : memref<10240x64xf32, #tpu.memory_space<vmem_shared>>) offsets(%arg10 : memref<128xi32, #tpu.memory_space<vmem>>) semaphore(%run_scoped3A : memref<!tpu.dma_semaphore, #tpu.memory_space<semaphore_mem>>) {add = true}
        %dma_wait3A_3400 = arith.constant 0 : i32
        %dma_wait3A_3401 = arith.constant 0 : i32
        %dma_wait3A_3402 = tpu.memref_slice %arg20[%dma_wait3A_3400, %dma_wait3A_3401] : memref<10240x64xf32, #tpu.memory_space<vmem_shared>> -> memref<10240x64xf32, #tpu.memory_space<vmem_shared>>
        tpu.wait_indirect_dma semaphore(%run_scoped3A : memref<!tpu.dma_semaphore, #tpu.memory_space<semaphore_mem>>) src(%arg12 : memref<128x64xf32, #tpu.memory_space<vmem>>) dst(%dma_wait3A_3402 : memref<10240x64xf32, #tpu.memory_space<vmem_shared>>)
        tpu.yield
      }) : () -> ()
      %dma_start3A_478 = arith.constant 8 : i32
      %dma_start3A_479 = arith.constant 0 : i32
      %dma_start3A_480 = tpu.memref_slice %arg6[%dma_start3A_478, %dma_start3A_479] : memref<16x128xi32, #tpu.memory_space<vmem>> -> memref<1x128xi32, #tpu.memory_space<vmem>>
      %dma_start3A_481 = tpu.memref_squeeze %dma_start3A_480 : memref<1x128xi32, #tpu.memory_space<vmem>> -> memref<128xi32, #tpu.memory_space<vmem>>
      %dma_start3A_482 = arith.constant 0 : i32
      %dma_start3A_483 = arith.constant 0 : i32
      %dma_start3A_484 = tpu.memref_slice %arg4[%arg0, %dma_start3A_482, %dma_start3A_483] : memref<2x10000x64xf32, #tpu.memory_space<hbm>> -> memref<1x10000x64xf32, #tpu.memory_space<hbm>>
      %dma_start3A_485 = tpu.memref_squeeze %dma_start3A_484 : memref<1x10000x64xf32, #tpu.memory_space<hbm>> -> memref<10000x64xf32, #tpu.memory_space<hbm>>
      %dma_start3A_486 = arith.constant 0 : i32
      %dma_start3A_487 = arith.constant 0 : i32
      %dma_start3A_488 = tpu.memref_slice %dma_start3A_485[%dma_start3A_486, %dma_start3A_487] : memref<10000x64xf32, #tpu.memory_space<hbm>> -> memref<10000x64xf32, #tpu.memory_space<hbm>>
      tpu.enqueue_indirect_dma source(%dma_start3A_488 : memref<10000x64xf32, #tpu.memory_space<hbm>>) target(%arg11 : memref<128x64xf32, #tpu.memory_space<vmem>>) offsets(%dma_start3A_481 : memref<128xi32, #tpu.memory_space<vmem>>) semaphore(%arg25 : memref<!tpu.dma_semaphore, #tpu.memory_space<semaphore_mem>>)
      %dma_wait3A_489 = arith.constant 2 : i32
      %dma_wait3A_490 = arith.constant 0 : i32
      %dma_wait3A_491 = tpu.memref_slice %arg6[%dma_wait3A_489, %dma_wait3A_490] : memref<16x128xi32, #tpu.memory_space<vmem>> -> memref<1x128xi32, #tpu.memory_space<vmem>>
      %dma_wait3A_492 = tpu.memref_squeeze %dma_wait3A_491 : memref<1x128xi32, #tpu.memory_space<vmem>> -> memref<128xi32, #tpu.memory_space<vmem>>
      %dma_wait3A_493 = arith.constant 0 : i32
      %dma_wait3A_494 = arith.constant 0 : i32
      %dma_wait3A_495 = tpu.memref_slice %arg4[%arg0, %dma_wait3A_493, %dma_wait3A_494] : memref<2x10000x64xf32, #tpu.memory_space<hbm>> -> memref<1x10000x64xf32, #tpu.memory_space<hbm>>
      %dma_wait3A_496 = tpu.memref_squeeze %dma_wait3A_495 : memref<1x10000x64xf32, #tpu.memory_space<hbm>> -> memref<10000x64xf32, #tpu.memory_space<hbm>>
      %dma_wait3A_497 = arith.constant 0 : i32
      %dma_wait3A_498 = arith.constant 0 : i32
      %dma_wait3A_499 = tpu.memref_slice %dma_wait3A_496[%dma_wait3A_497, %dma_wait3A_498] : memref<10000x64xf32, #tpu.memory_space<hbm>> -> memref<10000x64xf32, #tpu.memory_space<hbm>>
      tpu.wait_indirect_dma semaphore(%arg27 : memref<!tpu.dma_semaphore, #tpu.memory_space<semaphore_mem>>) src(%dma_wait3A_499 : memref<10000x64xf32, #tpu.memory_space<hbm>>) dst(%arg13 : memref<128x64xf32, #tpu.memory_space<vmem>>)
      %get3A_500 = arith.constant 2 : i32
      %get3A_501 = arith.index_cast %get3A_500 : i32 to index
      %get3A_502 = arith.constant 0 : index
      %get3A_503 = tpu.vector_load %arg8[%get3A_501, %get3A_502] {strides = array<i32>} : memref<16x128xi32, #tpu.memory_space<vmem>>, vector<1x16xi32>,
      %get3A_504 = vector.shape_cast %get3A_503 : vector<1x16xi32> to vector<16xi32>
      %swap3A_505 = arith.constant 0 : index
      %swap3A_506 = tpu.vector_load %arg10[%swap3A_505] {strides = array<i32>} : memref<128xi32, #tpu.memory_space<vmem>>, vector<16xi32>,
      %swap3A_507 = vector.shape_cast %swap3A_506 : vector<16xi32> to vector<16xi32>
      %swap3A_508 = vector.shape_cast %get3A_504 : vector<16xi32> to vector<16xi32>
      tpu.vector_store %arg10[%swap3A_505], %swap3A_508 {strides = array<i32>} : memref<128xi32, #tpu.memory_space<vmem>>, vector<16xi32>,
      %get3A_509 = arith.constant 2 : i32
      %get3A_510 = arith.index_cast %get3A_509 : i32 to index
      %get3A_511 = arith.constant 16 : index
      %get3A_512 = tpu.vector_load %arg8[%get3A_510, %get3A_511] {strides = array<i32>} : memref<16x128xi32, #tpu.memory_space<vmem>>, vector<1x16xi32>,
      %get3A_513 = vector.shape_cast %get3A_512 : vector<1x16xi32> to vector<16xi32>
      %swap3A_514 = arith.constant 16 : index
      %swap3A_515 = tpu.vector_load %arg10[%swap3A_514] {strides = array<i32>} : memref<128xi32, #tpu.memory_space<vmem>>, vector<16xi32>,
      %swap3A_516 = vector.shape_cast %swap3A_515 : vector<16xi32> to vector<16xi32>
      %swap3A_517 = vector.shape_cast %get3A_513 : vector<16xi32> to vector<16xi32>
      tpu.vector_store %arg10[%swap3A_514], %swap3A_517 {strides = array<i32>} : memref<128xi32, #tpu.memory_space<vmem>>, vector<16xi32>,
      %get3A_518 = arith.constant 2 : i32
      %get3A_519 = arith.index_cast %get3A_518 : i32 to index
      %get3A_520 = arith.constant 32 : index
      %get3A_521 = tpu.vector_load %arg8[%get3A_519, %get3A_520] {strides = array<i32>} : memref<16x128xi32, #tpu.memory_space<vmem>>, vector<1x16xi32>,
      %get3A_522 = vector.shape_cast %get3A_521 : vector<1x16xi32> to vector<16xi32>
      %swap3A_523 = arith.constant 32 : index
      %swap3A_524 = tpu.vector_load %arg10[%swap3A_523] {strides = array<i32>} : memref<128xi32, #tpu.memory_space<vmem>>, vector<16xi32>,
      %swap3A_525 = vector.shape_cast %swap3A_524 : vector<16xi32> to vector<16xi32>
      %swap3A_526 = vector.shape_cast %get3A_522 : vector<16xi32> to vector<16xi32>
      tpu.vector_store %arg10[%swap3A_523], %swap3A_526 {strides = array<i32>} : memref<128xi32, #tpu.memory_space<vmem>>, vector<16xi32>,
      %get3A_527 = arith.constant 2 : i32
      %get3A_528 = arith.index_cast %get3A_527 : i32 to index
      %get3A_529 = arith.constant 48 : index
      %get3A_530 = tpu.vector_load %arg8[%get3A_528, %get3A_529] {strides = array<i32>} : memref<16x128xi32, #tpu.memory_space<vmem>>, vector<1x16xi32>,
      %get3A_531 = vector.shape_cast %get3A_530 : vector<1x16xi32> to vector<16xi32>
      %swap3A_532 = arith.constant 48 : index
      %swap3A_533 = tpu.vector_load %arg10[%swap3A_532] {strides = array<i32>} : memref<128xi32, #tpu.memory_space<vmem>>, vector<16xi32>,
      %swap3A_534 = vector.shape_cast %swap3A_533 : vector<16xi32> to vector<16xi32>
      %swap3A_535 = vector.shape_cast %get3A_531 : vector<16xi32> to vector<16xi32>
      tpu.vector_store %arg10[%swap3A_532], %swap3A_535 {strides = array<i32>} : memref<128xi32, #tpu.memory_space<vmem>>, vector<16xi32>,
      %get3A_536 = arith.constant 2 : i32
      %get3A_537 = arith.index_cast %get3A_536 : i32 to index
      %get3A_538 = arith.constant 64 : index
      %get3A_539 = tpu.vector_load %arg8[%get3A_537, %get3A_538] {strides = array<i32>} : memref<16x128xi32, #tpu.memory_space<vmem>>, vector<1x16xi32>,
      %get3A_540 = vector.shape_cast %get3A_539 : vector<1x16xi32> to vector<16xi32>
      %swap3A_541 = arith.constant 64 : index
      %swap3A_542 = tpu.vector_load %arg10[%swap3A_541] {strides = array<i32>} : memref<128xi32, #tpu.memory_space<vmem>>, vector<16xi32>,
      %swap3A_543 = vector.shape_cast %swap3A_542 : vector<16xi32> to vector<16xi32>
      %swap3A_544 = vector.shape_cast %get3A_540 : vector<16xi32> to vector<16xi32>
      tpu.vector_store %arg10[%swap3A_541], %swap3A_544 {strides = array<i32>} : memref<128xi32, #tpu.memory_space<vmem>>, vector<16xi32>,
      %get3A_545 = arith.constant 2 : i32
      %get3A_546 = arith.index_cast %get3A_545 : i32 to index
      %get3A_547 = arith.constant 80 : index
      %get3A_548 = tpu.vector_load %arg8[%get3A_546, %get3A_547] {strides = array<i32>} : memref<16x128xi32, #tpu.memory_space<vmem>>, vector<1x16xi32>,
      %get3A_549 = vector.shape_cast %get3A_548 : vector<1x16xi32> to vector<16xi32>
      %swap3A_550 = arith.constant 80 : index
      %swap3A_551 = tpu.vector_load %arg10[%swap3A_550] {strides = array<i32>} : memref<128xi32, #tpu.memory_space<vmem>>, vector<16xi32>,
      %swap3A_552 = vector.shape_cast %swap3A_551 : vector<16xi32> to vector<16xi32>
      %swap3A_553 = vector.shape_cast %get3A_549 : vector<16xi32> to vector<16xi32>
      tpu.vector_store %arg10[%swap3A_550], %swap3A_553 {strides = array<i32>} : memref<128xi32, #tpu.memory_space<vmem>>, vector<16xi32>,
      %get3A_554 = arith.constant 2 : i32
      %get3A_555 = arith.index_cast %get3A_554 : i32 to index
      %get3A_556 = arith.constant 96 : index
      %get3A_557 = tpu.vector_load %arg8[%get3A_555, %get3A_556] {strides = array<i32>} : memref<16x128xi32, #tpu.memory_space<vmem>>, vector<1x16xi32>,
      %get3A_558 = vector.shape_cast %get3A_557 : vector<1x16xi32> to vector<16xi32>
      %swap3A_559 = arith.constant 96 : index
      %swap3A_560 = tpu.vector_load %arg10[%swap3A_559] {strides = array<i32>} : memref<128xi32, #tpu.memory_space<vmem>>, vector<16xi32>,
      %swap3A_561 = vector.shape_cast %swap3A_560 : vector<16xi32> to vector<16xi32>
      %swap3A_562 = vector.shape_cast %get3A_558 : vector<16xi32> to vector<16xi32>
      tpu.vector_store %arg10[%swap3A_559], %swap3A_562 {strides = array<i32>} : memref<128xi32, #tpu.memory_space<vmem>>, vector<16xi32>,
      %get3A_563 = arith.constant 2 : i32
      %get3A_564 = arith.index_cast %get3A_563 : i32 to index
      %get3A_565 = arith.constant 112 : index
      %get3A_566 = tpu.vector_load %arg8[%get3A_564, %get3A_565] {strides = array<i32>} : memref<16x128xi32, #tpu.memory_space<vmem>>, vector<1x16xi32>,
      %get3A_567 = vector.shape_cast %get3A_566 : vector<1x16xi32> to vector<16xi32>
      %swap3A_568 = arith.constant 112 : index
      %swap3A_569 = tpu.vector_load %arg10[%swap3A_568] {strides = array<i32>} : memref<128xi32, #tpu.memory_space<vmem>>, vector<16xi32>,
      %swap3A_570 = vector.shape_cast %swap3A_569 : vector<16xi32> to vector<16xi32>
      %swap3A_571 = vector.shape_cast %get3A_567 : vector<16xi32> to vector<16xi32>
      tpu.vector_store %arg10[%swap3A_568], %swap3A_571 {strides = array<i32>} : memref<128xi32, #tpu.memory_space<vmem>>, vector<16xi32>,
      "tpu.region"() ({
        %run_scoped3A = tpu.sem_alloc : memref<!tpu.dma_semaphore, #tpu.memory_space<semaphore_mem>>
        %dma_start3A_3397 = arith.constant 0 : i32
        %dma_start3A_3398 = arith.constant 0 : i32
        %dma_start3A_3399 = tpu.memref_slice %arg20[%dma_start3A_3397, %dma_start3A_3398] : memref<10240x64xf32, #tpu.memory_space<vmem_shared>> -> memref<10240x64xf32, #tpu.memory_space<vmem_shared>>
        tpu.enqueue_indirect_dma source(%arg13 : memref<128x64xf32, #tpu.memory_space<vmem>>) target(%dma_start3A_3399 : memref<10240x64xf32, #tpu.memory_space<vmem_shared>>) offsets(%arg10 : memref<128xi32, #tpu.memory_space<vmem>>) semaphore(%run_scoped3A : memref<!tpu.dma_semaphore, #tpu.memory_space<semaphore_mem>>) {add = true}
        %dma_wait3A_3400 = arith.constant 0 : i32
        %dma_wait3A_3401 = arith.constant 0 : i32
        %dma_wait3A_3402 = tpu.memref_slice %arg20[%dma_wait3A_3400, %dma_wait3A_3401] : memref<10240x64xf32, #tpu.memory_space<vmem_shared>> -> memref<10240x64xf32, #tpu.memory_space<vmem_shared>>
        tpu.wait_indirect_dma semaphore(%run_scoped3A : memref<!tpu.dma_semaphore, #tpu.memory_space<semaphore_mem>>) src(%arg13 : memref<128x64xf32, #tpu.memory_space<vmem>>) dst(%dma_wait3A_3402 : memref<10240x64xf32, #tpu.memory_space<vmem_shared>>)
        tpu.yield
      }) : () -> ()
      %dma_start3A_572 = arith.constant 9 : i32
      %dma_start3A_573 = arith.constant 0 : i32
      %dma_start3A_574 = tpu.memref_slice %arg6[%dma_start3A_572, %dma_start3A_573] : memref<16x128xi32, #tpu.memory_space<vmem>> -> memref<1x128xi32, #tpu.memory_space<vmem>>
      %dma_start3A_575 = tpu.memref_squeeze %dma_start3A_574 : memref<1x128xi32, #tpu.memory_space<vmem>> -> memref<128xi32, #tpu.memory_space<vmem>>
      %dma_start3A_576 = arith.constant 0 : i32
      %dma_start3A_577 = arith.constant 0 : i32
      %dma_start3A_578 = tpu.memref_slice %arg4[%arg0, %dma_start3A_576, %dma_start3A_577] : memref<2x10000x64xf32, #tpu.memory_space<hbm>> -> memref<1x10000x64xf32, #tpu.memory_space<hbm>>
      %dma_start3A_579 = tpu.memref_squeeze %dma_start3A_578 : memref<1x10000x64xf32, #tpu.memory_space<hbm>> -> memref<10000x64xf32, #tpu.memory_space<hbm>>
      %dma_start3A_580 = arith.constant 0 : i32
      %dma_start3A_581 = arith.constant 0 : i32
      %dma_start3A_582 = tpu.memref_slice %dma_start3A_579[%dma_start3A_580, %dma_start3A_581] : memref<10000x64xf32, #tpu.memory_space<hbm>> -> memref<10000x64xf32, #tpu.memory_space<hbm>>
      tpu.enqueue_indirect_dma source(%dma_start3A_582 : memref<10000x64xf32, #tpu.memory_space<hbm>>) target(%arg12 : memref<128x64xf32, #tpu.memory_space<vmem>>) offsets(%dma_start3A_575 : memref<128xi32, #tpu.memory_space<vmem>>) semaphore(%arg26 : memref<!tpu.dma_semaphore, #tpu.memory_space<semaphore_mem>>)
      %dma_wait3A_583 = arith.constant 3 : i32
      %dma_wait3A_584 = arith.constant 0 : i32
      %dma_wait3A_585 = tpu.memref_slice %arg6[%dma_wait3A_583, %dma_wait3A_584] : memref<16x128xi32, #tpu.memory_space<vmem>> -> memref<1x128xi32, #tpu.memory_space<vmem>>
      %dma_wait3A_586 = tpu.memref_squeeze %dma_wait3A_585 : memref<1x128xi32, #tpu.memory_space<vmem>> -> memref<128xi32, #tpu.memory_space<vmem>>
      %dma_wait3A_587 = arith.constant 0 : i32
      %dma_wait3A_588 = arith.constant 0 : i32
      %dma_wait3A_589 = tpu.memref_slice %arg4[%arg0, %dma_wait3A_587, %dma_wait3A_588] : memref<2x10000x64xf32, #tpu.memory_space<hbm>> -> memref<1x10000x64xf32, #tpu.memory_space<hbm>>
      %dma_wait3A_590 = tpu.memref_squeeze %dma_wait3A_589 : memref<1x10000x64xf32, #tpu.memory_space<hbm>> -> memref<10000x64xf32, #tpu.memory_space<hbm>>
      %dma_wait3A_591 = arith.constant 0 : i32
      %dma_wait3A_592 = arith.constant 0 : i32
      %dma_wait3A_593 = tpu.memref_slice %dma_wait3A_590[%dma_wait3A_591, %dma_wait3A_592] : memref<10000x64xf32, #tpu.memory_space<hbm>> -> memref<10000x64xf32, #tpu.memory_space<hbm>>
      tpu.wait_indirect_dma semaphore(%arg28 : memref<!tpu.dma_semaphore, #tpu.memory_space<semaphore_mem>>) src(%dma_wait3A_593 : memref<10000x64xf32, #tpu.memory_space<hbm>>) dst(%arg14 : memref<128x64xf32, #tpu.memory_space<vmem>>)
      %get3A_594 = arith.constant 3 : i32
      %get3A_595 = arith.index_cast %get3A_594 : i32 to index
      %get3A_596 = arith.constant 0 : index
      %get3A_597 = tpu.vector_load %arg8[%get3A_595, %get3A_596] {strides = array<i32>} : memref<16x128xi32, #tpu.memory_space<vmem>>, vector<1x16xi32>,
      %get3A_598 = vector.shape_cast %get3A_597 : vector<1x16xi32> to vector<16xi32>
      %swap3A_599 = arith.constant 0 : index
      %swap3A_600 = tpu.vector_load %arg10[%swap3A_599] {strides = array<i32>} : memref<128xi32, #tpu.memory_space<vmem>>, vector<16xi32>,
      %swap3A_601 = vector.shape_cast %swap3A_600 : vector<16xi32> to vector<16xi32>
      %swap3A_602 = vector.shape_cast %get3A_598 : vector<16xi32> to vector<16xi32>
      tpu.vector_store %arg10[%swap3A_599], %swap3A_602 {strides = array<i32>} : memref<128xi32, #tpu.memory_space<vmem>>, vector<16xi32>,
      %get3A_603 = arith.constant 3 : i32
      %get3A_604 = arith.index_cast %get3A_603 : i32 to index
      %get3A_605 = arith.constant 16 : index
      %get3A_606 = tpu.vector_load %arg8[%get3A_604, %get3A_605] {strides = array<i32>} : memref<16x128xi32, #tpu.memory_space<vmem>>, vector<1x16xi32>,
      %get3A_607 = vector.shape_cast %get3A_606 : vector<1x16xi32> to vector<16xi32>
      %swap3A_608 = arith.constant 16 : index
      %swap3A_609 = tpu.vector_load %arg10[%swap3A_608] {strides = array<i32>} : memref<128xi32, #tpu.memory_space<vmem>>, vector<16xi32>,
      %swap3A_610 = vector.shape_cast %swap3A_609 : vector<16xi32> to vector<16xi32>
      %swap3A_611 = vector.shape_cast %get3A_607 : vector<16xi32> to vector<16xi32>
      tpu.vector_store %arg10[%swap3A_608], %swap3A_611 {strides = array<i32>} : memref<128xi32, #tpu.memory_space<vmem>>, vector<16xi32>,
      %get3A_612 = arith.constant 3 : i32
      %get3A_613 = arith.index_cast %get3A_612 : i32 to index
      %get3A_614 = arith.constant 32 : index
      %get3A_615 = tpu.vector_load %arg8[%get3A_613, %get3A_614] {strides = array<i32>} : memref<16x128xi32, #tpu.memory_space<vmem>>, vector<1x16xi32>,
      %get3A_616 = vector.shape_cast %get3A_615 : vector<1x16xi32> to vector<16xi32>
      %swap3A_617 = arith.constant 32 : index
      %swap3A_618 = tpu.vector_load %arg10[%swap3A_617] {strides = array<i32>} : memref<128xi32, #tpu.memory_space<vmem>>, vector<16xi32>,
      %swap3A_619 = vector.shape_cast %swap3A_618 : vector<16xi32> to vector<16xi32>
      %swap3A_620 = vector.shape_cast %get3A_616 : vector<16xi32> to vector<16xi32>
      tpu.vector_store %arg10[%swap3A_617], %swap3A_620 {strides = array<i32>} : memref<128xi32, #tpu.memory_space<vmem>>, vector<16xi32>,
      %get3A_621 = arith.constant 3 : i32
      %get3A_622 = arith.index_cast %get3A_621 : i32 to index
      %get3A_623 = arith.constant 48 : index
      %get3A_624 = tpu.vector_load %arg8[%get3A_622, %get3A_623] {strides = array<i32>} : memref<16x128xi32, #tpu.memory_space<vmem>>, vector<1x16xi32>,
      %get3A_625 = vector.shape_cast %get3A_624 : vector<1x16xi32> to vector<16xi32>
      %swap3A_626 = arith.constant 48 : index
      %swap3A_627 = tpu.vector_load %arg10[%swap3A_626] {strides = array<i32>} : memref<128xi32, #tpu.memory_space<vmem>>, vector<16xi32>,
      %swap3A_628 = vector.shape_cast %swap3A_627 : vector<16xi32> to vector<16xi32>
      %swap3A_629 = vector.shape_cast %get3A_625 : vector<16xi32> to vector<16xi32>
      tpu.vector_store %arg10[%swap3A_626], %swap3A_629 {strides = array<i32>} : memref<128xi32, #tpu.memory_space<vmem>>, vector<16xi32>,
      %get3A_630 = arith.constant 3 : i32
      %get3A_631 = arith.index_cast %get3A_630 : i32 to index
      %get3A_632 = arith.constant 64 : index
      %get3A_633 = tpu.vector_load %arg8[%get3A_631, %get3A_632] {strides = array<i32>} : memref<16x128xi32, #tpu.memory_space<vmem>>, vector<1x16xi32>,
      %get3A_634 = vector.shape_cast %get3A_633 : vector<1x16xi32> to vector<16xi32>
      %swap3A_635 = arith.constant 64 : index
      %swap3A_636 = tpu.vector_load %arg10[%swap3A_635] {strides = array<i32>} : memref<128xi32, #tpu.memory_space<vmem>>, vector<16xi32>,
      %swap3A_637 = vector.shape_cast %swap3A_636 : vector<16xi32> to vector<16xi32>
      %swap3A_638 = vector.shape_cast %get3A_634 : vector<16xi32> to vector<16xi32>
      tpu.vector_store %arg10[%swap3A_635], %swap3A_638 {strides = array<i32>} : memref<128xi32, #tpu.memory_space<vmem>>, vector<16xi32>,
      %get3A_639 = arith.constant 3 : i32
      %get3A_640 = arith.index_cast %get3A_639 : i32 to index
      %get3A_641 = arith.constant 80 : index
      %get3A_642 = tpu.vector_load %arg8[%get3A_640, %get3A_641] {strides = array<i32>} : memref<16x128xi32, #tpu.memory_space<vmem>>, vector<1x16xi32>,
      %get3A_643 = vector.shape_cast %get3A_642 : vector<1x16xi32> to vector<16xi32>
      %swap3A_644 = arith.constant 80 : index
      %swap3A_645 = tpu.vector_load %arg10[%swap3A_644] {strides = array<i32>} : memref<128xi32, #tpu.memory_space<vmem>>, vector<16xi32>,
      %swap3A_646 = vector.shape_cast %swap3A_645 : vector<16xi32> to vector<16xi32>
      %swap3A_647 = vector.shape_cast %get3A_643 : vector<16xi32> to vector<16xi32>
      tpu.vector_store %arg10[%swap3A_644], %swap3A_647 {strides = array<i32>} : memref<128xi32, #tpu.memory_space<vmem>>, vector<16xi32>,
      %get3A_648 = arith.constant 3 : i32
      %get3A_649 = arith.index_cast %get3A_648 : i32 to index
      %get3A_650 = arith.constant 96 : index
      %get3A_651 = tpu.vector_load %arg8[%get3A_649, %get3A_650] {strides = array<i32>} : memref<16x128xi32, #tpu.memory_space<vmem>>, vector<1x16xi32>,
      %get3A_652 = vector.shape_cast %get3A_651 : vector<1x16xi32> to vector<16xi32>
      %swap3A_653 = arith.constant 96 : index
      %swap3A_654 = tpu.vector_load %arg10[%swap3A_653] {strides = array<i32>} : memref<128xi32, #tpu.memory_space<vmem>>, vector<16xi32>,
      %swap3A_655 = vector.shape_cast %swap3A_654 : vector<16xi32> to vector<16xi32>
      %swap3A_656 = vector.shape_cast %get3A_652 : vector<16xi32> to vector<16xi32>
      tpu.vector_store %arg10[%swap3A_653], %swap3A_656 {strides = array<i32>} : memref<128xi32, #tpu.memory_space<vmem>>, vector<16xi32>,
      %get3A_657 = arith.constant 3 : i32
      %get3A_658 = arith.index_cast %get3A_657 : i32 to index
      %get3A_659 = arith.constant 112 : index
      %get3A_660 = tpu.vector_load %arg8[%get3A_658, %get3A_659] {strides = array<i32>} : memref<16x128xi32, #tpu.memory_space<vmem>>, vector<1x16xi32>,
      %get3A_661 = vector.shape_cast %get3A_660 : vector<1x16xi32> to vector<16xi32>
      %swap3A_662 = arith.constant 112 : index
      %swap3A_663 = tpu.vector_load %arg10[%swap3A_662] {strides = array<i32>} : memref<128xi32, #tpu.memory_space<vmem>>, vector<16xi32>,
      %swap3A_664 = vector.shape_cast %swap3A_663 : vector<16xi32> to vector<16xi32>
      %swap3A_665 = vector.shape_cast %get3A_661 : vector<16xi32> to vector<16xi32>
      tpu.vector_store %arg10[%swap3A_662], %swap3A_665 {strides = array<i32>} : memref<128xi32, #tpu.memory_space<vmem>>, vector<16xi32>,
      "tpu.region"() ({
        %run_scoped3A = tpu.sem_alloc : memref<!tpu.dma_semaphore, #tpu.memory_space<semaphore_mem>>
        %dma_start3A_3397 = arith.constant 0 : i32
        %dma_start3A_3398 = arith.constant 0 : i32
        %dma_start3A_3399 = tpu.memref_slice %arg20[%dma_start3A_3397, %dma_start3A_3398] : memref<10240x64xf32, #tpu.memory_space<vmem_shared>> -> memref<10240x64xf32, #tpu.memory_space<vmem_shared>>
        tpu.enqueue_indirect_dma source(%arg14 : memref<128x64xf32, #tpu.memory_space<vmem>>) target(%dma_start3A_3399 : memref<10240x64xf32, #tpu.memory_space<vmem_shared>>) offsets(%arg10 : memref<128xi32, #tpu.memory_space<vmem>>) semaphore(%run_scoped3A : memref<!tpu.dma_semaphore, #tpu.memory_space<semaphore_mem>>) {add = true}
        %dma_wait3A_3400 = arith.constant 0 : i32
        %dma_wait3A_3401 = arith.constant 0 : i32
        %dma_wait3A_3402 = tpu.memref_slice %arg20[%dma_wait3A_3400, %dma_wait3A_3401] : memref<10240x64xf32, #tpu.memory_space<vmem_shared>> -> memref<10240x64xf32, #tpu.memory_space<vmem_shared>>
        tpu.wait_indirect_dma semaphore(%run_scoped3A : memref<!tpu.dma_semaphore, #tpu.memory_space<semaphore_mem>>) src(%arg14 : memref<128x64xf32, #tpu.memory_space<vmem>>) dst(%dma_wait3A_3402 : memref<10240x64xf32, #tpu.memory_space<vmem_shared>>)
        tpu.yield
      }) : () -> ()
      %dma_start3A_666 = arith.constant 10 : i32
      %dma_start3A_667 = arith.constant 0 : i32
      %dma_start3A_668 = tpu.memref_slice %arg6[%dma_start3A_666, %dma_start3A_667] : memref<16x128xi32, #tpu.memory_space<vmem>> -> memref<1x128xi32, #tpu.memory_space<vmem>>
      %dma_start3A_669 = tpu.memref_squeeze %dma_start3A_668 : memref<1x128xi32, #tpu.memory_space<vmem>> -> memref<128xi32, #tpu.memory_space<vmem>>
      %dma_start3A_670 = arith.constant 0 : i32
      %dma_start3A_671 = arith.constant 0 : i32
      %dma_start3A_672 = tpu.memref_slice %arg4[%arg0, %dma_start3A_670, %dma_start3A_671] : memref<2x10000x64xf32, #tpu.memory_space<hbm>> -> memref<1x10000x64xf32, #tpu.memory_space<hbm>>
      %dma_start3A_673 = tpu.memref_squeeze %dma_start3A_672 : memref<1x10000x64xf32, #tpu.memory_space<hbm>> -> memref<10000x64xf32, #tpu.memory_space<hbm>>
      %dma_start3A_674 = arith.constant 0 : i32
      %dma_start3A_675 = arith.constant 0 : i32
      %dma_start3A_676 = tpu.memref_slice %dma_start3A_673[%dma_start3A_674, %dma_start3A_675] : memref<10000x64xf32, #tpu.memory_space<hbm>> -> memref<10000x64xf32, #tpu.memory_space<hbm>>
      tpu.enqueue_indirect_dma source(%dma_start3A_676 : memref<10000x64xf32, #tpu.memory_space<hbm>>) target(%arg13 : memref<128x64xf32, #tpu.memory_space<vmem>>) offsets(%dma_start3A_669 : memref<128xi32, #tpu.memory_space<vmem>>) semaphore(%arg27 : memref<!tpu.dma_semaphore, #tpu.memory_space<semaphore_mem>>)
      %dma_wait3A_677 = arith.constant 4 : i32
      %dma_wait3A_678 = arith.constant 0 : i32
      %dma_wait3A_679 = tpu.memref_slice %arg6[%dma_wait3A_677, %dma_wait3A_678] : memref<16x128xi32, #tpu.memory_space<vmem>> -> memref<1x128xi32, #tpu.memory_space<vmem>>
      %dma_wait3A_680 = tpu.memref_squeeze %dma_wait3A_679 : memref<1x128xi32, #tpu.memory_space<vmem>> -> memref<128xi32, #tpu.memory_space<vmem>>
      %dma_wait3A_681 = arith.constant 0 : i32
      %dma_wait3A_682 = arith.constant 0 : i32
      %dma_wait3A_683 = tpu.memref_slice %arg4[%arg0, %dma_wait3A_681, %dma_wait3A_682] : memref<2x10000x64xf32, #tpu.memory_space<hbm>> -> memref<1x10000x64xf32, #tpu.memory_space<hbm>>
      %dma_wait3A_684 = tpu.memref_squeeze %dma_wait3A_683 : memref<1x10000x64xf32, #tpu.memory_space<hbm>> -> memref<10000x64xf32, #tpu.memory_space<hbm>>
      %dma_wait3A_685 = arith.constant 0 : i32
      %dma_wait3A_686 = arith.constant 0 : i32
      %dma_wait3A_687 = tpu.memref_slice %dma_wait3A_684[%dma_wait3A_685, %dma_wait3A_686] : memref<10000x64xf32, #tpu.memory_space<hbm>> -> memref<10000x64xf32, #tpu.memory_space<hbm>>
      tpu.wait_indirect_dma semaphore(%arg29 : memref<!tpu.dma_semaphore, #tpu.memory_space<semaphore_mem>>) src(%dma_wait3A_687 : memref<10000x64xf32, #tpu.memory_space<hbm>>) dst(%arg15 : memref<128x64xf32, #tpu.memory_space<vmem>>)
      %get3A_688 = arith.constant 4 : i32
      %get3A_689 = arith.index_cast %get3A_688 : i32 to index
      %get3A_690 = arith.constant 0 : index
      %get3A_691 = tpu.vector_load %arg8[%get3A_689, %get3A_690] {strides = array<i32>} : memref<16x128xi32, #tpu.memory_space<vmem>>, vector<1x16xi32>,
      %get3A_692 = vector.shape_cast %get3A_691 : vector<1x16xi32> to vector<16xi32>
      %swap3A_693 = arith.constant 0 : index
      %swap3A_694 = tpu.vector_load %arg10[%swap3A_693] {strides = array<i32>} : memref<128xi32, #tpu.memory_space<vmem>>, vector<16xi32>,
      %swap3A_695 = vector.shape_cast %swap3A_694 : vector<16xi32> to vector<16xi32>
      %swap3A_696 = vector.shape_cast %get3A_692 : vector<16xi32> to vector<16xi32>
      tpu.vector_store %arg10[%swap3A_693], %swap3A_696 {strides = array<i32>} : memref<128xi32, #tpu.memory_space<vmem>>, vector<16xi32>,
      %get3A_697 = arith.constant 4 : i32
      %get3A_698 = arith.index_cast %get3A_697 : i32 to index
      %get3A_699 = arith.constant 16 : index
      %get3A_700 = tpu.vector_load %arg8[%get3A_698, %get3A_699] {strides = array<i32>} : memref<16x128xi32, #tpu.memory_space<vmem>>, vector<1x16xi32>,
      %get3A_701 = vector.shape_cast %get3A_700 : vector<1x16xi32> to vector<16xi32>
      %swap3A_702 = arith.constant 16 : index
      %swap3A_703 = tpu.vector_load %arg10[%swap3A_702] {strides = array<i32>} : memref<128xi32, #tpu.memory_space<vmem>>, vector<16xi32>,
      %swap3A_704 = vector.shape_cast %swap3A_703 : vector<16xi32> to vector<16xi32>
      %swap3A_705 = vector.shape_cast %get3A_701 : vector<16xi32> to vector<16xi32>
      tpu.vector_store %arg10[%swap3A_702], %swap3A_705 {strides = array<i32>} : memref<128xi32, #tpu.memory_space<vmem>>, vector<16xi32>,
      %get3A_706 = arith.constant 4 : i32
      %get3A_707 = arith.index_cast %get3A_706 : i32 to index
      %get3A_708 = arith.constant 32 : index
      %get3A_709 = tpu.vector_load %arg8[%get3A_707, %get3A_708] {strides = array<i32>} : memref<16x128xi32, #tpu.memory_space<vmem>>, vector<1x16xi32>,
      %get3A_710 = vector.shape_cast %get3A_709 : vector<1x16xi32> to vector<16xi32>
      %swap3A_711 = arith.constant 32 : index
      %swap3A_712 = tpu.vector_load %arg10[%swap3A_711] {strides = array<i32>} : memref<128xi32, #tpu.memory_space<vmem>>, vector<16xi32>,
      %swap3A_713 = vector.shape_cast %swap3A_712 : vector<16xi32> to vector<16xi32>
      %swap3A_714 = vector.shape_cast %get3A_710 : vector<16xi32> to vector<16xi32>
      tpu.vector_store %arg10[%swap3A_711], %swap3A_714 {strides = array<i32>} : memref<128xi32, #tpu.memory_space<vmem>>, vector<16xi32>,
      %get3A_715 = arith.constant 4 : i32
      %get3A_716 = arith.index_cast %get3A_715 : i32 to index
      %get3A_717 = arith.constant 48 : index
      %get3A_718 = tpu.vector_load %arg8[%get3A_716, %get3A_717] {strides = array<i32>} : memref<16x128xi32, #tpu.memory_space<vmem>>, vector<1x16xi32>,
      %get3A_719 = vector.shape_cast %get3A_718 : vector<1x16xi32> to vector<16xi32>
      %swap3A_720 = arith.constant 48 : index
      %swap3A_721 = tpu.vector_load %arg10[%swap3A_720] {strides = array<i32>} : memref<128xi32, #tpu.memory_space<vmem>>, vector<16xi32>,
      %swap3A_722 = vector.shape_cast %swap3A_721 : vector<16xi32> to vector<16xi32>
      %swap3A_723 = vector.shape_cast %get3A_719 : vector<16xi32> to vector<16xi32>
      tpu.vector_store %arg10[%swap3A_720], %swap3A_723 {strides = array<i32>} : memref<128xi32, #tpu.memory_space<vmem>>, vector<16xi32>,
      %get3A_724 = arith.constant 4 : i32
      %get3A_725 = arith.index_cast %get3A_724 : i32 to index
      %get3A_726 = arith.constant 64 : index
      %get3A_727 = tpu.vector_load %arg8[%get3A_725, %get3A_726] {strides = array<i32>} : memref<16x128xi32, #tpu.memory_space<vmem>>, vector<1x16xi32>,
      %get3A_728 = vector.shape_cast %get3A_727 : vector<1x16xi32> to vector<16xi32>
      %swap3A_729 = arith.constant 64 : index
      %swap3A_730 = tpu.vector_load %arg10[%swap3A_729] {strides = array<i32>} : memref<128xi32, #tpu.memory_space<vmem>>, vector<16xi32>,
      %swap3A_731 = vector.shape_cast %swap3A_730 : vector<16xi32> to vector<16xi32>
      %swap3A_732 = vector.shape_cast %get3A_728 : vector<16xi32> to vector<16xi32>
      tpu.vector_store %arg10[%swap3A_729], %swap3A_732 {strides = array<i32>} : memref<128xi32, #tpu.memory_space<vmem>>, vector<16xi32>,
      %get3A_733 = arith.constant 4 : i32
      %get3A_734 = arith.index_cast %get3A_733 : i32 to index
      %get3A_735 = arith.constant 80 : index
      %get3A_736 = tpu.vector_load %arg8[%get3A_734, %get3A_735] {strides = array<i32>} : memref<16x128xi32, #tpu.memory_space<vmem>>, vector<1x16xi32>,
      %get3A_737 = vector.shape_cast %get3A_736 : vector<1x16xi32> to vector<16xi32>
      %swap3A_738 = arith.constant 80 : index
      %swap3A_739 = tpu.vector_load %arg10[%swap3A_738] {strides = array<i32>} : memref<128xi32, #tpu.memory_space<vmem>>, vector<16xi32>,
      %swap3A_740 = vector.shape_cast %swap3A_739 : vector<16xi32> to vector<16xi32>
      %swap3A_741 = vector.shape_cast %get3A_737 : vector<16xi32> to vector<16xi32>
      tpu.vector_store %arg10[%swap3A_738], %swap3A_741 {strides = array<i32>} : memref<128xi32, #tpu.memory_space<vmem>>, vector<16xi32>,
      %get3A_742 = arith.constant 4 : i32
      %get3A_743 = arith.index_cast %get3A_742 : i32 to index
      %get3A_744 = arith.constant 96 : index
      %get3A_745 = tpu.vector_load %arg8[%get3A_743, %get3A_744] {strides = array<i32>} : memref<16x128xi32, #tpu.memory_space<vmem>>, vector<1x16xi32>,
      %get3A_746 = vector.shape_cast %get3A_745 : vector<1x16xi32> to vector<16xi32>
      %swap3A_747 = arith.constant 96 : index
      %swap3A_748 = tpu.vector_load %arg10[%swap3A_747] {strides = array<i32>} : memref<128xi32, #tpu.memory_space<vmem>>, vector<16xi32>,
      %swap3A_749 = vector.shape_cast %swap3A_748 : vector<16xi32> to vector<16xi32>
      %swap3A_750 = vector.shape_cast %get3A_746 : vector<16xi32> to vector<16xi32>
      tpu.vector_store %arg10[%swap3A_747], %swap3A_750 {strides = array<i32>} : memref<128xi32, #tpu.memory_space<vmem>>, vector<16xi32>,
      %get3A_751 = arith.constant 4 : i32
      %get3A_752 = arith.index_cast %get3A_751 : i32 to index
      %get3A_753 = arith.constant 112 : index
      %get3A_754 = tpu.vector_load %arg8[%get3A_752, %get3A_753] {strides = array<i32>} : memref<16x128xi32, #tpu.memory_space<vmem>>, vector<1x16xi32>,
      %get3A_755 = vector.shape_cast %get3A_754 : vector<1x16xi32> to vector<16xi32>
      %swap3A_756 = arith.constant 112 : index
      %swap3A_757 = tpu.vector_load %arg10[%swap3A_756] {strides = array<i32>} : memref<128xi32, #tpu.memory_space<vmem>>, vector<16xi32>,
      %swap3A_758 = vector.shape_cast %swap3A_757 : vector<16xi32> to vector<16xi32>
      %swap3A_759 = vector.shape_cast %get3A_755 : vector<16xi32> to vector<16xi32>
      tpu.vector_store %arg10[%swap3A_756], %swap3A_759 {strides = array<i32>} : memref<128xi32, #tpu.memory_space<vmem>>, vector<16xi32>,
      "tpu.region"() ({
        %run_scoped3A = tpu.sem_alloc : memref<!tpu.dma_semaphore, #tpu.memory_space<semaphore_mem>>
        %dma_start3A_3397 = arith.constant 0 : i32
        %dma_start3A_3398 = arith.constant 0 : i32
        %dma_start3A_3399 = tpu.memref_slice %arg20[%dma_start3A_3397, %dma_start3A_3398] : memref<10240x64xf32, #tpu.memory_space<vmem_shared>> -> memref<10240x64xf32, #tpu.memory_space<vmem_shared>>
        tpu.enqueue_indirect_dma source(%arg15 : memref<128x64xf32, #tpu.memory_space<vmem>>) target(%dma_start3A_3399 : memref<10240x64xf32, #tpu.memory_space<vmem_shared>>) offsets(%arg10 : memref<128xi32, #tpu.memory_space<vmem>>) semaphore(%run_scoped3A : memref<!tpu.dma_semaphore, #tpu.memory_space<semaphore_mem>>) {add = true}
        %dma_wait3A_3400 = arith.constant 0 : i32
        %dma_wait3A_3401 = arith.constant 0 : i32
        %dma_wait3A_3402 = tpu.memref_slice %arg20[%dma_wait3A_3400, %dma_wait3A_3401] : memref<10240x64xf32, #tpu.memory_space<vmem_shared>> -> memref<10240x64xf32, #tpu.memory_space<vmem_shared>>
        tpu.wait_indirect_dma semaphore(%run_scoped3A : memref<!tpu.dma_semaphore, #tpu.memory_space<semaphore_mem>>) src(%arg15 : memref<128x64xf32, #tpu.memory_space<vmem>>) dst(%dma_wait3A_3402 : memref<10240x64xf32, #tpu.memory_space<vmem_shared>>)
        tpu.yield
      }) : () -> ()
      %dma_start3A_760 = arith.constant 11 : i32
      %dma_start3A_761 = arith.constant 0 : i32
      %dma_start3A_762 = tpu.memref_slice %arg6[%dma_start3A_760, %dma_start3A_761] : memref<16x128xi32, #tpu.memory_space<vmem>> -> memref<1x128xi32, #tpu.memory_space<vmem>>
      %dma_start3A_763 = tpu.memref_squeeze %dma_start3A_762 : memref<1x128xi32, #tpu.memory_space<vmem>> -> memref<128xi32, #tpu.memory_space<vmem>>
      %dma_start3A_764 = arith.constant 0 : i32
      %dma_start3A_765 = arith.constant 0 : i32
      %dma_start3A_766 = tpu.memref_slice %arg4[%arg0, %dma_start3A_764, %dma_start3A_765] : memref<2x10000x64xf32, #tpu.memory_space<hbm>> -> memref<1x10000x64xf32, #tpu.memory_space<hbm>>
      %dma_start3A_767 = tpu.memref_squeeze %dma_start3A_766 : memref<1x10000x64xf32, #tpu.memory_space<hbm>> -> memref<10000x64xf32, #tpu.memory_space<hbm>>
      %dma_start3A_768 = arith.constant 0 : i32
      %dma_start3A_769 = arith.constant 0 : i32
      %dma_start3A_770 = tpu.memref_slice %dma_start3A_767[%dma_start3A_768, %dma_start3A_769] : memref<10000x64xf32, #tpu.memory_space<hbm>> -> memref<10000x64xf32, #tpu.memory_space<hbm>>
      tpu.enqueue_indirect_dma source(%dma_start3A_770 : memref<10000x64xf32, #tpu.memory_space<hbm>>) target(%arg14 : memref<128x64xf32, #tpu.memory_space<vmem>>) offsets(%dma_start3A_763 : memref<128xi32, #tpu.memory_space<vmem>>) semaphore(%arg28 : memref<!tpu.dma_semaphore, #tpu.memory_space<semaphore_mem>>)
      %dma_wait3A_771 = arith.constant 5 : i32
      %dma_wait3A_772 = arith.constant 0 : i32
      %dma_wait3A_773 = tpu.memref_slice %arg6[%dma_wait3A_771, %dma_wait3A_772] : memref<16x128xi32, #tpu.memory_space<vmem>> -> memref<1x128xi32, #tpu.memory_space<vmem>>
      %dma_wait3A_774 = tpu.memref_squeeze %dma_wait3A_773 : memref<1x128xi32, #tpu.memory_space<vmem>> -> memref<128xi32, #tpu.memory_space<vmem>>
      %dma_wait3A_775 = arith.constant 0 : i32
      %dma_wait3A_776 = arith.constant 0 : i32
      %dma_wait3A_777 = tpu.memref_slice %arg4[%arg0, %dma_wait3A_775, %dma_wait3A_776] : memref<2x10000x64xf32, #tpu.memory_space<hbm>> -> memref<1x10000x64xf32, #tpu.memory_space<hbm>>
      %dma_wait3A_778 = tpu.memref_squeeze %dma_wait3A_777 : memref<1x10000x64xf32, #tpu.memory_space<hbm>> -> memref<10000x64xf32, #tpu.memory_space<hbm>>
      %dma_wait3A_779 = arith.constant 0 : i32
      %dma_wait3A_780 = arith.constant 0 : i32
      %dma_wait3A_781 = tpu.memref_slice %dma_wait3A_778[%dma_wait3A_779, %dma_wait3A_780] : memref<10000x64xf32, #tpu.memory_space<hbm>> -> memref<10000x64xf32, #tpu.memory_space<hbm>>
      tpu.wait_indirect_dma semaphore(%arg30 : memref<!tpu.dma_semaphore, #tpu.memory_space<semaphore_mem>>) src(%dma_wait3A_781 : memref<10000x64xf32, #tpu.memory_space<hbm>>) dst(%arg16 : memref<128x64xf32, #tpu.memory_space<vmem>>)
      %get3A_782 = arith.constant 5 : i32
      %get3A_783 = arith.index_cast %get3A_782 : i32 to index
      %get3A_784 = arith.constant 0 : index
      %get3A_785 = tpu.vector_load %arg8[%get3A_783, %get3A_784] {strides = array<i32>} : memref<16x128xi32, #tpu.memory_space<vmem>>, vector<1x16xi32>,
      %get3A_786 = vector.shape_cast %get3A_785 : vector<1x16xi32> to vector<16xi32>
      %swap3A_787 = arith.constant 0 : index
      %swap3A_788 = tpu.vector_load %arg10[%swap3A_787] {strides = array<i32>} : memref<128xi32, #tpu.memory_space<vmem>>, vector<16xi32>,
      %swap3A_789 = vector.shape_cast %swap3A_788 : vector<16xi32> to vector<16xi32>
      %swap3A_790 = vector.shape_cast %get3A_786 : vector<16xi32> to vector<16xi32>
      tpu.vector_store %arg10[%swap3A_787], %swap3A_790 {strides = array<i32>} : memref<128xi32, #tpu.memory_space<vmem>>, vector<16xi32>,
      %get3A_791 = arith.constant 5 : i32
      %get3A_792 = arith.index_cast %get3A_791 : i32 to index
      %get3A_793 = arith.constant 16 : index
      %get3A_794 = tpu.vector_load %arg8[%get3A_792, %get3A_793] {strides = array<i32>} : memref<16x128xi32, #tpu.memory_space<vmem>>, vector<1x16xi32>,
      %get3A_795 = vector.shape_cast %get3A_794 : vector<1x16xi32> to vector<16xi32>
      %swap3A_796 = arith.constant 16 : index
      %swap3A_797 = tpu.vector_load %arg10[%swap3A_796] {strides = array<i32>} : memref<128xi32, #tpu.memory_space<vmem>>, vector<16xi32>,
      %swap3A_798 = vector.shape_cast %swap3A_797 : vector<16xi32> to vector<16xi32>
      %swap3A_799 = vector.shape_cast %get3A_795 : vector<16xi32> to vector<16xi32>
      tpu.vector_store %arg10[%swap3A_796], %swap3A_799 {strides = array<i32>} : memref<128xi32, #tpu.memory_space<vmem>>, vector<16xi32>,
      %get3A_800 = arith.constant 5 : i32
      %get3A_801 = arith.index_cast %get3A_800 : i32 to index
      %get3A_802 = arith.constant 32 : index
      %get3A_803 = tpu.vector_load %arg8[%get3A_801, %get3A_802] {strides = array<i32>} : memref<16x128xi32, #tpu.memory_space<vmem>>, vector<1x16xi32>,
      %get3A_804 = vector.shape_cast %get3A_803 : vector<1x16xi32> to vector<16xi32>
      %swap3A_805 = arith.constant 32 : index
      %swap3A_806 = tpu.vector_load %arg10[%swap3A_805] {strides = array<i32>} : memref<128xi32, #tpu.memory_space<vmem>>, vector<16xi32>,
      %swap3A_807 = vector.shape_cast %swap3A_806 : vector<16xi32> to vector<16xi32>
      %swap3A_808 = vector.shape_cast %get3A_804 : vector<16xi32> to vector<16xi32>
      tpu.vector_store %arg10[%swap3A_805], %swap3A_808 {strides = array<i32>} : memref<128xi32, #tpu.memory_space<vmem>>, vector<16xi32>,
      %get3A_809 = arith.constant 5 : i32
      %get3A_810 = arith.index_cast %get3A_809 : i32 to index
      %get3A_811 = arith.constant 48 : index
      %get3A_812 = tpu.vector_load %arg8[%get3A_810, %get3A_811] {strides = array<i32>} : memref<16x128xi32, #tpu.memory_space<vmem>>, vector<1x16xi32>,
      %get3A_813 = vector.shape_cast %get3A_812 : vector<1x16xi32> to vector<16xi32>
      %swap3A_814 = arith.constant 48 : index
      %swap3A_815 = tpu.vector_load %arg10[%swap3A_814] {strides = array<i32>} : memref<128xi32, #tpu.memory_space<vmem>>, vector<16xi32>,
      %swap3A_816 = vector.shape_cast %swap3A_815 : vector<16xi32> to vector<16xi32>
      %swap3A_817 = vector.shape_cast %get3A_813 : vector<16xi32> to vector<16xi32>
      tpu.vector_store %arg10[%swap3A_814], %swap3A_817 {strides = array<i32>} : memref<128xi32, #tpu.memory_space<vmem>>, vector<16xi32>,
      %get3A_818 = arith.constant 5 : i32
      %get3A_819 = arith.index_cast %get3A_818 : i32 to index
      %get3A_820 = arith.constant 64 : index
      %get3A_821 = tpu.vector_load %arg8[%get3A_819, %get3A_820] {strides = array<i32>} : memref<16x128xi32, #tpu.memory_space<vmem>>, vector<1x16xi32>,
      %get3A_822 = vector.shape_cast %get3A_821 : vector<1x16xi32> to vector<16xi32>
      %swap3A_823 = arith.constant 64 : index
      %swap3A_824 = tpu.vector_load %arg10[%swap3A_823] {strides = array<i32>} : memref<128xi32, #tpu.memory_space<vmem>>, vector<16xi32>,
      %swap3A_825 = vector.shape_cast %swap3A_824 : vector<16xi32> to vector<16xi32>
      %swap3A_826 = vector.shape_cast %get3A_822 : vector<16xi32> to vector<16xi32>
      tpu.vector_store %arg10[%swap3A_823], %swap3A_826 {strides = array<i32>} : memref<128xi32, #tpu.memory_space<vmem>>, vector<16xi32>,
      %get3A_827 = arith.constant 5 : i32
      %get3A_828 = arith.index_cast %get3A_827 : i32 to index
      %get3A_829 = arith.constant 80 : index
      %get3A_830 = tpu.vector_load %arg8[%get3A_828, %get3A_829] {strides = array<i32>} : memref<16x128xi32, #tpu.memory_space<vmem>>, vector<1x16xi32>,
      %get3A_831 = vector.shape_cast %get3A_830 : vector<1x16xi32> to vector<16xi32>
      %swap3A_832 = arith.constant 80 : index
      %swap3A_833 = tpu.vector_load %arg10[%swap3A_832] {strides = array<i32>} : memref<128xi32, #tpu.memory_space<vmem>>, vector<16xi32>,
      %swap3A_834 = vector.shape_cast %swap3A_833 : vector<16xi32> to vector<16xi32>
      %swap3A_835 = vector.shape_cast %get3A_831 : vector<16xi32> to vector<16xi32>
      tpu.vector_store %arg10[%swap3A_832], %swap3A_835 {strides = array<i32>} : memref<128xi32, #tpu.memory_space<vmem>>, vector<16xi32>,
      %get3A_836 = arith.constant 5 : i32
      %get3A_837 = arith.index_cast %get3A_836 : i32 to index
      %get3A_838 = arith.constant 96 : index
      %get3A_839 = tpu.vector_load %arg8[%get3A_837, %get3A_838] {strides = array<i32>} : memref<16x128xi32, #tpu.memory_space<vmem>>, vector<1x16xi32>,
      %get3A_840 = vector.shape_cast %get3A_839 : vector<1x16xi32> to vector<16xi32>
      %swap3A_841 = arith.constant 96 : index
      %swap3A_842 = tpu.vector_load %arg10[%swap3A_841] {strides = array<i32>} : memref<128xi32, #tpu.memory_space<vmem>>, vector<16xi32>,
      %swap3A_843 = vector.shape_cast %swap3A_842 : vector<16xi32> to vector<16xi32>
      %swap3A_844 = vector.shape_cast %get3A_840 : vector<16xi32> to vector<16xi32>
      tpu.vector_store %arg10[%swap3A_841], %swap3A_844 {strides = array<i32>} : memref<128xi32, #tpu.memory_space<vmem>>, vector<16xi32>,
      %get3A_845 = arith.constant 5 : i32
      %get3A_846 = arith.index_cast %get3A_845 : i32 to index
      %get3A_847 = arith.constant 112 : index
      %get3A_848 = tpu.vector_load %arg8[%get3A_846, %get3A_847] {strides = array<i32>} : memref<16x128xi32, #tpu.memory_space<vmem>>, vector<1x16xi32>,
      %get3A_849 = vector.shape_cast %get3A_848 : vector<1x16xi32> to vector<16xi32>
      %swap3A_850 = arith.constant 112 : index
      %swap3A_851 = tpu.vector_load %arg10[%swap3A_850] {strides = array<i32>} : memref<128xi32, #tpu.memory_space<vmem>>, vector<16xi32>,
      %swap3A_852 = vector.shape_cast %swap3A_851 : vector<16xi32> to vector<16xi32>
      %swap3A_853 = vector.shape_cast %get3A_849 : vector<16xi32> to vector<16xi32>
      tpu.vector_store %arg10[%swap3A_850], %swap3A_853 {strides = array<i32>} : memref<128xi32, #tpu.memory_space<vmem>>, vector<16xi32>,
      "tpu.region"() ({
        %run_scoped3A = tpu.sem_alloc : memref<!tpu.dma_semaphore, #tpu.memory_space<semaphore_mem>>
        %dma_start3A_3397 = arith.constant 0 : i32
        %dma_start3A_3398 = arith.constant 0 : i32
        %dma_start3A_3399 = tpu.memref_slice %arg20[%dma_start3A_3397, %dma_start3A_3398] : memref<10240x64xf32, #tpu.memory_space<vmem_shared>> -> memref<10240x64xf32, #tpu.memory_space<vmem_shared>>
        tpu.enqueue_indirect_dma source(%arg16 : memref<128x64xf32, #tpu.memory_space<vmem>>) target(%dma_start3A_3399 : memref<10240x64xf32, #tpu.memory_space<vmem_shared>>) offsets(%arg10 : memref<128xi32, #tpu.memory_space<vmem>>) semaphore(%run_scoped3A : memref<!tpu.dma_semaphore, #tpu.memory_space<semaphore_mem>>) {add = true}
        %dma_wait3A_3400 = arith.constant 0 : i32
        %dma_wait3A_3401 = arith.constant 0 : i32
        %dma_wait3A_3402 = tpu.memref_slice %arg20[%dma_wait3A_3400, %dma_wait3A_3401] : memref<10240x64xf32, #tpu.memory_space<vmem_shared>> -> memref<10240x64xf32, #tpu.memory_space<vmem_shared>>
        tpu.wait_indirect_dma semaphore(%run_scoped3A : memref<!tpu.dma_semaphore, #tpu.memory_space<semaphore_mem>>) src(%arg16 : memref<128x64xf32, #tpu.memory_space<vmem>>) dst(%dma_wait3A_3402 : memref<10240x64xf32, #tpu.memory_space<vmem_shared>>)
        tpu.yield
      }) : () -> ()
      %dma_start3A_854 = arith.constant 12 : i32
      %dma_start3A_855 = arith.constant 0 : i32
      %dma_start3A_856 = tpu.memref_slice %arg6[%dma_start3A_854, %dma_start3A_855] : memref<16x128xi32, #tpu.memory_space<vmem>> -> memref<1x128xi32, #tpu.memory_space<vmem>>
      %dma_start3A_857 = tpu.memref_squeeze %dma_start3A_856 : memref<1x128xi32, #tpu.memory_space<vmem>> -> memref<128xi32, #tpu.memory_space<vmem>>
      %dma_start3A_858 = arith.constant 0 : i32
      %dma_start3A_859 = arith.constant 0 : i32
      %dma_start3A_860 = tpu.memref_slice %arg4[%arg0, %dma_start3A_858, %dma_start3A_859] : memref<2x10000x64xf32, #tpu.memory_space<hbm>> -> memref<1x10000x64xf32, #tpu.memory_space<hbm>>
      %dma_start3A_861 = tpu.memref_squeeze %dma_start3A_860 : memref<1x10000x64xf32, #tpu.memory_space<hbm>> -> memref<10000x64xf32, #tpu.memory_space<hbm>>
      %dma_start3A_862 = arith.constant 0 : i32
      %dma_start3A_863 = arith.constant 0 : i32
      %dma_start3A_864 = tpu.memref_slice %dma_start3A_861[%dma_start3A_862, %dma_start3A_863] : memref<10000x64xf32, #tpu.memory_space<hbm>> -> memref<10000x64xf32, #tpu.memory_space<hbm>>
      tpu.enqueue_indirect_dma source(%dma_start3A_864 : memref<10000x64xf32, #tpu.memory_space<hbm>>) target(%arg15 : memref<128x64xf32, #tpu.memory_space<vmem>>) offsets(%dma_start3A_857 : memref<128xi32, #tpu.memory_space<vmem>>) semaphore(%arg29 : memref<!tpu.dma_semaphore, #tpu.memory_space<semaphore_mem>>)
      %dma_wait3A_865 = arith.constant 6 : i32
      %dma_wait3A_866 = arith.constant 0 : i32
      %dma_wait3A_867 = tpu.memref_slice %arg6[%dma_wait3A_865, %dma_wait3A_866] : memref<16x128xi32, #tpu.memory_space<vmem>> -> memref<1x128xi32, #tpu.memory_space<vmem>>
      %dma_wait3A_868 = tpu.memref_squeeze %dma_wait3A_867 : memref<1x128xi32, #tpu.memory_space<vmem>> -> memref<128xi32, #tpu.memory_space<vmem>>
      %dma_wait3A_869 = arith.constant 0 : i32
      %dma_wait3A_870 = arith.constant 0 : i32
      %dma_wait3A_871 = tpu.memref_slice %arg4[%arg0, %dma_wait3A_869, %dma_wait3A_870] : memref<2x10000x64xf32, #tpu.memory_space<hbm>> -> memref<1x10000x64xf32, #tpu.memory_space<hbm>>
      %dma_wait3A_872 = tpu.memref_squeeze %dma_wait3A_871 : memref<1x10000x64xf32, #tpu.memory_space<hbm>> -> memref<10000x64xf32, #tpu.memory_space<hbm>>
      %dma_wait3A_873 = arith.constant 0 : i32
      %dma_wait3A_874 = arith.constant 0 : i32
      %dma_wait3A_875 = tpu.memref_slice %dma_wait3A_872[%dma_wait3A_873, %dma_wait3A_874] : memref<10000x64xf32, #tpu.memory_space<hbm>> -> memref<10000x64xf32, #tpu.memory_space<hbm>>
      tpu.wait_indirect_dma semaphore(%arg31 : memref<!tpu.dma_semaphore, #tpu.memory_space<semaphore_mem>>) src(%dma_wait3A_875 : memref<10000x64xf32, #tpu.memory_space<hbm>>) dst(%arg17 : memref<128x64xf32, #tpu.memory_space<vmem>>)
      %get3A_876 = arith.constant 6 : i32
      %get3A_877 = arith.index_cast %get3A_876 : i32 to index
      %get3A_878 = arith.constant 0 : index
      %get3A_879 = tpu.vector_load %arg8[%get3A_877, %get3A_878] {strides = array<i32>} : memref<16x128xi32, #tpu.memory_space<vmem>>, vector<1x16xi32>,
      %get3A_880 = vector.shape_cast %get3A_879 : vector<1x16xi32> to vector<16xi32>
      %swap3A_881 = arith.constant 0 : index
      %swap3A_882 = tpu.vector_load %arg10[%swap3A_881] {strides = array<i32>} : memref<128xi32, #tpu.memory_space<vmem>>, vector<16xi32>,
      %swap3A_883 = vector.shape_cast %swap3A_882 : vector<16xi32> to vector<16xi32>
      %swap3A_884 = vector.shape_cast %get3A_880 : vector<16xi32> to vector<16xi32>
      tpu.vector_store %arg10[%swap3A_881], %swap3A_884 {strides = array<i32>} : memref<128xi32, #tpu.memory_space<vmem>>, vector<16xi32>,
      %get3A_885 = arith.constant 6 : i32
      %get3A_886 = arith.index_cast %get3A_885 : i32 to index
      %get3A_887 = arith.constant 16 : index
      %get3A_888 = tpu.vector_load %arg8[%get3A_886, %get3A_887] {strides = array<i32>} : memref<16x128xi32, #tpu.memory_space<vmem>>, vector<1x16xi32>,
      %get3A_889 = vector.shape_cast %get3A_888 : vector<1x16xi32> to vector<16xi32>
      %swap3A_890 = arith.constant 16 : index
      %swap3A_891 = tpu.vector_load %arg10[%swap3A_890] {strides = array<i32>} : memref<128xi32, #tpu.memory_space<vmem>>, vector<16xi32>,
      %swap3A_892 = vector.shape_cast %swap3A_891 : vector<16xi32> to vector<16xi32>
      %swap3A_893 = vector.shape_cast %get3A_889 : vector<16xi32> to vector<16xi32>
      tpu.vector_store %arg10[%swap3A_890], %swap3A_893 {strides = array<i32>} : memref<128xi32, #tpu.memory_space<vmem>>, vector<16xi32>,
      %get3A_894 = arith.constant 6 : i32
      %get3A_895 = arith.index_cast %get3A_894 : i32 to index
      %get3A_896 = arith.constant 32 : index
      %get3A_897 = tpu.vector_load %arg8[%get3A_895, %get3A_896] {strides = array<i32>} : memref<16x128xi32, #tpu.memory_space<vmem>>, vector<1x16xi32>,
      %get3A_898 = vector.shape_cast %get3A_897 : vector<1x16xi32> to vector<16xi32>
      %swap3A_899 = arith.constant 32 : index
      %swap3A_900 = tpu.vector_load %arg10[%swap3A_899] {strides = array<i32>} : memref<128xi32, #tpu.memory_space<vmem>>, vector<16xi32>,
      %swap3A_901 = vector.shape_cast %swap3A_900 : vector<16xi32> to vector<16xi32>
      %swap3A_902 = vector.shape_cast %get3A_898 : vector<16xi32> to vector<16xi32>
      tpu.vector_store %arg10[%swap3A_899], %swap3A_902 {strides = array<i32>} : memref<128xi32, #tpu.memory_space<vmem>>, vector<16xi32>,
      %get3A_903 = arith.constant 6 : i32
      %get3A_904 = arith.index_cast %get3A_903 : i32 to index
      %get3A_905 = arith.constant 48 : index
      %get3A_906 = tpu.vector_load %arg8[%get3A_904, %get3A_905] {strides = array<i32>} : memref<16x128xi32, #tpu.memory_space<vmem>>, vector<1x16xi32>,
      %get3A_907 = vector.shape_cast %get3A_906 : vector<1x16xi32> to vector<16xi32>
      %swap3A_908 = arith.constant 48 : index
      %swap3A_909 = tpu.vector_load %arg10[%swap3A_908] {strides = array<i32>} : memref<128xi32, #tpu.memory_space<vmem>>, vector<16xi32>,
      %swap3A_910 = vector.shape_cast %swap3A_909 : vector<16xi32> to vector<16xi32>
      %swap3A_911 = vector.shape_cast %get3A_907 : vector<16xi32> to vector<16xi32>
      tpu.vector_store %arg10[%swap3A_908], %swap3A_911 {strides = array<i32>} : memref<128xi32, #tpu.memory_space<vmem>>, vector<16xi32>,
      %get3A_912 = arith.constant 6 : i32
      %get3A_913 = arith.index_cast %get3A_912 : i32 to index
      %get3A_914 = arith.constant 64 : index
      %get3A_915 = tpu.vector_load %arg8[%get3A_913, %get3A_914] {strides = array<i32>} : memref<16x128xi32, #tpu.memory_space<vmem>>, vector<1x16xi32>,
      %get3A_916 = vector.shape_cast %get3A_915 : vector<1x16xi32> to vector<16xi32>
      %swap3A_917 = arith.constant 64 : index
      %swap3A_918 = tpu.vector_load %arg10[%swap3A_917] {strides = array<i32>} : memref<128xi32, #tpu.memory_space<vmem>>, vector<16xi32>,
      %swap3A_919 = vector.shape_cast %swap3A_918 : vector<16xi32> to vector<16xi32>
      %swap3A_920 = vector.shape_cast %get3A_916 : vector<16xi32> to vector<16xi32>
      tpu.vector_store %arg10[%swap3A_917], %swap3A_920 {strides = array<i32>} : memref<128xi32, #tpu.memory_space<vmem>>, vector<16xi32>,
      %get3A_921 = arith.constant 6 : i32
      %get3A_922 = arith.index_cast %get3A_921 : i32 to index
      %get3A_923 = arith.constant 80 : index
      %get3A_924 = tpu.vector_load %arg8[%get3A_922, %get3A_923] {strides = array<i32>} : memref<16x128xi32, #tpu.memory_space<vmem>>, vector<1x16xi32>,
      %get3A_925 = vector.shape_cast %get3A_924 : vector<1x16xi32> to vector<16xi32>
      %swap3A_926 = arith.constant 80 : index
      %swap3A_927 = tpu.vector_load %arg10[%swap3A_926] {strides = array<i32>} : memref<128xi32, #tpu.memory_space<vmem>>, vector<16xi32>,
      %swap3A_928 = vector.shape_cast %swap3A_927 : vector<16xi32> to vector<16xi32>
      %swap3A_929 = vector.shape_cast %get3A_925 : vector<16xi32> to vector<16xi32>
      tpu.vector_store %arg10[%swap3A_926], %swap3A_929 {strides = array<i32>} : memref<128xi32, #tpu.memory_space<vmem>>, vector<16xi32>,
      %get3A_930 = arith.constant 6 : i32
      %get3A_931 = arith.index_cast %get3A_930 : i32 to index
      %get3A_932 = arith.constant 96 : index
      %get3A_933 = tpu.vector_load %arg8[%get3A_931, %get3A_932] {strides = array<i32>} : memref<16x128xi32, #tpu.memory_space<vmem>>, vector<1x16xi32>,
      %get3A_934 = vector.shape_cast %get3A_933 : vector<1x16xi32> to vector<16xi32>
      %swap3A_935 = arith.constant 96 : index
      %swap3A_936 = tpu.vector_load %arg10[%swap3A_935] {strides = array<i32>} : memref<128xi32, #tpu.memory_space<vmem>>, vector<16xi32>,
      %swap3A_937 = vector.shape_cast %swap3A_936 : vector<16xi32> to vector<16xi32>
      %swap3A_938 = vector.shape_cast %get3A_934 : vector<16xi32> to vector<16xi32>
      tpu.vector_store %arg10[%swap3A_935], %swap3A_938 {strides = array<i32>} : memref<128xi32, #tpu.memory_space<vmem>>, vector<16xi32>,
      %get3A_939 = arith.constant 6 : i32
      %get3A_940 = arith.index_cast %get3A_939 : i32 to index
      %get3A_941 = arith.constant 112 : index
      %get3A_942 = tpu.vector_load %arg8[%get3A_940, %get3A_941] {strides = array<i32>} : memref<16x128xi32, #tpu.memory_space<vmem>>, vector<1x16xi32>,
      %get3A_943 = vector.shape_cast %get3A_942 : vector<1x16xi32> to vector<16xi32>
      %swap3A_944 = arith.constant 112 : index
      %swap3A_945 = tpu.vector_load %arg10[%swap3A_944] {strides = array<i32>} : memref<128xi32, #tpu.memory_space<vmem>>, vector<16xi32>,
      %swap3A_946 = vector.shape_cast %swap3A_945 : vector<16xi32> to vector<16xi32>
      %swap3A_947 = vector.shape_cast %get3A_943 : vector<16xi32> to vector<16xi32>
      tpu.vector_store %arg10[%swap3A_944], %swap3A_947 {strides = array<i32>} : memref<128xi32, #tpu.memory_space<vmem>>, vector<16xi32>,
      "tpu.region"() ({
        %run_scoped3A = tpu.sem_alloc : memref<!tpu.dma_semaphore, #tpu.memory_space<semaphore_mem>>
        %dma_start3A_3397 = arith.constant 0 : i32
        %dma_start3A_3398 = arith.constant 0 : i32
        %dma_start3A_3399 = tpu.memref_slice %arg20[%dma_start3A_3397, %dma_start3A_3398] : memref<10240x64xf32, #tpu.memory_space<vmem_shared>> -> memref<10240x64xf32, #tpu.memory_space<vmem_shared>>
        tpu.enqueue_indirect_dma source(%arg17 : memref<128x64xf32, #tpu.memory_space<vmem>>) target(%dma_start3A_3399 : memref<10240x64xf32, #tpu.memory_space<vmem_shared>>) offsets(%arg10 : memref<128xi32, #tpu.memory_space<vmem>>) semaphore(%run_scoped3A : memref<!tpu.dma_semaphore, #tpu.memory_space<semaphore_mem>>) {add = true}
        %dma_wait3A_3400 = arith.constant 0 : i32
        %dma_wait3A_3401 = arith.constant 0 : i32
        %dma_wait3A_3402 = tpu.memref_slice %arg20[%dma_wait3A_3400, %dma_wait3A_3401] : memref<10240x64xf32, #tpu.memory_space<vmem_shared>> -> memref<10240x64xf32, #tpu.memory_space<vmem_shared>>
        tpu.wait_indirect_dma semaphore(%run_scoped3A : memref<!tpu.dma_semaphore, #tpu.memory_space<semaphore_mem>>) src(%arg17 : memref<128x64xf32, #tpu.memory_space<vmem>>) dst(%dma_wait3A_3402 : memref<10240x64xf32, #tpu.memory_space<vmem_shared>>)
        tpu.yield
      }) : () -> ()
      %dma_start3A_948 = arith.constant 13 : i32
      %dma_start3A_949 = arith.constant 0 : i32
      %dma_start3A_950 = tpu.memref_slice %arg6[%dma_start3A_948, %dma_start3A_949] : memref<16x128xi32, #tpu.memory_space<vmem>> -> memref<1x128xi32, #tpu.memory_space<vmem>>
      %dma_start3A_951 = tpu.memref_squeeze %dma_start3A_950 : memref<1x128xi32, #tpu.memory_space<vmem>> -> memref<128xi32, #tpu.memory_space<vmem>>
      %dma_start3A_952 = arith.constant 0 : i32
      %dma_start3A_953 = arith.constant 0 : i32
      %dma_start3A_954 = tpu.memref_slice %arg4[%arg0, %dma_start3A_952, %dma_start3A_953] : memref<2x10000x64xf32, #tpu.memory_space<hbm>> -> memref<1x10000x64xf32, #tpu.memory_space<hbm>>
      %dma_start3A_955 = tpu.memref_squeeze %dma_start3A_954 : memref<1x10000x64xf32, #tpu.memory_space<hbm>> -> memref<10000x64xf32, #tpu.memory_space<hbm>>
      %dma_start3A_956 = arith.constant 0 : i32
      %dma_start3A_957 = arith.constant 0 : i32
      %dma_start3A_958 = tpu.memref_slice %dma_start3A_955[%dma_start3A_956, %dma_start3A_957] : memref<10000x64xf32, #tpu.memory_space<hbm>> -> memref<10000x64xf32, #tpu.memory_space<hbm>>
      tpu.enqueue_indirect_dma source(%dma_start3A_958 : memref<10000x64xf32, #tpu.memory_space<hbm>>) target(%arg16 : memref<128x64xf32, #tpu.memory_space<vmem>>) offsets(%dma_start3A_951 : memref<128xi32, #tpu.memory_space<vmem>>) semaphore(%arg30 : memref<!tpu.dma_semaphore, #tpu.memory_space<semaphore_mem>>)
      %dma_wait3A_959 = arith.constant 7 : i32
      %dma_wait3A_960 = arith.constant 0 : i32
      %dma_wait3A_961 = tpu.memref_slice %arg6[%dma_wait3A_959, %dma_wait3A_960] : memref<16x128xi32, #tpu.memory_space<vmem>> -> memref<1x128xi32, #tpu.memory_space<vmem>>
      %dma_wait3A_962 = tpu.memref_squeeze %dma_wait3A_961 : memref<1x128xi32, #tpu.memory_space<vmem>> -> memref<128xi32, #tpu.memory_space<vmem>>
      %dma_wait3A_963 = arith.constant 0 : i32
      %dma_wait3A_964 = arith.constant 0 : i32
      %dma_wait3A_965 = tpu.memref_slice %arg4[%arg0, %dma_wait3A_963, %dma_wait3A_964] : memref<2x10000x64xf32, #tpu.memory_space<hbm>> -> memref<1x10000x64xf32, #tpu.memory_space<hbm>>
      %dma_wait3A_966 = tpu.memref_squeeze %dma_wait3A_965 : memref<1x10000x64xf32, #tpu.memory_space<hbm>> -> memref<10000x64xf32, #tpu.memory_space<hbm>>
      %dma_wait3A_967 = arith.constant 0 : i32
      %dma_wait3A_968 = arith.constant 0 : i32
      %dma_wait3A_969 = tpu.memref_slice %dma_wait3A_966[%dma_wait3A_967, %dma_wait3A_968] : memref<10000x64xf32, #tpu.memory_space<hbm>> -> memref<10000x64xf32, #tpu.memory_space<hbm>>
      tpu.wait_indirect_dma semaphore(%arg32 : memref<!tpu.dma_semaphore, #tpu.memory_space<semaphore_mem>>) src(%dma_wait3A_969 : memref<10000x64xf32, #tpu.memory_space<hbm>>) dst(%arg18 : memref<128x64xf32, #tpu.memory_space<vmem>>)
      %get3A_970 = arith.constant 7 : i32
      %get3A_971 = arith.index_cast %get3A_970 : i32 to index
      %get3A_972 = arith.constant 0 : index
      %get3A_973 = tpu.vector_load %arg8[%get3A_971, %get3A_972] {strides = array<i32>} : memref<16x128xi32, #tpu.memory_space<vmem>>, vector<1x16xi32>,
      %get3A_974 = vector.shape_cast %get3A_973 : vector<1x16xi32> to vector<16xi32>
      %swap3A_975 = arith.constant 0 : index
      %swap3A_976 = tpu.vector_load %arg10[%swap3A_975] {strides = array<i32>} : memref<128xi32, #tpu.memory_space<vmem>>, vector<16xi32>,
      %swap3A_977 = vector.shape_cast %swap3A_976 : vector<16xi32> to vector<16xi32>
      %swap3A_978 = vector.shape_cast %get3A_974 : vector<16xi32> to vector<16xi32>
      tpu.vector_store %arg10[%swap3A_975], %swap3A_978 {strides = array<i32>} : memref<128xi32, #tpu.memory_space<vmem>>, vector<16xi32>,
      %get3A_979 = arith.constant 7 : i32
      %get3A_980 = arith.index_cast %get3A_979 : i32 to index
      %get3A_981 = arith.constant 16 : index
      %get3A_982 = tpu.vector_load %arg8[%get3A_980, %get3A_981] {strides = array<i32>} : memref<16x128xi32, #tpu.memory_space<vmem>>, vector<1x16xi32>,
      %get3A_983 = vector.shape_cast %get3A_982 : vector<1x16xi32> to vector<16xi32>
      %swap3A_984 = arith.constant 16 : index
      %swap3A_985 = tpu.vector_load %arg10[%swap3A_984] {strides = array<i32>} : memref<128xi32, #tpu.memory_space<vmem>>, vector<16xi32>,
      %swap3A_986 = vector.shape_cast %swap3A_985 : vector<16xi32> to vector<16xi32>
      %swap3A_987 = vector.shape_cast %get3A_983 : vector<16xi32> to vector<16xi32>
      tpu.vector_store %arg10[%swap3A_984], %swap3A_987 {strides = array<i32>} : memref<128xi32, #tpu.memory_space<vmem>>, vector<16xi32>,
      %get3A_988 = arith.constant 7 : i32
      %get3A_989 = arith.index_cast %get3A_988 : i32 to index
      %get3A_990 = arith.constant 32 : index
      %get3A_991 = tpu.vector_load %arg8[%get3A_989, %get3A_990] {strides = array<i32>} : memref<16x128xi32, #tpu.memory_space<vmem>>, vector<1x16xi32>,
      %get3A_992 = vector.shape_cast %get3A_991 : vector<1x16xi32> to vector<16xi32>
      %swap3A_993 = arith.constant 32 : index
      %swap3A_994 = tpu.vector_load %arg10[%swap3A_993] {strides = array<i32>} : memref<128xi32, #tpu.memory_space<vmem>>, vector<16xi32>,
      %swap3A_995 = vector.shape_cast %swap3A_994 : vector<16xi32> to vector<16xi32>
      %swap3A_996 = vector.shape_cast %get3A_992 : vector<16xi32> to vector<16xi32>
      tpu.vector_store %arg10[%swap3A_993], %swap3A_996 {strides = array<i32>} : memref<128xi32, #tpu.memory_space<vmem>>, vector<16xi32>,
      %get3A_997 = arith.constant 7 : i32
      %get3A_998 = arith.index_cast %get3A_997 : i32 to index
      %get3A_999 = arith.constant 48 : index
      %get3A_1000 = tpu.vector_load %arg8[%get3A_998, %get3A_999] {strides = array<i32>} : memref<16x128xi32, #tpu.memory_space<vmem>>, vector<1x16xi32>,
      %get3A_1001 = vector.shape_cast %get3A_1000 : vector<1x16xi32> to vector<16xi32>
      %swap3A_1002 = arith.constant 48 : index
      %swap3A_1003 = tpu.vector_load %arg10[%swap3A_1002] {strides = array<i32>} : memref<128xi32, #tpu.memory_space<vmem>>, vector<16xi32>,
      %swap3A_1004 = vector.shape_cast %swap3A_1003 : vector<16xi32> to vector<16xi32>
      %swap3A_1005 = vector.shape_cast %get3A_1001 : vector<16xi32> to vector<16xi32>
      tpu.vector_store %arg10[%swap3A_1002], %swap3A_1005 {strides = array<i32>} : memref<128xi32, #tpu.memory_space<vmem>>, vector<16xi32>,
      %get3A_1006 = arith.constant 7 : i32
      %get3A_1007 = arith.index_cast %get3A_1006 : i32 to index
      %get3A_1008 = arith.constant 64 : index
      %get3A_1009 = tpu.vector_load %arg8[%get3A_1007, %get3A_1008] {strides = array<i32>} : memref<16x128xi32, #tpu.memory_space<vmem>>, vector<1x16xi32>,
      %get3A_1010 = vector.shape_cast %get3A_1009 : vector<1x16xi32> to vector<16xi32>
      %swap3A_1011 = arith.constant 64 : index
      %swap3A_1012 = tpu.vector_load %arg10[%swap3A_1011] {strides = array<i32>} : memref<128xi32, #tpu.memory_space<vmem>>, vector<16xi32>,
      %swap3A_1013 = vector.shape_cast %swap3A_1012 : vector<16xi32> to vector<16xi32>
      %swap3A_1014 = vector.shape_cast %get3A_1010 : vector<16xi32> to vector<16xi32>
      tpu.vector_store %arg10[%swap3A_1011], %swap3A_1014 {strides = array<i32>} : memref<128xi32, #tpu.memory_space<vmem>>, vector<16xi32>,
      %get3A_1015 = arith.constant 7 : i32
      %get3A_1016 = arith.index_cast %get3A_1015 : i32 to index
      %get3A_1017 = arith.constant 80 : index
      %get3A_1018 = tpu.vector_load %arg8[%get3A_1016, %get3A_1017] {strides = array<i32>} : memref<16x128xi32, #tpu.memory_space<vmem>>, vector<1x16xi32>,
      %get3A_1019 = vector.shape_cast %get3A_1018 : vector<1x16xi32> to vector<16xi32>
      %swap3A_1020 = arith.constant 80 : index
      %swap3A_1021 = tpu.vector_load %arg10[%swap3A_1020] {strides = array<i32>} : memref<128xi32, #tpu.memory_space<vmem>>, vector<16xi32>,
      %swap3A_1022 = vector.shape_cast %swap3A_1021 : vector<16xi32> to vector<16xi32>
      %swap3A_1023 = vector.shape_cast %get3A_1019 : vector<16xi32> to vector<16xi32>
      tpu.vector_store %arg10[%swap3A_1020], %swap3A_1023 {strides = array<i32>} : memref<128xi32, #tpu.memory_space<vmem>>, vector<16xi32>,
      %get3A_1024 = arith.constant 7 : i32
      %get3A_1025 = arith.index_cast %get3A_1024 : i32 to index
      %get3A_1026 = arith.constant 96 : index
      %get3A_1027 = tpu.vector_load %arg8[%get3A_1025, %get3A_1026] {strides = array<i32>} : memref<16x128xi32, #tpu.memory_space<vmem>>, vector<1x16xi32>,
      %get3A_1028 = vector.shape_cast %get3A_1027 : vector<1x16xi32> to vector<16xi32>
      %swap3A_1029 = arith.constant 96 : index
      %swap3A_1030 = tpu.vector_load %arg10[%swap3A_1029] {strides = array<i32>} : memref<128xi32, #tpu.memory_space<vmem>>, vector<16xi32>,
      %swap3A_1031 = vector.shape_cast %swap3A_1030 : vector<16xi32> to vector<16xi32>
      %swap3A_1032 = vector.shape_cast %get3A_1028 : vector<16xi32> to vector<16xi32>
      tpu.vector_store %arg10[%swap3A_1029], %swap3A_1032 {strides = array<i32>} : memref<128xi32, #tpu.memory_space<vmem>>, vector<16xi32>,
      %get3A_1033 = arith.constant 7 : i32
      %get3A_1034 = arith.index_cast %get3A_1033 : i32 to index
      %get3A_1035 = arith.constant 112 : index
      %get3A_1036 = tpu.vector_load %arg8[%get3A_1034, %get3A_1035] {strides = array<i32>} : memref<16x128xi32, #tpu.memory_space<vmem>>, vector<1x16xi32>,
      %get3A_1037 = vector.shape_cast %get3A_1036 : vector<1x16xi32> to vector<16xi32>
      %swap3A_1038 = arith.constant 112 : index
      %swap3A_1039 = tpu.vector_load %arg10[%swap3A_1038] {strides = array<i32>} : memref<128xi32, #tpu.memory_space<vmem>>, vector<16xi32>,
      %swap3A_1040 = vector.shape_cast %swap3A_1039 : vector<16xi32> to vector<16xi32>
      %swap3A_1041 = vector.shape_cast %get3A_1037 : vector<16xi32> to vector<16xi32>
      tpu.vector_store %arg10[%swap3A_1038], %swap3A_1041 {strides = array<i32>} : memref<128xi32, #tpu.memory_space<vmem>>, vector<16xi32>,
      "tpu.region"() ({
        %run_scoped3A = tpu.sem_alloc : memref<!tpu.dma_semaphore, #tpu.memory_space<semaphore_mem>>
        %dma_start3A_3397 = arith.constant 0 : i32
        %dma_start3A_3398 = arith.constant 0 : i32
        %dma_start3A_3399 = tpu.memref_slice %arg20[%dma_start3A_3397, %dma_start3A_3398] : memref<10240x64xf32, #tpu.memory_space<vmem_shared>> -> memref<10240x64xf32, #tpu.memory_space<vmem_shared>>
        tpu.enqueue_indirect_dma source(%arg18 : memref<128x64xf32, #tpu.memory_space<vmem>>) target(%dma_start3A_3399 : memref<10240x64xf32, #tpu.memory_space<vmem_shared>>) offsets(%arg10 : memref<128xi32, #tpu.memory_space<vmem>>) semaphore(%run_scoped3A : memref<!tpu.dma_semaphore, #tpu.memory_space<semaphore_mem>>) {add = true}
        %dma_wait3A_3400 = arith.constant 0 : i32
        %dma_wait3A_3401 = arith.constant 0 : i32
        %dma_wait3A_3402 = tpu.memref_slice %arg20[%dma_wait3A_3400, %dma_wait3A_3401] : memref<10240x64xf32, #tpu.memory_space<vmem_shared>> -> memref<10240x64xf32, #tpu.memory_space<vmem_shared>>
        tpu.wait_indirect_dma semaphore(%run_scoped3A : memref<!tpu.dma_semaphore, #tpu.memory_space<semaphore_mem>>) src(%arg18 : memref<128x64xf32, #tpu.memory_space<vmem>>) dst(%dma_wait3A_3402 : memref<10240x64xf32, #tpu.memory_space<vmem_shared>>)
        tpu.yield
      }) : () -> ()
      %dma_start3A_1042 = arith.constant 14 : i32
      %dma_start3A_1043 = arith.constant 0 : i32
      %dma_start3A_1044 = tpu.memref_slice %arg6[%dma_start3A_1042, %dma_start3A_1043] : memref<16x128xi32, #tpu.memory_space<vmem>> -> memref<1x128xi32, #tpu.memory_space<vmem>>
      %dma_start3A_1045 = tpu.memref_squeeze %dma_start3A_1044 : memref<1x128xi32, #tpu.memory_space<vmem>> -> memref<128xi32, #tpu.memory_space<vmem>>
      %dma_start3A_1046 = arith.constant 0 : i32
      %dma_start3A_1047 = arith.constant 0 : i32
      %dma_start3A_1048 = tpu.memref_slice %arg4[%arg0, %dma_start3A_1046, %dma_start3A_1047] : memref<2x10000x64xf32, #tpu.memory_space<hbm>> -> memref<1x10000x64xf32, #tpu.memory_space<hbm>>
      %dma_start3A_1049 = tpu.memref_squeeze %dma_start3A_1048 : memref<1x10000x64xf32, #tpu.memory_space<hbm>> -> memref<10000x64xf32, #tpu.memory_space<hbm>>
      %dma_start3A_1050 = arith.constant 0 : i32
      %dma_start3A_1051 = arith.constant 0 : i32
      %dma_start3A_1052 = tpu.memref_slice %dma_start3A_1049[%dma_start3A_1050, %dma_start3A_1051] : memref<10000x64xf32, #tpu.memory_space<hbm>> -> memref<10000x64xf32, #tpu.memory_space<hbm>>
      tpu.enqueue_indirect_dma source(%dma_start3A_1052 : memref<10000x64xf32, #tpu.memory_space<hbm>>) target(%arg17 : memref<128x64xf32, #tpu.memory_space<vmem>>) offsets(%dma_start3A_1045 : memref<128xi32, #tpu.memory_space<vmem>>) semaphore(%arg31 : memref<!tpu.dma_semaphore, #tpu.memory_space<semaphore_mem>>)
      %dma_wait3A_1053 = arith.constant 8 : i32
      %dma_wait3A_1054 = arith.constant 0 : i32
      %dma_wait3A_1055 = tpu.memref_slice %arg6[%dma_wait3A_1053, %dma_wait3A_1054] : memref<16x128xi32, #tpu.memory_space<vmem>> -> memref<1x128xi32, #tpu.memory_space<vmem>>
      %dma_wait3A_1056 = tpu.memref_squeeze %dma_wait3A_1055 : memref<1x128xi32, #tpu.memory_space<vmem>> -> memref<128xi32, #tpu.memory_space<vmem>>
      %dma_wait3A_1057 = arith.constant 0 : i32
      %dma_wait3A_1058 = arith.constant 0 : i32
      %dma_wait3A_1059 = tpu.memref_slice %arg4[%arg0, %dma_wait3A_1057, %dma_wait3A_1058] : memref<2x10000x64xf32, #tpu.memory_space<hbm>> -> memref<1x10000x64xf32, #tpu.memory_space<hbm>>
      %dma_wait3A_1060 = tpu.memref_squeeze %dma_wait3A_1059 : memref<1x10000x64xf32, #tpu.memory_space<hbm>> -> memref<10000x64xf32, #tpu.memory_space<hbm>>
      %dma_wait3A_1061 = arith.constant 0 : i32
      %dma_wait3A_1062 = arith.constant 0 : i32
      %dma_wait3A_1063 = tpu.memref_slice %dma_wait3A_1060[%dma_wait3A_1061, %dma_wait3A_1062] : memref<10000x64xf32, #tpu.memory_space<hbm>> -> memref<10000x64xf32, #tpu.memory_space<hbm>>
      tpu.wait_indirect_dma semaphore(%arg25 : memref<!tpu.dma_semaphore, #tpu.memory_space<semaphore_mem>>) src(%dma_wait3A_1063 : memref<10000x64xf32, #tpu.memory_space<hbm>>) dst(%arg11 : memref<128x64xf32, #tpu.memory_space<vmem>>)
      %add3A_1064 = arith.constant 0 : i32
      %add3A_1065 = arith.addi %add3A_302, %add3A_1064 : i32
      %add3A_1066 = arith.constant 1 : i32
      %add3A_1067 = arith.addi %add3A_1065, %add3A_1066 : i32
      %mul3A_1068 = arith.constant 16 : i32
      %mul3A_1069 = arith.muli %add3A_1067, %mul3A_1068 : i32
      %add3A_1070 = arith.addi %mul3A_83, %mul3A_1069 : i32
      %dma_wait3A_1071 = arith.constant 0 : i32
      %dma_wait3A_1072 = tpu.memref_slice %arg2[%add3A_1070, %dma_wait3A_1071] : memref<2592x128xi32, #tpu.memory_space<hbm>> -> memref<16x128xi32, #tpu.memory_space<hbm>>
      %dma_wait3A_1073 = arith.constant 0 : i32
      %dma_wait3A_1074 = tpu.memref_slice %arg2[%add3A_1070, %dma_wait3A_1073] : memref<2592x128xi32, #tpu.memory_space<hbm>> -> memref<16x128xi32, #tpu.memory_space<hbm>>
      tpu.wait_dma2 semaphore(%arg22 : memref<!tpu.dma_semaphore, #tpu.memory_space<semaphore_mem>>) src(%dma_wait3A_1074 : memref<16x128xi32, #tpu.memory_space<hbm>>) dst(%arg7 : memref<16x128xi32, #tpu.memory_space<vmem>>)
      %add3A_1075 = arith.constant 0 : i32
      %add3A_1076 = arith.addi %add3A_302, %add3A_1075 : i32
      %add3A_1077 = arith.constant 1 : i32
      %add3A_1078 = arith.addi %add3A_1076, %add3A_1077 : i32
      %mul3A_1079 = arith.constant 16 : i32
      %mul3A_1080 = arith.muli %add3A_1078, %mul3A_1079 : i32
      %add3A_1081 = arith.addi %mul3A_83, %mul3A_1080 : i32
      %dma_wait3A_1082 = arith.constant 0 : i32
      %dma_wait3A_1083 = tpu.memref_slice %arg3[%add3A_1081, %dma_wait3A_1082] : memref<2592x128xi32, #tpu.memory_space<hbm>> -> memref<16x128xi32, #tpu.memory_space<hbm>>
      %dma_wait3A_1084 = arith.constant 0 : i32
      %dma_wait3A_1085 = tpu.memref_slice %arg3[%add3A_1081, %dma_wait3A_1084] : memref<2592x128xi32, #tpu.memory_space<hbm>> -> memref<16x128xi32, #tpu.memory_space<hbm>>
      tpu.wait_dma2 semaphore(%arg24 : memref<!tpu.dma_semaphore, #tpu.memory_space<semaphore_mem>>) src(%dma_wait3A_1085 : memref<16x128xi32, #tpu.memory_space<hbm>>) dst(%arg9 : memref<16x128xi32, #tpu.memory_space<vmem>>)
      %get3A_1086 = arith.constant 8 : i32
      %get3A_1087 = arith.index_cast %get3A_1086 : i32 to index
      %get3A_1088 = arith.constant 0 : index
      %get3A_1089 = tpu.vector_load %arg8[%get3A_1087, %get3A_1088] {strides = array<i32>} : memref<16x128xi32, #tpu.memory_space<vmem>>, vector<1x16xi32>,
      %get3A_1090 = vector.shape_cast %get3A_1089 : vector<1x16xi32> to vector<16xi32>
      %swap3A_1091 = arith.constant 0 : index
      %swap3A_1092 = tpu.vector_load %arg10[%swap3A_1091] {strides = array<i32>} : memref<128xi32, #tpu.memory_space<vmem>>, vector<16xi32>,
      %swap3A_1093 = vector.shape_cast %swap3A_1092 : vector<16xi32> to vector<16xi32>
      %swap3A_1094 = vector.shape_cast %get3A_1090 : vector<16xi32> to vector<16xi32>
      tpu.vector_store %arg10[%swap3A_1091], %swap3A_1094 {strides = array<i32>} : memref<128xi32, #tpu.memory_space<vmem>>, vector<16xi32>,
      %get3A_1095 = arith.constant 8 : i32
      %get3A_1096 = arith.index_cast %get3A_1095 : i32 to index
      %get3A_1097 = arith.constant 16 : index
      %get3A_1098 = tpu.vector_load %arg8[%get3A_1096, %get3A_1097] {strides = array<i32>} : memref<16x128xi32, #tpu.memory_space<vmem>>, vector<1x16xi32>,
      %get3A_1099 = vector.shape_cast %get3A_1098 : vector<1x16xi32> to vector<16xi32>
      %swap3A_1100 = arith.constant 16 : index
      %swap3A_1101 = tpu.vector_load %arg10[%swap3A_1100] {strides = array<i32>} : memref<128xi32, #tpu.memory_space<vmem>>, vector<16xi32>,
      %swap3A_1102 = vector.shape_cast %swap3A_1101 : vector<16xi32> to vector<16xi32>
      %swap3A_1103 = vector.shape_cast %get3A_1099 : vector<16xi32> to vector<16xi32>
      tpu.vector_store %arg10[%swap3A_1100], %swap3A_1103 {strides = array<i32>} : memref<128xi32, #tpu.memory_space<vmem>>, vector<16xi32>,
      %get3A_1104 = arith.constant 8 : i32
      %get3A_1105 = arith.index_cast %get3A_1104 : i32 to index
      %get3A_1106 = arith.constant 32 : index
      %get3A_1107 = tpu.vector_load %arg8[%get3A_1105, %get3A_1106] {strides = array<i32>} : memref<16x128xi32, #tpu.memory_space<vmem>>, vector<1x16xi32>,
      %get3A_1108 = vector.shape_cast %get3A_1107 : vector<1x16xi32> to vector<16xi32>
      %swap3A_1109 = arith.constant 32 : index
      %swap3A_1110 = tpu.vector_load %arg10[%swap3A_1109] {strides = array<i32>} : memref<128xi32, #tpu.memory_space<vmem>>, vector<16xi32>,
      %swap3A_1111 = vector.shape_cast %swap3A_1110 : vector<16xi32> to vector<16xi32>
      %swap3A_1112 = vector.shape_cast %get3A_1108 : vector<16xi32> to vector<16xi32>
      tpu.vector_store %arg10[%swap3A_1109], %swap3A_1112 {strides = array<i32>} : memref<128xi32, #tpu.memory_space<vmem>>, vector<16xi32>,
      %get3A_1113 = arith.constant 8 : i32
      %get3A_1114 = arith.index_cast %get3A_1113 : i32 to index
      %get3A_1115 = arith.constant 48 : index
      %get3A_1116 = tpu.vector_load %arg8[%get3A_1114, %get3A_1115] {strides = array<i32>} : memref<16x128xi32, #tpu.memory_space<vmem>>, vector<1x16xi32>,
      %get3A_1117 = vector.shape_cast %get3A_1116 : vector<1x16xi32> to vector<16xi32>
      %swap3A_1118 = arith.constant 48 : index
      %swap3A_1119 = tpu.vector_load %arg10[%swap3A_1118] {strides = array<i32>} : memref<128xi32, #tpu.memory_space<vmem>>, vector<16xi32>,
      %swap3A_1120 = vector.shape_cast %swap3A_1119 : vector<16xi32> to vector<16xi32>
      %swap3A_1121 = vector.shape_cast %get3A_1117 : vector<16xi32> to vector<16xi32>
      tpu.vector_store %arg10[%swap3A_1118], %swap3A_1121 {strides = array<i32>} : memref<128xi32, #tpu.memory_space<vmem>>, vector<16xi32>,
      %get3A_1122 = arith.constant 8 : i32
      %get3A_1123 = arith.index_cast %get3A_1122 : i32 to index
      %get3A_1124 = arith.constant 64 : index
      %get3A_1125 = tpu.vector_load %arg8[%get3A_1123, %get3A_1124] {strides = array<i32>} : memref<16x128xi32, #tpu.memory_space<vmem>>, vector<1x16xi32>,
      %get3A_1126 = vector.shape_cast %get3A_1125 : vector<1x16xi32> to vector<16xi32>
      %swap3A_1127 = arith.constant 64 : index
      %swap3A_1128 = tpu.vector_load %arg10[%swap3A_1127] {strides = array<i32>} : memref<128xi32, #tpu.memory_space<vmem>>, vector<16xi32>,
      %swap3A_1129 = vector.shape_cast %swap3A_1128 : vector<16xi32> to vector<16xi32>
      %swap3A_1130 = vector.shape_cast %get3A_1126 : vector<16xi32> to vector<16xi32>
      tpu.vector_store %arg10[%swap3A_1127], %swap3A_1130 {strides = array<i32>} : memref<128xi32, #tpu.memory_space<vmem>>, vector<16xi32>,
      %get3A_1131 = arith.constant 8 : i32
      %get3A_1132 = arith.index_cast %get3A_1131 : i32 to index
      %get3A_1133 = arith.constant 80 : index
      %get3A_1134 = tpu.vector_load %arg8[%get3A_1132, %get3A_1133] {strides = array<i32>} : memref<16x128xi32, #tpu.memory_space<vmem>>, vector<1x16xi32>,
      %get3A_1135 = vector.shape_cast %get3A_1134 : vector<1x16xi32> to vector<16xi32>
      %swap3A_1136 = arith.constant 80 : index
      %swap3A_1137 = tpu.vector_load %arg10[%swap3A_1136] {strides = array<i32>} : memref<128xi32, #tpu.memory_space<vmem>>, vector<16xi32>,
      %swap3A_1138 = vector.shape_cast %swap3A_1137 : vector<16xi32> to vector<16xi32>
      %swap3A_1139 = vector.shape_cast %get3A_1135 : vector<16xi32> to vector<16xi32>
      tpu.vector_store %arg10[%swap3A_1136], %swap3A_1139 {strides = array<i32>} : memref<128xi32, #tpu.memory_space<vmem>>, vector<16xi32>,
      %get3A_1140 = arith.constant 8 : i32
      %get3A_1141 = arith.index_cast %get3A_1140 : i32 to index
      %get3A_1142 = arith.constant 96 : index
      %get3A_1143 = tpu.vector_load %arg8[%get3A_1141, %get3A_1142] {strides = array<i32>} : memref<16x128xi32, #tpu.memory_space<vmem>>, vector<1x16xi32>,
      %get3A_1144 = vector.shape_cast %get3A_1143 : vector<1x16xi32> to vector<16xi32>
      %swap3A_1145 = arith.constant 96 : index
      %swap3A_1146 = tpu.vector_load %arg10[%swap3A_1145] {strides = array<i32>} : memref<128xi32, #tpu.memory_space<vmem>>, vector<16xi32>,
      %swap3A_1147 = vector.shape_cast %swap3A_1146 : vector<16xi32> to vector<16xi32>
      %swap3A_1148 = vector.shape_cast %get3A_1144 : vector<16xi32> to vector<16xi32>
      tpu.vector_store %arg10[%swap3A_1145], %swap3A_1148 {strides = array<i32>} : memref<128xi32, #tpu.memory_space<vmem>>, vector<16xi32>,
      %get3A_1149 = arith.constant 8 : i32
      %get3A_1150 = arith.index_cast %get3A_1149 : i32 to index
      %get3A_1151 = arith.constant 112 : index
      %get3A_1152 = tpu.vector_load %arg8[%get3A_1150, %get3A_1151] {strides = array<i32>} : memref<16x128xi32, #tpu.memory_space<vmem>>, vector<1x16xi32>,
      %get3A_1153 = vector.shape_cast %get3A_1152 : vector<1x16xi32> to vector<16xi32>
      %swap3A_1154 = arith.constant 112 : index
      %swap3A_1155 = tpu.vector_load %arg10[%swap3A_1154] {strides = array<i32>} : memref<128xi32, #tpu.memory_space<vmem>>, vector<16xi32>,
      %swap3A_1156 = vector.shape_cast %swap3A_1155 : vector<16xi32> to vector<16xi32>
      %swap3A_1157 = vector.shape_cast %get3A_1153 : vector<16xi32> to vector<16xi32>
      tpu.vector_store %arg10[%swap3A_1154], %swap3A_1157 {strides = array<i32>} : memref<128xi32, #tpu.memory_space<vmem>>, vector<16xi32>,
      "tpu.region"() ({
        %run_scoped3A = tpu.sem_alloc : memref<!tpu.dma_semaphore, #tpu.memory_space<semaphore_mem>>
        %dma_start3A_3397 = arith.constant 0 : i32
        %dma_start3A_3398 = arith.constant 0 : i32
        %dma_start3A_3399 = tpu.memref_slice %arg20[%dma_start3A_3397, %dma_start3A_3398] : memref<10240x64xf32, #tpu.memory_space<vmem_shared>> -> memref<10240x64xf32, #tpu.memory_space<vmem_shared>>
        tpu.enqueue_indirect_dma source(%arg11 : memref<128x64xf32, #tpu.memory_space<vmem>>) target(%dma_start3A_3399 : memref<10240x64xf32, #tpu.memory_space<vmem_shared>>) offsets(%arg10 : memref<128xi32, #tpu.memory_space<vmem>>) semaphore(%run_scoped3A : memref<!tpu.dma_semaphore, #tpu.memory_space<semaphore_mem>>) {add = true}
        %dma_wait3A_3400 = arith.constant 0 : i32
        %dma_wait3A_3401 = arith.constant 0 : i32
        %dma_wait3A_3402 = tpu.memref_slice %arg20[%dma_wait3A_3400, %dma_wait3A_3401] : memref<10240x64xf32, #tpu.memory_space<vmem_shared>> -> memref<10240x64xf32, #tpu.memory_space<vmem_shared>>
        tpu.wait_indirect_dma semaphore(%run_scoped3A : memref<!tpu.dma_semaphore, #tpu.memory_space<semaphore_mem>>) src(%arg11 : memref<128x64xf32, #tpu.memory_space<vmem>>) dst(%dma_wait3A_3402 : memref<10240x64xf32, #tpu.memory_space<vmem_shared>>)
        tpu.yield
      }) : () -> ()
      %dma_start3A_1158 = arith.constant 15 : i32
      %dma_start3A_1159 = arith.constant 0 : i32
      %dma_start3A_1160 = tpu.memref_slice %arg6[%dma_start3A_1158, %dma_start3A_1159] : memref<16x128xi32, #tpu.memory_space<vmem>> -> memref<1x128xi32, #tpu.memory_space<vmem>>
      %dma_start3A_1161 = tpu.memref_squeeze %dma_start3A_1160 : memref<1x128xi32, #tpu.memory_space<vmem>> -> memref<128xi32, #tpu.memory_space<vmem>>
      %dma_start3A_1162 = arith.constant 0 : i32
      %dma_start3A_1163 = arith.constant 0 : i32
      %dma_start3A_1164 = tpu.memref_slice %arg4[%arg0, %dma_start3A_1162, %dma_start3A_1163] : memref<2x10000x64xf32, #tpu.memory_space<hbm>> -> memref<1x10000x64xf32, #tpu.memory_space<hbm>>
      %dma_start3A_1165 = tpu.memref_squeeze %dma_start3A_1164 : memref<1x10000x64xf32, #tpu.memory_space<hbm>> -> memref<10000x64xf32, #tpu.memory_space<hbm>>
      %dma_start3A_1166 = arith.constant 0 : i32
      %dma_start3A_1167 = arith.constant 0 : i32
      %dma_start3A_1168 = tpu.memref_slice %dma_start3A_1165[%dma_start3A_1166, %dma_start3A_1167] : memref<10000x64xf32, #tpu.memory_space<hbm>> -> memref<10000x64xf32, #tpu.memory_space<hbm>>
      tpu.enqueue_indirect_dma source(%dma_start3A_1168 : memref<10000x64xf32, #tpu.memory_space<hbm>>) target(%arg18 : memref<128x64xf32, #tpu.memory_space<vmem>>) offsets(%dma_start3A_1161 : memref<128xi32, #tpu.memory_space<vmem>>) semaphore(%arg32 : memref<!tpu.dma_semaphore, #tpu.memory_space<semaphore_mem>>)
      %dma_wait3A_1169 = arith.constant 9 : i32
      %dma_wait3A_1170 = arith.constant 0 : i32
      %dma_wait3A_1171 = tpu.memref_slice %arg6[%dma_wait3A_1169, %dma_wait3A_1170] : memref<16x128xi32, #tpu.memory_space<vmem>> -> memref<1x128xi32, #tpu.memory_space<vmem>>
      %dma_wait3A_1172 = tpu.memref_squeeze %dma_wait3A_1171 : memref<1x128xi32, #tpu.memory_space<vmem>> -> memref<128xi32, #tpu.memory_space<vmem>>
      %dma_wait3A_1173 = arith.constant 0 : i32
      %dma_wait3A_1174 = arith.constant 0 : i32
      %dma_wait3A_1175 = tpu.memref_slice %arg4[%arg0, %dma_wait3A_1173, %dma_wait3A_1174] : memref<2x10000x64xf32, #tpu.memory_space<hbm>> -> memref<1x10000x64xf32, #tpu.memory_space<hbm>>
      %dma_wait3A_1176 = tpu.memref_squeeze %dma_wait3A_1175 : memref<1x10000x64xf32, #tpu.memory_space<hbm>> -> memref<10000x64xf32, #tpu.memory_space<hbm>>
      %dma_wait3A_1177 = arith.constant 0 : i32
      %dma_wait3A_1178 = arith.constant 0 : i32
      %dma_wait3A_1179 = tpu.memref_slice %dma_wait3A_1176[%dma_wait3A_1177, %dma_wait3A_1178] : memref<10000x64xf32, #tpu.memory_space<hbm>> -> memref<10000x64xf32, #tpu.memory_space<hbm>>
      tpu.wait_indirect_dma semaphore(%arg26 : memref<!tpu.dma_semaphore, #tpu.memory_space<semaphore_mem>>) src(%dma_wait3A_1179 : memref<10000x64xf32, #tpu.memory_space<hbm>>) dst(%arg12 : memref<128x64xf32, #tpu.memory_space<vmem>>)
      %get3A_1180 = arith.constant 9 : i32
      %get3A_1181 = arith.index_cast %get3A_1180 : i32 to index
      %get3A_1182 = arith.constant 0 : index
      %get3A_1183 = tpu.vector_load %arg8[%get3A_1181, %get3A_1182] {strides = array<i32>} : memref<16x128xi32, #tpu.memory_space<vmem>>, vector<1x16xi32>,
      %get3A_1184 = vector.shape_cast %get3A_1183 : vector<1x16xi32> to vector<16xi32>
      %swap3A_1185 = arith.constant 0 : index
      %swap3A_1186 = tpu.vector_load %arg10[%swap3A_1185] {strides = array<i32>} : memref<128xi32, #tpu.memory_space<vmem>>, vector<16xi32>,
      %swap3A_1187 = vector.shape_cast %swap3A_1186 : vector<16xi32> to vector<16xi32>
      %swap3A_1188 = vector.shape_cast %get3A_1184 : vector<16xi32> to vector<16xi32>
      tpu.vector_store %arg10[%swap3A_1185], %swap3A_1188 {strides = array<i32>} : memref<128xi32, #tpu.memory_space<vmem>>, vector<16xi32>,
      %get3A_1189 = arith.constant 9 : i32
      %get3A_1190 = arith.index_cast %get3A_1189 : i32 to index
      %get3A_1191 = arith.constant 16 : index
      %get3A_1192 = tpu.vector_load %arg8[%get3A_1190, %get3A_1191] {strides = array<i32>} : memref<16x128xi32, #tpu.memory_space<vmem>>, vector<1x16xi32>,
      %get3A_1193 = vector.shape_cast %get3A_1192 : vector<1x16xi32> to vector<16xi32>
      %swap3A_1194 = arith.constant 16 : index
      %swap3A_1195 = tpu.vector_load %arg10[%swap3A_1194] {strides = array<i32>} : memref<128xi32, #tpu.memory_space<vmem>>, vector<16xi32>,
      %swap3A_1196 = vector.shape_cast %swap3A_1195 : vector<16xi32> to vector<16xi32>
      %swap3A_1197 = vector.shape_cast %get3A_1193 : vector<16xi32> to vector<16xi32>
      tpu.vector_store %arg10[%swap3A_1194], %swap3A_1197 {strides = array<i32>} : memref<128xi32, #tpu.memory_space<vmem>>, vector<16xi32>,
      %get3A_1198 = arith.constant 9 : i32
      %get3A_1199 = arith.index_cast %get3A_1198 : i32 to index
      %get3A_1200 = arith.constant 32 : index
      %get3A_1201 = tpu.vector_load %arg8[%get3A_1199, %get3A_1200] {strides = array<i32>} : memref<16x128xi32, #tpu.memory_space<vmem>>, vector<1x16xi32>,
      %get3A_1202 = vector.shape_cast %get3A_1201 : vector<1x16xi32> to vector<16xi32>
      %swap3A_1203 = arith.constant 32 : index
      %swap3A_1204 = tpu.vector_load %arg10[%swap3A_1203] {strides = array<i32>} : memref<128xi32, #tpu.memory_space<vmem>>, vector<16xi32>,
      %swap3A_1205 = vector.shape_cast %swap3A_1204 : vector<16xi32> to vector<16xi32>
      %swap3A_1206 = vector.shape_cast %get3A_1202 : vector<16xi32> to vector<16xi32>
      tpu.vector_store %arg10[%swap3A_1203], %swap3A_1206 {strides = array<i32>} : memref<128xi32, #tpu.memory_space<vmem>>, vector<16xi32>,
      %get3A_1207 = arith.constant 9 : i32
      %get3A_1208 = arith.index_cast %get3A_1207 : i32 to index
      %get3A_1209 = arith.constant 48 : index
      %get3A_1210 = tpu.vector_load %arg8[%get3A_1208, %get3A_1209] {strides = array<i32>} : memref<16x128xi32, #tpu.memory_space<vmem>>, vector<1x16xi32>,
      %get3A_1211 = vector.shape_cast %get3A_1210 : vector<1x16xi32> to vector<16xi32>
      %swap3A_1212 = arith.constant 48 : index
      %swap3A_1213 = tpu.vector_load %arg10[%swap3A_1212] {strides = array<i32>} : memref<128xi32, #tpu.memory_space<vmem>>, vector<16xi32>,
      %swap3A_1214 = vector.shape_cast %swap3A_1213 : vector<16xi32> to vector<16xi32>
      %swap3A_1215 = vector.shape_cast %get3A_1211 : vector<16xi32> to vector<16xi32>
      tpu.vector_store %arg10[%swap3A_1212], %swap3A_1215 {strides = array<i32>} : memref<128xi32, #tpu.memory_space<vmem>>, vector<16xi32>,
      %get3A_1216 = arith.constant 9 : i32
      %get3A_1217 = arith.index_cast %get3A_1216 : i32 to index
      %get3A_1218 = arith.constant 64 : index
      %get3A_1219 = tpu.vector_load %arg8[%get3A_1217, %get3A_1218] {strides = array<i32>} : memref<16x128xi32, #tpu.memory_space<vmem>>, vector<1x16xi32>,
      %get3A_1220 = vector.shape_cast %get3A_1219 : vector<1x16xi32> to vector<16xi32>
      %swap3A_1221 = arith.constant 64 : index
      %swap3A_1222 = tpu.vector_load %arg10[%swap3A_1221] {strides = array<i32>} : memref<128xi32, #tpu.memory_space<vmem>>, vector<16xi32>,
      %swap3A_1223 = vector.shape_cast %swap3A_1222 : vector<16xi32> to vector<16xi32>
      %swap3A_1224 = vector.shape_cast %get3A_1220 : vector<16xi32> to vector<16xi32>
      tpu.vector_store %arg10[%swap3A_1221], %swap3A_1224 {strides = array<i32>} : memref<128xi32, #tpu.memory_space<vmem>>, vector<16xi32>,
      %get3A_1225 = arith.constant 9 : i32
      %get3A_1226 = arith.index_cast %get3A_1225 : i32 to index
      %get3A_1227 = arith.constant 80 : index
      %get3A_1228 = tpu.vector_load %arg8[%get3A_1226, %get3A_1227] {strides = array<i32>} : memref<16x128xi32, #tpu.memory_space<vmem>>, vector<1x16xi32>,
      %get3A_1229 = vector.shape_cast %get3A_1228 : vector<1x16xi32> to vector<16xi32>
      %swap3A_1230 = arith.constant 80 : index
      %swap3A_1231 = tpu.vector_load %arg10[%swap3A_1230] {strides = array<i32>} : memref<128xi32, #tpu.memory_space<vmem>>, vector<16xi32>,
      %swap3A_1232 = vector.shape_cast %swap3A_1231 : vector<16xi32> to vector<16xi32>
      %swap3A_1233 = vector.shape_cast %get3A_1229 : vector<16xi32> to vector<16xi32>
      tpu.vector_store %arg10[%swap3A_1230], %swap3A_1233 {strides = array<i32>} : memref<128xi32, #tpu.memory_space<vmem>>, vector<16xi32>,
      %get3A_1234 = arith.constant 9 : i32
      %get3A_1235 = arith.index_cast %get3A_1234 : i32 to index
      %get3A_1236 = arith.constant 96 : index
      %get3A_1237 = tpu.vector_load %arg8[%get3A_1235, %get3A_1236] {strides = array<i32>} : memref<16x128xi32, #tpu.memory_space<vmem>>, vector<1x16xi32>,
      %get3A_1238 = vector.shape_cast %get3A_1237 : vector<1x16xi32> to vector<16xi32>
      %swap3A_1239 = arith.constant 96 : index
      %swap3A_1240 = tpu.vector_load %arg10[%swap3A_1239] {strides = array<i32>} : memref<128xi32, #tpu.memory_space<vmem>>, vector<16xi32>,
      %swap3A_1241 = vector.shape_cast %swap3A_1240 : vector<16xi32> to vector<16xi32>
      %swap3A_1242 = vector.shape_cast %get3A_1238 : vector<16xi32> to vector<16xi32>
      tpu.vector_store %arg10[%swap3A_1239], %swap3A_1242 {strides = array<i32>} : memref<128xi32, #tpu.memory_space<vmem>>, vector<16xi32>,
      %get3A_1243 = arith.constant 9 : i32
      %get3A_1244 = arith.index_cast %get3A_1243 : i32 to index
      %get3A_1245 = arith.constant 112 : index
      %get3A_1246 = tpu.vector_load %arg8[%get3A_1244, %get3A_1245] {strides = array<i32>} : memref<16x128xi32, #tpu.memory_space<vmem>>, vector<1x16xi32>,
      %get3A_1247 = vector.shape_cast %get3A_1246 : vector<1x16xi32> to vector<16xi32>
      %swap3A_1248 = arith.constant 112 : index
      %swap3A_1249 = tpu.vector_load %arg10[%swap3A_1248] {strides = array<i32>} : memref<128xi32, #tpu.memory_space<vmem>>, vector<16xi32>,
      %swap3A_1250 = vector.shape_cast %swap3A_1249 : vector<16xi32> to vector<16xi32>
      %swap3A_1251 = vector.shape_cast %get3A_1247 : vector<16xi32> to vector<16xi32>
      tpu.vector_store %arg10[%swap3A_1248], %swap3A_1251 {strides = array<i32>} : memref<128xi32, #tpu.memory_space<vmem>>, vector<16xi32>,
      "tpu.region"() ({
        %run_scoped3A = tpu.sem_alloc : memref<!tpu.dma_semaphore, #tpu.memory_space<semaphore_mem>>
        %dma_start3A_3397 = arith.constant 0 : i32
        %dma_start3A_3398 = arith.constant 0 : i32
        %dma_start3A_3399 = tpu.memref_slice %arg20[%dma_start3A_3397, %dma_start3A_3398] : memref<10240x64xf32, #tpu.memory_space<vmem_shared>> -> memref<10240x64xf32, #tpu.memory_space<vmem_shared>>
        tpu.enqueue_indirect_dma source(%arg12 : memref<128x64xf32, #tpu.memory_space<vmem>>) target(%dma_start3A_3399 : memref<10240x64xf32, #tpu.memory_space<vmem_shared>>) offsets(%arg10 : memref<128xi32, #tpu.memory_space<vmem>>) semaphore(%run_scoped3A : memref<!tpu.dma_semaphore, #tpu.memory_space<semaphore_mem>>) {add = true}
        %dma_wait3A_3400 = arith.constant 0 : i32
        %dma_wait3A_3401 = arith.constant 0 : i32
        %dma_wait3A_3402 = tpu.memref_slice %arg20[%dma_wait3A_3400, %dma_wait3A_3401] : memref<10240x64xf32, #tpu.memory_space<vmem_shared>> -> memref<10240x64xf32, #tpu.memory_space<vmem_shared>>
        tpu.wait_indirect_dma semaphore(%run_scoped3A : memref<!tpu.dma_semaphore, #tpu.memory_space<semaphore_mem>>) src(%arg12 : memref<128x64xf32, #tpu.memory_space<vmem>>) dst(%dma_wait3A_3402 : memref<10240x64xf32, #tpu.memory_space<vmem_shared>>)
        tpu.yield
      }) : () -> ()
      %dma_start3A_1252 = arith.constant 0 : i32
      %dma_start3A_1253 = arith.constant 0 : i32
      %dma_start3A_1254 = tpu.memref_slice %arg7[%dma_start3A_1252, %dma_start3A_1253] : memref<16x128xi32, #tpu.memory_space<vmem>> -> memref<1x128xi32, #tpu.memory_space<vmem>>
      %dma_start3A_1255 = tpu.memref_squeeze %dma_start3A_1254 : memref<1x128xi32, #tpu.memory_space<vmem>> -> memref<128xi32, #tpu.memory_space<vmem>>
      %dma_start3A_1256 = arith.constant 0 : i32
      %dma_start3A_1257 = arith.constant 0 : i32
      %dma_start3A_1258 = tpu.memref_slice %arg4[%arg0, %dma_start3A_1256, %dma_start3A_1257] : memref<2x10000x64xf32, #tpu.memory_space<hbm>> -> memref<1x10000x64xf32, #tpu.memory_space<hbm>>
      %dma_start3A_1259 = tpu.memref_squeeze %dma_start3A_1258 : memref<1x10000x64xf32, #tpu.memory_space<hbm>> -> memref<10000x64xf32, #tpu.memory_space<hbm>>
      %dma_start3A_1260 = arith.constant 0 : i32
      %dma_start3A_1261 = arith.constant 0 : i32
      %dma_start3A_1262 = tpu.memref_slice %dma_start3A_1259[%dma_start3A_1260, %dma_start3A_1261] : memref<10000x64xf32, #tpu.memory_space<hbm>> -> memref<10000x64xf32, #tpu.memory_space<hbm>>
      tpu.enqueue_indirect_dma source(%dma_start3A_1262 : memref<10000x64xf32, #tpu.memory_space<hbm>>) target(%arg11 : memref<128x64xf32, #tpu.memory_space<vmem>>) offsets(%dma_start3A_1255 : memref<128xi32, #tpu.memory_space<vmem>>) semaphore(%arg25 : memref<!tpu.dma_semaphore, #tpu.memory_space<semaphore_mem>>)
      %dma_wait3A_1263 = arith.constant 10 : i32
      %dma_wait3A_1264 = arith.constant 0 : i32
      %dma_wait3A_1265 = tpu.memref_slice %arg6[%dma_wait3A_1263, %dma_wait3A_1264] : memref<16x128xi32, #tpu.memory_space<vmem>> -> memref<1x128xi32, #tpu.memory_space<vmem>>
      %dma_wait3A_1266 = tpu.memref_squeeze %dma_wait3A_1265 : memref<1x128xi32, #tpu.memory_space<vmem>> -> memref<128xi32, #tpu.memory_space<vmem>>
      %dma_wait3A_1267 = arith.constant 0 : i32
      %dma_wait3A_1268 = arith.constant 0 : i32
      %dma_wait3A_1269 = tpu.memref_slice %arg4[%arg0, %dma_wait3A_1267, %dma_wait3A_1268] : memref<2x10000x64xf32, #tpu.memory_space<hbm>> -> memref<1x10000x64xf32, #tpu.memory_space<hbm>>
      %dma_wait3A_1270 = tpu.memref_squeeze %dma_wait3A_1269 : memref<1x10000x64xf32, #tpu.memory_space<hbm>> -> memref<10000x64xf32, #tpu.memory_space<hbm>>
      %dma_wait3A_1271 = arith.constant 0 : i32
      %dma_wait3A_1272 = arith.constant 0 : i32
      %dma_wait3A_1273 = tpu.memref_slice %dma_wait3A_1270[%dma_wait3A_1271, %dma_wait3A_1272] : memref<10000x64xf32, #tpu.memory_space<hbm>> -> memref<10000x64xf32, #tpu.memory_space<hbm>>
      tpu.wait_indirect_dma semaphore(%arg27 : memref<!tpu.dma_semaphore, #tpu.memory_space<semaphore_mem>>) src(%dma_wait3A_1273 : memref<10000x64xf32, #tpu.memory_space<hbm>>) dst(%arg13 : memref<128x64xf32, #tpu.memory_space<vmem>>)
      %get3A_1274 = arith.constant 10 : i32
      %get3A_1275 = arith.index_cast %get3A_1274 : i32 to index
      %get3A_1276 = arith.constant 0 : index
      %get3A_1277 = tpu.vector_load %arg8[%get3A_1275, %get3A_1276] {strides = array<i32>} : memref<16x128xi32, #tpu.memory_space<vmem>>, vector<1x16xi32>,
      %get3A_1278 = vector.shape_cast %get3A_1277 : vector<1x16xi32> to vector<16xi32>
      %swap3A_1279 = arith.constant 0 : index
      %swap3A_1280 = tpu.vector_load %arg10[%swap3A_1279] {strides = array<i32>} : memref<128xi32, #tpu.memory_space<vmem>>, vector<16xi32>,
      %swap3A_1281 = vector.shape_cast %swap3A_1280 : vector<16xi32> to vector<16xi32>
      %swap3A_1282 = vector.shape_cast %get3A_1278 : vector<16xi32> to vector<16xi32>
      tpu.vector_store %arg10[%swap3A_1279], %swap3A_1282 {strides = array<i32>} : memref<128xi32, #tpu.memory_space<vmem>>, vector<16xi32>,
      %get3A_1283 = arith.constant 10 : i32
      %get3A_1284 = arith.index_cast %get3A_1283 : i32 to index
      %get3A_1285 = arith.constant 16 : index
      %get3A_1286 = tpu.vector_load %arg8[%get3A_1284, %get3A_1285] {strides = array<i32>} : memref<16x128xi32, #tpu.memory_space<vmem>>, vector<1x16xi32>,
      %get3A_1287 = vector.shape_cast %get3A_1286 : vector<1x16xi32> to vector<16xi32>
      %swap3A_1288 = arith.constant 16 : index
      %swap3A_1289 = tpu.vector_load %arg10[%swap3A_1288] {strides = array<i32>} : memref<128xi32, #tpu.memory_space<vmem>>, vector<16xi32>,
      %swap3A_1290 = vector.shape_cast %swap3A_1289 : vector<16xi32> to vector<16xi32>
      %swap3A_1291 = vector.shape_cast %get3A_1287 : vector<16xi32> to vector<16xi32>
      tpu.vector_store %arg10[%swap3A_1288], %swap3A_1291 {strides = array<i32>} : memref<128xi32, #tpu.memory_space<vmem>>, vector<16xi32>,
      %get3A_1292 = arith.constant 10 : i32
      %get3A_1293 = arith.index_cast %get3A_1292 : i32 to index
      %get3A_1294 = arith.constant 32 : index
      %get3A_1295 = tpu.vector_load %arg8[%get3A_1293, %get3A_1294] {strides = array<i32>} : memref<16x128xi32, #tpu.memory_space<vmem>>, vector<1x16xi32>,
      %get3A_1296 = vector.shape_cast %get3A_1295 : vector<1x16xi32> to vector<16xi32>
      %swap3A_1297 = arith.constant 32 : index
      %swap3A_1298 = tpu.vector_load %arg10[%swap3A_1297] {strides = array<i32>} : memref<128xi32, #tpu.memory_space<vmem>>, vector<16xi32>,
      %swap3A_1299 = vector.shape_cast %swap3A_1298 : vector<16xi32> to vector<16xi32>
      %swap3A_1300 = vector.shape_cast %get3A_1296 : vector<16xi32> to vector<16xi32>
      tpu.vector_store %arg10[%swap3A_1297], %swap3A_1300 {strides = array<i32>} : memref<128xi32, #tpu.memory_space<vmem>>, vector<16xi32>,
      %get3A_1301 = arith.constant 10 : i32
      %get3A_1302 = arith.index_cast %get3A_1301 : i32 to index
      %get3A_1303 = arith.constant 48 : index
      %get3A_1304 = tpu.vector_load %arg8[%get3A_1302, %get3A_1303] {strides = array<i32>} : memref<16x128xi32, #tpu.memory_space<vmem>>, vector<1x16xi32>,
      %get3A_1305 = vector.shape_cast %get3A_1304 : vector<1x16xi32> to vector<16xi32>
      %swap3A_1306 = arith.constant 48 : index
      %swap3A_1307 = tpu.vector_load %arg10[%swap3A_1306] {strides = array<i32>} : memref<128xi32, #tpu.memory_space<vmem>>, vector<16xi32>,
      %swap3A_1308 = vector.shape_cast %swap3A_1307 : vector<16xi32> to vector<16xi32>
      %swap3A_1309 = vector.shape_cast %get3A_1305 : vector<16xi32> to vector<16xi32>
      tpu.vector_store %arg10[%swap3A_1306], %swap3A_1309 {strides = array<i32>} : memref<128xi32, #tpu.memory_space<vmem>>, vector<16xi32>,
      %get3A_1310 = arith.constant 10 : i32
      %get3A_1311 = arith.index_cast %get3A_1310 : i32 to index
      %get3A_1312 = arith.constant 64 : index
      %get3A_1313 = tpu.vector_load %arg8[%get3A_1311, %get3A_1312] {strides = array<i32>} : memref<16x128xi32, #tpu.memory_space<vmem>>, vector<1x16xi32>,
      %get3A_1314 = vector.shape_cast %get3A_1313 : vector<1x16xi32> to vector<16xi32>
      %swap3A_1315 = arith.constant 64 : index
      %swap3A_1316 = tpu.vector_load %arg10[%swap3A_1315] {strides = array<i32>} : memref<128xi32, #tpu.memory_space<vmem>>, vector<16xi32>,
      %swap3A_1317 = vector.shape_cast %swap3A_1316 : vector<16xi32> to vector<16xi32>
      %swap3A_1318 = vector.shape_cast %get3A_1314 : vector<16xi32> to vector<16xi32>
      tpu.vector_store %arg10[%swap3A_1315], %swap3A_1318 {strides = array<i32>} : memref<128xi32, #tpu.memory_space<vmem>>, vector<16xi32>,
      %get3A_1319 = arith.constant 10 : i32
      %get3A_1320 = arith.index_cast %get3A_1319 : i32 to index
      %get3A_1321 = arith.constant 80 : index
      %get3A_1322 = tpu.vector_load %arg8[%get3A_1320, %get3A_1321] {strides = array<i32>} : memref<16x128xi32, #tpu.memory_space<vmem>>, vector<1x16xi32>,
      %get3A_1323 = vector.shape_cast %get3A_1322 : vector<1x16xi32> to vector<16xi32>
      %swap3A_1324 = arith.constant 80 : index
      %swap3A_1325 = tpu.vector_load %arg10[%swap3A_1324] {strides = array<i32>} : memref<128xi32, #tpu.memory_space<vmem>>, vector<16xi32>,
      %swap3A_1326 = vector.shape_cast %swap3A_1325 : vector<16xi32> to vector<16xi32>
      %swap3A_1327 = vector.shape_cast %get3A_1323 : vector<16xi32> to vector<16xi32>
      tpu.vector_store %arg10[%swap3A_1324], %swap3A_1327 {strides = array<i32>} : memref<128xi32, #tpu.memory_space<vmem>>, vector<16xi32>,
      %get3A_1328 = arith.constant 10 : i32
      %get3A_1329 = arith.index_cast %get3A_1328 : i32 to index
      %get3A_1330 = arith.constant 96 : index
      %get3A_1331 = tpu.vector_load %arg8[%get3A_1329, %get3A_1330] {strides = array<i32>} : memref<16x128xi32, #tpu.memory_space<vmem>>, vector<1x16xi32>,
      %get3A_1332 = vector.shape_cast %get3A_1331 : vector<1x16xi32> to vector<16xi32>
      %swap3A_1333 = arith.constant 96 : index
      %swap3A_1334 = tpu.vector_load %arg10[%swap3A_1333] {strides = array<i32>} : memref<128xi32, #tpu.memory_space<vmem>>, vector<16xi32>,
      %swap3A_1335 = vector.shape_cast %swap3A_1334 : vector<16xi32> to vector<16xi32>
      %swap3A_1336 = vector.shape_cast %get3A_1332 : vector<16xi32> to vector<16xi32>
      tpu.vector_store %arg10[%swap3A_1333], %swap3A_1336 {strides = array<i32>} : memref<128xi32, #tpu.memory_space<vmem>>, vector<16xi32>,
      %get3A_1337 = arith.constant 10 : i32
      %get3A_1338 = arith.index_cast %get3A_1337 : i32 to index
      %get3A_1339 = arith.constant 112 : index
      %get3A_1340 = tpu.vector_load %arg8[%get3A_1338, %get3A_1339] {strides = array<i32>} : memref<16x128xi32, #tpu.memory_space<vmem>>, vector<1x16xi32>,
      %get3A_1341 = vector.shape_cast %get3A_1340 : vector<1x16xi32> to vector<16xi32>
      %swap3A_1342 = arith.constant 112 : index
      %swap3A_1343 = tpu.vector_load %arg10[%swap3A_1342] {strides = array<i32>} : memref<128xi32, #tpu.memory_space<vmem>>, vector<16xi32>,
      %swap3A_1344 = vector.shape_cast %swap3A_1343 : vector<16xi32> to vector<16xi32>
      %swap3A_1345 = vector.shape_cast %get3A_1341 : vector<16xi32> to vector<16xi32>
      tpu.vector_store %arg10[%swap3A_1342], %swap3A_1345 {strides = array<i32>} : memref<128xi32, #tpu.memory_space<vmem>>, vector<16xi32>,
      "tpu.region"() ({
        %run_scoped3A = tpu.sem_alloc : memref<!tpu.dma_semaphore, #tpu.memory_space<semaphore_mem>>
        %dma_start3A_3397 = arith.constant 0 : i32
        %dma_start3A_3398 = arith.constant 0 : i32
        %dma_start3A_3399 = tpu.memref_slice %arg20[%dma_start3A_3397, %dma_start3A_3398] : memref<10240x64xf32, #tpu.memory_space<vmem_shared>> -> memref<10240x64xf32, #tpu.memory_space<vmem_shared>>
        tpu.enqueue_indirect_dma source(%arg13 : memref<128x64xf32, #tpu.memory_space<vmem>>) target(%dma_start3A_3399 : memref<10240x64xf32, #tpu.memory_space<vmem_shared>>) offsets(%arg10 : memref<128xi32, #tpu.memory_space<vmem>>) semaphore(%run_scoped3A : memref<!tpu.dma_semaphore, #tpu.memory_space<semaphore_mem>>) {add = true}
        %dma_wait3A_3400 = arith.constant 0 : i32
        %dma_wait3A_3401 = arith.constant 0 : i32
        %dma_wait3A_3402 = tpu.memref_slice %arg20[%dma_wait3A_3400, %dma_wait3A_3401] : memref<10240x64xf32, #tpu.memory_space<vmem_shared>> -> memref<10240x64xf32, #tpu.memory_space<vmem_shared>>
        tpu.wait_indirect_dma semaphore(%run_scoped3A : memref<!tpu.dma_semaphore, #tpu.memory_space<semaphore_mem>>) src(%arg13 : memref<128x64xf32, #tpu.memory_space<vmem>>) dst(%dma_wait3A_3402 : memref<10240x64xf32, #tpu.memory_space<vmem_shared>>)
        tpu.yield
      }) : () -> ()
      %dma_start3A_1346 = arith.constant 1 : i32
      %dma_start3A_1347 = arith.constant 0 : i32
      %dma_start3A_1348 = tpu.memref_slice %arg7[%dma_start3A_1346, %dma_start3A_1347] : memref<16x128xi32, #tpu.memory_space<vmem>> -> memref<1x128xi32, #tpu.memory_space<vmem>>
      %dma_start3A_1349 = tpu.memref_squeeze %dma_start3A_1348 : memref<1x128xi32, #tpu.memory_space<vmem>> -> memref<128xi32, #tpu.memory_space<vmem>>
      %dma_start3A_1350 = arith.constant 0 : i32
      %dma_start3A_1351 = arith.constant 0 : i32
      %dma_start3A_1352 = tpu.memref_slice %arg4[%arg0, %dma_start3A_1350, %dma_start3A_1351] : memref<2x10000x64xf32, #tpu.memory_space<hbm>> -> memref<1x10000x64xf32, #tpu.memory_space<hbm>>
      %dma_start3A_1353 = tpu.memref_squeeze %dma_start3A_1352 : memref<1x10000x64xf32, #tpu.memory_space<hbm>> -> memref<10000x64xf32, #tpu.memory_space<hbm>>
      %dma_start3A_1354 = arith.constant 0 : i32
      %dma_start3A_1355 = arith.constant 0 : i32
      %dma_start3A_1356 = tpu.memref_slice %dma_start3A_1353[%dma_start3A_1354, %dma_start3A_1355] : memref<10000x64xf32, #tpu.memory_space<hbm>> -> memref<10000x64xf32, #tpu.memory_space<hbm>>
      tpu.enqueue_indirect_dma source(%dma_start3A_1356 : memref<10000x64xf32, #tpu.memory_space<hbm>>) target(%arg12 : memref<128x64xf32, #tpu.memory_space<vmem>>) offsets(%dma_start3A_1349 : memref<128xi32, #tpu.memory_space<vmem>>) semaphore(%arg26 : memref<!tpu.dma_semaphore, #tpu.memory_space<semaphore_mem>>)
      %dma_wait3A_1357 = arith.constant 11 : i32
      %dma_wait3A_1358 = arith.constant 0 : i32
      %dma_wait3A_1359 = tpu.memref_slice %arg6[%dma_wait3A_1357, %dma_wait3A_1358] : memref<16x128xi32, #tpu.memory_space<vmem>> -> memref<1x128xi32, #tpu.memory_space<vmem>>
      %dma_wait3A_1360 = tpu.memref_squeeze %dma_wait3A_1359 : memref<1x128xi32, #tpu.memory_space<vmem>> -> memref<128xi32, #tpu.memory_space<vmem>>
      %dma_wait3A_1361 = arith.constant 0 : i32
      %dma_wait3A_1362 = arith.constant 0 : i32
      %dma_wait3A_1363 = tpu.memref_slice %arg4[%arg0, %dma_wait3A_1361, %dma_wait3A_1362] : memref<2x10000x64xf32, #tpu.memory_space<hbm>> -> memref<1x10000x64xf32, #tpu.memory_space<hbm>>
      %dma_wait3A_1364 = tpu.memref_squeeze %dma_wait3A_1363 : memref<1x10000x64xf32, #tpu.memory_space<hbm>> -> memref<10000x64xf32, #tpu.memory_space<hbm>>
      %dma_wait3A_1365 = arith.constant 0 : i32
      %dma_wait3A_1366 = arith.constant 0 : i32
      %dma_wait3A_1367 = tpu.memref_slice %dma_wait3A_1364[%dma_wait3A_1365, %dma_wait3A_1366] : memref<10000x64xf32, #tpu.memory_space<hbm>> -> memref<10000x64xf32, #tpu.memory_space<hbm>>
      tpu.wait_indirect_dma semaphore(%arg28 : memref<!tpu.dma_semaphore, #tpu.memory_space<semaphore_mem>>) src(%dma_wait3A_1367 : memref<10000x64xf32, #tpu.memory_space<hbm>>) dst(%arg14 : memref<128x64xf32, #tpu.memory_space<vmem>>)
      %get3A_1368 = arith.constant 11 : i32
      %get3A_1369 = arith.index_cast %get3A_1368 : i32 to index
      %get3A_1370 = arith.constant 0 : index
      %get3A_1371 = tpu.vector_load %arg8[%get3A_1369, %get3A_1370] {strides = array<i32>} : memref<16x128xi32, #tpu.memory_space<vmem>>, vector<1x16xi32>,
      %get3A_1372 = vector.shape_cast %get3A_1371 : vector<1x16xi32> to vector<16xi32>
      %swap3A_1373 = arith.constant 0 : index
      %swap3A_1374 = tpu.vector_load %arg10[%swap3A_1373] {strides = array<i32>} : memref<128xi32, #tpu.memory_space<vmem>>, vector<16xi32>,
      %swap3A_1375 = vector.shape_cast %swap3A_1374 : vector<16xi32> to vector<16xi32>
      %swap3A_1376 = vector.shape_cast %get3A_1372 : vector<16xi32> to vector<16xi32>
      tpu.vector_store %arg10[%swap3A_1373], %swap3A_1376 {strides = array<i32>} : memref<128xi32, #tpu.memory_space<vmem>>, vector<16xi32>,
      %get3A_1377 = arith.constant 11 : i32
      %get3A_1378 = arith.index_cast %get3A_1377 : i32 to index
      %get3A_1379 = arith.constant 16 : index
      %get3A_1380 = tpu.vector_load %arg8[%get3A_1378, %get3A_1379] {strides = array<i32>} : memref<16x128xi32, #tpu.memory_space<vmem>>, vector<1x16xi32>,
      %get3A_1381 = vector.shape_cast %get3A_1380 : vector<1x16xi32> to vector<16xi32>
      %swap3A_1382 = arith.constant 16 : index
      %swap3A_1383 = tpu.vector_load %arg10[%swap3A_1382] {strides = array<i32>} : memref<128xi32, #tpu.memory_space<vmem>>, vector<16xi32>,
      %swap3A_1384 = vector.shape_cast %swap3A_1383 : vector<16xi32> to vector<16xi32>
      %swap3A_1385 = vector.shape_cast %get3A_1381 : vector<16xi32> to vector<16xi32>
      tpu.vector_store %arg10[%swap3A_1382], %swap3A_1385 {strides = array<i32>} : memref<128xi32, #tpu.memory_space<vmem>>, vector<16xi32>,
      %get3A_1386 = arith.constant 11 : i32
      %get3A_1387 = arith.index_cast %get3A_1386 : i32 to index
      %get3A_1388 = arith.constant 32 : index
      %get3A_1389 = tpu.vector_load %arg8[%get3A_1387, %get3A_1388] {strides = array<i32>} : memref<16x128xi32, #tpu.memory_space<vmem>>, vector<1x16xi32>,
      %get3A_1390 = vector.shape_cast %get3A_1389 : vector<1x16xi32> to vector<16xi32>
      %swap3A_1391 = arith.constant 32 : index
      %swap3A_1392 = tpu.vector_load %arg10[%swap3A_1391] {strides = array<i32>} : memref<128xi32, #tpu.memory_space<vmem>>, vector<16xi32>,
      %swap3A_1393 = vector.shape_cast %swap3A_1392 : vector<16xi32> to vector<16xi32>
      %swap3A_1394 = vector.shape_cast %get3A_1390 : vector<16xi32> to vector<16xi32>
      tpu.vector_store %arg10[%swap3A_1391], %swap3A_1394 {strides = array<i32>} : memref<128xi32, #tpu.memory_space<vmem>>, vector<16xi32>,
      %get3A_1395 = arith.constant 11 : i32
      %get3A_1396 = arith.index_cast %get3A_1395 : i32 to index
      %get3A_1397 = arith.constant 48 : index
      %get3A_1398 = tpu.vector_load %arg8[%get3A_1396, %get3A_1397] {strides = array<i32>} : memref<16x128xi32, #tpu.memory_space<vmem>>, vector<1x16xi32>,
      %get3A_1399 = vector.shape_cast %get3A_1398 : vector<1x16xi32> to vector<16xi32>
      %swap3A_1400 = arith.constant 48 : index
      %swap3A_1401 = tpu.vector_load %arg10[%swap3A_1400] {strides = array<i32>} : memref<128xi32, #tpu.memory_space<vmem>>, vector<16xi32>,
      %swap3A_1402 = vector.shape_cast %swap3A_1401 : vector<16xi32> to vector<16xi32>
      %swap3A_1403 = vector.shape_cast %get3A_1399 : vector<16xi32> to vector<16xi32>
      tpu.vector_store %arg10[%swap3A_1400], %swap3A_1403 {strides = array<i32>} : memref<128xi32, #tpu.memory_space<vmem>>, vector<16xi32>,
      %get3A_1404 = arith.constant 11 : i32
      %get3A_1405 = arith.index_cast %get3A_1404 : i32 to index
      %get3A_1406 = arith.constant 64 : index
      %get3A_1407 = tpu.vector_load %arg8[%get3A_1405, %get3A_1406] {strides = array<i32>} : memref<16x128xi32, #tpu.memory_space<vmem>>, vector<1x16xi32>,
      %get3A_1408 = vector.shape_cast %get3A_1407 : vector<1x16xi32> to vector<16xi32>
      %swap3A_1409 = arith.constant 64 : index
      %swap3A_1410 = tpu.vector_load %arg10[%swap3A_1409] {strides = array<i32>} : memref<128xi32, #tpu.memory_space<vmem>>, vector<16xi32>,
      %swap3A_1411 = vector.shape_cast %swap3A_1410 : vector<16xi32> to vector<16xi32>
      %swap3A_1412 = vector.shape_cast %get3A_1408 : vector<16xi32> to vector<16xi32>
      tpu.vector_store %arg10[%swap3A_1409], %swap3A_1412 {strides = array<i32>} : memref<128xi32, #tpu.memory_space<vmem>>, vector<16xi32>,
      %get3A_1413 = arith.constant 11 : i32
      %get3A_1414 = arith.index_cast %get3A_1413 : i32 to index
      %get3A_1415 = arith.constant 80 : index
      %get3A_1416 = tpu.vector_load %arg8[%get3A_1414, %get3A_1415] {strides = array<i32>} : memref<16x128xi32, #tpu.memory_space<vmem>>, vector<1x16xi32>,
      %get3A_1417 = vector.shape_cast %get3A_1416 : vector<1x16xi32> to vector<16xi32>
      %swap3A_1418 = arith.constant 80 : index
      %swap3A_1419 = tpu.vector_load %arg10[%swap3A_1418] {strides = array<i32>} : memref<128xi32, #tpu.memory_space<vmem>>, vector<16xi32>,
      %swap3A_1420 = vector.shape_cast %swap3A_1419 : vector<16xi32> to vector<16xi32>
      %swap3A_1421 = vector.shape_cast %get3A_1417 : vector<16xi32> to vector<16xi32>
      tpu.vector_store %arg10[%swap3A_1418], %swap3A_1421 {strides = array<i32>} : memref<128xi32, #tpu.memory_space<vmem>>, vector<16xi32>,
      %get3A_1422 = arith.constant 11 : i32
      %get3A_1423 = arith.index_cast %get3A_1422 : i32 to index
      %get3A_1424 = arith.constant 96 : index
      %get3A_1425 = tpu.vector_load %arg8[%get3A_1423, %get3A_1424] {strides = array<i32>} : memref<16x128xi32, #tpu.memory_space<vmem>>, vector<1x16xi32>,
      %get3A_1426 = vector.shape_cast %get3A_1425 : vector<1x16xi32> to vector<16xi32>
      %swap3A_1427 = arith.constant 96 : index
      %swap3A_1428 = tpu.vector_load %arg10[%swap3A_1427] {strides = array<i32>} : memref<128xi32, #tpu.memory_space<vmem>>, vector<16xi32>,
      %swap3A_1429 = vector.shape_cast %swap3A_1428 : vector<16xi32> to vector<16xi32>
      %swap3A_1430 = vector.shape_cast %get3A_1426 : vector<16xi32> to vector<16xi32>
      tpu.vector_store %arg10[%swap3A_1427], %swap3A_1430 {strides = array<i32>} : memref<128xi32, #tpu.memory_space<vmem>>, vector<16xi32>,
      %get3A_1431 = arith.constant 11 : i32
      %get3A_1432 = arith.index_cast %get3A_1431 : i32 to index
      %get3A_1433 = arith.constant 112 : index
      %get3A_1434 = tpu.vector_load %arg8[%get3A_1432, %get3A_1433] {strides = array<i32>} : memref<16x128xi32, #tpu.memory_space<vmem>>, vector<1x16xi32>,
      %get3A_1435 = vector.shape_cast %get3A_1434 : vector<1x16xi32> to vector<16xi32>
      %swap3A_1436 = arith.constant 112 : index
      %swap3A_1437 = tpu.vector_load %arg10[%swap3A_1436] {strides = array<i32>} : memref<128xi32, #tpu.memory_space<vmem>>, vector<16xi32>,
      %swap3A_1438 = vector.shape_cast %swap3A_1437 : vector<16xi32> to vector<16xi32>
      %swap3A_1439 = vector.shape_cast %get3A_1435 : vector<16xi32> to vector<16xi32>
      tpu.vector_store %arg10[%swap3A_1436], %swap3A_1439 {strides = array<i32>} : memref<128xi32, #tpu.memory_space<vmem>>, vector<16xi32>,
      "tpu.region"() ({
        %run_scoped3A = tpu.sem_alloc : memref<!tpu.dma_semaphore, #tpu.memory_space<semaphore_mem>>
        %dma_start3A_3397 = arith.constant 0 : i32
        %dma_start3A_3398 = arith.constant 0 : i32
        %dma_start3A_3399 = tpu.memref_slice %arg20[%dma_start3A_3397, %dma_start3A_3398] : memref<10240x64xf32, #tpu.memory_space<vmem_shared>> -> memref<10240x64xf32, #tpu.memory_space<vmem_shared>>
        tpu.enqueue_indirect_dma source(%arg14 : memref<128x64xf32, #tpu.memory_space<vmem>>) target(%dma_start3A_3399 : memref<10240x64xf32, #tpu.memory_space<vmem_shared>>) offsets(%arg10 : memref<128xi32, #tpu.memory_space<vmem>>) semaphore(%run_scoped3A : memref<!tpu.dma_semaphore, #tpu.memory_space<semaphore_mem>>) {add = true}
        %dma_wait3A_3400 = arith.constant 0 : i32
        %dma_wait3A_3401 = arith.constant 0 : i32
        %dma_wait3A_3402 = tpu.memref_slice %arg20[%dma_wait3A_3400, %dma_wait3A_3401] : memref<10240x64xf32, #tpu.memory_space<vmem_shared>> -> memref<10240x64xf32, #tpu.memory_space<vmem_shared>>
        tpu.wait_indirect_dma semaphore(%run_scoped3A : memref<!tpu.dma_semaphore, #tpu.memory_space<semaphore_mem>>) src(%arg14 : memref<128x64xf32, #tpu.memory_space<vmem>>) dst(%dma_wait3A_3402 : memref<10240x64xf32, #tpu.memory_space<vmem_shared>>)
        tpu.yield
      }) : () -> ()
      %dma_start3A_1440 = arith.constant 2 : i32
      %dma_start3A_1441 = arith.constant 0 : i32
      %dma_start3A_1442 = tpu.memref_slice %arg7[%dma_start3A_1440, %dma_start3A_1441] : memref<16x128xi32, #tpu.memory_space<vmem>> -> memref<1x128xi32, #tpu.memory_space<vmem>>
      %dma_start3A_1443 = tpu.memref_squeeze %dma_start3A_1442 : memref<1x128xi32, #tpu.memory_space<vmem>> -> memref<128xi32, #tpu.memory_space<vmem>>
      %dma_start3A_1444 = arith.constant 0 : i32
      %dma_start3A_1445 = arith.constant 0 : i32
      %dma_start3A_1446 = tpu.memref_slice %arg4[%arg0, %dma_start3A_1444, %dma_start3A_1445] : memref<2x10000x64xf32, #tpu.memory_space<hbm>> -> memref<1x10000x64xf32, #tpu.memory_space<hbm>>
      %dma_start3A_1447 = tpu.memref_squeeze %dma_start3A_1446 : memref<1x10000x64xf32, #tpu.memory_space<hbm>> -> memref<10000x64xf32, #tpu.memory_space<hbm>>
      %dma_start3A_1448 = arith.constant 0 : i32
      %dma_start3A_1449 = arith.constant 0 : i32
      %dma_start3A_1450 = tpu.memref_slice %dma_start3A_1447[%dma_start3A_1448, %dma_start3A_1449] : memref<10000x64xf32, #tpu.memory_space<hbm>> -> memref<10000x64xf32, #tpu.memory_space<hbm>>
      tpu.enqueue_indirect_dma source(%dma_start3A_1450 : memref<10000x64xf32, #tpu.memory_space<hbm>>) target(%arg13 : memref<128x64xf32, #tpu.memory_space<vmem>>) offsets(%dma_start3A_1443 : memref<128xi32, #tpu.memory_space<vmem>>) semaphore(%arg27 : memref<!tpu.dma_semaphore, #tpu.memory_space<semaphore_mem>>)
      %dma_wait3A_1451 = arith.constant 12 : i32
      %dma_wait3A_1452 = arith.constant 0 : i32
      %dma_wait3A_1453 = tpu.memref_slice %arg6[%dma_wait3A_1451, %dma_wait3A_1452] : memref<16x128xi32, #tpu.memory_space<vmem>> -> memref<1x128xi32, #tpu.memory_space<vmem>>
      %dma_wait3A_1454 = tpu.memref_squeeze %dma_wait3A_1453 : memref<1x128xi32, #tpu.memory_space<vmem>> -> memref<128xi32, #tpu.memory_space<vmem>>
      %dma_wait3A_1455 = arith.constant 0 : i32
      %dma_wait3A_1456 = arith.constant 0 : i32
      %dma_wait3A_1457 = tpu.memref_slice %arg4[%arg0, %dma_wait3A_1455, %dma_wait3A_1456] : memref<2x10000x64xf32, #tpu.memory_space<hbm>> -> memref<1x10000x64xf32, #tpu.memory_space<hbm>>
      %dma_wait3A_1458 = tpu.memref_squeeze %dma_wait3A_1457 : memref<1x10000x64xf32, #tpu.memory_space<hbm>> -> memref<10000x64xf32, #tpu.memory_space<hbm>>
      %dma_wait3A_1459 = arith.constant 0 : i32
      %dma_wait3A_1460 = arith.constant 0 : i32
      %dma_wait3A_1461 = tpu.memref_slice %dma_wait3A_1458[%dma_wait3A_1459, %dma_wait3A_1460] : memref<10000x64xf32, #tpu.memory_space<hbm>> -> memref<10000x64xf32, #tpu.memory_space<hbm>>
      tpu.wait_indirect_dma semaphore(%arg29 : memref<!tpu.dma_semaphore, #tpu.memory_space<semaphore_mem>>) src(%dma_wait3A_1461 : memref<10000x64xf32, #tpu.memory_space<hbm>>) dst(%arg15 : memref<128x64xf32, #tpu.memory_space<vmem>>)
      %get3A_1462 = arith.constant 12 : i32
      %get3A_1463 = arith.index_cast %get3A_1462 : i32 to index
      %get3A_1464 = arith.constant 0 : index
      %get3A_1465 = tpu.vector_load %arg8[%get3A_1463, %get3A_1464] {strides = array<i32>} : memref<16x128xi32, #tpu.memory_space<vmem>>, vector<1x16xi32>,
      %get3A_1466 = vector.shape_cast %get3A_1465 : vector<1x16xi32> to vector<16xi32>
      %swap3A_1467 = arith.constant 0 : index
      %swap3A_1468 = tpu.vector_load %arg10[%swap3A_1467] {strides = array<i32>} : memref<128xi32, #tpu.memory_space<vmem>>, vector<16xi32>,
      %swap3A_1469 = vector.shape_cast %swap3A_1468 : vector<16xi32> to vector<16xi32>
      %swap3A_1470 = vector.shape_cast %get3A_1466 : vector<16xi32> to vector<16xi32>
      tpu.vector_store %arg10[%swap3A_1467], %swap3A_1470 {strides = array<i32>} : memref<128xi32, #tpu.memory_space<vmem>>, vector<16xi32>,
      %get3A_1471 = arith.constant 12 : i32
      %get3A_1472 = arith.index_cast %get3A_1471 : i32 to index
      %get3A_1473 = arith.constant 16 : index
      %get3A_1474 = tpu.vector_load %arg8[%get3A_1472, %get3A_1473] {strides = array<i32>} : memref<16x128xi32, #tpu.memory_space<vmem>>, vector<1x16xi32>,
      %get3A_1475 = vector.shape_cast %get3A_1474 : vector<1x16xi32> to vector<16xi32>
      %swap3A_1476 = arith.constant 16 : index
      %swap3A_1477 = tpu.vector_load %arg10[%swap3A_1476] {strides = array<i32>} : memref<128xi32, #tpu.memory_space<vmem>>, vector<16xi32>,
      %swap3A_1478 = vector.shape_cast %swap3A_1477 : vector<16xi32> to vector<16xi32>
      %swap3A_1479 = vector.shape_cast %get3A_1475 : vector<16xi32> to vector<16xi32>
      tpu.vector_store %arg10[%swap3A_1476], %swap3A_1479 {strides = array<i32>} : memref<128xi32, #tpu.memory_space<vmem>>, vector<16xi32>,
      %get3A_1480 = arith.constant 12 : i32
      %get3A_1481 = arith.index_cast %get3A_1480 : i32 to index
      %get3A_1482 = arith.constant 32 : index
      %get3A_1483 = tpu.vector_load %arg8[%get3A_1481, %get3A_1482] {strides = array<i32>} : memref<16x128xi32, #tpu.memory_space<vmem>>, vector<1x16xi32>,
      %get3A_1484 = vector.shape_cast %get3A_1483 : vector<1x16xi32> to vector<16xi32>
      %swap3A_1485 = arith.constant 32 : index
      %swap3A_1486 = tpu.vector_load %arg10[%swap3A_1485] {strides = array<i32>} : memref<128xi32, #tpu.memory_space<vmem>>, vector<16xi32>,
      %swap3A_1487 = vector.shape_cast %swap3A_1486 : vector<16xi32> to vector<16xi32>
      %swap3A_1488 = vector.shape_cast %get3A_1484 : vector<16xi32> to vector<16xi32>
      tpu.vector_store %arg10[%swap3A_1485], %swap3A_1488 {strides = array<i32>} : memref<128xi32, #tpu.memory_space<vmem>>, vector<16xi32>,
      %get3A_1489 = arith.constant 12 : i32
      %get3A_1490 = arith.index_cast %get3A_1489 : i32 to index
      %get3A_1491 = arith.constant 48 : index
      %get3A_1492 = tpu.vector_load %arg8[%get3A_1490, %get3A_1491] {strides = array<i32>} : memref<16x128xi32, #tpu.memory_space<vmem>>, vector<1x16xi32>,
      %get3A_1493 = vector.shape_cast %get3A_1492 : vector<1x16xi32> to vector<16xi32>
      %swap3A_1494 = arith.constant 48 : index
      %swap3A_1495 = tpu.vector_load %arg10[%swap3A_1494] {strides = array<i32>} : memref<128xi32, #tpu.memory_space<vmem>>, vector<16xi32>,
      %swap3A_1496 = vector.shape_cast %swap3A_1495 : vector<16xi32> to vector<16xi32>
      %swap3A_1497 = vector.shape_cast %get3A_1493 : vector<16xi32> to vector<16xi32>
      tpu.vector_store %arg10[%swap3A_1494], %swap3A_1497 {strides = array<i32>} : memref<128xi32, #tpu.memory_space<vmem>>, vector<16xi32>,
      %get3A_1498 = arith.constant 12 : i32
      %get3A_1499 = arith.index_cast %get3A_1498 : i32 to index
      %get3A_1500 = arith.constant 64 : index
      %get3A_1501 = tpu.vector_load %arg8[%get3A_1499, %get3A_1500] {strides = array<i32>} : memref<16x128xi32, #tpu.memory_space<vmem>>, vector<1x16xi32>,
      %get3A_1502 = vector.shape_cast %get3A_1501 : vector<1x16xi32> to vector<16xi32>
      %swap3A_1503 = arith.constant 64 : index
      %swap3A_1504 = tpu.vector_load %arg10[%swap3A_1503] {strides = array<i32>} : memref<128xi32, #tpu.memory_space<vmem>>, vector<16xi32>,
      %swap3A_1505 = vector.shape_cast %swap3A_1504 : vector<16xi32> to vector<16xi32>
      %swap3A_1506 = vector.shape_cast %get3A_1502 : vector<16xi32> to vector<16xi32>
      tpu.vector_store %arg10[%swap3A_1503], %swap3A_1506 {strides = array<i32>} : memref<128xi32, #tpu.memory_space<vmem>>, vector<16xi32>,
      %get3A_1507 = arith.constant 12 : i32
      %get3A_1508 = arith.index_cast %get3A_1507 : i32 to index
      %get3A_1509 = arith.constant 80 : index
      %get3A_1510 = tpu.vector_load %arg8[%get3A_1508, %get3A_1509] {strides = array<i32>} : memref<16x128xi32, #tpu.memory_space<vmem>>, vector<1x16xi32>,
      %get3A_1511 = vector.shape_cast %get3A_1510 : vector<1x16xi32> to vector<16xi32>
      %swap3A_1512 = arith.constant 80 : index
      %swap3A_1513 = tpu.vector_load %arg10[%swap3A_1512] {strides = array<i32>} : memref<128xi32, #tpu.memory_space<vmem>>, vector<16xi32>,
      %swap3A_1514 = vector.shape_cast %swap3A_1513 : vector<16xi32> to vector<16xi32>
      %swap3A_1515 = vector.shape_cast %get3A_1511 : vector<16xi32> to vector<16xi32>
      tpu.vector_store %arg10[%swap3A_1512], %swap3A_1515 {strides = array<i32>} : memref<128xi32, #tpu.memory_space<vmem>>, vector<16xi32>,
      %get3A_1516 = arith.constant 12 : i32
      %get3A_1517 = arith.index_cast %get3A_1516 : i32 to index
      %get3A_1518 = arith.constant 96 : index
      %get3A_1519 = tpu.vector_load %arg8[%get3A_1517, %get3A_1518] {strides = array<i32>} : memref<16x128xi32, #tpu.memory_space<vmem>>, vector<1x16xi32>,
      %get3A_1520 = vector.shape_cast %get3A_1519 : vector<1x16xi32> to vector<16xi32>
      %swap3A_1521 = arith.constant 96 : index
      %swap3A_1522 = tpu.vector_load %arg10[%swap3A_1521] {strides = array<i32>} : memref<128xi32, #tpu.memory_space<vmem>>, vector<16xi32>,
      %swap3A_1523 = vector.shape_cast %swap3A_1522 : vector<16xi32> to vector<16xi32>
      %swap3A_1524 = vector.shape_cast %get3A_1520 : vector<16xi32> to vector<16xi32>
      tpu.vector_store %arg10[%swap3A_1521], %swap3A_1524 {strides = array<i32>} : memref<128xi32, #tpu.memory_space<vmem>>, vector<16xi32>,
      %get3A_1525 = arith.constant 12 : i32
      %get3A_1526 = arith.index_cast %get3A_1525 : i32 to index
      %get3A_1527 = arith.constant 112 : index
      %get3A_1528 = tpu.vector_load %arg8[%get3A_1526, %get3A_1527] {strides = array<i32>} : memref<16x128xi32, #tpu.memory_space<vmem>>, vector<1x16xi32>,
      %get3A_1529 = vector.shape_cast %get3A_1528 : vector<1x16xi32> to vector<16xi32>
      %swap3A_1530 = arith.constant 112 : index
      %swap3A_1531 = tpu.vector_load %arg10[%swap3A_1530] {strides = array<i32>} : memref<128xi32, #tpu.memory_space<vmem>>, vector<16xi32>,
      %swap3A_1532 = vector.shape_cast %swap3A_1531 : vector<16xi32> to vector<16xi32>
      %swap3A_1533 = vector.shape_cast %get3A_1529 : vector<16xi32> to vector<16xi32>
      tpu.vector_store %arg10[%swap3A_1530], %swap3A_1533 {strides = array<i32>} : memref<128xi32, #tpu.memory_space<vmem>>, vector<16xi32>,
      "tpu.region"() ({
        %run_scoped3A = tpu.sem_alloc : memref<!tpu.dma_semaphore, #tpu.memory_space<semaphore_mem>>
        %dma_start3A_3397 = arith.constant 0 : i32
        %dma_start3A_3398 = arith.constant 0 : i32
        %dma_start3A_3399 = tpu.memref_slice %arg20[%dma_start3A_3397, %dma_start3A_3398] : memref<10240x64xf32, #tpu.memory_space<vmem_shared>> -> memref<10240x64xf32, #tpu.memory_space<vmem_shared>>
        tpu.enqueue_indirect_dma source(%arg15 : memref<128x64xf32, #tpu.memory_space<vmem>>) target(%dma_start3A_3399 : memref<10240x64xf32, #tpu.memory_space<vmem_shared>>) offsets(%arg10 : memref<128xi32, #tpu.memory_space<vmem>>) semaphore(%run_scoped3A : memref<!tpu.dma_semaphore, #tpu.memory_space<semaphore_mem>>) {add = true}
        %dma_wait3A_3400 = arith.constant 0 : i32
        %dma_wait3A_3401 = arith.constant 0 : i32
        %dma_wait3A_3402 = tpu.memref_slice %arg20[%dma_wait3A_3400, %dma_wait3A_3401] : memref<10240x64xf32, #tpu.memory_space<vmem_shared>> -> memref<10240x64xf32, #tpu.memory_space<vmem_shared>>
        tpu.wait_indirect_dma semaphore(%run_scoped3A : memref<!tpu.dma_semaphore, #tpu.memory_space<semaphore_mem>>) src(%arg15 : memref<128x64xf32, #tpu.memory_space<vmem>>) dst(%dma_wait3A_3402 : memref<10240x64xf32, #tpu.memory_space<vmem_shared>>)
        tpu.yield
      }) : () -> ()
      %dma_start3A_1534 = arith.constant 3 : i32
      %dma_start3A_1535 = arith.constant 0 : i32
      %dma_start3A_1536 = tpu.memref_slice %arg7[%dma_start3A_1534, %dma_start3A_1535] : memref<16x128xi32, #tpu.memory_space<vmem>> -> memref<1x128xi32, #tpu.memory_space<vmem>>
      %dma_start3A_1537 = tpu.memref_squeeze %dma_start3A_1536 : memref<1x128xi32, #tpu.memory_space<vmem>> -> memref<128xi32, #tpu.memory_space<vmem>>
      %dma_start3A_1538 = arith.constant 0 : i32
      %dma_start3A_1539 = arith.constant 0 : i32
      %dma_start3A_1540 = tpu.memref_slice %arg4[%arg0, %dma_start3A_1538, %dma_start3A_1539] : memref<2x10000x64xf32, #tpu.memory_space<hbm>> -> memref<1x10000x64xf32, #tpu.memory_space<hbm>>
      %dma_start3A_1541 = tpu.memref_squeeze %dma_start3A_1540 : memref<1x10000x64xf32, #tpu.memory_space<hbm>> -> memref<10000x64xf32, #tpu.memory_space<hbm>>
      %dma_start3A_1542 = arith.constant 0 : i32
      %dma_start3A_1543 = arith.constant 0 : i32
      %dma_start3A_1544 = tpu.memref_slice %dma_start3A_1541[%dma_start3A_1542, %dma_start3A_1543] : memref<10000x64xf32, #tpu.memory_space<hbm>> -> memref<10000x64xf32, #tpu.memory_space<hbm>>
      tpu.enqueue_indirect_dma source(%dma_start3A_1544 : memref<10000x64xf32, #tpu.memory_space<hbm>>) target(%arg14 : memref<128x64xf32, #tpu.memory_space<vmem>>) offsets(%dma_start3A_1537 : memref<128xi32, #tpu.memory_space<vmem>>) semaphore(%arg28 : memref<!tpu.dma_semaphore, #tpu.memory_space<semaphore_mem>>)
      %dma_wait3A_1545 = arith.constant 13 : i32
      %dma_wait3A_1546 = arith.constant 0 : i32
      %dma_wait3A_1547 = tpu.memref_slice %arg6[%dma_wait3A_1545, %dma_wait3A_1546] : memref<16x128xi32, #tpu.memory_space<vmem>> -> memref<1x128xi32, #tpu.memory_space<vmem>>
      %dma_wait3A_1548 = tpu.memref_squeeze %dma_wait3A_1547 : memref<1x128xi32, #tpu.memory_space<vmem>> -> memref<128xi32, #tpu.memory_space<vmem>>
      %dma_wait3A_1549 = arith.constant 0 : i32
      %dma_wait3A_1550 = arith.constant 0 : i32
      %dma_wait3A_1551 = tpu.memref_slice %arg4[%arg0, %dma_wait3A_1549, %dma_wait3A_1550] : memref<2x10000x64xf32, #tpu.memory_space<hbm>> -> memref<1x10000x64xf32, #tpu.memory_space<hbm>>
      %dma_wait3A_1552 = tpu.memref_squeeze %dma_wait3A_1551 : memref<1x10000x64xf32, #tpu.memory_space<hbm>> -> memref<10000x64xf32, #tpu.memory_space<hbm>>
      %dma_wait3A_1553 = arith.constant 0 : i32
      %dma_wait3A_1554 = arith.constant 0 : i32
      %dma_wait3A_1555 = tpu.memref_slice %dma_wait3A_1552[%dma_wait3A_1553, %dma_wait3A_1554] : memref<10000x64xf32, #tpu.memory_space<hbm>> -> memref<10000x64xf32, #tpu.memory_space<hbm>>
      tpu.wait_indirect_dma semaphore(%arg30 : memref<!tpu.dma_semaphore, #tpu.memory_space<semaphore_mem>>) src(%dma_wait3A_1555 : memref<10000x64xf32, #tpu.memory_space<hbm>>) dst(%arg16 : memref<128x64xf32, #tpu.memory_space<vmem>>)
      %get3A_1556 = arith.constant 13 : i32
      %get3A_1557 = arith.index_cast %get3A_1556 : i32 to index
      %get3A_1558 = arith.constant 0 : index
      %get3A_1559 = tpu.vector_load %arg8[%get3A_1557, %get3A_1558] {strides = array<i32>} : memref<16x128xi32, #tpu.memory_space<vmem>>, vector<1x16xi32>,
      %get3A_1560 = vector.shape_cast %get3A_1559 : vector<1x16xi32> to vector<16xi32>
      %swap3A_1561 = arith.constant 0 : index
      %swap3A_1562 = tpu.vector_load %arg10[%swap3A_1561] {strides = array<i32>} : memref<128xi32, #tpu.memory_space<vmem>>, vector<16xi32>,
      %swap3A_1563 = vector.shape_cast %swap3A_1562 : vector<16xi32> to vector<16xi32>
      %swap3A_1564 = vector.shape_cast %get3A_1560 : vector<16xi32> to vector<16xi32>
      tpu.vector_store %arg10[%swap3A_1561], %swap3A_1564 {strides = array<i32>} : memref<128xi32, #tpu.memory_space<vmem>>, vector<16xi32>,
      %get3A_1565 = arith.constant 13 : i32
      %get3A_1566 = arith.index_cast %get3A_1565 : i32 to index
      %get3A_1567 = arith.constant 16 : index
      %get3A_1568 = tpu.vector_load %arg8[%get3A_1566, %get3A_1567] {strides = array<i32>} : memref<16x128xi32, #tpu.memory_space<vmem>>, vector<1x16xi32>,
      %get3A_1569 = vector.shape_cast %get3A_1568 : vector<1x16xi32> to vector<16xi32>
      %swap3A_1570 = arith.constant 16 : index
      %swap3A_1571 = tpu.vector_load %arg10[%swap3A_1570] {strides = array<i32>} : memref<128xi32, #tpu.memory_space<vmem>>, vector<16xi32>,
      %swap3A_1572 = vector.shape_cast %swap3A_1571 : vector<16xi32> to vector<16xi32>
      %swap3A_1573 = vector.shape_cast %get3A_1569 : vector<16xi32> to vector<16xi32>
      tpu.vector_store %arg10[%swap3A_1570], %swap3A_1573 {strides = array<i32>} : memref<128xi32, #tpu.memory_space<vmem>>, vector<16xi32>,
      %get3A_1574 = arith.constant 13 : i32
      %get3A_1575 = arith.index_cast %get3A_1574 : i32 to index
      %get3A_1576 = arith.constant 32 : index
      %get3A_1577 = tpu.vector_load %arg8[%get3A_1575, %get3A_1576] {strides = array<i32>} : memref<16x128xi32, #tpu.memory_space<vmem>>, vector<1x16xi32>,
      %get3A_1578 = vector.shape_cast %get3A_1577 : vector<1x16xi32> to vector<16xi32>
      %swap3A_1579 = arith.constant 32 : index
      %swap3A_1580 = tpu.vector_load %arg10[%swap3A_1579] {strides = array<i32>} : memref<128xi32, #tpu.memory_space<vmem>>, vector<16xi32>,
      %swap3A_1581 = vector.shape_cast %swap3A_1580 : vector<16xi32> to vector<16xi32>
      %swap3A_1582 = vector.shape_cast %get3A_1578 : vector<16xi32> to vector<16xi32>
      tpu.vector_store %arg10[%swap3A_1579], %swap3A_1582 {strides = array<i32>} : memref<128xi32, #tpu.memory_space<vmem>>, vector<16xi32>,
      %get3A_1583 = arith.constant 13 : i32
      %get3A_1584 = arith.index_cast %get3A_1583 : i32 to index
      %get3A_1585 = arith.constant 48 : index
      %get3A_1586 = tpu.vector_load %arg8[%get3A_1584, %get3A_1585] {strides = array<i32>} : memref<16x128xi32, #tpu.memory_space<vmem>>, vector<1x16xi32>,
      %get3A_1587 = vector.shape_cast %get3A_1586 : vector<1x16xi32> to vector<16xi32>
      %swap3A_1588 = arith.constant 48 : index
      %swap3A_1589 = tpu.vector_load %arg10[%swap3A_1588] {strides = array<i32>} : memref<128xi32, #tpu.memory_space<vmem>>, vector<16xi32>,
      %swap3A_1590 = vector.shape_cast %swap3A_1589 : vector<16xi32> to vector<16xi32>
      %swap3A_1591 = vector.shape_cast %get3A_1587 : vector<16xi32> to vector<16xi32>
      tpu.vector_store %arg10[%swap3A_1588], %swap3A_1591 {strides = array<i32>} : memref<128xi32, #tpu.memory_space<vmem>>, vector<16xi32>,
      %get3A_1592 = arith.constant 13 : i32
      %get3A_1593 = arith.index_cast %get3A_1592 : i32 to index
      %get3A_1594 = arith.constant 64 : index
      %get3A_1595 = tpu.vector_load %arg8[%get3A_1593, %get3A_1594] {strides = array<i32>} : memref<16x128xi32, #tpu.memory_space<vmem>>, vector<1x16xi32>,
      %get3A_1596 = vector.shape_cast %get3A_1595 : vector<1x16xi32> to vector<16xi32>
      %swap3A_1597 = arith.constant 64 : index
      %swap3A_1598 = tpu.vector_load %arg10[%swap3A_1597] {strides = array<i32>} : memref<128xi32, #tpu.memory_space<vmem>>, vector<16xi32>,
      %swap3A_1599 = vector.shape_cast %swap3A_1598 : vector<16xi32> to vector<16xi32>
      %swap3A_1600 = vector.shape_cast %get3A_1596 : vector<16xi32> to vector<16xi32>
      tpu.vector_store %arg10[%swap3A_1597], %swap3A_1600 {strides = array<i32>} : memref<128xi32, #tpu.memory_space<vmem>>, vector<16xi32>,
      %get3A_1601 = arith.constant 13 : i32
      %get3A_1602 = arith.index_cast %get3A_1601 : i32 to index
      %get3A_1603 = arith.constant 80 : index
      %get3A_1604 = tpu.vector_load %arg8[%get3A_1602, %get3A_1603] {strides = array<i32>} : memref<16x128xi32, #tpu.memory_space<vmem>>, vector<1x16xi32>,
      %get3A_1605 = vector.shape_cast %get3A_1604 : vector<1x16xi32> to vector<16xi32>
      %swap3A_1606 = arith.constant 80 : index
      %swap3A_1607 = tpu.vector_load %arg10[%swap3A_1606] {strides = array<i32>} : memref<128xi32, #tpu.memory_space<vmem>>, vector<16xi32>,
      %swap3A_1608 = vector.shape_cast %swap3A_1607 : vector<16xi32> to vector<16xi32>
      %swap3A_1609 = vector.shape_cast %get3A_1605 : vector<16xi32> to vector<16xi32>
      tpu.vector_store %arg10[%swap3A_1606], %swap3A_1609 {strides = array<i32>} : memref<128xi32, #tpu.memory_space<vmem>>, vector<16xi32>,
      %get3A_1610 = arith.constant 13 : i32
      %get3A_1611 = arith.index_cast %get3A_1610 : i32 to index
      %get3A_1612 = arith.constant 96 : index
      %get3A_1613 = tpu.vector_load %arg8[%get3A_1611, %get3A_1612] {strides = array<i32>} : memref<16x128xi32, #tpu.memory_space<vmem>>, vector<1x16xi32>,
      %get3A_1614 = vector.shape_cast %get3A_1613 : vector<1x16xi32> to vector<16xi32>
      %swap3A_1615 = arith.constant 96 : index
      %swap3A_1616 = tpu.vector_load %arg10[%swap3A_1615] {strides = array<i32>} : memref<128xi32, #tpu.memory_space<vmem>>, vector<16xi32>,
      %swap3A_1617 = vector.shape_cast %swap3A_1616 : vector<16xi32> to vector<16xi32>
      %swap3A_1618 = vector.shape_cast %get3A_1614 : vector<16xi32> to vector<16xi32>
      tpu.vector_store %arg10[%swap3A_1615], %swap3A_1618 {strides = array<i32>} : memref<128xi32, #tpu.memory_space<vmem>>, vector<16xi32>,
      %get3A_1619 = arith.constant 13 : i32
      %get3A_1620 = arith.index_cast %get3A_1619 : i32 to index
      %get3A_1621 = arith.constant 112 : index
      %get3A_1622 = tpu.vector_load %arg8[%get3A_1620, %get3A_1621] {strides = array<i32>} : memref<16x128xi32, #tpu.memory_space<vmem>>, vector<1x16xi32>,
      %get3A_1623 = vector.shape_cast %get3A_1622 : vector<1x16xi32> to vector<16xi32>
      %swap3A_1624 = arith.constant 112 : index
      %swap3A_1625 = tpu.vector_load %arg10[%swap3A_1624] {strides = array<i32>} : memref<128xi32, #tpu.memory_space<vmem>>, vector<16xi32>,
      %swap3A_1626 = vector.shape_cast %swap3A_1625 : vector<16xi32> to vector<16xi32>
      %swap3A_1627 = vector.shape_cast %get3A_1623 : vector<16xi32> to vector<16xi32>
      tpu.vector_store %arg10[%swap3A_1624], %swap3A_1627 {strides = array<i32>} : memref<128xi32, #tpu.memory_space<vmem>>, vector<16xi32>,
      "tpu.region"() ({
        %run_scoped3A = tpu.sem_alloc : memref<!tpu.dma_semaphore, #tpu.memory_space<semaphore_mem>>
        %dma_start3A_3397 = arith.constant 0 : i32
        %dma_start3A_3398 = arith.constant 0 : i32
        %dma_start3A_3399 = tpu.memref_slice %arg20[%dma_start3A_3397, %dma_start3A_3398] : memref<10240x64xf32, #tpu.memory_space<vmem_shared>> -> memref<10240x64xf32, #tpu.memory_space<vmem_shared>>
        tpu.enqueue_indirect_dma source(%arg16 : memref<128x64xf32, #tpu.memory_space<vmem>>) target(%dma_start3A_3399 : memref<10240x64xf32, #tpu.memory_space<vmem_shared>>) offsets(%arg10 : memref<128xi32, #tpu.memory_space<vmem>>) semaphore(%run_scoped3A : memref<!tpu.dma_semaphore, #tpu.memory_space<semaphore_mem>>) {add = true}
        %dma_wait3A_3400 = arith.constant 0 : i32
        %dma_wait3A_3401 = arith.constant 0 : i32
        %dma_wait3A_3402 = tpu.memref_slice %arg20[%dma_wait3A_3400, %dma_wait3A_3401] : memref<10240x64xf32, #tpu.memory_space<vmem_shared>> -> memref<10240x64xf32, #tpu.memory_space<vmem_shared>>
        tpu.wait_indirect_dma semaphore(%run_scoped3A : memref<!tpu.dma_semaphore, #tpu.memory_space<semaphore_mem>>) src(%arg16 : memref<128x64xf32, #tpu.memory_space<vmem>>) dst(%dma_wait3A_3402 : memref<10240x64xf32, #tpu.memory_space<vmem_shared>>)
        tpu.yield
      }) : () -> ()
      %dma_start3A_1628 = arith.constant 4 : i32
      %dma_start3A_1629 = arith.constant 0 : i32
      %dma_start3A_1630 = tpu.memref_slice %arg7[%dma_start3A_1628, %dma_start3A_1629] : memref<16x128xi32, #tpu.memory_space<vmem>> -> memref<1x128xi32, #tpu.memory_space<vmem>>
      %dma_start3A_1631 = tpu.memref_squeeze %dma_start3A_1630 : memref<1x128xi32, #tpu.memory_space<vmem>> -> memref<128xi32, #tpu.memory_space<vmem>>
      %dma_start3A_1632 = arith.constant 0 : i32
      %dma_start3A_1633 = arith.constant 0 : i32
      %dma_start3A_1634 = tpu.memref_slice %arg4[%arg0, %dma_start3A_1632, %dma_start3A_1633] : memref<2x10000x64xf32, #tpu.memory_space<hbm>> -> memref<1x10000x64xf32, #tpu.memory_space<hbm>>
      %dma_start3A_1635 = tpu.memref_squeeze %dma_start3A_1634 : memref<1x10000x64xf32, #tpu.memory_space<hbm>> -> memref<10000x64xf32, #tpu.memory_space<hbm>>
      %dma_start3A_1636 = arith.constant 0 : i32
      %dma_start3A_1637 = arith.constant 0 : i32
      %dma_start3A_1638 = tpu.memref_slice %dma_start3A_1635[%dma_start3A_1636, %dma_start3A_1637] : memref<10000x64xf32, #tpu.memory_space<hbm>> -> memref<10000x64xf32, #tpu.memory_space<hbm>>
      tpu.enqueue_indirect_dma source(%dma_start3A_1638 : memref<10000x64xf32, #tpu.memory_space<hbm>>) target(%arg15 : memref<128x64xf32, #tpu.memory_space<vmem>>) offsets(%dma_start3A_1631 : memref<128xi32, #tpu.memory_space<vmem>>) semaphore(%arg29 : memref<!tpu.dma_semaphore, #tpu.memory_space<semaphore_mem>>)
      %dma_wait3A_1639 = arith.constant 14 : i32
      %dma_wait3A_1640 = arith.constant 0 : i32
      %dma_wait3A_1641 = tpu.memref_slice %arg6[%dma_wait3A_1639, %dma_wait3A_1640] : memref<16x128xi32, #tpu.memory_space<vmem>> -> memref<1x128xi32, #tpu.memory_space<vmem>>
      %dma_wait3A_1642 = tpu.memref_squeeze %dma_wait3A_1641 : memref<1x128xi32, #tpu.memory_space<vmem>> -> memref<128xi32, #tpu.memory_space<vmem>>
      %dma_wait3A_1643 = arith.constant 0 : i32
      %dma_wait3A_1644 = arith.constant 0 : i32
      %dma_wait3A_1645 = tpu.memref_slice %arg4[%arg0, %dma_wait3A_1643, %dma_wait3A_1644] : memref<2x10000x64xf32, #tpu.memory_space<hbm>> -> memref<1x10000x64xf32, #tpu.memory_space<hbm>>
      %dma_wait3A_1646 = tpu.memref_squeeze %dma_wait3A_1645 : memref<1x10000x64xf32, #tpu.memory_space<hbm>> -> memref<10000x64xf32, #tpu.memory_space<hbm>>
      %dma_wait3A_1647 = arith.constant 0 : i32
      %dma_wait3A_1648 = arith.constant 0 : i32
      %dma_wait3A_1649 = tpu.memref_slice %dma_wait3A_1646[%dma_wait3A_1647, %dma_wait3A_1648] : memref<10000x64xf32, #tpu.memory_space<hbm>> -> memref<10000x64xf32, #tpu.memory_space<hbm>>
      tpu.wait_indirect_dma semaphore(%arg31 : memref<!tpu.dma_semaphore, #tpu.memory_space<semaphore_mem>>) src(%dma_wait3A_1649 : memref<10000x64xf32, #tpu.memory_space<hbm>>) dst(%arg17 : memref<128x64xf32, #tpu.memory_space<vmem>>)
      %get3A_1650 = arith.constant 14 : i32
      %get3A_1651 = arith.index_cast %get3A_1650 : i32 to index
      %get3A_1652 = arith.constant 0 : index
      %get3A_1653 = tpu.vector_load %arg8[%get3A_1651, %get3A_1652] {strides = array<i32>} : memref<16x128xi32, #tpu.memory_space<vmem>>, vector<1x16xi32>,
      %get3A_1654 = vector.shape_cast %get3A_1653 : vector<1x16xi32> to vector<16xi32>
      %swap3A_1655 = arith.constant 0 : index
      %swap3A_1656 = tpu.vector_load %arg10[%swap3A_1655] {strides = array<i32>} : memref<128xi32, #tpu.memory_space<vmem>>, vector<16xi32>,
      %swap3A_1657 = vector.shape_cast %swap3A_1656 : vector<16xi32> to vector<16xi32>
      %swap3A_1658 = vector.shape_cast %get3A_1654 : vector<16xi32> to vector<16xi32>
      tpu.vector_store %arg10[%swap3A_1655], %swap3A_1658 {strides = array<i32>} : memref<128xi32, #tpu.memory_space<vmem>>, vector<16xi32>,
      %get3A_1659 = arith.constant 14 : i32
      %get3A_1660 = arith.index_cast %get3A_1659 : i32 to index
      %get3A_1661 = arith.constant 16 : index
      %get3A_1662 = tpu.vector_load %arg8[%get3A_1660, %get3A_1661] {strides = array<i32>} : memref<16x128xi32, #tpu.memory_space<vmem>>, vector<1x16xi32>,
      %get3A_1663 = vector.shape_cast %get3A_1662 : vector<1x16xi32> to vector<16xi32>
      %swap3A_1664 = arith.constant 16 : index
      %swap3A_1665 = tpu.vector_load %arg10[%swap3A_1664] {strides = array<i32>} : memref<128xi32, #tpu.memory_space<vmem>>, vector<16xi32>,
      %swap3A_1666 = vector.shape_cast %swap3A_1665 : vector<16xi32> to vector<16xi32>
      %swap3A_1667 = vector.shape_cast %get3A_1663 : vector<16xi32> to vector<16xi32>
      tpu.vector_store %arg10[%swap3A_1664], %swap3A_1667 {strides = array<i32>} : memref<128xi32, #tpu.memory_space<vmem>>, vector<16xi32>,
      %get3A_1668 = arith.constant 14 : i32
      %get3A_1669 = arith.index_cast %get3A_1668 : i32 to index
      %get3A_1670 = arith.constant 32 : index
      %get3A_1671 = tpu.vector_load %arg8[%get3A_1669, %get3A_1670] {strides = array<i32>} : memref<16x128xi32, #tpu.memory_space<vmem>>, vector<1x16xi32>,
      %get3A_1672 = vector.shape_cast %get3A_1671 : vector<1x16xi32> to vector<16xi32>
      %swap3A_1673 = arith.constant 32 : index
      %swap3A_1674 = tpu.vector_load %arg10[%swap3A_1673] {strides = array<i32>} : memref<128xi32, #tpu.memory_space<vmem>>, vector<16xi32>,
      %swap3A_1675 = vector.shape_cast %swap3A_1674 : vector<16xi32> to vector<16xi32>
      %swap3A_1676 = vector.shape_cast %get3A_1672 : vector<16xi32> to vector<16xi32>
      tpu.vector_store %arg10[%swap3A_1673], %swap3A_1676 {strides = array<i32>} : memref<128xi32, #tpu.memory_space<vmem>>, vector<16xi32>,
      %get3A_1677 = arith.constant 14 : i32
      %get3A_1678 = arith.index_cast %get3A_1677 : i32 to index
      %get3A_1679 = arith.constant 48 : index
      %get3A_1680 = tpu.vector_load %arg8[%get3A_1678, %get3A_1679] {strides = array<i32>} : memref<16x128xi32, #tpu.memory_space<vmem>>, vector<1x16xi32>,
      %get3A_1681 = vector.shape_cast %get3A_1680 : vector<1x16xi32> to vector<16xi32>
      %swap3A_1682 = arith.constant 48 : index
      %swap3A_1683 = tpu.vector_load %arg10[%swap3A_1682] {strides = array<i32>} : memref<128xi32, #tpu.memory_space<vmem>>, vector<16xi32>,
      %swap3A_1684 = vector.shape_cast %swap3A_1683 : vector<16xi32> to vector<16xi32>
      %swap3A_1685 = vector.shape_cast %get3A_1681 : vector<16xi32> to vector<16xi32>
      tpu.vector_store %arg10[%swap3A_1682], %swap3A_1685 {strides = array<i32>} : memref<128xi32, #tpu.memory_space<vmem>>, vector<16xi32>,
      %get3A_1686 = arith.constant 14 : i32
      %get3A_1687 = arith.index_cast %get3A_1686 : i32 to index
      %get3A_1688 = arith.constant 64 : index
      %get3A_1689 = tpu.vector_load %arg8[%get3A_1687, %get3A_1688] {strides = array<i32>} : memref<16x128xi32, #tpu.memory_space<vmem>>, vector<1x16xi32>,
      %get3A_1690 = vector.shape_cast %get3A_1689 : vector<1x16xi32> to vector<16xi32>
      %swap3A_1691 = arith.constant 64 : index
      %swap3A_1692 = tpu.vector_load %arg10[%swap3A_1691] {strides = array<i32>} : memref<128xi32, #tpu.memory_space<vmem>>, vector<16xi32>,
      %swap3A_1693 = vector.shape_cast %swap3A_1692 : vector<16xi32> to vector<16xi32>
      %swap3A_1694 = vector.shape_cast %get3A_1690 : vector<16xi32> to vector<16xi32>
      tpu.vector_store %arg10[%swap3A_1691], %swap3A_1694 {strides = array<i32>} : memref<128xi32, #tpu.memory_space<vmem>>, vector<16xi32>,
      %get3A_1695 = arith.constant 14 : i32
      %get3A_1696 = arith.index_cast %get3A_1695 : i32 to index
      %get3A_1697 = arith.constant 80 : index
      %get3A_1698 = tpu.vector_load %arg8[%get3A_1696, %get3A_1697] {strides = array<i32>} : memref<16x128xi32, #tpu.memory_space<vmem>>, vector<1x16xi32>,
      %get3A_1699 = vector.shape_cast %get3A_1698 : vector<1x16xi32> to vector<16xi32>
      %swap3A_1700 = arith.constant 80 : index
      %swap3A_1701 = tpu.vector_load %arg10[%swap3A_1700] {strides = array<i32>} : memref<128xi32, #tpu.memory_space<vmem>>, vector<16xi32>,
      %swap3A_1702 = vector.shape_cast %swap3A_1701 : vector<16xi32> to vector<16xi32>
      %swap3A_1703 = vector.shape_cast %get3A_1699 : vector<16xi32> to vector<16xi32>
      tpu.vector_store %arg10[%swap3A_1700], %swap3A_1703 {strides = array<i32>} : memref<128xi32, #tpu.memory_space<vmem>>, vector<16xi32>,
      %get3A_1704 = arith.constant 14 : i32
      %get3A_1705 = arith.index_cast %get3A_1704 : i32 to index
      %get3A_1706 = arith.constant 96 : index
      %get3A_1707 = tpu.vector_load %arg8[%get3A_1705, %get3A_1706] {strides = array<i32>} : memref<16x128xi32, #tpu.memory_space<vmem>>, vector<1x16xi32>,
      %get3A_1708 = vector.shape_cast %get3A_1707 : vector<1x16xi32> to vector<16xi32>
      %swap3A_1709 = arith.constant 96 : index
      %swap3A_1710 = tpu.vector_load %arg10[%swap3A_1709] {strides = array<i32>} : memref<128xi32, #tpu.memory_space<vmem>>, vector<16xi32>,
      %swap3A_1711 = vector.shape_cast %swap3A_1710 : vector<16xi32> to vector<16xi32>
      %swap3A_1712 = vector.shape_cast %get3A_1708 : vector<16xi32> to vector<16xi32>
      tpu.vector_store %arg10[%swap3A_1709], %swap3A_1712 {strides = array<i32>} : memref<128xi32, #tpu.memory_space<vmem>>, vector<16xi32>,
      %get3A_1713 = arith.constant 14 : i32
      %get3A_1714 = arith.index_cast %get3A_1713 : i32 to index
      %get3A_1715 = arith.constant 112 : index
      %get3A_1716 = tpu.vector_load %arg8[%get3A_1714, %get3A_1715] {strides = array<i32>} : memref<16x128xi32, #tpu.memory_space<vmem>>, vector<1x16xi32>,
      %get3A_1717 = vector.shape_cast %get3A_1716 : vector<1x16xi32> to vector<16xi32>
      %swap3A_1718 = arith.constant 112 : index
      %swap3A_1719 = tpu.vector_load %arg10[%swap3A_1718] {strides = array<i32>} : memref<128xi32, #tpu.memory_space<vmem>>, vector<16xi32>,
      %swap3A_1720 = vector.shape_cast %swap3A_1719 : vector<16xi32> to vector<16xi32>
      %swap3A_1721 = vector.shape_cast %get3A_1717 : vector<16xi32> to vector<16xi32>
      tpu.vector_store %arg10[%swap3A_1718], %swap3A_1721 {strides = array<i32>} : memref<128xi32, #tpu.memory_space<vmem>>, vector<16xi32>,
      "tpu.region"() ({
        %run_scoped3A = tpu.sem_alloc : memref<!tpu.dma_semaphore, #tpu.memory_space<semaphore_mem>>
        %dma_start3A_3397 = arith.constant 0 : i32
        %dma_start3A_3398 = arith.constant 0 : i32
        %dma_start3A_3399 = tpu.memref_slice %arg20[%dma_start3A_3397, %dma_start3A_3398] : memref<10240x64xf32, #tpu.memory_space<vmem_shared>> -> memref<10240x64xf32, #tpu.memory_space<vmem_shared>>
        tpu.enqueue_indirect_dma source(%arg17 : memref<128x64xf32, #tpu.memory_space<vmem>>) target(%dma_start3A_3399 : memref<10240x64xf32, #tpu.memory_space<vmem_shared>>) offsets(%arg10 : memref<128xi32, #tpu.memory_space<vmem>>) semaphore(%run_scoped3A : memref<!tpu.dma_semaphore, #tpu.memory_space<semaphore_mem>>) {add = true}
        %dma_wait3A_3400 = arith.constant 0 : i32
        %dma_wait3A_3401 = arith.constant 0 : i32
        %dma_wait3A_3402 = tpu.memref_slice %arg20[%dma_wait3A_3400, %dma_wait3A_3401] : memref<10240x64xf32, #tpu.memory_space<vmem_shared>> -> memref<10240x64xf32, #tpu.memory_space<vmem_shared>>
        tpu.wait_indirect_dma semaphore(%run_scoped3A : memref<!tpu.dma_semaphore, #tpu.memory_space<semaphore_mem>>) src(%arg17 : memref<128x64xf32, #tpu.memory_space<vmem>>) dst(%dma_wait3A_3402 : memref<10240x64xf32, #tpu.memory_space<vmem_shared>>)
        tpu.yield
      }) : () -> ()
      %dma_start3A_1722 = arith.constant 5 : i32
      %dma_start3A_1723 = arith.constant 0 : i32
      %dma_start3A_1724 = tpu.memref_slice %arg7[%dma_start3A_1722, %dma_start3A_1723] : memref<16x128xi32, #tpu.memory_space<vmem>> -> memref<1x128xi32, #tpu.memory_space<vmem>>
      %dma_start3A_1725 = tpu.memref_squeeze %dma_start3A_1724 : memref<1x128xi32, #tpu.memory_space<vmem>> -> memref<128xi32, #tpu.memory_space<vmem>>
      %dma_start3A_1726 = arith.constant 0 : i32
      %dma_start3A_1727 = arith.constant 0 : i32
      %dma_start3A_1728 = tpu.memref_slice %arg4[%arg0, %dma_start3A_1726, %dma_start3A_1727] : memref<2x10000x64xf32, #tpu.memory_space<hbm>> -> memref<1x10000x64xf32, #tpu.memory_space<hbm>>
      %dma_start3A_1729 = tpu.memref_squeeze %dma_start3A_1728 : memref<1x10000x64xf32, #tpu.memory_space<hbm>> -> memref<10000x64xf32, #tpu.memory_space<hbm>>
      %dma_start3A_1730 = arith.constant 0 : i32
      %dma_start3A_1731 = arith.constant 0 : i32
      %dma_start3A_1732 = tpu.memref_slice %dma_start3A_1729[%dma_start3A_1730, %dma_start3A_1731] : memref<10000x64xf32, #tpu.memory_space<hbm>> -> memref<10000x64xf32, #tpu.memory_space<hbm>>
      tpu.enqueue_indirect_dma source(%dma_start3A_1732 : memref<10000x64xf32, #tpu.memory_space<hbm>>) target(%arg16 : memref<128x64xf32, #tpu.memory_space<vmem>>) offsets(%dma_start3A_1725 : memref<128xi32, #tpu.memory_space<vmem>>) semaphore(%arg30 : memref<!tpu.dma_semaphore, #tpu.memory_space<semaphore_mem>>)
      %dma_wait3A_1733 = arith.constant 15 : i32
      %dma_wait3A_1734 = arith.constant 0 : i32
      %dma_wait3A_1735 = tpu.memref_slice %arg6[%dma_wait3A_1733, %dma_wait3A_1734] : memref<16x128xi32, #tpu.memory_space<vmem>> -> memref<1x128xi32, #tpu.memory_space<vmem>>
      %dma_wait3A_1736 = tpu.memref_squeeze %dma_wait3A_1735 : memref<1x128xi32, #tpu.memory_space<vmem>> -> memref<128xi32, #tpu.memory_space<vmem>>
      %dma_wait3A_1737 = arith.constant 0 : i32
      %dma_wait3A_1738 = arith.constant 0 : i32
      %dma_wait3A_1739 = tpu.memref_slice %arg4[%arg0, %dma_wait3A_1737, %dma_wait3A_1738] : memref<2x10000x64xf32, #tpu.memory_space<hbm>> -> memref<1x10000x64xf32, #tpu.memory_space<hbm>>
      %dma_wait3A_1740 = tpu.memref_squeeze %dma_wait3A_1739 : memref<1x10000x64xf32, #tpu.memory_space<hbm>> -> memref<10000x64xf32, #tpu.memory_space<hbm>>
      %dma_wait3A_1741 = arith.constant 0 : i32
      %dma_wait3A_1742 = arith.constant 0 : i32
      %dma_wait3A_1743 = tpu.memref_slice %dma_wait3A_1740[%dma_wait3A_1741, %dma_wait3A_1742] : memref<10000x64xf32, #tpu.memory_space<hbm>> -> memref<10000x64xf32, #tpu.memory_space<hbm>>
      tpu.wait_indirect_dma semaphore(%arg32 : memref<!tpu.dma_semaphore, #tpu.memory_space<semaphore_mem>>) src(%dma_wait3A_1743 : memref<10000x64xf32, #tpu.memory_space<hbm>>) dst(%arg18 : memref<128x64xf32, #tpu.memory_space<vmem>>)
      %get3A_1744 = arith.constant 15 : i32
      %get3A_1745 = arith.index_cast %get3A_1744 : i32 to index
      %get3A_1746 = arith.constant 0 : index
      %get3A_1747 = tpu.vector_load %arg8[%get3A_1745, %get3A_1746] {strides = array<i32>} : memref<16x128xi32, #tpu.memory_space<vmem>>, vector<1x16xi32>,
      %get3A_1748 = vector.shape_cast %get3A_1747 : vector<1x16xi32> to vector<16xi32>
      %swap3A_1749 = arith.constant 0 : index
      %swap3A_1750 = tpu.vector_load %arg10[%swap3A_1749] {strides = array<i32>} : memref<128xi32, #tpu.memory_space<vmem>>, vector<16xi32>,
      %swap3A_1751 = vector.shape_cast %swap3A_1750 : vector<16xi32> to vector<16xi32>
      %swap3A_1752 = vector.shape_cast %get3A_1748 : vector<16xi32> to vector<16xi32>
      tpu.vector_store %arg10[%swap3A_1749], %swap3A_1752 {strides = array<i32>} : memref<128xi32, #tpu.memory_space<vmem>>, vector<16xi32>,
      %get3A_1753 = arith.constant 15 : i32
      %get3A_1754 = arith.index_cast %get3A_1753 : i32 to index
      %get3A_1755 = arith.constant 16 : index
      %get3A_1756 = tpu.vector_load %arg8[%get3A_1754, %get3A_1755] {strides = array<i32>} : memref<16x128xi32, #tpu.memory_space<vmem>>, vector<1x16xi32>,
      %get3A_1757 = vector.shape_cast %get3A_1756 : vector<1x16xi32> to vector<16xi32>
      %swap3A_1758 = arith.constant 16 : index
      %swap3A_1759 = tpu.vector_load %arg10[%swap3A_1758] {strides = array<i32>} : memref<128xi32, #tpu.memory_space<vmem>>, vector<16xi32>,
      %swap3A_1760 = vector.shape_cast %swap3A_1759 : vector<16xi32> to vector<16xi32>
      %swap3A_1761 = vector.shape_cast %get3A_1757 : vector<16xi32> to vector<16xi32>
      tpu.vector_store %arg10[%swap3A_1758], %swap3A_1761 {strides = array<i32>} : memref<128xi32, #tpu.memory_space<vmem>>, vector<16xi32>,
      %get3A_1762 = arith.constant 15 : i32
      %get3A_1763 = arith.index_cast %get3A_1762 : i32 to index
      %get3A_1764 = arith.constant 32 : index
      %get3A_1765 = tpu.vector_load %arg8[%get3A_1763, %get3A_1764] {strides = array<i32>} : memref<16x128xi32, #tpu.memory_space<vmem>>, vector<1x16xi32>,
      %get3A_1766 = vector.shape_cast %get3A_1765 : vector<1x16xi32> to vector<16xi32>
      %swap3A_1767 = arith.constant 32 : index
      %swap3A_1768 = tpu.vector_load %arg10[%swap3A_1767] {strides = array<i32>} : memref<128xi32, #tpu.memory_space<vmem>>, vector<16xi32>,
      %swap3A_1769 = vector.shape_cast %swap3A_1768 : vector<16xi32> to vector<16xi32>
      %swap3A_1770 = vector.shape_cast %get3A_1766 : vector<16xi32> to vector<16xi32>
      tpu.vector_store %arg10[%swap3A_1767], %swap3A_1770 {strides = array<i32>} : memref<128xi32, #tpu.memory_space<vmem>>, vector<16xi32>,
      %get3A_1771 = arith.constant 15 : i32
      %get3A_1772 = arith.index_cast %get3A_1771 : i32 to index
      %get3A_1773 = arith.constant 48 : index
      %get3A_1774 = tpu.vector_load %arg8[%get3A_1772, %get3A_1773] {strides = array<i32>} : memref<16x128xi32, #tpu.memory_space<vmem>>, vector<1x16xi32>,
      %get3A_1775 = vector.shape_cast %get3A_1774 : vector<1x16xi32> to vector<16xi32>
      %swap3A_1776 = arith.constant 48 : index
      %swap3A_1777 = tpu.vector_load %arg10[%swap3A_1776] {strides = array<i32>} : memref<128xi32, #tpu.memory_space<vmem>>, vector<16xi32>,
      %swap3A_1778 = vector.shape_cast %swap3A_1777 : vector<16xi32> to vector<16xi32>
      %swap3A_1779 = vector.shape_cast %get3A_1775 : vector<16xi32> to vector<16xi32>
      tpu.vector_store %arg10[%swap3A_1776], %swap3A_1779 {strides = array<i32>} : memref<128xi32, #tpu.memory_space<vmem>>, vector<16xi32>,
      %get3A_1780 = arith.constant 15 : i32
      %get3A_1781 = arith.index_cast %get3A_1780 : i32 to index
      %get3A_1782 = arith.constant 64 : index
      %get3A_1783 = tpu.vector_load %arg8[%get3A_1781, %get3A_1782] {strides = array<i32>} : memref<16x128xi32, #tpu.memory_space<vmem>>, vector<1x16xi32>,
      %get3A_1784 = vector.shape_cast %get3A_1783 : vector<1x16xi32> to vector<16xi32>
      %swap3A_1785 = arith.constant 64 : index
      %swap3A_1786 = tpu.vector_load %arg10[%swap3A_1785] {strides = array<i32>} : memref<128xi32, #tpu.memory_space<vmem>>, vector<16xi32>,
      %swap3A_1787 = vector.shape_cast %swap3A_1786 : vector<16xi32> to vector<16xi32>
      %swap3A_1788 = vector.shape_cast %get3A_1784 : vector<16xi32> to vector<16xi32>
      tpu.vector_store %arg10[%swap3A_1785], %swap3A_1788 {strides = array<i32>} : memref<128xi32, #tpu.memory_space<vmem>>, vector<16xi32>,
      %get3A_1789 = arith.constant 15 : i32
      %get3A_1790 = arith.index_cast %get3A_1789 : i32 to index
      %get3A_1791 = arith.constant 80 : index
      %get3A_1792 = tpu.vector_load %arg8[%get3A_1790, %get3A_1791] {strides = array<i32>} : memref<16x128xi32, #tpu.memory_space<vmem>>, vector<1x16xi32>,
      %get3A_1793 = vector.shape_cast %get3A_1792 : vector<1x16xi32> to vector<16xi32>
      %swap3A_1794 = arith.constant 80 : index
      %swap3A_1795 = tpu.vector_load %arg10[%swap3A_1794] {strides = array<i32>} : memref<128xi32, #tpu.memory_space<vmem>>, vector<16xi32>,
      %swap3A_1796 = vector.shape_cast %swap3A_1795 : vector<16xi32> to vector<16xi32>
      %swap3A_1797 = vector.shape_cast %get3A_1793 : vector<16xi32> to vector<16xi32>
      tpu.vector_store %arg10[%swap3A_1794], %swap3A_1797 {strides = array<i32>} : memref<128xi32, #tpu.memory_space<vmem>>, vector<16xi32>,
      %get3A_1798 = arith.constant 15 : i32
      %get3A_1799 = arith.index_cast %get3A_1798 : i32 to index
      %get3A_1800 = arith.constant 96 : index
      %get3A_1801 = tpu.vector_load %arg8[%get3A_1799, %get3A_1800] {strides = array<i32>} : memref<16x128xi32, #tpu.memory_space<vmem>>, vector<1x16xi32>,
      %get3A_1802 = vector.shape_cast %get3A_1801 : vector<1x16xi32> to vector<16xi32>
      %swap3A_1803 = arith.constant 96 : index
      %swap3A_1804 = tpu.vector_load %arg10[%swap3A_1803] {strides = array<i32>} : memref<128xi32, #tpu.memory_space<vmem>>, vector<16xi32>,
      %swap3A_1805 = vector.shape_cast %swap3A_1804 : vector<16xi32> to vector<16xi32>
      %swap3A_1806 = vector.shape_cast %get3A_1802 : vector<16xi32> to vector<16xi32>
      tpu.vector_store %arg10[%swap3A_1803], %swap3A_1806 {strides = array<i32>} : memref<128xi32, #tpu.memory_space<vmem>>, vector<16xi32>,
      %get3A_1807 = arith.constant 15 : i32
      %get3A_1808 = arith.index_cast %get3A_1807 : i32 to index
      %get3A_1809 = arith.constant 112 : index
      %get3A_1810 = tpu.vector_load %arg8[%get3A_1808, %get3A_1809] {strides = array<i32>} : memref<16x128xi32, #tpu.memory_space<vmem>>, vector<1x16xi32>,
      %get3A_1811 = vector.shape_cast %get3A_1810 : vector<1x16xi32> to vector<16xi32>
      %swap3A_1812 = arith.constant 112 : index
      %swap3A_1813 = tpu.vector_load %arg10[%swap3A_1812] {strides = array<i32>} : memref<128xi32, #tpu.memory_space<vmem>>, vector<16xi32>,
      %swap3A_1814 = vector.shape_cast %swap3A_1813 : vector<16xi32> to vector<16xi32>
      %swap3A_1815 = vector.shape_cast %get3A_1811 : vector<16xi32> to vector<16xi32>
      tpu.vector_store %arg10[%swap3A_1812], %swap3A_1815 {strides = array<i32>} : memref<128xi32, #tpu.memory_space<vmem>>, vector<16xi32>,
      "tpu.region"() ({
        %run_scoped3A = tpu.sem_alloc : memref<!tpu.dma_semaphore, #tpu.memory_space<semaphore_mem>>
        %dma_start3A_3397 = arith.constant 0 : i32
        %dma_start3A_3398 = arith.constant 0 : i32
        %dma_start3A_3399 = tpu.memref_slice %arg20[%dma_start3A_3397, %dma_start3A_3398] : memref<10240x64xf32, #tpu.memory_space<vmem_shared>> -> memref<10240x64xf32, #tpu.memory_space<vmem_shared>>
        tpu.enqueue_indirect_dma source(%arg18 : memref<128x64xf32, #tpu.memory_space<vmem>>) target(%dma_start3A_3399 : memref<10240x64xf32, #tpu.memory_space<vmem_shared>>) offsets(%arg10 : memref<128xi32, #tpu.memory_space<vmem>>) semaphore(%run_scoped3A : memref<!tpu.dma_semaphore, #tpu.memory_space<semaphore_mem>>) {add = true}
        %dma_wait3A_3400 = arith.constant 0 : i32
        %dma_wait3A_3401 = arith.constant 0 : i32
        %dma_wait3A_3402 = tpu.memref_slice %arg20[%dma_wait3A_3400, %dma_wait3A_3401] : memref<10240x64xf32, #tpu.memory_space<vmem_shared>> -> memref<10240x64xf32, #tpu.memory_space<vmem_shared>>
        tpu.wait_indirect_dma semaphore(%run_scoped3A : memref<!tpu.dma_semaphore, #tpu.memory_space<semaphore_mem>>) src(%arg18 : memref<128x64xf32, #tpu.memory_space<vmem>>) dst(%dma_wait3A_3402 : memref<10240x64xf32, #tpu.memory_space<vmem_shared>>)
        tpu.yield
      }) : () -> ()
      %dma_start3A_1816 = arith.constant 6 : i32
      %dma_start3A_1817 = arith.constant 0 : i32
      %dma_start3A_1818 = tpu.memref_slice %arg7[%dma_start3A_1816, %dma_start3A_1817] : memref<16x128xi32, #tpu.memory_space<vmem>> -> memref<1x128xi32, #tpu.memory_space<vmem>>
      %dma_start3A_1819 = tpu.memref_squeeze %dma_start3A_1818 : memref<1x128xi32, #tpu.memory_space<vmem>> -> memref<128xi32, #tpu.memory_space<vmem>>
      %dma_start3A_1820 = arith.constant 0 : i32
      %dma_start3A_1821 = arith.constant 0 : i32
      %dma_start3A_1822 = tpu.memref_slice %arg4[%arg0, %dma_start3A_1820, %dma_start3A_1821] : memref<2x10000x64xf32, #tpu.memory_space<hbm>> -> memref<1x10000x64xf32, #tpu.memory_space<hbm>>
      %dma_start3A_1823 = tpu.memref_squeeze %dma_start3A_1822 : memref<1x10000x64xf32, #tpu.memory_space<hbm>> -> memref<10000x64xf32, #tpu.memory_space<hbm>>
      %dma_start3A_1824 = arith.constant 0 : i32
      %dma_start3A_1825 = arith.constant 0 : i32
      %dma_start3A_1826 = tpu.memref_slice %dma_start3A_1823[%dma_start3A_1824, %dma_start3A_1825] : memref<10000x64xf32, #tpu.memory_space<hbm>> -> memref<10000x64xf32, #tpu.memory_space<hbm>>
      tpu.enqueue_indirect_dma source(%dma_start3A_1826 : memref<10000x64xf32, #tpu.memory_space<hbm>>) target(%arg17 : memref<128x64xf32, #tpu.memory_space<vmem>>) offsets(%dma_start3A_1819 : memref<128xi32, #tpu.memory_space<vmem>>) semaphore(%arg31 : memref<!tpu.dma_semaphore, #tpu.memory_space<semaphore_mem>>)
      %add3A_1827 = arith.constant 0 : i32
      %add3A_1828 = arith.addi %add3A_302, %add3A_1827 : i32
      %add3A_1829 = arith.constant 2 : i32
      %add3A_1830 = arith.addi %add3A_1828, %add3A_1829 : i32
      %mul3A_1831 = arith.constant 16 : i32
      %mul3A_1832 = arith.muli %add3A_1830, %mul3A_1831 : i32
      %add3A_1833 = arith.addi %mul3A_83, %mul3A_1832 : i32
      %dma_start3A_1834 = arith.constant 0 : i32
      %dma_start3A_1835 = tpu.memref_slice %arg2[%add3A_1833, %dma_start3A_1834] : memref<2592x128xi32, #tpu.memory_space<hbm>> -> memref<16x128xi32, #tpu.memory_space<hbm>>
      %dma_start3A_1836 = arith.constant 0 : i32
      %dma_start3A_1837 = tpu.memref_slice %arg2[%add3A_1833, %dma_start3A_1836] : memref<2592x128xi32, #tpu.memory_space<hbm>> -> memref<16x128xi32, #tpu.memory_space<hbm>>
      tpu.enqueue_dma source(%dma_start3A_1837 : memref<16x128xi32, #tpu.memory_space<hbm>>) target(%arg6 : memref<16x128xi32, #tpu.memory_space<vmem>>) target_semaphore(%arg21 : memref<!tpu.dma_semaphore, #tpu.memory_space<semaphore_mem>>)
      %add3A_1838 = arith.constant 0 : i32
      %add3A_1839 = arith.addi %add3A_302, %add3A_1838 : i32
      %add3A_1840 = arith.constant 2 : i32
      %add3A_1841 = arith.addi %add3A_1839, %add3A_1840 : i32
      %mul3A_1842 = arith.constant 16 : i32
      %mul3A_1843 = arith.muli %add3A_1841, %mul3A_1842 : i32
      %add3A_1844 = arith.addi %mul3A_83, %mul3A_1843 : i32
      %dma_start3A_1845 = arith.constant 0 : i32
      %dma_start3A_1846 = tpu.memref_slice %arg3[%add3A_1844, %dma_start3A_1845] : memref<2592x128xi32, #tpu.memory_space<hbm>> -> memref<16x128xi32, #tpu.memory_space<hbm>>
      %dma_start3A_1847 = arith.constant 0 : i32
      %dma_start3A_1848 = tpu.memref_slice %arg3[%add3A_1844, %dma_start3A_1847] : memref<2592x128xi32, #tpu.memory_space<hbm>> -> memref<16x128xi32, #tpu.memory_space<hbm>>
      tpu.enqueue_dma source(%dma_start3A_1848 : memref<16x128xi32, #tpu.memory_space<hbm>>) target(%arg8 : memref<16x128xi32, #tpu.memory_space<vmem>>) target_semaphore(%arg23 : memref<!tpu.dma_semaphore, #tpu.memory_space<semaphore_mem>>)
      %dma_wait3A_1849 = arith.constant 0 : i32
      %dma_wait3A_1850 = arith.constant 0 : i32
      %dma_wait3A_1851 = tpu.memref_slice %arg7[%dma_wait3A_1849, %dma_wait3A_1850] : memref<16x128xi32, #tpu.memory_space<vmem>> -> memref<1x128xi32, #tpu.memory_space<vmem>>
      %dma_wait3A_1852 = tpu.memref_squeeze %dma_wait3A_1851 : memref<1x128xi32, #tpu.memory_space<vmem>> -> memref<128xi32, #tpu.memory_space<vmem>>
      %dma_wait3A_1853 = arith.constant 0 : i32
      %dma_wait3A_1854 = arith.constant 0 : i32
      %dma_wait3A_1855 = tpu.memref_slice %arg4[%arg0, %dma_wait3A_1853, %dma_wait3A_1854] : memref<2x10000x64xf32, #tpu.memory_space<hbm>> -> memref<1x10000x64xf32, #tpu.memory_space<hbm>>
      %dma_wait3A_1856 = tpu.memref_squeeze %dma_wait3A_1855 : memref<1x10000x64xf32, #tpu.memory_space<hbm>> -> memref<10000x64xf32, #tpu.memory_space<hbm>>
      %dma_wait3A_1857 = arith.constant 0 : i32
      %dma_wait3A_1858 = arith.constant 0 : i32
      %dma_wait3A_1859 = tpu.memref_slice %dma_wait3A_1856[%dma_wait3A_1857, %dma_wait3A_1858] : memref<10000x64xf32, #tpu.memory_space<hbm>> -> memref<10000x64xf32, #tpu.memory_space<hbm>>
      tpu.wait_indirect_dma semaphore(%arg25 : memref<!tpu.dma_semaphore, #tpu.memory_space<semaphore_mem>>) src(%dma_wait3A_1859 : memref<10000x64xf32, #tpu.memory_space<hbm>>) dst(%arg11 : memref<128x64xf32, #tpu.memory_space<vmem>>)
      %get3A_1860 = arith.constant 0 : i32
      %get3A_1861 = arith.index_cast %get3A_1860 : i32 to index
      %get3A_1862 = arith.constant 0 : index
      %get3A_1863 = tpu.vector_load %arg9[%get3A_1861, %get3A_1862] {strides = array<i32>} : memref<16x128xi32, #tpu.memory_space<vmem>>, vector<1x16xi32>,
      %get3A_1864 = vector.shape_cast %get3A_1863 : vector<1x16xi32> to vector<16xi32>
      %swap3A_1865 = arith.constant 0 : index
      %swap3A_1866 = tpu.vector_load %arg10[%swap3A_1865] {strides = array<i32>} : memref<128xi32, #tpu.memory_space<vmem>>, vector<16xi32>,
      %swap3A_1867 = vector.shape_cast %swap3A_1866 : vector<16xi32> to vector<16xi32>
      %swap3A_1868 = vector.shape_cast %get3A_1864 : vector<16xi32> to vector<16xi32>
      tpu.vector_store %arg10[%swap3A_1865], %swap3A_1868 {strides = array<i32>} : memref<128xi32, #tpu.memory_space<vmem>>, vector<16xi32>,
      %get3A_1869 = arith.constant 0 : i32
      %get3A_1870 = arith.index_cast %get3A_1869 : i32 to index
      %get3A_1871 = arith.constant 16 : index
      %get3A_1872 = tpu.vector_load %arg9[%get3A_1870, %get3A_1871] {strides = array<i32>} : memref<16x128xi32, #tpu.memory_space<vmem>>, vector<1x16xi32>,
      %get3A_1873 = vector.shape_cast %get3A_1872 : vector<1x16xi32> to vector<16xi32>
      %swap3A_1874 = arith.constant 16 : index
      %swap3A_1875 = tpu.vector_load %arg10[%swap3A_1874] {strides = array<i32>} : memref<128xi32, #tpu.memory_space<vmem>>, vector<16xi32>,
      %swap3A_1876 = vector.shape_cast %swap3A_1875 : vector<16xi32> to vector<16xi32>
      %swap3A_1877 = vector.shape_cast %get3A_1873 : vector<16xi32> to vector<16xi32>
      tpu.vector_store %arg10[%swap3A_1874], %swap3A_1877 {strides = array<i32>} : memref<128xi32, #tpu.memory_space<vmem>>, vector<16xi32>,
      %get3A_1878 = arith.constant 0 : i32
      %get3A_1879 = arith.index_cast %get3A_1878 : i32 to index
      %get3A_1880 = arith.constant 32 : index
      %get3A_1881 = tpu.vector_load %arg9[%get3A_1879, %get3A_1880] {strides = array<i32>} : memref<16x128xi32, #tpu.memory_space<vmem>>, vector<1x16xi32>,
      %get3A_1882 = vector.shape_cast %get3A_1881 : vector<1x16xi32> to vector<16xi32>
      %swap3A_1883 = arith.constant 32 : index
      %swap3A_1884 = tpu.vector_load %arg10[%swap3A_1883] {strides = array<i32>} : memref<128xi32, #tpu.memory_space<vmem>>, vector<16xi32>,
      %swap3A_1885 = vector.shape_cast %swap3A_1884 : vector<16xi32> to vector<16xi32>
      %swap3A_1886 = vector.shape_cast %get3A_1882 : vector<16xi32> to vector<16xi32>
      tpu.vector_store %arg10[%swap3A_1883], %swap3A_1886 {strides = array<i32>} : memref<128xi32, #tpu.memory_space<vmem>>, vector<16xi32>,
      %get3A_1887 = arith.constant 0 : i32
      %get3A_1888 = arith.index_cast %get3A_1887 : i32 to index
      %get3A_1889 = arith.constant 48 : index
      %get3A_1890 = tpu.vector_load %arg9[%get3A_1888, %get3A_1889] {strides = array<i32>} : memref<16x128xi32, #tpu.memory_space<vmem>>, vector<1x16xi32>,
      %get3A_1891 = vector.shape_cast %get3A_1890 : vector<1x16xi32> to vector<16xi32>
      %swap3A_1892 = arith.constant 48 : index
      %swap3A_1893 = tpu.vector_load %arg10[%swap3A_1892] {strides = array<i32>} : memref<128xi32, #tpu.memory_space<vmem>>, vector<16xi32>,
      %swap3A_1894 = vector.shape_cast %swap3A_1893 : vector<16xi32> to vector<16xi32>
      %swap3A_1895 = vector.shape_cast %get3A_1891 : vector<16xi32> to vector<16xi32>
      tpu.vector_store %arg10[%swap3A_1892], %swap3A_1895 {strides = array<i32>} : memref<128xi32, #tpu.memory_space<vmem>>, vector<16xi32>,
      %get3A_1896 = arith.constant 0 : i32
      %get3A_1897 = arith.index_cast %get3A_1896 : i32 to index
      %get3A_1898 = arith.constant 64 : index
      %get3A_1899 = tpu.vector_load %arg9[%get3A_1897, %get3A_1898] {strides = array<i32>} : memref<16x128xi32, #tpu.memory_space<vmem>>, vector<1x16xi32>,
      %get3A_1900 = vector.shape_cast %get3A_1899 : vector<1x16xi32> to vector<16xi32>
      %swap3A_1901 = arith.constant 64 : index
      %swap3A_1902 = tpu.vector_load %arg10[%swap3A_1901] {strides = array<i32>} : memref<128xi32, #tpu.memory_space<vmem>>, vector<16xi32>,
      %swap3A_1903 = vector.shape_cast %swap3A_1902 : vector<16xi32> to vector<16xi32>
      %swap3A_1904 = vector.shape_cast %get3A_1900 : vector<16xi32> to vector<16xi32>
      tpu.vector_store %arg10[%swap3A_1901], %swap3A_1904 {strides = array<i32>} : memref<128xi32, #tpu.memory_space<vmem>>, vector<16xi32>,
      %get3A_1905 = arith.constant 0 : i32
      %get3A_1906 = arith.index_cast %get3A_1905 : i32 to index
      %get3A_1907 = arith.constant 80 : index
      %get3A_1908 = tpu.vector_load %arg9[%get3A_1906, %get3A_1907] {strides = array<i32>} : memref<16x128xi32, #tpu.memory_space<vmem>>, vector<1x16xi32>,
      %get3A_1909 = vector.shape_cast %get3A_1908 : vector<1x16xi32> to vector<16xi32>
      %swap3A_1910 = arith.constant 80 : index
      %swap3A_1911 = tpu.vector_load %arg10[%swap3A_1910] {strides = array<i32>} : memref<128xi32, #tpu.memory_space<vmem>>, vector<16xi32>,
      %swap3A_1912 = vector.shape_cast %swap3A_1911 : vector<16xi32> to vector<16xi32>
      %swap3A_1913 = vector.shape_cast %get3A_1909 : vector<16xi32> to vector<16xi32>
      tpu.vector_store %arg10[%swap3A_1910], %swap3A_1913 {strides = array<i32>} : memref<128xi32, #tpu.memory_space<vmem>>, vector<16xi32>,
      %get3A_1914 = arith.constant 0 : i32
      %get3A_1915 = arith.index_cast %get3A_1914 : i32 to index
      %get3A_1916 = arith.constant 96 : index
      %get3A_1917 = tpu.vector_load %arg9[%get3A_1915, %get3A_1916] {strides = array<i32>} : memref<16x128xi32, #tpu.memory_space<vmem>>, vector<1x16xi32>,
      %get3A_1918 = vector.shape_cast %get3A_1917 : vector<1x16xi32> to vector<16xi32>
      %swap3A_1919 = arith.constant 96 : index
      %swap3A_1920 = tpu.vector_load %arg10[%swap3A_1919] {strides = array<i32>} : memref<128xi32, #tpu.memory_space<vmem>>, vector<16xi32>,
      %swap3A_1921 = vector.shape_cast %swap3A_1920 : vector<16xi32> to vector<16xi32>
      %swap3A_1922 = vector.shape_cast %get3A_1918 : vector<16xi32> to vector<16xi32>
      tpu.vector_store %arg10[%swap3A_1919], %swap3A_1922 {strides = array<i32>} : memref<128xi32, #tpu.memory_space<vmem>>, vector<16xi32>,
      %get3A_1923 = arith.constant 0 : i32
      %get3A_1924 = arith.index_cast %get3A_1923 : i32 to index
      %get3A_1925 = arith.constant 112 : index
      %get3A_1926 = tpu.vector_load %arg9[%get3A_1924, %get3A_1925] {strides = array<i32>} : memref<16x128xi32, #tpu.memory_space<vmem>>, vector<1x16xi32>,
      %get3A_1927 = vector.shape_cast %get3A_1926 : vector<1x16xi32> to vector<16xi32>
      %swap3A_1928 = arith.constant 112 : index
      %swap3A_1929 = tpu.vector_load %arg10[%swap3A_1928] {strides = array<i32>} : memref<128xi32, #tpu.memory_space<vmem>>, vector<16xi32>,
      %swap3A_1930 = vector.shape_cast %swap3A_1929 : vector<16xi32> to vector<16xi32>
      %swap3A_1931 = vector.shape_cast %get3A_1927 : vector<16xi32> to vector<16xi32>
      tpu.vector_store %arg10[%swap3A_1928], %swap3A_1931 {strides = array<i32>} : memref<128xi32, #tpu.memory_space<vmem>>, vector<16xi32>,
      "tpu.region"() ({
        %run_scoped3A = tpu.sem_alloc : memref<!tpu.dma_semaphore, #tpu.memory_space<semaphore_mem>>
        %dma_start3A_3397 = arith.constant 0 : i32
        %dma_start3A_3398 = arith.constant 0 : i32
        %dma_start3A_3399 = tpu.memref_slice %arg20[%dma_start3A_3397, %dma_start3A_3398] : memref<10240x64xf32, #tpu.memory_space<vmem_shared>> -> memref<10240x64xf32, #tpu.memory_space<vmem_shared>>
        tpu.enqueue_indirect_dma source(%arg11 : memref<128x64xf32, #tpu.memory_space<vmem>>) target(%dma_start3A_3399 : memref<10240x64xf32, #tpu.memory_space<vmem_shared>>) offsets(%arg10 : memref<128xi32, #tpu.memory_space<vmem>>) semaphore(%run_scoped3A : memref<!tpu.dma_semaphore, #tpu.memory_space<semaphore_mem>>) {add = true}
        %dma_wait3A_3400 = arith.constant 0 : i32
        %dma_wait3A_3401 = arith.constant 0 : i32
        %dma_wait3A_3402 = tpu.memref_slice %arg20[%dma_wait3A_3400, %dma_wait3A_3401] : memref<10240x64xf32, #tpu.memory_space<vmem_shared>> -> memref<10240x64xf32, #tpu.memory_space<vmem_shared>>
        tpu.wait_indirect_dma semaphore(%run_scoped3A : memref<!tpu.dma_semaphore, #tpu.memory_space<semaphore_mem>>) src(%arg11 : memref<128x64xf32, #tpu.memory_space<vmem>>) dst(%dma_wait3A_3402 : memref<10240x64xf32, #tpu.memory_space<vmem_shared>>)
        tpu.yield
      }) : () -> ()
      %dma_start3A_1932 = arith.constant 7 : i32
      %dma_start3A_1933 = arith.constant 0 : i32
      %dma_start3A_1934 = tpu.memref_slice %arg7[%dma_start3A_1932, %dma_start3A_1933] : memref<16x128xi32, #tpu.memory_space<vmem>> -> memref<1x128xi32, #tpu.memory_space<vmem>>
      %dma_start3A_1935 = tpu.memref_squeeze %dma_start3A_1934 : memref<1x128xi32, #tpu.memory_space<vmem>> -> memref<128xi32, #tpu.memory_space<vmem>>
      %dma_start3A_1936 = arith.constant 0 : i32
      %dma_start3A_1937 = arith.constant 0 : i32
      %dma_start3A_1938 = tpu.memref_slice %arg4[%arg0, %dma_start3A_1936, %dma_start3A_1937] : memref<2x10000x64xf32, #tpu.memory_space<hbm>> -> memref<1x10000x64xf32, #tpu.memory_space<hbm>>
      %dma_start3A_1939 = tpu.memref_squeeze %dma_start3A_1938 : memref<1x10000x64xf32, #tpu.memory_space<hbm>> -> memref<10000x64xf32, #tpu.memory_space<hbm>>
      %dma_start3A_1940 = arith.constant 0 : i32
      %dma_start3A_1941 = arith.constant 0 : i32
      %dma_start3A_1942 = tpu.memref_slice %dma_start3A_1939[%dma_start3A_1940, %dma_start3A_1941] : memref<10000x64xf32, #tpu.memory_space<hbm>> -> memref<10000x64xf32, #tpu.memory_space<hbm>>
      tpu.enqueue_indirect_dma source(%dma_start3A_1942 : memref<10000x64xf32, #tpu.memory_space<hbm>>) target(%arg18 : memref<128x64xf32, #tpu.memory_space<vmem>>) offsets(%dma_start3A_1935 : memref<128xi32, #tpu.memory_space<vmem>>) semaphore(%arg32 : memref<!tpu.dma_semaphore, #tpu.memory_space<semaphore_mem>>)
      %dma_wait3A_1943 = arith.constant 1 : i32
      %dma_wait3A_1944 = arith.constant 0 : i32
      %dma_wait3A_1945 = tpu.memref_slice %arg7[%dma_wait3A_1943, %dma_wait3A_1944] : memref<16x128xi32, #tpu.memory_space<vmem>> -> memref<1x128xi32, #tpu.memory_space<vmem>>
      %dma_wait3A_1946 = tpu.memref_squeeze %dma_wait3A_1945 : memref<1x128xi32, #tpu.memory_space<vmem>> -> memref<128xi32, #tpu.memory_space<vmem>>
      %dma_wait3A_1947 = arith.constant 0 : i32
      %dma_wait3A_1948 = arith.constant 0 : i32
      %dma_wait3A_1949 = tpu.memref_slice %arg4[%arg0, %dma_wait3A_1947, %dma_wait3A_1948] : memref<2x10000x64xf32, #tpu.memory_space<hbm>> -> memref<1x10000x64xf32, #tpu.memory_space<hbm>>
      %dma_wait3A_1950 = tpu.memref_squeeze %dma_wait3A_1949 : memref<1x10000x64xf32, #tpu.memory_space<hbm>> -> memref<10000x64xf32, #tpu.memory_space<hbm>>
      %dma_wait3A_1951 = arith.constant 0 : i32
      %dma_wait3A_1952 = arith.constant 0 : i32
      %dma_wait3A_1953 = tpu.memref_slice %dma_wait3A_1950[%dma_wait3A_1951, %dma_wait3A_1952] : memref<10000x64xf32, #tpu.memory_space<hbm>> -> memref<10000x64xf32, #tpu.memory_space<hbm>>
      tpu.wait_indirect_dma semaphore(%arg26 : memref<!tpu.dma_semaphore, #tpu.memory_space<semaphore_mem>>) src(%dma_wait3A_1953 : memref<10000x64xf32, #tpu.memory_space<hbm>>) dst(%arg12 : memref<128x64xf32, #tpu.memory_space<vmem>>)
      %get3A_1954 = arith.constant 1 : i32
      %get3A_1955 = arith.index_cast %get3A_1954 : i32 to index
      %get3A_1956 = arith.constant 0 : index
      %get3A_1957 = tpu.vector_load %arg9[%get3A_1955, %get3A_1956] {strides = array<i32>} : memref<16x128xi32, #tpu.memory_space<vmem>>, vector<1x16xi32>,
      %get3A_1958 = vector.shape_cast %get3A_1957 : vector<1x16xi32> to vector<16xi32>
      %swap3A_1959 = arith.constant 0 : index
      %swap3A_1960 = tpu.vector_load %arg10[%swap3A_1959] {strides = array<i32>} : memref<128xi32, #tpu.memory_space<vmem>>, vector<16xi32>,
      %swap3A_1961 = vector.shape_cast %swap3A_1960 : vector<16xi32> to vector<16xi32>
      %swap3A_1962 = vector.shape_cast %get3A_1958 : vector<16xi32> to vector<16xi32>
      tpu.vector_store %arg10[%swap3A_1959], %swap3A_1962 {strides = array<i32>} : memref<128xi32, #tpu.memory_space<vmem>>, vector<16xi32>,
      %get3A_1963 = arith.constant 1 : i32
      %get3A_1964 = arith.index_cast %get3A_1963 : i32 to index
      %get3A_1965 = arith.constant 16 : index
      %get3A_1966 = tpu.vector_load %arg9[%get3A_1964, %get3A_1965] {strides = array<i32>} : memref<16x128xi32, #tpu.memory_space<vmem>>, vector<1x16xi32>,
      %get3A_1967 = vector.shape_cast %get3A_1966 : vector<1x16xi32> to vector<16xi32>
      %swap3A_1968 = arith.constant 16 : index
      %swap3A_1969 = tpu.vector_load %arg10[%swap3A_1968] {strides = array<i32>} : memref<128xi32, #tpu.memory_space<vmem>>, vector<16xi32>,
      %swap3A_1970 = vector.shape_cast %swap3A_1969 : vector<16xi32> to vector<16xi32>
      %swap3A_1971 = vector.shape_cast %get3A_1967 : vector<16xi32> to vector<16xi32>
      tpu.vector_store %arg10[%swap3A_1968], %swap3A_1971 {strides = array<i32>} : memref<128xi32, #tpu.memory_space<vmem>>, vector<16xi32>,
      %get3A_1972 = arith.constant 1 : i32
      %get3A_1973 = arith.index_cast %get3A_1972 : i32 to index
      %get3A_1974 = arith.constant 32 : index
      %get3A_1975 = tpu.vector_load %arg9[%get3A_1973, %get3A_1974] {strides = array<i32>} : memref<16x128xi32, #tpu.memory_space<vmem>>, vector<1x16xi32>,
      %get3A_1976 = vector.shape_cast %get3A_1975 : vector<1x16xi32> to vector<16xi32>
      %swap3A_1977 = arith.constant 32 : index
      %swap3A_1978 = tpu.vector_load %arg10[%swap3A_1977] {strides = array<i32>} : memref<128xi32, #tpu.memory_space<vmem>>, vector<16xi32>,
      %swap3A_1979 = vector.shape_cast %swap3A_1978 : vector<16xi32> to vector<16xi32>
      %swap3A_1980 = vector.shape_cast %get3A_1976 : vector<16xi32> to vector<16xi32>
      tpu.vector_store %arg10[%swap3A_1977], %swap3A_1980 {strides = array<i32>} : memref<128xi32, #tpu.memory_space<vmem>>, vector<16xi32>,
      %get3A_1981 = arith.constant 1 : i32
      %get3A_1982 = arith.index_cast %get3A_1981 : i32 to index
      %get3A_1983 = arith.constant 48 : index
      %get3A_1984 = tpu.vector_load %arg9[%get3A_1982, %get3A_1983] {strides = array<i32>} : memref<16x128xi32, #tpu.memory_space<vmem>>, vector<1x16xi32>,
      %get3A_1985 = vector.shape_cast %get3A_1984 : vector<1x16xi32> to vector<16xi32>
      %swap3A_1986 = arith.constant 48 : index
      %swap3A_1987 = tpu.vector_load %arg10[%swap3A_1986] {strides = array<i32>} : memref<128xi32, #tpu.memory_space<vmem>>, vector<16xi32>,
      %swap3A_1988 = vector.shape_cast %swap3A_1987 : vector<16xi32> to vector<16xi32>
      %swap3A_1989 = vector.shape_cast %get3A_1985 : vector<16xi32> to vector<16xi32>
      tpu.vector_store %arg10[%swap3A_1986], %swap3A_1989 {strides = array<i32>} : memref<128xi32, #tpu.memory_space<vmem>>, vector<16xi32>,
      %get3A_1990 = arith.constant 1 : i32
      %get3A_1991 = arith.index_cast %get3A_1990 : i32 to index
      %get3A_1992 = arith.constant 64 : index
      %get3A_1993 = tpu.vector_load %arg9[%get3A_1991, %get3A_1992] {strides = array<i32>} : memref<16x128xi32, #tpu.memory_space<vmem>>, vector<1x16xi32>,
      %get3A_1994 = vector.shape_cast %get3A_1993 : vector<1x16xi32> to vector<16xi32>
      %swap3A_1995 = arith.constant 64 : index
      %swap3A_1996 = tpu.vector_load %arg10[%swap3A_1995] {strides = array<i32>} : memref<128xi32, #tpu.memory_space<vmem>>, vector<16xi32>,
      %swap3A_1997 = vector.shape_cast %swap3A_1996 : vector<16xi32> to vector<16xi32>
      %swap3A_1998 = vector.shape_cast %get3A_1994 : vector<16xi32> to vector<16xi32>
      tpu.vector_store %arg10[%swap3A_1995], %swap3A_1998 {strides = array<i32>} : memref<128xi32, #tpu.memory_space<vmem>>, vector<16xi32>,
      %get3A_1999 = arith.constant 1 : i32
      %get3A_2000 = arith.index_cast %get3A_1999 : i32 to index
      %get3A_2001 = arith.constant 80 : index
      %get3A_2002 = tpu.vector_load %arg9[%get3A_2000, %get3A_2001] {strides = array<i32>} : memref<16x128xi32, #tpu.memory_space<vmem>>, vector<1x16xi32>,
      %get3A_2003 = vector.shape_cast %get3A_2002 : vector<1x16xi32> to vector<16xi32>
      %swap3A_2004 = arith.constant 80 : index
      %swap3A_2005 = tpu.vector_load %arg10[%swap3A_2004] {strides = array<i32>} : memref<128xi32, #tpu.memory_space<vmem>>, vector<16xi32>,
      %swap3A_2006 = vector.shape_cast %swap3A_2005 : vector<16xi32> to vector<16xi32>
      %swap3A_2007 = vector.shape_cast %get3A_2003 : vector<16xi32> to vector<16xi32>
      tpu.vector_store %arg10[%swap3A_2004], %swap3A_2007 {strides = array<i32>} : memref<128xi32, #tpu.memory_space<vmem>>, vector<16xi32>,
      %get3A_2008 = arith.constant 1 : i32
      %get3A_2009 = arith.index_cast %get3A_2008 : i32 to index
      %get3A_2010 = arith.constant 96 : index
      %get3A_2011 = tpu.vector_load %arg9[%get3A_2009, %get3A_2010] {strides = array<i32>} : memref<16x128xi32, #tpu.memory_space<vmem>>, vector<1x16xi32>,
      %get3A_2012 = vector.shape_cast %get3A_2011 : vector<1x16xi32> to vector<16xi32>
      %swap3A_2013 = arith.constant 96 : index
      %swap3A_2014 = tpu.vector_load %arg10[%swap3A_2013] {strides = array<i32>} : memref<128xi32, #tpu.memory_space<vmem>>, vector<16xi32>,
      %swap3A_2015 = vector.shape_cast %swap3A_2014 : vector<16xi32> to vector<16xi32>
      %swap3A_2016 = vector.shape_cast %get3A_2012 : vector<16xi32> to vector<16xi32>
      tpu.vector_store %arg10[%swap3A_2013], %swap3A_2016 {strides = array<i32>} : memref<128xi32, #tpu.memory_space<vmem>>, vector<16xi32>,
      %get3A_2017 = arith.constant 1 : i32
      %get3A_2018 = arith.index_cast %get3A_2017 : i32 to index
      %get3A_2019 = arith.constant 112 : index
      %get3A_2020 = tpu.vector_load %arg9[%get3A_2018, %get3A_2019] {strides = array<i32>} : memref<16x128xi32, #tpu.memory_space<vmem>>, vector<1x16xi32>,
      %get3A_2021 = vector.shape_cast %get3A_2020 : vector<1x16xi32> to vector<16xi32>
      %swap3A_2022 = arith.constant 112 : index
      %swap3A_2023 = tpu.vector_load %arg10[%swap3A_2022] {strides = array<i32>} : memref<128xi32, #tpu.memory_space<vmem>>, vector<16xi32>,
      %swap3A_2024 = vector.shape_cast %swap3A_2023 : vector<16xi32> to vector<16xi32>
      %swap3A_2025 = vector.shape_cast %get3A_2021 : vector<16xi32> to vector<16xi32>
      tpu.vector_store %arg10[%swap3A_2022], %swap3A_2025 {strides = array<i32>} : memref<128xi32, #tpu.memory_space<vmem>>, vector<16xi32>,
      "tpu.region"() ({
        %run_scoped3A = tpu.sem_alloc : memref<!tpu.dma_semaphore, #tpu.memory_space<semaphore_mem>>
        %dma_start3A_3397 = arith.constant 0 : i32
        %dma_start3A_3398 = arith.constant 0 : i32
        %dma_start3A_3399 = tpu.memref_slice %arg20[%dma_start3A_3397, %dma_start3A_3398] : memref<10240x64xf32, #tpu.memory_space<vmem_shared>> -> memref<10240x64xf32, #tpu.memory_space<vmem_shared>>
        tpu.enqueue_indirect_dma source(%arg12 : memref<128x64xf32, #tpu.memory_space<vmem>>) target(%dma_start3A_3399 : memref<10240x64xf32, #tpu.memory_space<vmem_shared>>) offsets(%arg10 : memref<128xi32, #tpu.memory_space<vmem>>) semaphore(%run_scoped3A : memref<!tpu.dma_semaphore, #tpu.memory_space<semaphore_mem>>) {add = true}
        %dma_wait3A_3400 = arith.constant 0 : i32
        %dma_wait3A_3401 = arith.constant 0 : i32
        %dma_wait3A_3402 = tpu.memref_slice %arg20[%dma_wait3A_3400, %dma_wait3A_3401] : memref<10240x64xf32, #tpu.memory_space<vmem_shared>> -> memref<10240x64xf32, #tpu.memory_space<vmem_shared>>
        tpu.wait_indirect_dma semaphore(%run_scoped3A : memref<!tpu.dma_semaphore, #tpu.memory_space<semaphore_mem>>) src(%arg12 : memref<128x64xf32, #tpu.memory_space<vmem>>) dst(%dma_wait3A_3402 : memref<10240x64xf32, #tpu.memory_space<vmem_shared>>)
        tpu.yield
      }) : () -> ()
      %dma_start3A_2026 = arith.constant 8 : i32
      %dma_start3A_2027 = arith.constant 0 : i32
      %dma_start3A_2028 = tpu.memref_slice %arg7[%dma_start3A_2026, %dma_start3A_2027] : memref<16x128xi32, #tpu.memory_space<vmem>> -> memref<1x128xi32, #tpu.memory_space<vmem>>
      %dma_start3A_2029 = tpu.memref_squeeze %dma_start3A_2028 : memref<1x128xi32, #tpu.memory_space<vmem>> -> memref<128xi32, #tpu.memory_space<vmem>>
      %dma_start3A_2030 = arith.constant 0 : i32
      %dma_start3A_2031 = arith.constant 0 : i32
      %dma_start3A_2032 = tpu.memref_slice %arg4[%arg0, %dma_start3A_2030, %dma_start3A_2031] : memref<2x10000x64xf32, #tpu.memory_space<hbm>> -> memref<1x10000x64xf32, #tpu.memory_space<hbm>>
      %dma_start3A_2033 = tpu.memref_squeeze %dma_start3A_2032 : memref<1x10000x64xf32, #tpu.memory_space<hbm>> -> memref<10000x64xf32, #tpu.memory_space<hbm>>
      %dma_start3A_2034 = arith.constant 0 : i32
      %dma_start3A_2035 = arith.constant 0 : i32
      %dma_start3A_2036 = tpu.memref_slice %dma_start3A_2033[%dma_start3A_2034, %dma_start3A_2035] : memref<10000x64xf32, #tpu.memory_space<hbm>> -> memref<10000x64xf32, #tpu.memory_space<hbm>>
      tpu.enqueue_indirect_dma source(%dma_start3A_2036 : memref<10000x64xf32, #tpu.memory_space<hbm>>) target(%arg11 : memref<128x64xf32, #tpu.memory_space<vmem>>) offsets(%dma_start3A_2029 : memref<128xi32, #tpu.memory_space<vmem>>) semaphore(%arg25 : memref<!tpu.dma_semaphore, #tpu.memory_space<semaphore_mem>>)
      %dma_wait3A_2037 = arith.constant 2 : i32
      %dma_wait3A_2038 = arith.constant 0 : i32
      %dma_wait3A_2039 = tpu.memref_slice %arg7[%dma_wait3A_2037, %dma_wait3A_2038] : memref<16x128xi32, #tpu.memory_space<vmem>> -> memref<1x128xi32, #tpu.memory_space<vmem>>
      %dma_wait3A_2040 = tpu.memref_squeeze %dma_wait3A_2039 : memref<1x128xi32, #tpu.memory_space<vmem>> -> memref<128xi32, #tpu.memory_space<vmem>>
      %dma_wait3A_2041 = arith.constant 0 : i32
      %dma_wait3A_2042 = arith.constant 0 : i32
      %dma_wait3A_2043 = tpu.memref_slice %arg4[%arg0, %dma_wait3A_2041, %dma_wait3A_2042] : memref<2x10000x64xf32, #tpu.memory_space<hbm>> -> memref<1x10000x64xf32, #tpu.memory_space<hbm>>
      %dma_wait3A_2044 = tpu.memref_squeeze %dma_wait3A_2043 : memref<1x10000x64xf32, #tpu.memory_space<hbm>> -> memref<10000x64xf32, #tpu.memory_space<hbm>>
      %dma_wait3A_2045 = arith.constant 0 : i32
      %dma_wait3A_2046 = arith.constant 0 : i32
      %dma_wait3A_2047 = tpu.memref_slice %dma_wait3A_2044[%dma_wait3A_2045, %dma_wait3A_2046] : memref<10000x64xf32, #tpu.memory_space<hbm>> -> memref<10000x64xf32, #tpu.memory_space<hbm>>
      tpu.wait_indirect_dma semaphore(%arg27 : memref<!tpu.dma_semaphore, #tpu.memory_space<semaphore_mem>>) src(%dma_wait3A_2047 : memref<10000x64xf32, #tpu.memory_space<hbm>>) dst(%arg13 : memref<128x64xf32, #tpu.memory_space<vmem>>)
      %get3A_2048 = arith.constant 2 : i32
      %get3A_2049 = arith.index_cast %get3A_2048 : i32 to index
      %get3A_2050 = arith.constant 0 : index
      %get3A_2051 = tpu.vector_load %arg9[%get3A_2049, %get3A_2050] {strides = array<i32>} : memref<16x128xi32, #tpu.memory_space<vmem>>, vector<1x16xi32>,
      %get3A_2052 = vector.shape_cast %get3A_2051 : vector<1x16xi32> to vector<16xi32>
      %swap3A_2053 = arith.constant 0 : index
      %swap3A_2054 = tpu.vector_load %arg10[%swap3A_2053] {strides = array<i32>} : memref<128xi32, #tpu.memory_space<vmem>>, vector<16xi32>,
      %swap3A_2055 = vector.shape_cast %swap3A_2054 : vector<16xi32> to vector<16xi32>
      %swap3A_2056 = vector.shape_cast %get3A_2052 : vector<16xi32> to vector<16xi32>
      tpu.vector_store %arg10[%swap3A_2053], %swap3A_2056 {strides = array<i32>} : memref<128xi32, #tpu.memory_space<vmem>>, vector<16xi32>,
      %get3A_2057 = arith.constant 2 : i32
      %get3A_2058 = arith.index_cast %get3A_2057 : i32 to index
      %get3A_2059 = arith.constant 16 : index
      %get3A_2060 = tpu.vector_load %arg9[%get3A_2058, %get3A_2059] {strides = array<i32>} : memref<16x128xi32, #tpu.memory_space<vmem>>, vector<1x16xi32>,
      %get3A_2061 = vector.shape_cast %get3A_2060 : vector<1x16xi32> to vector<16xi32>
      %swap3A_2062 = arith.constant 16 : index
      %swap3A_2063 = tpu.vector_load %arg10[%swap3A_2062] {strides = array<i32>} : memref<128xi32, #tpu.memory_space<vmem>>, vector<16xi32>,
      %swap3A_2064 = vector.shape_cast %swap3A_2063 : vector<16xi32> to vector<16xi32>
      %swap3A_2065 = vector.shape_cast %get3A_2061 : vector<16xi32> to vector<16xi32>
      tpu.vector_store %arg10[%swap3A_2062], %swap3A_2065 {strides = array<i32>} : memref<128xi32, #tpu.memory_space<vmem>>, vector<16xi32>,
      %get3A_2066 = arith.constant 2 : i32
      %get3A_2067 = arith.index_cast %get3A_2066 : i32 to index
      %get3A_2068 = arith.constant 32 : index
      %get3A_2069 = tpu.vector_load %arg9[%get3A_2067, %get3A_2068] {strides = array<i32>} : memref<16x128xi32, #tpu.memory_space<vmem>>, vector<1x16xi32>,
      %get3A_2070 = vector.shape_cast %get3A_2069 : vector<1x16xi32> to vector<16xi32>
      %swap3A_2071 = arith.constant 32 : index
      %swap3A_2072 = tpu.vector_load %arg10[%swap3A_2071] {strides = array<i32>} : memref<128xi32, #tpu.memory_space<vmem>>, vector<16xi32>,
      %swap3A_2073 = vector.shape_cast %swap3A_2072 : vector<16xi32> to vector<16xi32>
      %swap3A_2074 = vector.shape_cast %get3A_2070 : vector<16xi32> to vector<16xi32>
      tpu.vector_store %arg10[%swap3A_2071], %swap3A_2074 {strides = array<i32>} : memref<128xi32, #tpu.memory_space<vmem>>, vector<16xi32>,
      %get3A_2075 = arith.constant 2 : i32
      %get3A_2076 = arith.index_cast %get3A_2075 : i32 to index
      %get3A_2077 = arith.constant 48 : index
      %get3A_2078 = tpu.vector_load %arg9[%get3A_2076, %get3A_2077] {strides = array<i32>} : memref<16x128xi32, #tpu.memory_space<vmem>>, vector<1x16xi32>,
      %get3A_2079 = vector.shape_cast %get3A_2078 : vector<1x16xi32> to vector<16xi32>
      %swap3A_2080 = arith.constant 48 : index
      %swap3A_2081 = tpu.vector_load %arg10[%swap3A_2080] {strides = array<i32>} : memref<128xi32, #tpu.memory_space<vmem>>, vector<16xi32>,
      %swap3A_2082 = vector.shape_cast %swap3A_2081 : vector<16xi32> to vector<16xi32>
      %swap3A_2083 = vector.shape_cast %get3A_2079 : vector<16xi32> to vector<16xi32>
      tpu.vector_store %arg10[%swap3A_2080], %swap3A_2083 {strides = array<i32>} : memref<128xi32, #tpu.memory_space<vmem>>, vector<16xi32>,
      %get3A_2084 = arith.constant 2 : i32
      %get3A_2085 = arith.index_cast %get3A_2084 : i32 to index
      %get3A_2086 = arith.constant 64 : index
      %get3A_2087 = tpu.vector_load %arg9[%get3A_2085, %get3A_2086] {strides = array<i32>} : memref<16x128xi32, #tpu.memory_space<vmem>>, vector<1x16xi32>,
      %get3A_2088 = vector.shape_cast %get3A_2087 : vector<1x16xi32> to vector<16xi32>
      %swap3A_2089 = arith.constant 64 : index
      %swap3A_2090 = tpu.vector_load %arg10[%swap3A_2089] {strides = array<i32>} : memref<128xi32, #tpu.memory_space<vmem>>, vector<16xi32>,
      %swap3A_2091 = vector.shape_cast %swap3A_2090 : vector<16xi32> to vector<16xi32>
      %swap3A_2092 = vector.shape_cast %get3A_2088 : vector<16xi32> to vector<16xi32>
      tpu.vector_store %arg10[%swap3A_2089], %swap3A_2092 {strides = array<i32>} : memref<128xi32, #tpu.memory_space<vmem>>, vector<16xi32>,
      %get3A_2093 = arith.constant 2 : i32
      %get3A_2094 = arith.index_cast %get3A_2093 : i32 to index
      %get3A_2095 = arith.constant 80 : index
      %get3A_2096 = tpu.vector_load %arg9[%get3A_2094, %get3A_2095] {strides = array<i32>} : memref<16x128xi32, #tpu.memory_space<vmem>>, vector<1x16xi32>,
      %get3A_2097 = vector.shape_cast %get3A_2096 : vector<1x16xi32> to vector<16xi32>
      %swap3A_2098 = arith.constant 80 : index
      %swap3A_2099 = tpu.vector_load %arg10[%swap3A_2098] {strides = array<i32>} : memref<128xi32, #tpu.memory_space<vmem>>, vector<16xi32>,
      %swap3A_2100 = vector.shape_cast %swap3A_2099 : vector<16xi32> to vector<16xi32>
      %swap3A_2101 = vector.shape_cast %get3A_2097 : vector<16xi32> to vector<16xi32>
      tpu.vector_store %arg10[%swap3A_2098], %swap3A_2101 {strides = array<i32>} : memref<128xi32, #tpu.memory_space<vmem>>, vector<16xi32>,
      %get3A_2102 = arith.constant 2 : i32
      %get3A_2103 = arith.index_cast %get3A_2102 : i32 to index
      %get3A_2104 = arith.constant 96 : index
      %get3A_2105 = tpu.vector_load %arg9[%get3A_2103, %get3A_2104] {strides = array<i32>} : memref<16x128xi32, #tpu.memory_space<vmem>>, vector<1x16xi32>,
      %get3A_2106 = vector.shape_cast %get3A_2105 : vector<1x16xi32> to vector<16xi32>
      %swap3A_2107 = arith.constant 96 : index
      %swap3A_2108 = tpu.vector_load %arg10[%swap3A_2107] {strides = array<i32>} : memref<128xi32, #tpu.memory_space<vmem>>, vector<16xi32>,
      %swap3A_2109 = vector.shape_cast %swap3A_2108 : vector<16xi32> to vector<16xi32>
      %swap3A_2110 = vector.shape_cast %get3A_2106 : vector<16xi32> to vector<16xi32>
      tpu.vector_store %arg10[%swap3A_2107], %swap3A_2110 {strides = array<i32>} : memref<128xi32, #tpu.memory_space<vmem>>, vector<16xi32>,
      %get3A_2111 = arith.constant 2 : i32
      %get3A_2112 = arith.index_cast %get3A_2111 : i32 to index
      %get3A_2113 = arith.constant 112 : index
      %get3A_2114 = tpu.vector_load %arg9[%get3A_2112, %get3A_2113] {strides = array<i32>} : memref<16x128xi32, #tpu.memory_space<vmem>>, vector<1x16xi32>,
      %get3A_2115 = vector.shape_cast %get3A_2114 : vector<1x16xi32> to vector<16xi32>
      %swap3A_2116 = arith.constant 112 : index
      %swap3A_2117 = tpu.vector_load %arg10[%swap3A_2116] {strides = array<i32>} : memref<128xi32, #tpu.memory_space<vmem>>, vector<16xi32>,
      %swap3A_2118 = vector.shape_cast %swap3A_2117 : vector<16xi32> to vector<16xi32>
      %swap3A_2119 = vector.shape_cast %get3A_2115 : vector<16xi32> to vector<16xi32>
      tpu.vector_store %arg10[%swap3A_2116], %swap3A_2119 {strides = array<i32>} : memref<128xi32, #tpu.memory_space<vmem>>, vector<16xi32>,
      "tpu.region"() ({
        %run_scoped3A = tpu.sem_alloc : memref<!tpu.dma_semaphore, #tpu.memory_space<semaphore_mem>>
        %dma_start3A_3397 = arith.constant 0 : i32
        %dma_start3A_3398 = arith.constant 0 : i32
        %dma_start3A_3399 = tpu.memref_slice %arg20[%dma_start3A_3397, %dma_start3A_3398] : memref<10240x64xf32, #tpu.memory_space<vmem_shared>> -> memref<10240x64xf32, #tpu.memory_space<vmem_shared>>
        tpu.enqueue_indirect_dma source(%arg13 : memref<128x64xf32, #tpu.memory_space<vmem>>) target(%dma_start3A_3399 : memref<10240x64xf32, #tpu.memory_space<vmem_shared>>) offsets(%arg10 : memref<128xi32, #tpu.memory_space<vmem>>) semaphore(%run_scoped3A : memref<!tpu.dma_semaphore, #tpu.memory_space<semaphore_mem>>) {add = true}
        %dma_wait3A_3400 = arith.constant 0 : i32
        %dma_wait3A_3401 = arith.constant 0 : i32
        %dma_wait3A_3402 = tpu.memref_slice %arg20[%dma_wait3A_3400, %dma_wait3A_3401] : memref<10240x64xf32, #tpu.memory_space<vmem_shared>> -> memref<10240x64xf32, #tpu.memory_space<vmem_shared>>
        tpu.wait_indirect_dma semaphore(%run_scoped3A : memref<!tpu.dma_semaphore, #tpu.memory_space<semaphore_mem>>) src(%arg13 : memref<128x64xf32, #tpu.memory_space<vmem>>) dst(%dma_wait3A_3402 : memref<10240x64xf32, #tpu.memory_space<vmem_shared>>)
        tpu.yield
      }) : () -> ()
      %dma_start3A_2120 = arith.constant 9 : i32
      %dma_start3A_2121 = arith.constant 0 : i32
      %dma_start3A_2122 = tpu.memref_slice %arg7[%dma_start3A_2120, %dma_start3A_2121] : memref<16x128xi32, #tpu.memory_space<vmem>> -> memref<1x128xi32, #tpu.memory_space<vmem>>
      %dma_start3A_2123 = tpu.memref_squeeze %dma_start3A_2122 : memref<1x128xi32, #tpu.memory_space<vmem>> -> memref<128xi32, #tpu.memory_space<vmem>>
      %dma_start3A_2124 = arith.constant 0 : i32
      %dma_start3A_2125 = arith.constant 0 : i32
      %dma_start3A_2126 = tpu.memref_slice %arg4[%arg0, %dma_start3A_2124, %dma_start3A_2125] : memref<2x10000x64xf32, #tpu.memory_space<hbm>> -> memref<1x10000x64xf32, #tpu.memory_space<hbm>>
      %dma_start3A_2127 = tpu.memref_squeeze %dma_start3A_2126 : memref<1x10000x64xf32, #tpu.memory_space<hbm>> -> memref<10000x64xf32, #tpu.memory_space<hbm>>
      %dma_start3A_2128 = arith.constant 0 : i32
      %dma_start3A_2129 = arith.constant 0 : i32
      %dma_start3A_2130 = tpu.memref_slice %dma_start3A_2127[%dma_start3A_2128, %dma_start3A_2129] : memref<10000x64xf32, #tpu.memory_space<hbm>> -> memref<10000x64xf32, #tpu.memory_space<hbm>>
      tpu.enqueue_indirect_dma source(%dma_start3A_2130 : memref<10000x64xf32, #tpu.memory_space<hbm>>) target(%arg12 : memref<128x64xf32, #tpu.memory_space<vmem>>) offsets(%dma_start3A_2123 : memref<128xi32, #tpu.memory_space<vmem>>) semaphore(%arg26 : memref<!tpu.dma_semaphore, #tpu.memory_space<semaphore_mem>>)
      %dma_wait3A_2131 = arith.constant 3 : i32
      %dma_wait3A_2132 = arith.constant 0 : i32
      %dma_wait3A_2133 = tpu.memref_slice %arg7[%dma_wait3A_2131, %dma_wait3A_2132] : memref<16x128xi32, #tpu.memory_space<vmem>> -> memref<1x128xi32, #tpu.memory_space<vmem>>
      %dma_wait3A_2134 = tpu.memref_squeeze %dma_wait3A_2133 : memref<1x128xi32, #tpu.memory_space<vmem>> -> memref<128xi32, #tpu.memory_space<vmem>>
      %dma_wait3A_2135 = arith.constant 0 : i32
      %dma_wait3A_2136 = arith.constant 0 : i32
      %dma_wait3A_2137 = tpu.memref_slice %arg4[%arg0, %dma_wait3A_2135, %dma_wait3A_2136] : memref<2x10000x64xf32, #tpu.memory_space<hbm>> -> memref<1x10000x64xf32, #tpu.memory_space<hbm>>
      %dma_wait3A_2138 = tpu.memref_squeeze %dma_wait3A_2137 : memref<1x10000x64xf32, #tpu.memory_space<hbm>> -> memref<10000x64xf32, #tpu.memory_space<hbm>>
      %dma_wait3A_2139 = arith.constant 0 : i32
      %dma_wait3A_2140 = arith.constant 0 : i32
      %dma_wait3A_2141 = tpu.memref_slice %dma_wait3A_2138[%dma_wait3A_2139, %dma_wait3A_2140] : memref<10000x64xf32, #tpu.memory_space<hbm>> -> memref<10000x64xf32, #tpu.memory_space<hbm>>
      tpu.wait_indirect_dma semaphore(%arg28 : memref<!tpu.dma_semaphore, #tpu.memory_space<semaphore_mem>>) src(%dma_wait3A_2141 : memref<10000x64xf32, #tpu.memory_space<hbm>>) dst(%arg14 : memref<128x64xf32, #tpu.memory_space<vmem>>)
      %get3A_2142 = arith.constant 3 : i32
      %get3A_2143 = arith.index_cast %get3A_2142 : i32 to index
      %get3A_2144 = arith.constant 0 : index
      %get3A_2145 = tpu.vector_load %arg9[%get3A_2143, %get3A_2144] {strides = array<i32>} : memref<16x128xi32, #tpu.memory_space<vmem>>, vector<1x16xi32>,
      %get3A_2146 = vector.shape_cast %get3A_2145 : vector<1x16xi32> to vector<16xi32>
      %swap3A_2147 = arith.constant 0 : index
      %swap3A_2148 = tpu.vector_load %arg10[%swap3A_2147] {strides = array<i32>} : memref<128xi32, #tpu.memory_space<vmem>>, vector<16xi32>,
      %swap3A_2149 = vector.shape_cast %swap3A_2148 : vector<16xi32> to vector<16xi32>
      %swap3A_2150 = vector.shape_cast %get3A_2146 : vector<16xi32> to vector<16xi32>
      tpu.vector_store %arg10[%swap3A_2147], %swap3A_2150 {strides = array<i32>} : memref<128xi32, #tpu.memory_space<vmem>>, vector<16xi32>,
      %get3A_2151 = arith.constant 3 : i32
      %get3A_2152 = arith.index_cast %get3A_2151 : i32 to index
      %get3A_2153 = arith.constant 16 : index
      %get3A_2154 = tpu.vector_load %arg9[%get3A_2152, %get3A_2153] {strides = array<i32>} : memref<16x128xi32, #tpu.memory_space<vmem>>, vector<1x16xi32>,
      %get3A_2155 = vector.shape_cast %get3A_2154 : vector<1x16xi32> to vector<16xi32>
      %swap3A_2156 = arith.constant 16 : index
      %swap3A_2157 = tpu.vector_load %arg10[%swap3A_2156] {strides = array<i32>} : memref<128xi32, #tpu.memory_space<vmem>>, vector<16xi32>,
      %swap3A_2158 = vector.shape_cast %swap3A_2157 : vector<16xi32> to vector<16xi32>
      %swap3A_2159 = vector.shape_cast %get3A_2155 : vector<16xi32> to vector<16xi32>
      tpu.vector_store %arg10[%swap3A_2156], %swap3A_2159 {strides = array<i32>} : memref<128xi32, #tpu.memory_space<vmem>>, vector<16xi32>,
      %get3A_2160 = arith.constant 3 : i32
      %get3A_2161 = arith.index_cast %get3A_2160 : i32 to index
      %get3A_2162 = arith.constant 32 : index
      %get3A_2163 = tpu.vector_load %arg9[%get3A_2161, %get3A_2162] {strides = array<i32>} : memref<16x128xi32, #tpu.memory_space<vmem>>, vector<1x16xi32>,
      %get3A_2164 = vector.shape_cast %get3A_2163 : vector<1x16xi32> to vector<16xi32>
      %swap3A_2165 = arith.constant 32 : index
      %swap3A_2166 = tpu.vector_load %arg10[%swap3A_2165] {strides = array<i32>} : memref<128xi32, #tpu.memory_space<vmem>>, vector<16xi32>,
      %swap3A_2167 = vector.shape_cast %swap3A_2166 : vector<16xi32> to vector<16xi32>
      %swap3A_2168 = vector.shape_cast %get3A_2164 : vector<16xi32> to vector<16xi32>
      tpu.vector_store %arg10[%swap3A_2165], %swap3A_2168 {strides = array<i32>} : memref<128xi32, #tpu.memory_space<vmem>>, vector<16xi32>,
      %get3A_2169 = arith.constant 3 : i32
      %get3A_2170 = arith.index_cast %get3A_2169 : i32 to index
      %get3A_2171 = arith.constant 48 : index
      %get3A_2172 = tpu.vector_load %arg9[%get3A_2170, %get3A_2171] {strides = array<i32>} : memref<16x128xi32, #tpu.memory_space<vmem>>, vector<1x16xi32>,
      %get3A_2173 = vector.shape_cast %get3A_2172 : vector<1x16xi32> to vector<16xi32>
      %swap3A_2174 = arith.constant 48 : index
      %swap3A_2175 = tpu.vector_load %arg10[%swap3A_2174] {strides = array<i32>} : memref<128xi32, #tpu.memory_space<vmem>>, vector<16xi32>,
      %swap3A_2176 = vector.shape_cast %swap3A_2175 : vector<16xi32> to vector<16xi32>
      %swap3A_2177 = vector.shape_cast %get3A_2173 : vector<16xi32> to vector<16xi32>
      tpu.vector_store %arg10[%swap3A_2174], %swap3A_2177 {strides = array<i32>} : memref<128xi32, #tpu.memory_space<vmem>>, vector<16xi32>,
      %get3A_2178 = arith.constant 3 : i32
      %get3A_2179 = arith.index_cast %get3A_2178 : i32 to index
      %get3A_2180 = arith.constant 64 : index
      %get3A_2181 = tpu.vector_load %arg9[%get3A_2179, %get3A_2180] {strides = array<i32>} : memref<16x128xi32, #tpu.memory_space<vmem>>, vector<1x16xi32>,
      %get3A_2182 = vector.shape_cast %get3A_2181 : vector<1x16xi32> to vector<16xi32>
      %swap3A_2183 = arith.constant 64 : index
      %swap3A_2184 = tpu.vector_load %arg10[%swap3A_2183] {strides = array<i32>} : memref<128xi32, #tpu.memory_space<vmem>>, vector<16xi32>,
      %swap3A_2185 = vector.shape_cast %swap3A_2184 : vector<16xi32> to vector<16xi32>
      %swap3A_2186 = vector.shape_cast %get3A_2182 : vector<16xi32> to vector<16xi32>
      tpu.vector_store %arg10[%swap3A_2183], %swap3A_2186 {strides = array<i32>} : memref<128xi32, #tpu.memory_space<vmem>>, vector<16xi32>,
      %get3A_2187 = arith.constant 3 : i32
      %get3A_2188 = arith.index_cast %get3A_2187 : i32 to index
      %get3A_2189 = arith.constant 80 : index
      %get3A_2190 = tpu.vector_load %arg9[%get3A_2188, %get3A_2189] {strides = array<i32>} : memref<16x128xi32, #tpu.memory_space<vmem>>, vector<1x16xi32>,
      %get3A_2191 = vector.shape_cast %get3A_2190 : vector<1x16xi32> to vector<16xi32>
      %swap3A_2192 = arith.constant 80 : index
      %swap3A_2193 = tpu.vector_load %arg10[%swap3A_2192] {strides = array<i32>} : memref<128xi32, #tpu.memory_space<vmem>>, vector<16xi32>,
      %swap3A_2194 = vector.shape_cast %swap3A_2193 : vector<16xi32> to vector<16xi32>
      %swap3A_2195 = vector.shape_cast %get3A_2191 : vector<16xi32> to vector<16xi32>
      tpu.vector_store %arg10[%swap3A_2192], %swap3A_2195 {strides = array<i32>} : memref<128xi32, #tpu.memory_space<vmem>>, vector<16xi32>,
      %get3A_2196 = arith.constant 3 : i32
      %get3A_2197 = arith.index_cast %get3A_2196 : i32 to index
      %get3A_2198 = arith.constant 96 : index
      %get3A_2199 = tpu.vector_load %arg9[%get3A_2197, %get3A_2198] {strides = array<i32>} : memref<16x128xi32, #tpu.memory_space<vmem>>, vector<1x16xi32>,
      %get3A_2200 = vector.shape_cast %get3A_2199 : vector<1x16xi32> to vector<16xi32>
      %swap3A_2201 = arith.constant 96 : index
      %swap3A_2202 = tpu.vector_load %arg10[%swap3A_2201] {strides = array<i32>} : memref<128xi32, #tpu.memory_space<vmem>>, vector<16xi32>,
      %swap3A_2203 = vector.shape_cast %swap3A_2202 : vector<16xi32> to vector<16xi32>
      %swap3A_2204 = vector.shape_cast %get3A_2200 : vector<16xi32> to vector<16xi32>
      tpu.vector_store %arg10[%swap3A_2201], %swap3A_2204 {strides = array<i32>} : memref<128xi32, #tpu.memory_space<vmem>>, vector<16xi32>,
      %get3A_2205 = arith.constant 3 : i32
      %get3A_2206 = arith.index_cast %get3A_2205 : i32 to index
      %get3A_2207 = arith.constant 112 : index
      %get3A_2208 = tpu.vector_load %arg9[%get3A_2206, %get3A_2207] {strides = array<i32>} : memref<16x128xi32, #tpu.memory_space<vmem>>, vector<1x16xi32>,
      %get3A_2209 = vector.shape_cast %get3A_2208 : vector<1x16xi32> to vector<16xi32>
      %swap3A_2210 = arith.constant 112 : index
      %swap3A_2211 = tpu.vector_load %arg10[%swap3A_2210] {strides = array<i32>} : memref<128xi32, #tpu.memory_space<vmem>>, vector<16xi32>,
      %swap3A_2212 = vector.shape_cast %swap3A_2211 : vector<16xi32> to vector<16xi32>
      %swap3A_2213 = vector.shape_cast %get3A_2209 : vector<16xi32> to vector<16xi32>
      tpu.vector_store %arg10[%swap3A_2210], %swap3A_2213 {strides = array<i32>} : memref<128xi32, #tpu.memory_space<vmem>>, vector<16xi32>,
      "tpu.region"() ({
        %run_scoped3A = tpu.sem_alloc : memref<!tpu.dma_semaphore, #tpu.memory_space<semaphore_mem>>
        %dma_start3A_3397 = arith.constant 0 : i32
        %dma_start3A_3398 = arith.constant 0 : i32
        %dma_start3A_3399 = tpu.memref_slice %arg20[%dma_start3A_3397, %dma_start3A_3398] : memref<10240x64xf32, #tpu.memory_space<vmem_shared>> -> memref<10240x64xf32, #tpu.memory_space<vmem_shared>>
        tpu.enqueue_indirect_dma source(%arg14 : memref<128x64xf32, #tpu.memory_space<vmem>>) target(%dma_start3A_3399 : memref<10240x64xf32, #tpu.memory_space<vmem_shared>>) offsets(%arg10 : memref<128xi32, #tpu.memory_space<vmem>>) semaphore(%run_scoped3A : memref<!tpu.dma_semaphore, #tpu.memory_space<semaphore_mem>>) {add = true}
        %dma_wait3A_3400 = arith.constant 0 : i32
        %dma_wait3A_3401 = arith.constant 0 : i32
        %dma_wait3A_3402 = tpu.memref_slice %arg20[%dma_wait3A_3400, %dma_wait3A_3401] : memref<10240x64xf32, #tpu.memory_space<vmem_shared>> -> memref<10240x64xf32, #tpu.memory_space<vmem_shared>>
        tpu.wait_indirect_dma semaphore(%run_scoped3A : memref<!tpu.dma_semaphore, #tpu.memory_space<semaphore_mem>>) src(%arg14 : memref<128x64xf32, #tpu.memory_space<vmem>>) dst(%dma_wait3A_3402 : memref<10240x64xf32, #tpu.memory_space<vmem_shared>>)
        tpu.yield
      }) : () -> ()
      %dma_start3A_2214 = arith.constant 10 : i32
      %dma_start3A_2215 = arith.constant 0 : i32
      %dma_start3A_2216 = tpu.memref_slice %arg7[%dma_start3A_2214, %dma_start3A_2215] : memref<16x128xi32, #tpu.memory_space<vmem>> -> memref<1x128xi32, #tpu.memory_space<vmem>>
      %dma_start3A_2217 = tpu.memref_squeeze %dma_start3A_2216 : memref<1x128xi32, #tpu.memory_space<vmem>> -> memref<128xi32, #tpu.memory_space<vmem>>
      %dma_start3A_2218 = arith.constant 0 : i32
      %dma_start3A_2219 = arith.constant 0 : i32
      %dma_start3A_2220 = tpu.memref_slice %arg4[%arg0, %dma_start3A_2218, %dma_start3A_2219] : memref<2x10000x64xf32, #tpu.memory_space<hbm>> -> memref<1x10000x64xf32, #tpu.memory_space<hbm>>
      %dma_start3A_2221 = tpu.memref_squeeze %dma_start3A_2220 : memref<1x10000x64xf32, #tpu.memory_space<hbm>> -> memref<10000x64xf32, #tpu.memory_space<hbm>>
      %dma_start3A_2222 = arith.constant 0 : i32
      %dma_start3A_2223 = arith.constant 0 : i32
      %dma_start3A_2224 = tpu.memref_slice %dma_start3A_2221[%dma_start3A_2222, %dma_start3A_2223] : memref<10000x64xf32, #tpu.memory_space<hbm>> -> memref<10000x64xf32, #tpu.memory_space<hbm>>
      tpu.enqueue_indirect_dma source(%dma_start3A_2224 : memref<10000x64xf32, #tpu.memory_space<hbm>>) target(%arg13 : memref<128x64xf32, #tpu.memory_space<vmem>>) offsets(%dma_start3A_2217 : memref<128xi32, #tpu.memory_space<vmem>>) semaphore(%arg27 : memref<!tpu.dma_semaphore, #tpu.memory_space<semaphore_mem>>)
      %dma_wait3A_2225 = arith.constant 4 : i32
      %dma_wait3A_2226 = arith.constant 0 : i32
      %dma_wait3A_2227 = tpu.memref_slice %arg7[%dma_wait3A_2225, %dma_wait3A_2226] : memref<16x128xi32, #tpu.memory_space<vmem>> -> memref<1x128xi32, #tpu.memory_space<vmem>>
      %dma_wait3A_2228 = tpu.memref_squeeze %dma_wait3A_2227 : memref<1x128xi32, #tpu.memory_space<vmem>> -> memref<128xi32, #tpu.memory_space<vmem>>
      %dma_wait3A_2229 = arith.constant 0 : i32
      %dma_wait3A_2230 = arith.constant 0 : i32
      %dma_wait3A_2231 = tpu.memref_slice %arg4[%arg0, %dma_wait3A_2229, %dma_wait3A_2230] : memref<2x10000x64xf32, #tpu.memory_space<hbm>> -> memref<1x10000x64xf32, #tpu.memory_space<hbm>>
      %dma_wait3A_2232 = tpu.memref_squeeze %dma_wait3A_2231 : memref<1x10000x64xf32, #tpu.memory_space<hbm>> -> memref<10000x64xf32, #tpu.memory_space<hbm>>
      %dma_wait3A_2233 = arith.constant 0 : i32
      %dma_wait3A_2234 = arith.constant 0 : i32
      %dma_wait3A_2235 = tpu.memref_slice %dma_wait3A_2232[%dma_wait3A_2233, %dma_wait3A_2234] : memref<10000x64xf32, #tpu.memory_space<hbm>> -> memref<10000x64xf32, #tpu.memory_space<hbm>>
      tpu.wait_indirect_dma semaphore(%arg29 : memref<!tpu.dma_semaphore, #tpu.memory_space<semaphore_mem>>) src(%dma_wait3A_2235 : memref<10000x64xf32, #tpu.memory_space<hbm>>) dst(%arg15 : memref<128x64xf32, #tpu.memory_space<vmem>>)
      %get3A_2236 = arith.constant 4 : i32
      %get3A_2237 = arith.index_cast %get3A_2236 : i32 to index
      %get3A_2238 = arith.constant 0 : index
      %get3A_2239 = tpu.vector_load %arg9[%get3A_2237, %get3A_2238] {strides = array<i32>} : memref<16x128xi32, #tpu.memory_space<vmem>>, vector<1x16xi32>,
      %get3A_2240 = vector.shape_cast %get3A_2239 : vector<1x16xi32> to vector<16xi32>
      %swap3A_2241 = arith.constant 0 : index
      %swap3A_2242 = tpu.vector_load %arg10[%swap3A_2241] {strides = array<i32>} : memref<128xi32, #tpu.memory_space<vmem>>, vector<16xi32>,
      %swap3A_2243 = vector.shape_cast %swap3A_2242 : vector<16xi32> to vector<16xi32>
      %swap3A_2244 = vector.shape_cast %get3A_2240 : vector<16xi32> to vector<16xi32>
      tpu.vector_store %arg10[%swap3A_2241], %swap3A_2244 {strides = array<i32>} : memref<128xi32, #tpu.memory_space<vmem>>, vector<16xi32>,
      %get3A_2245 = arith.constant 4 : i32
      %get3A_2246 = arith.index_cast %get3A_2245 : i32 to index
      %get3A_2247 = arith.constant 16 : index
      %get3A_2248 = tpu.vector_load %arg9[%get3A_2246, %get3A_2247] {strides = array<i32>} : memref<16x128xi32, #tpu.memory_space<vmem>>, vector<1x16xi32>,
      %get3A_2249 = vector.shape_cast %get3A_2248 : vector<1x16xi32> to vector<16xi32>
      %swap3A_2250 = arith.constant 16 : index
      %swap3A_2251 = tpu.vector_load %arg10[%swap3A_2250] {strides = array<i32>} : memref<128xi32, #tpu.memory_space<vmem>>, vector<16xi32>,
      %swap3A_2252 = vector.shape_cast %swap3A_2251 : vector<16xi32> to vector<16xi32>
      %swap3A_2253 = vector.shape_cast %get3A_2249 : vector<16xi32> to vector<16xi32>
      tpu.vector_store %arg10[%swap3A_2250], %swap3A_2253 {strides = array<i32>} : memref<128xi32, #tpu.memory_space<vmem>>, vector<16xi32>,
      %get3A_2254 = arith.constant 4 : i32
      %get3A_2255 = arith.index_cast %get3A_2254 : i32 to index
      %get3A_2256 = arith.constant 32 : index
      %get3A_2257 = tpu.vector_load %arg9[%get3A_2255, %get3A_2256] {strides = array<i32>} : memref<16x128xi32, #tpu.memory_space<vmem>>, vector<1x16xi32>,
      %get3A_2258 = vector.shape_cast %get3A_2257 : vector<1x16xi32> to vector<16xi32>
      %swap3A_2259 = arith.constant 32 : index
      %swap3A_2260 = tpu.vector_load %arg10[%swap3A_2259] {strides = array<i32>} : memref<128xi32, #tpu.memory_space<vmem>>, vector<16xi32>,
      %swap3A_2261 = vector.shape_cast %swap3A_2260 : vector<16xi32> to vector<16xi32>
      %swap3A_2262 = vector.shape_cast %get3A_2258 : vector<16xi32> to vector<16xi32>
      tpu.vector_store %arg10[%swap3A_2259], %swap3A_2262 {strides = array<i32>} : memref<128xi32, #tpu.memory_space<vmem>>, vector<16xi32>,
      %get3A_2263 = arith.constant 4 : i32
      %get3A_2264 = arith.index_cast %get3A_2263 : i32 to index
      %get3A_2265 = arith.constant 48 : index
      %get3A_2266 = tpu.vector_load %arg9[%get3A_2264, %get3A_2265] {strides = array<i32>} : memref<16x128xi32, #tpu.memory_space<vmem>>, vector<1x16xi32>,
      %get3A_2267 = vector.shape_cast %get3A_2266 : vector<1x16xi32> to vector<16xi32>
      %swap3A_2268 = arith.constant 48 : index
      %swap3A_2269 = tpu.vector_load %arg10[%swap3A_2268] {strides = array<i32>} : memref<128xi32, #tpu.memory_space<vmem>>, vector<16xi32>,
      %swap3A_2270 = vector.shape_cast %swap3A_2269 : vector<16xi32> to vector<16xi32>
      %swap3A_2271 = vector.shape_cast %get3A_2267 : vector<16xi32> to vector<16xi32>
      tpu.vector_store %arg10[%swap3A_2268], %swap3A_2271 {strides = array<i32>} : memref<128xi32, #tpu.memory_space<vmem>>, vector<16xi32>,
      %get3A_2272 = arith.constant 4 : i32
      %get3A_2273 = arith.index_cast %get3A_2272 : i32 to index
      %get3A_2274 = arith.constant 64 : index
      %get3A_2275 = tpu.vector_load %arg9[%get3A_2273, %get3A_2274] {strides = array<i32>} : memref<16x128xi32, #tpu.memory_space<vmem>>, vector<1x16xi32>,
      %get3A_2276 = vector.shape_cast %get3A_2275 : vector<1x16xi32> to vector<16xi32>
      %swap3A_2277 = arith.constant 64 : index
      %swap3A_2278 = tpu.vector_load %arg10[%swap3A_2277] {strides = array<i32>} : memref<128xi32, #tpu.memory_space<vmem>>, vector<16xi32>,
      %swap3A_2279 = vector.shape_cast %swap3A_2278 : vector<16xi32> to vector<16xi32>
      %swap3A_2280 = vector.shape_cast %get3A_2276 : vector<16xi32> to vector<16xi32>
      tpu.vector_store %arg10[%swap3A_2277], %swap3A_2280 {strides = array<i32>} : memref<128xi32, #tpu.memory_space<vmem>>, vector<16xi32>,
      %get3A_2281 = arith.constant 4 : i32
      %get3A_2282 = arith.index_cast %get3A_2281 : i32 to index
      %get3A_2283 = arith.constant 80 : index
      %get3A_2284 = tpu.vector_load %arg9[%get3A_2282, %get3A_2283] {strides = array<i32>} : memref<16x128xi32, #tpu.memory_space<vmem>>, vector<1x16xi32>,
      %get3A_2285 = vector.shape_cast %get3A_2284 : vector<1x16xi32> to vector<16xi32>
      %swap3A_2286 = arith.constant 80 : index
      %swap3A_2287 = tpu.vector_load %arg10[%swap3A_2286] {strides = array<i32>} : memref<128xi32, #tpu.memory_space<vmem>>, vector<16xi32>,
      %swap3A_2288 = vector.shape_cast %swap3A_2287 : vector<16xi32> to vector<16xi32>
      %swap3A_2289 = vector.shape_cast %get3A_2285 : vector<16xi32> to vector<16xi32>
      tpu.vector_store %arg10[%swap3A_2286], %swap3A_2289 {strides = array<i32>} : memref<128xi32, #tpu.memory_space<vmem>>, vector<16xi32>,
      %get3A_2290 = arith.constant 4 : i32
      %get3A_2291 = arith.index_cast %get3A_2290 : i32 to index
      %get3A_2292 = arith.constant 96 : index
      %get3A_2293 = tpu.vector_load %arg9[%get3A_2291, %get3A_2292] {strides = array<i32>} : memref<16x128xi32, #tpu.memory_space<vmem>>, vector<1x16xi32>,
      %get3A_2294 = vector.shape_cast %get3A_2293 : vector<1x16xi32> to vector<16xi32>
      %swap3A_2295 = arith.constant 96 : index
      %swap3A_2296 = tpu.vector_load %arg10[%swap3A_2295] {strides = array<i32>} : memref<128xi32, #tpu.memory_space<vmem>>, vector<16xi32>,
      %swap3A_2297 = vector.shape_cast %swap3A_2296 : vector<16xi32> to vector<16xi32>
      %swap3A_2298 = vector.shape_cast %get3A_2294 : vector<16xi32> to vector<16xi32>
      tpu.vector_store %arg10[%swap3A_2295], %swap3A_2298 {strides = array<i32>} : memref<128xi32, #tpu.memory_space<vmem>>, vector<16xi32>,
      %get3A_2299 = arith.constant 4 : i32
      %get3A_2300 = arith.index_cast %get3A_2299 : i32 to index
      %get3A_2301 = arith.constant 112 : index
      %get3A_2302 = tpu.vector_load %arg9[%get3A_2300, %get3A_2301] {strides = array<i32>} : memref<16x128xi32, #tpu.memory_space<vmem>>, vector<1x16xi32>,
      %get3A_2303 = vector.shape_cast %get3A_2302 : vector<1x16xi32> to vector<16xi32>
      %swap3A_2304 = arith.constant 112 : index
      %swap3A_2305 = tpu.vector_load %arg10[%swap3A_2304] {strides = array<i32>} : memref<128xi32, #tpu.memory_space<vmem>>, vector<16xi32>,
      %swap3A_2306 = vector.shape_cast %swap3A_2305 : vector<16xi32> to vector<16xi32>
      %swap3A_2307 = vector.shape_cast %get3A_2303 : vector<16xi32> to vector<16xi32>
      tpu.vector_store %arg10[%swap3A_2304], %swap3A_2307 {strides = array<i32>} : memref<128xi32, #tpu.memory_space<vmem>>, vector<16xi32>,
      "tpu.region"() ({
        %run_scoped3A = tpu.sem_alloc : memref<!tpu.dma_semaphore, #tpu.memory_space<semaphore_mem>>
        %dma_start3A_3397 = arith.constant 0 : i32
        %dma_start3A_3398 = arith.constant 0 : i32
        %dma_start3A_3399 = tpu.memref_slice %arg20[%dma_start3A_3397, %dma_start3A_3398] : memref<10240x64xf32, #tpu.memory_space<vmem_shared>> -> memref<10240x64xf32, #tpu.memory_space<vmem_shared>>
        tpu.enqueue_indirect_dma source(%arg15 : memref<128x64xf32, #tpu.memory_space<vmem>>) target(%dma_start3A_3399 : memref<10240x64xf32, #tpu.memory_space<vmem_shared>>) offsets(%arg10 : memref<128xi32, #tpu.memory_space<vmem>>) semaphore(%run_scoped3A : memref<!tpu.dma_semaphore, #tpu.memory_space<semaphore_mem>>) {add = true}
        %dma_wait3A_3400 = arith.constant 0 : i32
        %dma_wait3A_3401 = arith.constant 0 : i32
        %dma_wait3A_3402 = tpu.memref_slice %arg20[%dma_wait3A_3400, %dma_wait3A_3401] : memref<10240x64xf32, #tpu.memory_space<vmem_shared>> -> memref<10240x64xf32, #tpu.memory_space<vmem_shared>>
        tpu.wait_indirect_dma semaphore(%run_scoped3A : memref<!tpu.dma_semaphore, #tpu.memory_space<semaphore_mem>>) src(%arg15 : memref<128x64xf32, #tpu.memory_space<vmem>>) dst(%dma_wait3A_3402 : memref<10240x64xf32, #tpu.memory_space<vmem_shared>>)
        tpu.yield
      }) : () -> ()
      %dma_start3A_2308 = arith.constant 11 : i32
      %dma_start3A_2309 = arith.constant 0 : i32
      %dma_start3A_2310 = tpu.memref_slice %arg7[%dma_start3A_2308, %dma_start3A_2309] : memref<16x128xi32, #tpu.memory_space<vmem>> -> memref<1x128xi32, #tpu.memory_space<vmem>>
      %dma_start3A_2311 = tpu.memref_squeeze %dma_start3A_2310 : memref<1x128xi32, #tpu.memory_space<vmem>> -> memref<128xi32, #tpu.memory_space<vmem>>
      %dma_start3A_2312 = arith.constant 0 : i32
      %dma_start3A_2313 = arith.constant 0 : i32
      %dma_start3A_2314 = tpu.memref_slice %arg4[%arg0, %dma_start3A_2312, %dma_start3A_2313] : memref<2x10000x64xf32, #tpu.memory_space<hbm>> -> memref<1x10000x64xf32, #tpu.memory_space<hbm>>
      %dma_start3A_2315 = tpu.memref_squeeze %dma_start3A_2314 : memref<1x10000x64xf32, #tpu.memory_space<hbm>> -> memref<10000x64xf32, #tpu.memory_space<hbm>>
      %dma_start3A_2316 = arith.constant 0 : i32
      %dma_start3A_2317 = arith.constant 0 : i32
      %dma_start3A_2318 = tpu.memref_slice %dma_start3A_2315[%dma_start3A_2316, %dma_start3A_2317] : memref<10000x64xf32, #tpu.memory_space<hbm>> -> memref<10000x64xf32, #tpu.memory_space<hbm>>
      tpu.enqueue_indirect_dma source(%dma_start3A_2318 : memref<10000x64xf32, #tpu.memory_space<hbm>>) target(%arg14 : memref<128x64xf32, #tpu.memory_space<vmem>>) offsets(%dma_start3A_2311 : memref<128xi32, #tpu.memory_space<vmem>>) semaphore(%arg28 : memref<!tpu.dma_semaphore, #tpu.memory_space<semaphore_mem>>)
      %dma_wait3A_2319 = arith.constant 5 : i32
      %dma_wait3A_2320 = arith.constant 0 : i32
      %dma_wait3A_2321 = tpu.memref_slice %arg7[%dma_wait3A_2319, %dma_wait3A_2320] : memref<16x128xi32, #tpu.memory_space<vmem>> -> memref<1x128xi32, #tpu.memory_space<vmem>>
      %dma_wait3A_2322 = tpu.memref_squeeze %dma_wait3A_2321 : memref<1x128xi32, #tpu.memory_space<vmem>> -> memref<128xi32, #tpu.memory_space<vmem>>
      %dma_wait3A_2323 = arith.constant 0 : i32
      %dma_wait3A_2324 = arith.constant 0 : i32
      %dma_wait3A_2325 = tpu.memref_slice %arg4[%arg0, %dma_wait3A_2323, %dma_wait3A_2324] : memref<2x10000x64xf32, #tpu.memory_space<hbm>> -> memref<1x10000x64xf32, #tpu.memory_space<hbm>>
      %dma_wait3A_2326 = tpu.memref_squeeze %dma_wait3A_2325 : memref<1x10000x64xf32, #tpu.memory_space<hbm>> -> memref<10000x64xf32, #tpu.memory_space<hbm>>
      %dma_wait3A_2327 = arith.constant 0 : i32
      %dma_wait3A_2328 = arith.constant 0 : i32
      %dma_wait3A_2329 = tpu.memref_slice %dma_wait3A_2326[%dma_wait3A_2327, %dma_wait3A_2328] : memref<10000x64xf32, #tpu.memory_space<hbm>> -> memref<10000x64xf32, #tpu.memory_space<hbm>>
      tpu.wait_indirect_dma semaphore(%arg30 : memref<!tpu.dma_semaphore, #tpu.memory_space<semaphore_mem>>) src(%dma_wait3A_2329 : memref<10000x64xf32, #tpu.memory_space<hbm>>) dst(%arg16 : memref<128x64xf32, #tpu.memory_space<vmem>>)
      %get3A_2330 = arith.constant 5 : i32
      %get3A_2331 = arith.index_cast %get3A_2330 : i32 to index
      %get3A_2332 = arith.constant 0 : index
      %get3A_2333 = tpu.vector_load %arg9[%get3A_2331, %get3A_2332] {strides = array<i32>} : memref<16x128xi32, #tpu.memory_space<vmem>>, vector<1x16xi32>,
      %get3A_2334 = vector.shape_cast %get3A_2333 : vector<1x16xi32> to vector<16xi32>
      %swap3A_2335 = arith.constant 0 : index
      %swap3A_2336 = tpu.vector_load %arg10[%swap3A_2335] {strides = array<i32>} : memref<128xi32, #tpu.memory_space<vmem>>, vector<16xi32>,
      %swap3A_2337 = vector.shape_cast %swap3A_2336 : vector<16xi32> to vector<16xi32>
      %swap3A_2338 = vector.shape_cast %get3A_2334 : vector<16xi32> to vector<16xi32>
      tpu.vector_store %arg10[%swap3A_2335], %swap3A_2338 {strides = array<i32>} : memref<128xi32, #tpu.memory_space<vmem>>, vector<16xi32>,
      %get3A_2339 = arith.constant 5 : i32
      %get3A_2340 = arith.index_cast %get3A_2339 : i32 to index
      %get3A_2341 = arith.constant 16 : index
      %get3A_2342 = tpu.vector_load %arg9[%get3A_2340, %get3A_2341] {strides = array<i32>} : memref<16x128xi32, #tpu.memory_space<vmem>>, vector<1x16xi32>,
      %get3A_2343 = vector.shape_cast %get3A_2342 : vector<1x16xi32> to vector<16xi32>
      %swap3A_2344 = arith.constant 16 : index
      %swap3A_2345 = tpu.vector_load %arg10[%swap3A_2344] {strides = array<i32>} : memref<128xi32, #tpu.memory_space<vmem>>, vector<16xi32>,
      %swap3A_2346 = vector.shape_cast %swap3A_2345 : vector<16xi32> to vector<16xi32>
      %swap3A_2347 = vector.shape_cast %get3A_2343 : vector<16xi32> to vector<16xi32>
      tpu.vector_store %arg10[%swap3A_2344], %swap3A_2347 {strides = array<i32>} : memref<128xi32, #tpu.memory_space<vmem>>, vector<16xi32>,
      %get3A_2348 = arith.constant 5 : i32
      %get3A_2349 = arith.index_cast %get3A_2348 : i32 to index
      %get3A_2350 = arith.constant 32 : index
      %get3A_2351 = tpu.vector_load %arg9[%get3A_2349, %get3A_2350] {strides = array<i32>} : memref<16x128xi32, #tpu.memory_space<vmem>>, vector<1x16xi32>,
      %get3A_2352 = vector.shape_cast %get3A_2351 : vector<1x16xi32> to vector<16xi32>
      %swap3A_2353 = arith.constant 32 : index
      %swap3A_2354 = tpu.vector_load %arg10[%swap3A_2353] {strides = array<i32>} : memref<128xi32, #tpu.memory_space<vmem>>, vector<16xi32>,
      %swap3A_2355 = vector.shape_cast %swap3A_2354 : vector<16xi32> to vector<16xi32>
      %swap3A_2356 = vector.shape_cast %get3A_2352 : vector<16xi32> to vector<16xi32>
      tpu.vector_store %arg10[%swap3A_2353], %swap3A_2356 {strides = array<i32>} : memref<128xi32, #tpu.memory_space<vmem>>, vector<16xi32>,
      %get3A_2357 = arith.constant 5 : i32
      %get3A_2358 = arith.index_cast %get3A_2357 : i32 to index
      %get3A_2359 = arith.constant 48 : index
      %get3A_2360 = tpu.vector_load %arg9[%get3A_2358, %get3A_2359] {strides = array<i32>} : memref<16x128xi32, #tpu.memory_space<vmem>>, vector<1x16xi32>,
      %get3A_2361 = vector.shape_cast %get3A_2360 : vector<1x16xi32> to vector<16xi32>
      %swap3A_2362 = arith.constant 48 : index
      %swap3A_2363 = tpu.vector_load %arg10[%swap3A_2362] {strides = array<i32>} : memref<128xi32, #tpu.memory_space<vmem>>, vector<16xi32>,
      %swap3A_2364 = vector.shape_cast %swap3A_2363 : vector<16xi32> to vector<16xi32>
      %swap3A_2365 = vector.shape_cast %get3A_2361 : vector<16xi32> to vector<16xi32>
      tpu.vector_store %arg10[%swap3A_2362], %swap3A_2365 {strides = array<i32>} : memref<128xi32, #tpu.memory_space<vmem>>, vector<16xi32>,
      %get3A_2366 = arith.constant 5 : i32
      %get3A_2367 = arith.index_cast %get3A_2366 : i32 to index
      %get3A_2368 = arith.constant 64 : index
      %get3A_2369 = tpu.vector_load %arg9[%get3A_2367, %get3A_2368] {strides = array<i32>} : memref<16x128xi32, #tpu.memory_space<vmem>>, vector<1x16xi32>,
      %get3A_2370 = vector.shape_cast %get3A_2369 : vector<1x16xi32> to vector<16xi32>
      %swap3A_2371 = arith.constant 64 : index
      %swap3A_2372 = tpu.vector_load %arg10[%swap3A_2371] {strides = array<i32>} : memref<128xi32, #tpu.memory_space<vmem>>, vector<16xi32>,
      %swap3A_2373 = vector.shape_cast %swap3A_2372 : vector<16xi32> to vector<16xi32>
      %swap3A_2374 = vector.shape_cast %get3A_2370 : vector<16xi32> to vector<16xi32>
      tpu.vector_store %arg10[%swap3A_2371], %swap3A_2374 {strides = array<i32>} : memref<128xi32, #tpu.memory_space<vmem>>, vector<16xi32>,
      %get3A_2375 = arith.constant 5 : i32
      %get3A_2376 = arith.index_cast %get3A_2375 : i32 to index
      %get3A_2377 = arith.constant 80 : index
      %get3A_2378 = tpu.vector_load %arg9[%get3A_2376, %get3A_2377] {strides = array<i32>} : memref<16x128xi32, #tpu.memory_space<vmem>>, vector<1x16xi32>,
      %get3A_2379 = vector.shape_cast %get3A_2378 : vector<1x16xi32> to vector<16xi32>
      %swap3A_2380 = arith.constant 80 : index
      %swap3A_2381 = tpu.vector_load %arg10[%swap3A_2380] {strides = array<i32>} : memref<128xi32, #tpu.memory_space<vmem>>, vector<16xi32>,
      %swap3A_2382 = vector.shape_cast %swap3A_2381 : vector<16xi32> to vector<16xi32>
      %swap3A_2383 = vector.shape_cast %get3A_2379 : vector<16xi32> to vector<16xi32>
      tpu.vector_store %arg10[%swap3A_2380], %swap3A_2383 {strides = array<i32>} : memref<128xi32, #tpu.memory_space<vmem>>, vector<16xi32>,
      %get3A_2384 = arith.constant 5 : i32
      %get3A_2385 = arith.index_cast %get3A_2384 : i32 to index
      %get3A_2386 = arith.constant 96 : index
      %get3A_2387 = tpu.vector_load %arg9[%get3A_2385, %get3A_2386] {strides = array<i32>} : memref<16x128xi32, #tpu.memory_space<vmem>>, vector<1x16xi32>,
      %get3A_2388 = vector.shape_cast %get3A_2387 : vector<1x16xi32> to vector<16xi32>
      %swap3A_2389 = arith.constant 96 : index
      %swap3A_2390 = tpu.vector_load %arg10[%swap3A_2389] {strides = array<i32>} : memref<128xi32, #tpu.memory_space<vmem>>, vector<16xi32>,
      %swap3A_2391 = vector.shape_cast %swap3A_2390 : vector<16xi32> to vector<16xi32>
      %swap3A_2392 = vector.shape_cast %get3A_2388 : vector<16xi32> to vector<16xi32>
      tpu.vector_store %arg10[%swap3A_2389], %swap3A_2392 {strides = array<i32>} : memref<128xi32, #tpu.memory_space<vmem>>, vector<16xi32>,
      %get3A_2393 = arith.constant 5 : i32
      %get3A_2394 = arith.index_cast %get3A_2393 : i32 to index
      %get3A_2395 = arith.constant 112 : index
      %get3A_2396 = tpu.vector_load %arg9[%get3A_2394, %get3A_2395] {strides = array<i32>} : memref<16x128xi32, #tpu.memory_space<vmem>>, vector<1x16xi32>,
      %get3A_2397 = vector.shape_cast %get3A_2396 : vector<1x16xi32> to vector<16xi32>
      %swap3A_2398 = arith.constant 112 : index
      %swap3A_2399 = tpu.vector_load %arg10[%swap3A_2398] {strides = array<i32>} : memref<128xi32, #tpu.memory_space<vmem>>, vector<16xi32>,
      %swap3A_2400 = vector.shape_cast %swap3A_2399 : vector<16xi32> to vector<16xi32>
      %swap3A_2401 = vector.shape_cast %get3A_2397 : vector<16xi32> to vector<16xi32>
      tpu.vector_store %arg10[%swap3A_2398], %swap3A_2401 {strides = array<i32>} : memref<128xi32, #tpu.memory_space<vmem>>, vector<16xi32>,
      "tpu.region"() ({
        %run_scoped3A = tpu.sem_alloc : memref<!tpu.dma_semaphore, #tpu.memory_space<semaphore_mem>>
        %dma_start3A_3397 = arith.constant 0 : i32
        %dma_start3A_3398 = arith.constant 0 : i32
        %dma_start3A_3399 = tpu.memref_slice %arg20[%dma_start3A_3397, %dma_start3A_3398] : memref<10240x64xf32, #tpu.memory_space<vmem_shared>> -> memref<10240x64xf32, #tpu.memory_space<vmem_shared>>
        tpu.enqueue_indirect_dma source(%arg16 : memref<128x64xf32, #tpu.memory_space<vmem>>) target(%dma_start3A_3399 : memref<10240x64xf32, #tpu.memory_space<vmem_shared>>) offsets(%arg10 : memref<128xi32, #tpu.memory_space<vmem>>) semaphore(%run_scoped3A : memref<!tpu.dma_semaphore, #tpu.memory_space<semaphore_mem>>) {add = true}
        %dma_wait3A_3400 = arith.constant 0 : i32
        %dma_wait3A_3401 = arith.constant 0 : i32
        %dma_wait3A_3402 = tpu.memref_slice %arg20[%dma_wait3A_3400, %dma_wait3A_3401] : memref<10240x64xf32, #tpu.memory_space<vmem_shared>> -> memref<10240x64xf32, #tpu.memory_space<vmem_shared>>
        tpu.wait_indirect_dma semaphore(%run_scoped3A : memref<!tpu.dma_semaphore, #tpu.memory_space<semaphore_mem>>) src(%arg16 : memref<128x64xf32, #tpu.memory_space<vmem>>) dst(%dma_wait3A_3402 : memref<10240x64xf32, #tpu.memory_space<vmem_shared>>)
        tpu.yield
      }) : () -> ()
      %dma_start3A_2402 = arith.constant 12 : i32
      %dma_start3A_2403 = arith.constant 0 : i32
      %dma_start3A_2404 = tpu.memref_slice %arg7[%dma_start3A_2402, %dma_start3A_2403] : memref<16x128xi32, #tpu.memory_space<vmem>> -> memref<1x128xi32, #tpu.memory_space<vmem>>
      %dma_start3A_2405 = tpu.memref_squeeze %dma_start3A_2404 : memref<1x128xi32, #tpu.memory_space<vmem>> -> memref<128xi32, #tpu.memory_space<vmem>>
      %dma_start3A_2406 = arith.constant 0 : i32
      %dma_start3A_2407 = arith.constant 0 : i32
      %dma_start3A_2408 = tpu.memref_slice %arg4[%arg0, %dma_start3A_2406, %dma_start3A_2407] : memref<2x10000x64xf32, #tpu.memory_space<hbm>> -> memref<1x10000x64xf32, #tpu.memory_space<hbm>>
      %dma_start3A_2409 = tpu.memref_squeeze %dma_start3A_2408 : memref<1x10000x64xf32, #tpu.memory_space<hbm>> -> memref<10000x64xf32, #tpu.memory_space<hbm>>
      %dma_start3A_2410 = arith.constant 0 : i32
      %dma_start3A_2411 = arith.constant 0 : i32
      %dma_start3A_2412 = tpu.memref_slice %dma_start3A_2409[%dma_start3A_2410, %dma_start3A_2411] : memref<10000x64xf32, #tpu.memory_space<hbm>> -> memref<10000x64xf32, #tpu.memory_space<hbm>>
      tpu.enqueue_indirect_dma source(%dma_start3A_2412 : memref<10000x64xf32, #tpu.memory_space<hbm>>) target(%arg15 : memref<128x64xf32, #tpu.memory_space<vmem>>) offsets(%dma_start3A_2405 : memref<128xi32, #tpu.memory_space<vmem>>) semaphore(%arg29 : memref<!tpu.dma_semaphore, #tpu.memory_space<semaphore_mem>>)
      %dma_wait3A_2413 = arith.constant 6 : i32
      %dma_wait3A_2414 = arith.constant 0 : i32
      %dma_wait3A_2415 = tpu.memref_slice %arg7[%dma_wait3A_2413, %dma_wait3A_2414] : memref<16x128xi32, #tpu.memory_space<vmem>> -> memref<1x128xi32, #tpu.memory_space<vmem>>
      %dma_wait3A_2416 = tpu.memref_squeeze %dma_wait3A_2415 : memref<1x128xi32, #tpu.memory_space<vmem>> -> memref<128xi32, #tpu.memory_space<vmem>>
      %dma_wait3A_2417 = arith.constant 0 : i32
      %dma_wait3A_2418 = arith.constant 0 : i32
      %dma_wait3A_2419 = tpu.memref_slice %arg4[%arg0, %dma_wait3A_2417, %dma_wait3A_2418] : memref<2x10000x64xf32, #tpu.memory_space<hbm>> -> memref<1x10000x64xf32, #tpu.memory_space<hbm>>
      %dma_wait3A_2420 = tpu.memref_squeeze %dma_wait3A_2419 : memref<1x10000x64xf32, #tpu.memory_space<hbm>> -> memref<10000x64xf32, #tpu.memory_space<hbm>>
      %dma_wait3A_2421 = arith.constant 0 : i32
      %dma_wait3A_2422 = arith.constant 0 : i32
      %dma_wait3A_2423 = tpu.memref_slice %dma_wait3A_2420[%dma_wait3A_2421, %dma_wait3A_2422] : memref<10000x64xf32, #tpu.memory_space<hbm>> -> memref<10000x64xf32, #tpu.memory_space<hbm>>
      tpu.wait_indirect_dma semaphore(%arg31 : memref<!tpu.dma_semaphore, #tpu.memory_space<semaphore_mem>>) src(%dma_wait3A_2423 : memref<10000x64xf32, #tpu.memory_space<hbm>>) dst(%arg17 : memref<128x64xf32, #tpu.memory_space<vmem>>)
      %get3A_2424 = arith.constant 6 : i32
      %get3A_2425 = arith.index_cast %get3A_2424 : i32 to index
      %get3A_2426 = arith.constant 0 : index
      %get3A_2427 = tpu.vector_load %arg9[%get3A_2425, %get3A_2426] {strides = array<i32>} : memref<16x128xi32, #tpu.memory_space<vmem>>, vector<1x16xi32>,
      %get3A_2428 = vector.shape_cast %get3A_2427 : vector<1x16xi32> to vector<16xi32>
      %swap3A_2429 = arith.constant 0 : index
      %swap3A_2430 = tpu.vector_load %arg10[%swap3A_2429] {strides = array<i32>} : memref<128xi32, #tpu.memory_space<vmem>>, vector<16xi32>,
      %swap3A_2431 = vector.shape_cast %swap3A_2430 : vector<16xi32> to vector<16xi32>
      %swap3A_2432 = vector.shape_cast %get3A_2428 : vector<16xi32> to vector<16xi32>
      tpu.vector_store %arg10[%swap3A_2429], %swap3A_2432 {strides = array<i32>} : memref<128xi32, #tpu.memory_space<vmem>>, vector<16xi32>,
      %get3A_2433 = arith.constant 6 : i32
      %get3A_2434 = arith.index_cast %get3A_2433 : i32 to index
      %get3A_2435 = arith.constant 16 : index
      %get3A_2436 = tpu.vector_load %arg9[%get3A_2434, %get3A_2435] {strides = array<i32>} : memref<16x128xi32, #tpu.memory_space<vmem>>, vector<1x16xi32>,
      %get3A_2437 = vector.shape_cast %get3A_2436 : vector<1x16xi32> to vector<16xi32>
      %swap3A_2438 = arith.constant 16 : index
      %swap3A_2439 = tpu.vector_load %arg10[%swap3A_2438] {strides = array<i32>} : memref<128xi32, #tpu.memory_space<vmem>>, vector<16xi32>,
      %swap3A_2440 = vector.shape_cast %swap3A_2439 : vector<16xi32> to vector<16xi32>
      %swap3A_2441 = vector.shape_cast %get3A_2437 : vector<16xi32> to vector<16xi32>
      tpu.vector_store %arg10[%swap3A_2438], %swap3A_2441 {strides = array<i32>} : memref<128xi32, #tpu.memory_space<vmem>>, vector<16xi32>,
      %get3A_2442 = arith.constant 6 : i32
      %get3A_2443 = arith.index_cast %get3A_2442 : i32 to index
      %get3A_2444 = arith.constant 32 : index
      %get3A_2445 = tpu.vector_load %arg9[%get3A_2443, %get3A_2444] {strides = array<i32>} : memref<16x128xi32, #tpu.memory_space<vmem>>, vector<1x16xi32>,
      %get3A_2446 = vector.shape_cast %get3A_2445 : vector<1x16xi32> to vector<16xi32>
      %swap3A_2447 = arith.constant 32 : index
      %swap3A_2448 = tpu.vector_load %arg10[%swap3A_2447] {strides = array<i32>} : memref<128xi32, #tpu.memory_space<vmem>>, vector<16xi32>,
      %swap3A_2449 = vector.shape_cast %swap3A_2448 : vector<16xi32> to vector<16xi32>
      %swap3A_2450 = vector.shape_cast %get3A_2446 : vector<16xi32> to vector<16xi32>
      tpu.vector_store %arg10[%swap3A_2447], %swap3A_2450 {strides = array<i32>} : memref<128xi32, #tpu.memory_space<vmem>>, vector<16xi32>,
      %get3A_2451 = arith.constant 6 : i32
      %get3A_2452 = arith.index_cast %get3A_2451 : i32 to index
      %get3A_2453 = arith.constant 48 : index
      %get3A_2454 = tpu.vector_load %arg9[%get3A_2452, %get3A_2453] {strides = array<i32>} : memref<16x128xi32, #tpu.memory_space<vmem>>, vector<1x16xi32>,
      %get3A_2455 = vector.shape_cast %get3A_2454 : vector<1x16xi32> to vector<16xi32>
      %swap3A_2456 = arith.constant 48 : index
      %swap3A_2457 = tpu.vector_load %arg10[%swap3A_2456] {strides = array<i32>} : memref<128xi32, #tpu.memory_space<vmem>>, vector<16xi32>,
      %swap3A_2458 = vector.shape_cast %swap3A_2457 : vector<16xi32> to vector<16xi32>
      %swap3A_2459 = vector.shape_cast %get3A_2455 : vector<16xi32> to vector<16xi32>
      tpu.vector_store %arg10[%swap3A_2456], %swap3A_2459 {strides = array<i32>} : memref<128xi32, #tpu.memory_space<vmem>>, vector<16xi32>,
      %get3A_2460 = arith.constant 6 : i32
      %get3A_2461 = arith.index_cast %get3A_2460 : i32 to index
      %get3A_2462 = arith.constant 64 : index
      %get3A_2463 = tpu.vector_load %arg9[%get3A_2461, %get3A_2462] {strides = array<i32>} : memref<16x128xi32, #tpu.memory_space<vmem>>, vector<1x16xi32>,
      %get3A_2464 = vector.shape_cast %get3A_2463 : vector<1x16xi32> to vector<16xi32>
      %swap3A_2465 = arith.constant 64 : index
      %swap3A_2466 = tpu.vector_load %arg10[%swap3A_2465] {strides = array<i32>} : memref<128xi32, #tpu.memory_space<vmem>>, vector<16xi32>,
      %swap3A_2467 = vector.shape_cast %swap3A_2466 : vector<16xi32> to vector<16xi32>
      %swap3A_2468 = vector.shape_cast %get3A_2464 : vector<16xi32> to vector<16xi32>
      tpu.vector_store %arg10[%swap3A_2465], %swap3A_2468 {strides = array<i32>} : memref<128xi32, #tpu.memory_space<vmem>>, vector<16xi32>,
      %get3A_2469 = arith.constant 6 : i32
      %get3A_2470 = arith.index_cast %get3A_2469 : i32 to index
      %get3A_2471 = arith.constant 80 : index
      %get3A_2472 = tpu.vector_load %arg9[%get3A_2470, %get3A_2471] {strides = array<i32>} : memref<16x128xi32, #tpu.memory_space<vmem>>, vector<1x16xi32>,
      %get3A_2473 = vector.shape_cast %get3A_2472 : vector<1x16xi32> to vector<16xi32>
      %swap3A_2474 = arith.constant 80 : index
      %swap3A_2475 = tpu.vector_load %arg10[%swap3A_2474] {strides = array<i32>} : memref<128xi32, #tpu.memory_space<vmem>>, vector<16xi32>,
      %swap3A_2476 = vector.shape_cast %swap3A_2475 : vector<16xi32> to vector<16xi32>
      %swap3A_2477 = vector.shape_cast %get3A_2473 : vector<16xi32> to vector<16xi32>
      tpu.vector_store %arg10[%swap3A_2474], %swap3A_2477 {strides = array<i32>} : memref<128xi32, #tpu.memory_space<vmem>>, vector<16xi32>,
      %get3A_2478 = arith.constant 6 : i32
      %get3A_2479 = arith.index_cast %get3A_2478 : i32 to index
      %get3A_2480 = arith.constant 96 : index
      %get3A_2481 = tpu.vector_load %arg9[%get3A_2479, %get3A_2480] {strides = array<i32>} : memref<16x128xi32, #tpu.memory_space<vmem>>, vector<1x16xi32>,
      %get3A_2482 = vector.shape_cast %get3A_2481 : vector<1x16xi32> to vector<16xi32>
      %swap3A_2483 = arith.constant 96 : index
      %swap3A_2484 = tpu.vector_load %arg10[%swap3A_2483] {strides = array<i32>} : memref<128xi32, #tpu.memory_space<vmem>>, vector<16xi32>,
      %swap3A_2485 = vector.shape_cast %swap3A_2484 : vector<16xi32> to vector<16xi32>
      %swap3A_2486 = vector.shape_cast %get3A_2482 : vector<16xi32> to vector<16xi32>
      tpu.vector_store %arg10[%swap3A_2483], %swap3A_2486 {strides = array<i32>} : memref<128xi32, #tpu.memory_space<vmem>>, vector<16xi32>,
      %get3A_2487 = arith.constant 6 : i32
      %get3A_2488 = arith.index_cast %get3A_2487 : i32 to index
      %get3A_2489 = arith.constant 112 : index
      %get3A_2490 = tpu.vector_load %arg9[%get3A_2488, %get3A_2489] {strides = array<i32>} : memref<16x128xi32, #tpu.memory_space<vmem>>, vector<1x16xi32>,
      %get3A_2491 = vector.shape_cast %get3A_2490 : vector<1x16xi32> to vector<16xi32>
      %swap3A_2492 = arith.constant 112 : index
      %swap3A_2493 = tpu.vector_load %arg10[%swap3A_2492] {strides = array<i32>} : memref<128xi32, #tpu.memory_space<vmem>>, vector<16xi32>,
      %swap3A_2494 = vector.shape_cast %swap3A_2493 : vector<16xi32> to vector<16xi32>
      %swap3A_2495 = vector.shape_cast %get3A_2491 : vector<16xi32> to vector<16xi32>
      tpu.vector_store %arg10[%swap3A_2492], %swap3A_2495 {strides = array<i32>} : memref<128xi32, #tpu.memory_space<vmem>>, vector<16xi32>,
      "tpu.region"() ({
        %run_scoped3A = tpu.sem_alloc : memref<!tpu.dma_semaphore, #tpu.memory_space<semaphore_mem>>
        %dma_start3A_3397 = arith.constant 0 : i32
        %dma_start3A_3398 = arith.constant 0 : i32
        %dma_start3A_3399 = tpu.memref_slice %arg20[%dma_start3A_3397, %dma_start3A_3398] : memref<10240x64xf32, #tpu.memory_space<vmem_shared>> -> memref<10240x64xf32, #tpu.memory_space<vmem_shared>>
        tpu.enqueue_indirect_dma source(%arg17 : memref<128x64xf32, #tpu.memory_space<vmem>>) target(%dma_start3A_3399 : memref<10240x64xf32, #tpu.memory_space<vmem_shared>>) offsets(%arg10 : memref<128xi32, #tpu.memory_space<vmem>>) semaphore(%run_scoped3A : memref<!tpu.dma_semaphore, #tpu.memory_space<semaphore_mem>>) {add = true}
        %dma_wait3A_3400 = arith.constant 0 : i32
        %dma_wait3A_3401 = arith.constant 0 : i32
        %dma_wait3A_3402 = tpu.memref_slice %arg20[%dma_wait3A_3400, %dma_wait3A_3401] : memref<10240x64xf32, #tpu.memory_space<vmem_shared>> -> memref<10240x64xf32, #tpu.memory_space<vmem_shared>>
        tpu.wait_indirect_dma semaphore(%run_scoped3A : memref<!tpu.dma_semaphore, #tpu.memory_space<semaphore_mem>>) src(%arg17 : memref<128x64xf32, #tpu.memory_space<vmem>>) dst(%dma_wait3A_3402 : memref<10240x64xf32, #tpu.memory_space<vmem_shared>>)
        tpu.yield
      }) : () -> ()
      %dma_start3A_2496 = arith.constant 13 : i32
      %dma_start3A_2497 = arith.constant 0 : i32
      %dma_start3A_2498 = tpu.memref_slice %arg7[%dma_start3A_2496, %dma_start3A_2497] : memref<16x128xi32, #tpu.memory_space<vmem>> -> memref<1x128xi32, #tpu.memory_space<vmem>>
      %dma_start3A_2499 = tpu.memref_squeeze %dma_start3A_2498 : memref<1x128xi32, #tpu.memory_space<vmem>> -> memref<128xi32, #tpu.memory_space<vmem>>
      %dma_start3A_2500 = arith.constant 0 : i32
      %dma_start3A_2501 = arith.constant 0 : i32
      %dma_start3A_2502 = tpu.memref_slice %arg4[%arg0, %dma_start3A_2500, %dma_start3A_2501] : memref<2x10000x64xf32, #tpu.memory_space<hbm>> -> memref<1x10000x64xf32, #tpu.memory_space<hbm>>
      %dma_start3A_2503 = tpu.memref_squeeze %dma_start3A_2502 : memref<1x10000x64xf32, #tpu.memory_space<hbm>> -> memref<10000x64xf32, #tpu.memory_space<hbm>>
      %dma_start3A_2504 = arith.constant 0 : i32
      %dma_start3A_2505 = arith.constant 0 : i32
      %dma_start3A_2506 = tpu.memref_slice %dma_start3A_2503[%dma_start3A_2504, %dma_start3A_2505] : memref<10000x64xf32, #tpu.memory_space<hbm>> -> memref<10000x64xf32, #tpu.memory_space<hbm>>
      tpu.enqueue_indirect_dma source(%dma_start3A_2506 : memref<10000x64xf32, #tpu.memory_space<hbm>>) target(%arg16 : memref<128x64xf32, #tpu.memory_space<vmem>>) offsets(%dma_start3A_2499 : memref<128xi32, #tpu.memory_space<vmem>>) semaphore(%arg30 : memref<!tpu.dma_semaphore, #tpu.memory_space<semaphore_mem>>)
      %dma_wait3A_2507 = arith.constant 7 : i32
      %dma_wait3A_2508 = arith.constant 0 : i32
      %dma_wait3A_2509 = tpu.memref_slice %arg7[%dma_wait3A_2507, %dma_wait3A_2508] : memref<16x128xi32, #tpu.memory_space<vmem>> -> memref<1x128xi32, #tpu.memory_space<vmem>>
      %dma_wait3A_2510 = tpu.memref_squeeze %dma_wait3A_2509 : memref<1x128xi32, #tpu.memory_space<vmem>> -> memref<128xi32, #tpu.memory_space<vmem>>
      %dma_wait3A_2511 = arith.constant 0 : i32
      %dma_wait3A_2512 = arith.constant 0 : i32
      %dma_wait3A_2513 = tpu.memref_slice %arg4[%arg0, %dma_wait3A_2511, %dma_wait3A_2512] : memref<2x10000x64xf32, #tpu.memory_space<hbm>> -> memref<1x10000x64xf32, #tpu.memory_space<hbm>>
      %dma_wait3A_2514 = tpu.memref_squeeze %dma_wait3A_2513 : memref<1x10000x64xf32, #tpu.memory_space<hbm>> -> memref<10000x64xf32, #tpu.memory_space<hbm>>
      %dma_wait3A_2515 = arith.constant 0 : i32
      %dma_wait3A_2516 = arith.constant 0 : i32
      %dma_wait3A_2517 = tpu.memref_slice %dma_wait3A_2514[%dma_wait3A_2515, %dma_wait3A_2516] : memref<10000x64xf32, #tpu.memory_space<hbm>> -> memref<10000x64xf32, #tpu.memory_space<hbm>>
      tpu.wait_indirect_dma semaphore(%arg32 : memref<!tpu.dma_semaphore, #tpu.memory_space<semaphore_mem>>) src(%dma_wait3A_2517 : memref<10000x64xf32, #tpu.memory_space<hbm>>) dst(%arg18 : memref<128x64xf32, #tpu.memory_space<vmem>>)
      %get3A_2518 = arith.constant 7 : i32
      %get3A_2519 = arith.index_cast %get3A_2518 : i32 to index
      %get3A_2520 = arith.constant 0 : index
      %get3A_2521 = tpu.vector_load %arg9[%get3A_2519, %get3A_2520] {strides = array<i32>} : memref<16x128xi32, #tpu.memory_space<vmem>>, vector<1x16xi32>,
      %get3A_2522 = vector.shape_cast %get3A_2521 : vector<1x16xi32> to vector<16xi32>
      %swap3A_2523 = arith.constant 0 : index
      %swap3A_2524 = tpu.vector_load %arg10[%swap3A_2523] {strides = array<i32>} : memref<128xi32, #tpu.memory_space<vmem>>, vector<16xi32>,
      %swap3A_2525 = vector.shape_cast %swap3A_2524 : vector<16xi32> to vector<16xi32>
      %swap3A_2526 = vector.shape_cast %get3A_2522 : vector<16xi32> to vector<16xi32>
      tpu.vector_store %arg10[%swap3A_2523], %swap3A_2526 {strides = array<i32>} : memref<128xi32, #tpu.memory_space<vmem>>, vector<16xi32>,
      %get3A_2527 = arith.constant 7 : i32
      %get3A_2528 = arith.index_cast %get3A_2527 : i32 to index
      %get3A_2529 = arith.constant 16 : index
      %get3A_2530 = tpu.vector_load %arg9[%get3A_2528, %get3A_2529] {strides = array<i32>} : memref<16x128xi32, #tpu.memory_space<vmem>>, vector<1x16xi32>,
      %get3A_2531 = vector.shape_cast %get3A_2530 : vector<1x16xi32> to vector<16xi32>
      %swap3A_2532 = arith.constant 16 : index
      %swap3A_2533 = tpu.vector_load %arg10[%swap3A_2532] {strides = array<i32>} : memref<128xi32, #tpu.memory_space<vmem>>, vector<16xi32>,
      %swap3A_2534 = vector.shape_cast %swap3A_2533 : vector<16xi32> to vector<16xi32>
      %swap3A_2535 = vector.shape_cast %get3A_2531 : vector<16xi32> to vector<16xi32>
      tpu.vector_store %arg10[%swap3A_2532], %swap3A_2535 {strides = array<i32>} : memref<128xi32, #tpu.memory_space<vmem>>, vector<16xi32>,
      %get3A_2536 = arith.constant 7 : i32
      %get3A_2537 = arith.index_cast %get3A_2536 : i32 to index
      %get3A_2538 = arith.constant 32 : index
      %get3A_2539 = tpu.vector_load %arg9[%get3A_2537, %get3A_2538] {strides = array<i32>} : memref<16x128xi32, #tpu.memory_space<vmem>>, vector<1x16xi32>,
      %get3A_2540 = vector.shape_cast %get3A_2539 : vector<1x16xi32> to vector<16xi32>
      %swap3A_2541 = arith.constant 32 : index
      %swap3A_2542 = tpu.vector_load %arg10[%swap3A_2541] {strides = array<i32>} : memref<128xi32, #tpu.memory_space<vmem>>, vector<16xi32>,
      %swap3A_2543 = vector.shape_cast %swap3A_2542 : vector<16xi32> to vector<16xi32>
      %swap3A_2544 = vector.shape_cast %get3A_2540 : vector<16xi32> to vector<16xi32>
      tpu.vector_store %arg10[%swap3A_2541], %swap3A_2544 {strides = array<i32>} : memref<128xi32, #tpu.memory_space<vmem>>, vector<16xi32>,
      %get3A_2545 = arith.constant 7 : i32
      %get3A_2546 = arith.index_cast %get3A_2545 : i32 to index
      %get3A_2547 = arith.constant 48 : index
      %get3A_2548 = tpu.vector_load %arg9[%get3A_2546, %get3A_2547] {strides = array<i32>} : memref<16x128xi32, #tpu.memory_space<vmem>>, vector<1x16xi32>,
      %get3A_2549 = vector.shape_cast %get3A_2548 : vector<1x16xi32> to vector<16xi32>
      %swap3A_2550 = arith.constant 48 : index
      %swap3A_2551 = tpu.vector_load %arg10[%swap3A_2550] {strides = array<i32>} : memref<128xi32, #tpu.memory_space<vmem>>, vector<16xi32>,
      %swap3A_2552 = vector.shape_cast %swap3A_2551 : vector<16xi32> to vector<16xi32>
      %swap3A_2553 = vector.shape_cast %get3A_2549 : vector<16xi32> to vector<16xi32>
      tpu.vector_store %arg10[%swap3A_2550], %swap3A_2553 {strides = array<i32>} : memref<128xi32, #tpu.memory_space<vmem>>, vector<16xi32>,
      %get3A_2554 = arith.constant 7 : i32
      %get3A_2555 = arith.index_cast %get3A_2554 : i32 to index
      %get3A_2556 = arith.constant 64 : index
      %get3A_2557 = tpu.vector_load %arg9[%get3A_2555, %get3A_2556] {strides = array<i32>} : memref<16x128xi32, #tpu.memory_space<vmem>>, vector<1x16xi32>,
      %get3A_2558 = vector.shape_cast %get3A_2557 : vector<1x16xi32> to vector<16xi32>
      %swap3A_2559 = arith.constant 64 : index
      %swap3A_2560 = tpu.vector_load %arg10[%swap3A_2559] {strides = array<i32>} : memref<128xi32, #tpu.memory_space<vmem>>, vector<16xi32>,
      %swap3A_2561 = vector.shape_cast %swap3A_2560 : vector<16xi32> to vector<16xi32>
      %swap3A_2562 = vector.shape_cast %get3A_2558 : vector<16xi32> to vector<16xi32>
      tpu.vector_store %arg10[%swap3A_2559], %swap3A_2562 {strides = array<i32>} : memref<128xi32, #tpu.memory_space<vmem>>, vector<16xi32>,
      %get3A_2563 = arith.constant 7 : i32
      %get3A_2564 = arith.index_cast %get3A_2563 : i32 to index
      %get3A_2565 = arith.constant 80 : index
      %get3A_2566 = tpu.vector_load %arg9[%get3A_2564, %get3A_2565] {strides = array<i32>} : memref<16x128xi32, #tpu.memory_space<vmem>>, vector<1x16xi32>,
      %get3A_2567 = vector.shape_cast %get3A_2566 : vector<1x16xi32> to vector<16xi32>
      %swap3A_2568 = arith.constant 80 : index
      %swap3A_2569 = tpu.vector_load %arg10[%swap3A_2568] {strides = array<i32>} : memref<128xi32, #tpu.memory_space<vmem>>, vector<16xi32>,
      %swap3A_2570 = vector.shape_cast %swap3A_2569 : vector<16xi32> to vector<16xi32>
      %swap3A_2571 = vector.shape_cast %get3A_2567 : vector<16xi32> to vector<16xi32>
      tpu.vector_store %arg10[%swap3A_2568], %swap3A_2571 {strides = array<i32>} : memref<128xi32, #tpu.memory_space<vmem>>, vector<16xi32>,
      %get3A_2572 = arith.constant 7 : i32
      %get3A_2573 = arith.index_cast %get3A_2572 : i32 to index
      %get3A_2574 = arith.constant 96 : index
      %get3A_2575 = tpu.vector_load %arg9[%get3A_2573, %get3A_2574] {strides = array<i32>} : memref<16x128xi32, #tpu.memory_space<vmem>>, vector<1x16xi32>,
      %get3A_2576 = vector.shape_cast %get3A_2575 : vector<1x16xi32> to vector<16xi32>
      %swap3A_2577 = arith.constant 96 : index
      %swap3A_2578 = tpu.vector_load %arg10[%swap3A_2577] {strides = array<i32>} : memref<128xi32, #tpu.memory_space<vmem>>, vector<16xi32>,
      %swap3A_2579 = vector.shape_cast %swap3A_2578 : vector<16xi32> to vector<16xi32>
      %swap3A_2580 = vector.shape_cast %get3A_2576 : vector<16xi32> to vector<16xi32>
      tpu.vector_store %arg10[%swap3A_2577], %swap3A_2580 {strides = array<i32>} : memref<128xi32, #tpu.memory_space<vmem>>, vector<16xi32>,
      %get3A_2581 = arith.constant 7 : i32
      %get3A_2582 = arith.index_cast %get3A_2581 : i32 to index
      %get3A_2583 = arith.constant 112 : index
      %get3A_2584 = tpu.vector_load %arg9[%get3A_2582, %get3A_2583] {strides = array<i32>} : memref<16x128xi32, #tpu.memory_space<vmem>>, vector<1x16xi32>,
      %get3A_2585 = vector.shape_cast %get3A_2584 : vector<1x16xi32> to vector<16xi32>
      %swap3A_2586 = arith.constant 112 : index
      %swap3A_2587 = tpu.vector_load %arg10[%swap3A_2586] {strides = array<i32>} : memref<128xi32, #tpu.memory_space<vmem>>, vector<16xi32>,
      %swap3A_2588 = vector.shape_cast %swap3A_2587 : vector<16xi32> to vector<16xi32>
      %swap3A_2589 = vector.shape_cast %get3A_2585 : vector<16xi32> to vector<16xi32>
      tpu.vector_store %arg10[%swap3A_2586], %swap3A_2589 {strides = array<i32>} : memref<128xi32, #tpu.memory_space<vmem>>, vector<16xi32>,
      "tpu.region"() ({
        %run_scoped3A = tpu.sem_alloc : memref<!tpu.dma_semaphore, #tpu.memory_space<semaphore_mem>>
        %dma_start3A_3397 = arith.constant 0 : i32
        %dma_start3A_3398 = arith.constant 0 : i32
        %dma_start3A_3399 = tpu.memref_slice %arg20[%dma_start3A_3397, %dma_start3A_3398] : memref<10240x64xf32, #tpu.memory_space<vmem_shared>> -> memref<10240x64xf32, #tpu.memory_space<vmem_shared>>
        tpu.enqueue_indirect_dma source(%arg18 : memref<128x64xf32, #tpu.memory_space<vmem>>) target(%dma_start3A_3399 : memref<10240x64xf32, #tpu.memory_space<vmem_shared>>) offsets(%arg10 : memref<128xi32, #tpu.memory_space<vmem>>) semaphore(%run_scoped3A : memref<!tpu.dma_semaphore, #tpu.memory_space<semaphore_mem>>) {add = true}
        %dma_wait3A_3400 = arith.constant 0 : i32
        %dma_wait3A_3401 = arith.constant 0 : i32
        %dma_wait3A_3402 = tpu.memref_slice %arg20[%dma_wait3A_3400, %dma_wait3A_3401] : memref<10240x64xf32, #tpu.memory_space<vmem_shared>> -> memref<10240x64xf32, #tpu.memory_space<vmem_shared>>
        tpu.wait_indirect_dma semaphore(%run_scoped3A : memref<!tpu.dma_semaphore, #tpu.memory_space<semaphore_mem>>) src(%arg18 : memref<128x64xf32, #tpu.memory_space<vmem>>) dst(%dma_wait3A_3402 : memref<10240x64xf32, #tpu.memory_space<vmem_shared>>)
        tpu.yield
      }) : () -> ()
      %dma_start3A_2590 = arith.constant 14 : i32
      %dma_start3A_2591 = arith.constant 0 : i32
      %dma_start3A_2592 = tpu.memref_slice %arg7[%dma_start3A_2590, %dma_start3A_2591] : memref<16x128xi32, #tpu.memory_space<vmem>> -> memref<1x128xi32, #tpu.memory_space<vmem>>
      %dma_start3A_2593 = tpu.memref_squeeze %dma_start3A_2592 : memref<1x128xi32, #tpu.memory_space<vmem>> -> memref<128xi32, #tpu.memory_space<vmem>>
      %dma_start3A_2594 = arith.constant 0 : i32
      %dma_start3A_2595 = arith.constant 0 : i32
      %dma_start3A_2596 = tpu.memref_slice %arg4[%arg0, %dma_start3A_2594, %dma_start3A_2595] : memref<2x10000x64xf32, #tpu.memory_space<hbm>> -> memref<1x10000x64xf32, #tpu.memory_space<hbm>>
      %dma_start3A_2597 = tpu.memref_squeeze %dma_start3A_2596 : memref<1x10000x64xf32, #tpu.memory_space<hbm>> -> memref<10000x64xf32, #tpu.memory_space<hbm>>
      %dma_start3A_2598 = arith.constant 0 : i32
      %dma_start3A_2599 = arith.constant 0 : i32
      %dma_start3A_2600 = tpu.memref_slice %dma_start3A_2597[%dma_start3A_2598, %dma_start3A_2599] : memref<10000x64xf32, #tpu.memory_space<hbm>> -> memref<10000x64xf32, #tpu.memory_space<hbm>>
      tpu.enqueue_indirect_dma source(%dma_start3A_2600 : memref<10000x64xf32, #tpu.memory_space<hbm>>) target(%arg17 : memref<128x64xf32, #tpu.memory_space<vmem>>) offsets(%dma_start3A_2593 : memref<128xi32, #tpu.memory_space<vmem>>) semaphore(%arg31 : memref<!tpu.dma_semaphore, #tpu.memory_space<semaphore_mem>>)
      %dma_wait3A_2601 = arith.constant 8 : i32
      %dma_wait3A_2602 = arith.constant 0 : i32
      %dma_wait3A_2603 = tpu.memref_slice %arg7[%dma_wait3A_2601, %dma_wait3A_2602] : memref<16x128xi32, #tpu.memory_space<vmem>> -> memref<1x128xi32, #tpu.memory_space<vmem>>
      %dma_wait3A_2604 = tpu.memref_squeeze %dma_wait3A_2603 : memref<1x128xi32, #tpu.memory_space<vmem>> -> memref<128xi32, #tpu.memory_space<vmem>>
      %dma_wait3A_2605 = arith.constant 0 : i32
      %dma_wait3A_2606 = arith.constant 0 : i32
      %dma_wait3A_2607 = tpu.memref_slice %arg4[%arg0, %dma_wait3A_2605, %dma_wait3A_2606] : memref<2x10000x64xf32, #tpu.memory_space<hbm>> -> memref<1x10000x64xf32, #tpu.memory_space<hbm>>
      %dma_wait3A_2608 = tpu.memref_squeeze %dma_wait3A_2607 : memref<1x10000x64xf32, #tpu.memory_space<hbm>> -> memref<10000x64xf32, #tpu.memory_space<hbm>>
      %dma_wait3A_2609 = arith.constant 0 : i32
      %dma_wait3A_2610 = arith.constant 0 : i32
      %dma_wait3A_2611 = tpu.memref_slice %dma_wait3A_2608[%dma_wait3A_2609, %dma_wait3A_2610] : memref<10000x64xf32, #tpu.memory_space<hbm>> -> memref<10000x64xf32, #tpu.memory_space<hbm>>
      tpu.wait_indirect_dma semaphore(%arg25 : memref<!tpu.dma_semaphore, #tpu.memory_space<semaphore_mem>>) src(%dma_wait3A_2611 : memref<10000x64xf32, #tpu.memory_space<hbm>>) dst(%arg11 : memref<128x64xf32, #tpu.memory_space<vmem>>)
      %add3A_2612 = arith.constant 1 : i32
      %add3A_2613 = arith.addi %add3A_302, %add3A_2612 : i32
      %add3A_2614 = arith.constant 1 : i32
      %add3A_2615 = arith.addi %add3A_2613, %add3A_2614 : i32
      %mul3A_2616 = arith.constant 16 : i32
      %mul3A_2617 = arith.muli %add3A_2615, %mul3A_2616 : i32
      %add3A_2618 = arith.addi %mul3A_83, %mul3A_2617 : i32
      %dma_wait3A_2619 = arith.constant 0 : i32
      %dma_wait3A_2620 = tpu.memref_slice %arg2[%add3A_2618, %dma_wait3A_2619] : memref<2592x128xi32, #tpu.memory_space<hbm>> -> memref<16x128xi32, #tpu.memory_space<hbm>>
      %dma_wait3A_2621 = arith.constant 0 : i32
      %dma_wait3A_2622 = tpu.memref_slice %arg2[%add3A_2618, %dma_wait3A_2621] : memref<2592x128xi32, #tpu.memory_space<hbm>> -> memref<16x128xi32, #tpu.memory_space<hbm>>
      tpu.wait_dma2 semaphore(%arg21 : memref<!tpu.dma_semaphore, #tpu.memory_space<semaphore_mem>>) src(%dma_wait3A_2622 : memref<16x128xi32, #tpu.memory_space<hbm>>) dst(%arg6 : memref<16x128xi32, #tpu.memory_space<vmem>>)
      %add3A_2623 = arith.constant 1 : i32
      %add3A_2624 = arith.addi %add3A_302, %add3A_2623 : i32
      %add3A_2625 = arith.constant 1 : i32
      %add3A_2626 = arith.addi %add3A_2624, %add3A_2625 : i32
      %mul3A_2627 = arith.constant 16 : i32
      %mul3A_2628 = arith.muli %add3A_2626, %mul3A_2627 : i32
      %add3A_2629 = arith.addi %mul3A_83, %mul3A_2628 : i32
      %dma_wait3A_2630 = arith.constant 0 : i32
      %dma_wait3A_2631 = tpu.memref_slice %arg3[%add3A_2629, %dma_wait3A_2630] : memref<2592x128xi32, #tpu.memory_space<hbm>> -> memref<16x128xi32, #tpu.memory_space<hbm>>
      %dma_wait3A_2632 = arith.constant 0 : i32
      %dma_wait3A_2633 = tpu.memref_slice %arg3[%add3A_2629, %dma_wait3A_2632] : memref<2592x128xi32, #tpu.memory_space<hbm>> -> memref<16x128xi32, #tpu.memory_space<hbm>>
      tpu.wait_dma2 semaphore(%arg23 : memref<!tpu.dma_semaphore, #tpu.memory_space<semaphore_mem>>) src(%dma_wait3A_2633 : memref<16x128xi32, #tpu.memory_space<hbm>>) dst(%arg8 : memref<16x128xi32, #tpu.memory_space<vmem>>)
      %get3A_2634 = arith.constant 8 : i32
      %get3A_2635 = arith.index_cast %get3A_2634 : i32 to index
      %get3A_2636 = arith.constant 0 : index
      %get3A_2637 = tpu.vector_load %arg9[%get3A_2635, %get3A_2636] {strides = array<i32>} : memref<16x128xi32, #tpu.memory_space<vmem>>, vector<1x16xi32>,
      %get3A_2638 = vector.shape_cast %get3A_2637 : vector<1x16xi32> to vector<16xi32>
      %swap3A_2639 = arith.constant 0 : index
      %swap3A_2640 = tpu.vector_load %arg10[%swap3A_2639] {strides = array<i32>} : memref<128xi32, #tpu.memory_space<vmem>>, vector<16xi32>,
      %swap3A_2641 = vector.shape_cast %swap3A_2640 : vector<16xi32> to vector<16xi32>
      %swap3A_2642 = vector.shape_cast %get3A_2638 : vector<16xi32> to vector<16xi32>
      tpu.vector_store %arg10[%swap3A_2639], %swap3A_2642 {strides = array<i32>} : memref<128xi32, #tpu.memory_space<vmem>>, vector<16xi32>,
      %get3A_2643 = arith.constant 8 : i32
      %get3A_2644 = arith.index_cast %get3A_2643 : i32 to index
      %get3A_2645 = arith.constant 16 : index
      %get3A_2646 = tpu.vector_load %arg9[%get3A_2644, %get3A_2645] {strides = array<i32>} : memref<16x128xi32, #tpu.memory_space<vmem>>, vector<1x16xi32>,
      %get3A_2647 = vector.shape_cast %get3A_2646 : vector<1x16xi32> to vector<16xi32>
      %swap3A_2648 = arith.constant 16 : index
      %swap3A_2649 = tpu.vector_load %arg10[%swap3A_2648] {strides = array<i32>} : memref<128xi32, #tpu.memory_space<vmem>>, vector<16xi32>,
      %swap3A_2650 = vector.shape_cast %swap3A_2649 : vector<16xi32> to vector<16xi32>
      %swap3A_2651 = vector.shape_cast %get3A_2647 : vector<16xi32> to vector<16xi32>
      tpu.vector_store %arg10[%swap3A_2648], %swap3A_2651 {strides = array<i32>} : memref<128xi32, #tpu.memory_space<vmem>>, vector<16xi32>,
      %get3A_2652 = arith.constant 8 : i32
      %get3A_2653 = arith.index_cast %get3A_2652 : i32 to index
      %get3A_2654 = arith.constant 32 : index
      %get3A_2655 = tpu.vector_load %arg9[%get3A_2653, %get3A_2654] {strides = array<i32>} : memref<16x128xi32, #tpu.memory_space<vmem>>, vector<1x16xi32>,
      %get3A_2656 = vector.shape_cast %get3A_2655 : vector<1x16xi32> to vector<16xi32>
      %swap3A_2657 = arith.constant 32 : index
      %swap3A_2658 = tpu.vector_load %arg10[%swap3A_2657] {strides = array<i32>} : memref<128xi32, #tpu.memory_space<vmem>>, vector<16xi32>,
      %swap3A_2659 = vector.shape_cast %swap3A_2658 : vector<16xi32> to vector<16xi32>
      %swap3A_2660 = vector.shape_cast %get3A_2656 : vector<16xi32> to vector<16xi32>
      tpu.vector_store %arg10[%swap3A_2657], %swap3A_2660 {strides = array<i32>} : memref<128xi32, #tpu.memory_space<vmem>>, vector<16xi32>,
      %get3A_2661 = arith.constant 8 : i32
      %get3A_2662 = arith.index_cast %get3A_2661 : i32 to index
      %get3A_2663 = arith.constant 48 : index
      %get3A_2664 = tpu.vector_load %arg9[%get3A_2662, %get3A_2663] {strides = array<i32>} : memref<16x128xi32, #tpu.memory_space<vmem>>, vector<1x16xi32>,
      %get3A_2665 = vector.shape_cast %get3A_2664 : vector<1x16xi32> to vector<16xi32>
      %swap3A_2666 = arith.constant 48 : index
      %swap3A_2667 = tpu.vector_load %arg10[%swap3A_2666] {strides = array<i32>} : memref<128xi32, #tpu.memory_space<vmem>>, vector<16xi32>,
      %swap3A_2668 = vector.shape_cast %swap3A_2667 : vector<16xi32> to vector<16xi32>
      %swap3A_2669 = vector.shape_cast %get3A_2665 : vector<16xi32> to vector<16xi32>
      tpu.vector_store %arg10[%swap3A_2666], %swap3A_2669 {strides = array<i32>} : memref<128xi32, #tpu.memory_space<vmem>>, vector<16xi32>,
      %get3A_2670 = arith.constant 8 : i32
      %get3A_2671 = arith.index_cast %get3A_2670 : i32 to index
      %get3A_2672 = arith.constant 64 : index
      %get3A_2673 = tpu.vector_load %arg9[%get3A_2671, %get3A_2672] {strides = array<i32>} : memref<16x128xi32, #tpu.memory_space<vmem>>, vector<1x16xi32>,
      %get3A_2674 = vector.shape_cast %get3A_2673 : vector<1x16xi32> to vector<16xi32>
      %swap3A_2675 = arith.constant 64 : index
      %swap3A_2676 = tpu.vector_load %arg10[%swap3A_2675] {strides = array<i32>} : memref<128xi32, #tpu.memory_space<vmem>>, vector<16xi32>,
      %swap3A_2677 = vector.shape_cast %swap3A_2676 : vector<16xi32> to vector<16xi32>
      %swap3A_2678 = vector.shape_cast %get3A_2674 : vector<16xi32> to vector<16xi32>
      tpu.vector_store %arg10[%swap3A_2675], %swap3A_2678 {strides = array<i32>} : memref<128xi32, #tpu.memory_space<vmem>>, vector<16xi32>,
      %get3A_2679 = arith.constant 8 : i32
      %get3A_2680 = arith.index_cast %get3A_2679 : i32 to index
      %get3A_2681 = arith.constant 80 : index
      %get3A_2682 = tpu.vector_load %arg9[%get3A_2680, %get3A_2681] {strides = array<i32>} : memref<16x128xi32, #tpu.memory_space<vmem>>, vector<1x16xi32>,
      %get3A_2683 = vector.shape_cast %get3A_2682 : vector<1x16xi32> to vector<16xi32>
      %swap3A_2684 = arith.constant 80 : index
      %swap3A_2685 = tpu.vector_load %arg10[%swap3A_2684] {strides = array<i32>} : memref<128xi32, #tpu.memory_space<vmem>>, vector<16xi32>,
      %swap3A_2686 = vector.shape_cast %swap3A_2685 : vector<16xi32> to vector<16xi32>
      %swap3A_2687 = vector.shape_cast %get3A_2683 : vector<16xi32> to vector<16xi32>
      tpu.vector_store %arg10[%swap3A_2684], %swap3A_2687 {strides = array<i32>} : memref<128xi32, #tpu.memory_space<vmem>>, vector<16xi32>,
      %get3A_2688 = arith.constant 8 : i32
      %get3A_2689 = arith.index_cast %get3A_2688 : i32 to index
      %get3A_2690 = arith.constant 96 : index
      %get3A_2691 = tpu.vector_load %arg9[%get3A_2689, %get3A_2690] {strides = array<i32>} : memref<16x128xi32, #tpu.memory_space<vmem>>, vector<1x16xi32>,
      %get3A_2692 = vector.shape_cast %get3A_2691 : vector<1x16xi32> to vector<16xi32>
      %swap3A_2693 = arith.constant 96 : index
      %swap3A_2694 = tpu.vector_load %arg10[%swap3A_2693] {strides = array<i32>} : memref<128xi32, #tpu.memory_space<vmem>>, vector<16xi32>,
      %swap3A_2695 = vector.shape_cast %swap3A_2694 : vector<16xi32> to vector<16xi32>
      %swap3A_2696 = vector.shape_cast %get3A_2692 : vector<16xi32> to vector<16xi32>
      tpu.vector_store %arg10[%swap3A_2693], %swap3A_2696 {strides = array<i32>} : memref<128xi32, #tpu.memory_space<vmem>>, vector<16xi32>,
      %get3A_2697 = arith.constant 8 : i32
      %get3A_2698 = arith.index_cast %get3A_2697 : i32 to index
      %get3A_2699 = arith.constant 112 : index
      %get3A_2700 = tpu.vector_load %arg9[%get3A_2698, %get3A_2699] {strides = array<i32>} : memref<16x128xi32, #tpu.memory_space<vmem>>, vector<1x16xi32>,
      %get3A_2701 = vector.shape_cast %get3A_2700 : vector<1x16xi32> to vector<16xi32>
      %swap3A_2702 = arith.constant 112 : index
      %swap3A_2703 = tpu.vector_load %arg10[%swap3A_2702] {strides = array<i32>} : memref<128xi32, #tpu.memory_space<vmem>>, vector<16xi32>,
      %swap3A_2704 = vector.shape_cast %swap3A_2703 : vector<16xi32> to vector<16xi32>
      %swap3A_2705 = vector.shape_cast %get3A_2701 : vector<16xi32> to vector<16xi32>
      tpu.vector_store %arg10[%swap3A_2702], %swap3A_2705 {strides = array<i32>} : memref<128xi32, #tpu.memory_space<vmem>>, vector<16xi32>,
      "tpu.region"() ({
        %run_scoped3A = tpu.sem_alloc : memref<!tpu.dma_semaphore, #tpu.memory_space<semaphore_mem>>
        %dma_start3A_3397 = arith.constant 0 : i32
        %dma_start3A_3398 = arith.constant 0 : i32
        %dma_start3A_3399 = tpu.memref_slice %arg20[%dma_start3A_3397, %dma_start3A_3398] : memref<10240x64xf32, #tpu.memory_space<vmem_shared>> -> memref<10240x64xf32, #tpu.memory_space<vmem_shared>>
        tpu.enqueue_indirect_dma source(%arg11 : memref<128x64xf32, #tpu.memory_space<vmem>>) target(%dma_start3A_3399 : memref<10240x64xf32, #tpu.memory_space<vmem_shared>>) offsets(%arg10 : memref<128xi32, #tpu.memory_space<vmem>>) semaphore(%run_scoped3A : memref<!tpu.dma_semaphore, #tpu.memory_space<semaphore_mem>>) {add = true}
        %dma_wait3A_3400 = arith.constant 0 : i32
        %dma_wait3A_3401 = arith.constant 0 : i32
        %dma_wait3A_3402 = tpu.memref_slice %arg20[%dma_wait3A_3400, %dma_wait3A_3401] : memref<10240x64xf32, #tpu.memory_space<vmem_shared>> -> memref<10240x64xf32, #tpu.memory_space<vmem_shared>>
        tpu.wait_indirect_dma semaphore(%run_scoped3A : memref<!tpu.dma_semaphore, #tpu.memory_space<semaphore_mem>>) src(%arg11 : memref<128x64xf32, #tpu.memory_space<vmem>>) dst(%dma_wait3A_3402 : memref<10240x64xf32, #tpu.memory_space<vmem_shared>>)
        tpu.yield
      }) : () -> ()
      %dma_start3A_2706 = arith.constant 15 : i32
      %dma_start3A_2707 = arith.constant 0 : i32
      %dma_start3A_2708 = tpu.memref_slice %arg7[%dma_start3A_2706, %dma_start3A_2707] : memref<16x128xi32, #tpu.memory_space<vmem>> -> memref<1x128xi32, #tpu.memory_space<vmem>>
      %dma_start3A_2709 = tpu.memref_squeeze %dma_start3A_2708 : memref<1x128xi32, #tpu.memory_space<vmem>> -> memref<128xi32, #tpu.memory_space<vmem>>
      %dma_start3A_2710 = arith.constant 0 : i32
      %dma_start3A_2711 = arith.constant 0 : i32
      %dma_start3A_2712 = tpu.memref_slice %arg4[%arg0, %dma_start3A_2710, %dma_start3A_2711] : memref<2x10000x64xf32, #tpu.memory_space<hbm>> -> memref<1x10000x64xf32, #tpu.memory_space<hbm>>
      %dma_start3A_2713 = tpu.memref_squeeze %dma_start3A_2712 : memref<1x10000x64xf32, #tpu.memory_space<hbm>> -> memref<10000x64xf32, #tpu.memory_space<hbm>>
      %dma_start3A_2714 = arith.constant 0 : i32
      %dma_start3A_2715 = arith.constant 0 : i32
      %dma_start3A_2716 = tpu.memref_slice %dma_start3A_2713[%dma_start3A_2714, %dma_start3A_2715] : memref<10000x64xf32, #tpu.memory_space<hbm>> -> memref<10000x64xf32, #tpu.memory_space<hbm>>
      tpu.enqueue_indirect_dma source(%dma_start3A_2716 : memref<10000x64xf32, #tpu.memory_space<hbm>>) target(%arg18 : memref<128x64xf32, #tpu.memory_space<vmem>>) offsets(%dma_start3A_2709 : memref<128xi32, #tpu.memory_space<vmem>>) semaphore(%arg32 : memref<!tpu.dma_semaphore, #tpu.memory_space<semaphore_mem>>)
      %dma_wait3A_2717 = arith.constant 9 : i32
      %dma_wait3A_2718 = arith.constant 0 : i32
      %dma_wait3A_2719 = tpu.memref_slice %arg7[%dma_wait3A_2717, %dma_wait3A_2718] : memref<16x128xi32, #tpu.memory_space<vmem>> -> memref<1x128xi32, #tpu.memory_space<vmem>>
      %dma_wait3A_2720 = tpu.memref_squeeze %dma_wait3A_2719 : memref<1x128xi32, #tpu.memory_space<vmem>> -> memref<128xi32, #tpu.memory_space<vmem>>
      %dma_wait3A_2721 = arith.constant 0 : i32
      %dma_wait3A_2722 = arith.constant 0 : i32
      %dma_wait3A_2723 = tpu.memref_slice %arg4[%arg0, %dma_wait3A_2721, %dma_wait3A_2722] : memref<2x10000x64xf32, #tpu.memory_space<hbm>> -> memref<1x10000x64xf32, #tpu.memory_space<hbm>>
      %dma_wait3A_2724 = tpu.memref_squeeze %dma_wait3A_2723 : memref<1x10000x64xf32, #tpu.memory_space<hbm>> -> memref<10000x64xf32, #tpu.memory_space<hbm>>
      %dma_wait3A_2725 = arith.constant 0 : i32
      %dma_wait3A_2726 = arith.constant 0 : i32
      %dma_wait3A_2727 = tpu.memref_slice %dma_wait3A_2724[%dma_wait3A_2725, %dma_wait3A_2726] : memref<10000x64xf32, #tpu.memory_space<hbm>> -> memref<10000x64xf32, #tpu.memory_space<hbm>>
      tpu.wait_indirect_dma semaphore(%arg26 : memref<!tpu.dma_semaphore, #tpu.memory_space<semaphore_mem>>) src(%dma_wait3A_2727 : memref<10000x64xf32, #tpu.memory_space<hbm>>) dst(%arg12 : memref<128x64xf32, #tpu.memory_space<vmem>>)
      %get3A_2728 = arith.constant 9 : i32
      %get3A_2729 = arith.index_cast %get3A_2728 : i32 to index
      %get3A_2730 = arith.constant 0 : index
      %get3A_2731 = tpu.vector_load %arg9[%get3A_2729, %get3A_2730] {strides = array<i32>} : memref<16x128xi32, #tpu.memory_space<vmem>>, vector<1x16xi32>,
      %get3A_2732 = vector.shape_cast %get3A_2731 : vector<1x16xi32> to vector<16xi32>
      %swap3A_2733 = arith.constant 0 : index
      %swap3A_2734 = tpu.vector_load %arg10[%swap3A_2733] {strides = array<i32>} : memref<128xi32, #tpu.memory_space<vmem>>, vector<16xi32>,
      %swap3A_2735 = vector.shape_cast %swap3A_2734 : vector<16xi32> to vector<16xi32>
      %swap3A_2736 = vector.shape_cast %get3A_2732 : vector<16xi32> to vector<16xi32>
      tpu.vector_store %arg10[%swap3A_2733], %swap3A_2736 {strides = array<i32>} : memref<128xi32, #tpu.memory_space<vmem>>, vector<16xi32>,
      %get3A_2737 = arith.constant 9 : i32
      %get3A_2738 = arith.index_cast %get3A_2737 : i32 to index
      %get3A_2739 = arith.constant 16 : index
      %get3A_2740 = tpu.vector_load %arg9[%get3A_2738, %get3A_2739] {strides = array<i32>} : memref<16x128xi32, #tpu.memory_space<vmem>>, vector<1x16xi32>,
      %get3A_2741 = vector.shape_cast %get3A_2740 : vector<1x16xi32> to vector<16xi32>
      %swap3A_2742 = arith.constant 16 : index
      %swap3A_2743 = tpu.vector_load %arg10[%swap3A_2742] {strides = array<i32>} : memref<128xi32, #tpu.memory_space<vmem>>, vector<16xi32>,
      %swap3A_2744 = vector.shape_cast %swap3A_2743 : vector<16xi32> to vector<16xi32>
      %swap3A_2745 = vector.shape_cast %get3A_2741 : vector<16xi32> to vector<16xi32>
      tpu.vector_store %arg10[%swap3A_2742], %swap3A_2745 {strides = array<i32>} : memref<128xi32, #tpu.memory_space<vmem>>, vector<16xi32>,
      %get3A_2746 = arith.constant 9 : i32
      %get3A_2747 = arith.index_cast %get3A_2746 : i32 to index
      %get3A_2748 = arith.constant 32 : index
      %get3A_2749 = tpu.vector_load %arg9[%get3A_2747, %get3A_2748] {strides = array<i32>} : memref<16x128xi32, #tpu.memory_space<vmem>>, vector<1x16xi32>,
      %get3A_2750 = vector.shape_cast %get3A_2749 : vector<1x16xi32> to vector<16xi32>
      %swap3A_2751 = arith.constant 32 : index
      %swap3A_2752 = tpu.vector_load %arg10[%swap3A_2751] {strides = array<i32>} : memref<128xi32, #tpu.memory_space<vmem>>, vector<16xi32>,
      %swap3A_2753 = vector.shape_cast %swap3A_2752 : vector<16xi32> to vector<16xi32>
      %swap3A_2754 = vector.shape_cast %get3A_2750 : vector<16xi32> to vector<16xi32>
      tpu.vector_store %arg10[%swap3A_2751], %swap3A_2754 {strides = array<i32>} : memref<128xi32, #tpu.memory_space<vmem>>, vector<16xi32>,
      %get3A_2755 = arith.constant 9 : i32
      %get3A_2756 = arith.index_cast %get3A_2755 : i32 to index
      %get3A_2757 = arith.constant 48 : index
      %get3A_2758 = tpu.vector_load %arg9[%get3A_2756, %get3A_2757] {strides = array<i32>} : memref<16x128xi32, #tpu.memory_space<vmem>>, vector<1x16xi32>,
      %get3A_2759 = vector.shape_cast %get3A_2758 : vector<1x16xi32> to vector<16xi32>
      %swap3A_2760 = arith.constant 48 : index
      %swap3A_2761 = tpu.vector_load %arg10[%swap3A_2760] {strides = array<i32>} : memref<128xi32, #tpu.memory_space<vmem>>, vector<16xi32>,
      %swap3A_2762 = vector.shape_cast %swap3A_2761 : vector<16xi32> to vector<16xi32>
      %swap3A_2763 = vector.shape_cast %get3A_2759 : vector<16xi32> to vector<16xi32>
      tpu.vector_store %arg10[%swap3A_2760], %swap3A_2763 {strides = array<i32>} : memref<128xi32, #tpu.memory_space<vmem>>, vector<16xi32>,
      %get3A_2764 = arith.constant 9 : i32
      %get3A_2765 = arith.index_cast %get3A_2764 : i32 to index
      %get3A_2766 = arith.constant 64 : index
      %get3A_2767 = tpu.vector_load %arg9[%get3A_2765, %get3A_2766] {strides = array<i32>} : memref<16x128xi32, #tpu.memory_space<vmem>>, vector<1x16xi32>,
      %get3A_2768 = vector.shape_cast %get3A_2767 : vector<1x16xi32> to vector<16xi32>
      %swap3A_2769 = arith.constant 64 : index
      %swap3A_2770 = tpu.vector_load %arg10[%swap3A_2769] {strides = array<i32>} : memref<128xi32, #tpu.memory_space<vmem>>, vector<16xi32>,
      %swap3A_2771 = vector.shape_cast %swap3A_2770 : vector<16xi32> to vector<16xi32>
      %swap3A_2772 = vector.shape_cast %get3A_2768 : vector<16xi32> to vector<16xi32>
      tpu.vector_store %arg10[%swap3A_2769], %swap3A_2772 {strides = array<i32>} : memref<128xi32, #tpu.memory_space<vmem>>, vector<16xi32>,
      %get3A_2773 = arith.constant 9 : i32
      %get3A_2774 = arith.index_cast %get3A_2773 : i32 to index
      %get3A_2775 = arith.constant 80 : index
      %get3A_2776 = tpu.vector_load %arg9[%get3A_2774, %get3A_2775] {strides = array<i32>} : memref<16x128xi32, #tpu.memory_space<vmem>>, vector<1x16xi32>,
      %get3A_2777 = vector.shape_cast %get3A_2776 : vector<1x16xi32> to vector<16xi32>
      %swap3A_2778 = arith.constant 80 : index
      %swap3A_2779 = tpu.vector_load %arg10[%swap3A_2778] {strides = array<i32>} : memref<128xi32, #tpu.memory_space<vmem>>, vector<16xi32>,
      %swap3A_2780 = vector.shape_cast %swap3A_2779 : vector<16xi32> to vector<16xi32>
      %swap3A_2781 = vector.shape_cast %get3A_2777 : vector<16xi32> to vector<16xi32>
      tpu.vector_store %arg10[%swap3A_2778], %swap3A_2781 {strides = array<i32>} : memref<128xi32, #tpu.memory_space<vmem>>, vector<16xi32>,
      %get3A_2782 = arith.constant 9 : i32
      %get3A_2783 = arith.index_cast %get3A_2782 : i32 to index
      %get3A_2784 = arith.constant 96 : index
      %get3A_2785 = tpu.vector_load %arg9[%get3A_2783, %get3A_2784] {strides = array<i32>} : memref<16x128xi32, #tpu.memory_space<vmem>>, vector<1x16xi32>,
      %get3A_2786 = vector.shape_cast %get3A_2785 : vector<1x16xi32> to vector<16xi32>
      %swap3A_2787 = arith.constant 96 : index
      %swap3A_2788 = tpu.vector_load %arg10[%swap3A_2787] {strides = array<i32>} : memref<128xi32, #tpu.memory_space<vmem>>, vector<16xi32>,
      %swap3A_2789 = vector.shape_cast %swap3A_2788 : vector<16xi32> to vector<16xi32>
      %swap3A_2790 = vector.shape_cast %get3A_2786 : vector<16xi32> to vector<16xi32>
      tpu.vector_store %arg10[%swap3A_2787], %swap3A_2790 {strides = array<i32>} : memref<128xi32, #tpu.memory_space<vmem>>, vector<16xi32>,
      %get3A_2791 = arith.constant 9 : i32
      %get3A_2792 = arith.index_cast %get3A_2791 : i32 to index
      %get3A_2793 = arith.constant 112 : index
      %get3A_2794 = tpu.vector_load %arg9[%get3A_2792, %get3A_2793] {strides = array<i32>} : memref<16x128xi32, #tpu.memory_space<vmem>>, vector<1x16xi32>,
      %get3A_2795 = vector.shape_cast %get3A_2794 : vector<1x16xi32> to vector<16xi32>
      %swap3A_2796 = arith.constant 112 : index
      %swap3A_2797 = tpu.vector_load %arg10[%swap3A_2796] {strides = array<i32>} : memref<128xi32, #tpu.memory_space<vmem>>, vector<16xi32>,
      %swap3A_2798 = vector.shape_cast %swap3A_2797 : vector<16xi32> to vector<16xi32>
      %swap3A_2799 = vector.shape_cast %get3A_2795 : vector<16xi32> to vector<16xi32>
      tpu.vector_store %arg10[%swap3A_2796], %swap3A_2799 {strides = array<i32>} : memref<128xi32, #tpu.memory_space<vmem>>, vector<16xi32>,
      "tpu.region"() ({
        %run_scoped3A = tpu.sem_alloc : memref<!tpu.dma_semaphore, #tpu.memory_space<semaphore_mem>>
        %dma_start3A_3397 = arith.constant 0 : i32
        %dma_start3A_3398 = arith.constant 0 : i32
        %dma_start3A_3399 = tpu.memref_slice %arg20[%dma_start3A_3397, %dma_start3A_3398] : memref<10240x64xf32, #tpu.memory_space<vmem_shared>> -> memref<10240x64xf32, #tpu.memory_space<vmem_shared>>
        tpu.enqueue_indirect_dma source(%arg12 : memref<128x64xf32, #tpu.memory_space<vmem>>) target(%dma_start3A_3399 : memref<10240x64xf32, #tpu.memory_space<vmem_shared>>) offsets(%arg10 : memref<128xi32, #tpu.memory_space<vmem>>) semaphore(%run_scoped3A : memref<!tpu.dma_semaphore, #tpu.memory_space<semaphore_mem>>) {add = true}
        %dma_wait3A_3400 = arith.constant 0 : i32
        %dma_wait3A_3401 = arith.constant 0 : i32
        %dma_wait3A_3402 = tpu.memref_slice %arg20[%dma_wait3A_3400, %dma_wait3A_3401] : memref<10240x64xf32, #tpu.memory_space<vmem_shared>> -> memref<10240x64xf32, #tpu.memory_space<vmem_shared>>
        tpu.wait_indirect_dma semaphore(%run_scoped3A : memref<!tpu.dma_semaphore, #tpu.memory_space<semaphore_mem>>) src(%arg12 : memref<128x64xf32, #tpu.memory_space<vmem>>) dst(%dma_wait3A_3402 : memref<10240x64xf32, #tpu.memory_space<vmem_shared>>)
        tpu.yield
      }) : () -> ()
      %dma_start3A_2800 = arith.constant 0 : i32
      %dma_start3A_2801 = arith.constant 0 : i32
      %dma_start3A_2802 = tpu.memref_slice %arg6[%dma_start3A_2800, %dma_start3A_2801] : memref<16x128xi32, #tpu.memory_space<vmem>> -> memref<1x128xi32, #tpu.memory_space<vmem>>
      %dma_start3A_2803 = tpu.memref_squeeze %dma_start3A_2802 : memref<1x128xi32, #tpu.memory_space<vmem>> -> memref<128xi32, #tpu.memory_space<vmem>>
      %dma_start3A_2804 = arith.constant 0 : i32
      %dma_start3A_2805 = arith.constant 0 : i32
      %dma_start3A_2806 = tpu.memref_slice %arg4[%arg0, %dma_start3A_2804, %dma_start3A_2805] : memref<2x10000x64xf32, #tpu.memory_space<hbm>> -> memref<1x10000x64xf32, #tpu.memory_space<hbm>>
      %dma_start3A_2807 = tpu.memref_squeeze %dma_start3A_2806 : memref<1x10000x64xf32, #tpu.memory_space<hbm>> -> memref<10000x64xf32, #tpu.memory_space<hbm>>
      %dma_start3A_2808 = arith.constant 0 : i32
      %dma_start3A_2809 = arith.constant 0 : i32
      %dma_start3A_2810 = tpu.memref_slice %dma_start3A_2807[%dma_start3A_2808, %dma_start3A_2809] : memref<10000x64xf32, #tpu.memory_space<hbm>> -> memref<10000x64xf32, #tpu.memory_space<hbm>>
      tpu.enqueue_indirect_dma source(%dma_start3A_2810 : memref<10000x64xf32, #tpu.memory_space<hbm>>) target(%arg11 : memref<128x64xf32, #tpu.memory_space<vmem>>) offsets(%dma_start3A_2803 : memref<128xi32, #tpu.memory_space<vmem>>) semaphore(%arg25 : memref<!tpu.dma_semaphore, #tpu.memory_space<semaphore_mem>>)
      %dma_wait3A_2811 = arith.constant 10 : i32
      %dma_wait3A_2812 = arith.constant 0 : i32
      %dma_wait3A_2813 = tpu.memref_slice %arg7[%dma_wait3A_2811, %dma_wait3A_2812] : memref<16x128xi32, #tpu.memory_space<vmem>> -> memref<1x128xi32, #tpu.memory_space<vmem>>
      %dma_wait3A_2814 = tpu.memref_squeeze %dma_wait3A_2813 : memref<1x128xi32, #tpu.memory_space<vmem>> -> memref<128xi32, #tpu.memory_space<vmem>>
      %dma_wait3A_2815 = arith.constant 0 : i32
      %dma_wait3A_2816 = arith.constant 0 : i32
      %dma_wait3A_2817 = tpu.memref_slice %arg4[%arg0, %dma_wait3A_2815, %dma_wait3A_2816] : memref<2x10000x64xf32, #tpu.memory_space<hbm>> -> memref<1x10000x64xf32, #tpu.memory_space<hbm>>
      %dma_wait3A_2818 = tpu.memref_squeeze %dma_wait3A_2817 : memref<1x10000x64xf32, #tpu.memory_space<hbm>> -> memref<10000x64xf32, #tpu.memory_space<hbm>>
      %dma_wait3A_2819 = arith.constant 0 : i32
      %dma_wait3A_2820 = arith.constant 0 : i32
      %dma_wait3A_2821 = tpu.memref_slice %dma_wait3A_2818[%dma_wait3A_2819, %dma_wait3A_2820] : memref<10000x64xf32, #tpu.memory_space<hbm>> -> memref<10000x64xf32, #tpu.memory_space<hbm>>
      tpu.wait_indirect_dma semaphore(%arg27 : memref<!tpu.dma_semaphore, #tpu.memory_space<semaphore_mem>>) src(%dma_wait3A_2821 : memref<10000x64xf32, #tpu.memory_space<hbm>>) dst(%arg13 : memref<128x64xf32, #tpu.memory_space<vmem>>)
      %get3A_2822 = arith.constant 10 : i32
      %get3A_2823 = arith.index_cast %get3A_2822 : i32 to index
      %get3A_2824 = arith.constant 0 : index
      %get3A_2825 = tpu.vector_load %arg9[%get3A_2823, %get3A_2824] {strides = array<i32>} : memref<16x128xi32, #tpu.memory_space<vmem>>, vector<1x16xi32>,
      %get3A_2826 = vector.shape_cast %get3A_2825 : vector<1x16xi32> to vector<16xi32>
      %swap3A_2827 = arith.constant 0 : index
      %swap3A_2828 = tpu.vector_load %arg10[%swap3A_2827] {strides = array<i32>} : memref<128xi32, #tpu.memory_space<vmem>>, vector<16xi32>,
      %swap3A_2829 = vector.shape_cast %swap3A_2828 : vector<16xi32> to vector<16xi32>
      %swap3A_2830 = vector.shape_cast %get3A_2826 : vector<16xi32> to vector<16xi32>
      tpu.vector_store %arg10[%swap3A_2827], %swap3A_2830 {strides = array<i32>} : memref<128xi32, #tpu.memory_space<vmem>>, vector<16xi32>,
      %get3A_2831 = arith.constant 10 : i32
      %get3A_2832 = arith.index_cast %get3A_2831 : i32 to index
      %get3A_2833 = arith.constant 16 : index
      %get3A_2834 = tpu.vector_load %arg9[%get3A_2832, %get3A_2833] {strides = array<i32>} : memref<16x128xi32, #tpu.memory_space<vmem>>, vector<1x16xi32>,
      %get3A_2835 = vector.shape_cast %get3A_2834 : vector<1x16xi32> to vector<16xi32>
      %swap3A_2836 = arith.constant 16 : index
      %swap3A_2837 = tpu.vector_load %arg10[%swap3A_2836] {strides = array<i32>} : memref<128xi32, #tpu.memory_space<vmem>>, vector<16xi32>,
      %swap3A_2838 = vector.shape_cast %swap3A_2837 : vector<16xi32> to vector<16xi32>
      %swap3A_2839 = vector.shape_cast %get3A_2835 : vector<16xi32> to vector<16xi32>
      tpu.vector_store %arg10[%swap3A_2836], %swap3A_2839 {strides = array<i32>} : memref<128xi32, #tpu.memory_space<vmem>>, vector<16xi32>,
      %get3A_2840 = arith.constant 10 : i32
      %get3A_2841 = arith.index_cast %get3A_2840 : i32 to index
      %get3A_2842 = arith.constant 32 : index
      %get3A_2843 = tpu.vector_load %arg9[%get3A_2841, %get3A_2842] {strides = array<i32>} : memref<16x128xi32, #tpu.memory_space<vmem>>, vector<1x16xi32>,
      %get3A_2844 = vector.shape_cast %get3A_2843 : vector<1x16xi32> to vector<16xi32>
      %swap3A_2845 = arith.constant 32 : index
      %swap3A_2846 = tpu.vector_load %arg10[%swap3A_2845] {strides = array<i32>} : memref<128xi32, #tpu.memory_space<vmem>>, vector<16xi32>,
      %swap3A_2847 = vector.shape_cast %swap3A_2846 : vector<16xi32> to vector<16xi32>
      %swap3A_2848 = vector.shape_cast %get3A_2844 : vector<16xi32> to vector<16xi32>
      tpu.vector_store %arg10[%swap3A_2845], %swap3A_2848 {strides = array<i32>} : memref<128xi32, #tpu.memory_space<vmem>>, vector<16xi32>,
      %get3A_2849 = arith.constant 10 : i32
      %get3A_2850 = arith.index_cast %get3A_2849 : i32 to index
      %get3A_2851 = arith.constant 48 : index
      %get3A_2852 = tpu.vector_load %arg9[%get3A_2850, %get3A_2851] {strides = array<i32>} : memref<16x128xi32, #tpu.memory_space<vmem>>, vector<1x16xi32>,
      %get3A_2853 = vector.shape_cast %get3A_2852 : vector<1x16xi32> to vector<16xi32>
      %swap3A_2854 = arith.constant 48 : index
      %swap3A_2855 = tpu.vector_load %arg10[%swap3A_2854] {strides = array<i32>} : memref<128xi32, #tpu.memory_space<vmem>>, vector<16xi32>,
      %swap3A_2856 = vector.shape_cast %swap3A_2855 : vector<16xi32> to vector<16xi32>
      %swap3A_2857 = vector.shape_cast %get3A_2853 : vector<16xi32> to vector<16xi32>
      tpu.vector_store %arg10[%swap3A_2854], %swap3A_2857 {strides = array<i32>} : memref<128xi32, #tpu.memory_space<vmem>>, vector<16xi32>,
      %get3A_2858 = arith.constant 10 : i32
      %get3A_2859 = arith.index_cast %get3A_2858 : i32 to index
      %get3A_2860 = arith.constant 64 : index
      %get3A_2861 = tpu.vector_load %arg9[%get3A_2859, %get3A_2860] {strides = array<i32>} : memref<16x128xi32, #tpu.memory_space<vmem>>, vector<1x16xi32>,
      %get3A_2862 = vector.shape_cast %get3A_2861 : vector<1x16xi32> to vector<16xi32>
      %swap3A_2863 = arith.constant 64 : index
      %swap3A_2864 = tpu.vector_load %arg10[%swap3A_2863] {strides = array<i32>} : memref<128xi32, #tpu.memory_space<vmem>>, vector<16xi32>,
      %swap3A_2865 = vector.shape_cast %swap3A_2864 : vector<16xi32> to vector<16xi32>
      %swap3A_2866 = vector.shape_cast %get3A_2862 : vector<16xi32> to vector<16xi32>
      tpu.vector_store %arg10[%swap3A_2863], %swap3A_2866 {strides = array<i32>} : memref<128xi32, #tpu.memory_space<vmem>>, vector<16xi32>,
      %get3A_2867 = arith.constant 10 : i32
      %get3A_2868 = arith.index_cast %get3A_2867 : i32 to index
      %get3A_2869 = arith.constant 80 : index
      %get3A_2870 = tpu.vector_load %arg9[%get3A_2868, %get3A_2869] {strides = array<i32>} : memref<16x128xi32, #tpu.memory_space<vmem>>, vector<1x16xi32>,
      %get3A_2871 = vector.shape_cast %get3A_2870 : vector<1x16xi32> to vector<16xi32>
      %swap3A_2872 = arith.constant 80 : index
      %swap3A_2873 = tpu.vector_load %arg10[%swap3A_2872] {strides = array<i32>} : memref<128xi32, #tpu.memory_space<vmem>>, vector<16xi32>,
      %swap3A_2874 = vector.shape_cast %swap3A_2873 : vector<16xi32> to vector<16xi32>
      %swap3A_2875 = vector.shape_cast %get3A_2871 : vector<16xi32> to vector<16xi32>
      tpu.vector_store %arg10[%swap3A_2872], %swap3A_2875 {strides = array<i32>} : memref<128xi32, #tpu.memory_space<vmem>>, vector<16xi32>,
      %get3A_2876 = arith.constant 10 : i32
      %get3A_2877 = arith.index_cast %get3A_2876 : i32 to index
      %get3A_2878 = arith.constant 96 : index
      %get3A_2879 = tpu.vector_load %arg9[%get3A_2877, %get3A_2878] {strides = array<i32>} : memref<16x128xi32, #tpu.memory_space<vmem>>, vector<1x16xi32>,
      %get3A_2880 = vector.shape_cast %get3A_2879 : vector<1x16xi32> to vector<16xi32>
      %swap3A_2881 = arith.constant 96 : index
      %swap3A_2882 = tpu.vector_load %arg10[%swap3A_2881] {strides = array<i32>} : memref<128xi32, #tpu.memory_space<vmem>>, vector<16xi32>,
      %swap3A_2883 = vector.shape_cast %swap3A_2882 : vector<16xi32> to vector<16xi32>
      %swap3A_2884 = vector.shape_cast %get3A_2880 : vector<16xi32> to vector<16xi32>
      tpu.vector_store %arg10[%swap3A_2881], %swap3A_2884 {strides = array<i32>} : memref<128xi32, #tpu.memory_space<vmem>>, vector<16xi32>,
      %get3A_2885 = arith.constant 10 : i32
      %get3A_2886 = arith.index_cast %get3A_2885 : i32 to index
      %get3A_2887 = arith.constant 112 : index
      %get3A_2888 = tpu.vector_load %arg9[%get3A_2886, %get3A_2887] {strides = array<i32>} : memref<16x128xi32, #tpu.memory_space<vmem>>, vector<1x16xi32>,
      %get3A_2889 = vector.shape_cast %get3A_2888 : vector<1x16xi32> to vector<16xi32>
      %swap3A_2890 = arith.constant 112 : index
      %swap3A_2891 = tpu.vector_load %arg10[%swap3A_2890] {strides = array<i32>} : memref<128xi32, #tpu.memory_space<vmem>>, vector<16xi32>,
      %swap3A_2892 = vector.shape_cast %swap3A_2891 : vector<16xi32> to vector<16xi32>
      %swap3A_2893 = vector.shape_cast %get3A_2889 : vector<16xi32> to vector<16xi32>
      tpu.vector_store %arg10[%swap3A_2890], %swap3A_2893 {strides = array<i32>} : memref<128xi32, #tpu.memory_space<vmem>>, vector<16xi32>,
      "tpu.region"() ({
        %run_scoped3A = tpu.sem_alloc : memref<!tpu.dma_semaphore, #tpu.memory_space<semaphore_mem>>
        %dma_start3A_3397 = arith.constant 0 : i32
        %dma_start3A_3398 = arith.constant 0 : i32
        %dma_start3A_3399 = tpu.memref_slice %arg20[%dma_start3A_3397, %dma_start3A_3398] : memref<10240x64xf32, #tpu.memory_space<vmem_shared>> -> memref<10240x64xf32, #tpu.memory_space<vmem_shared>>
        tpu.enqueue_indirect_dma source(%arg13 : memref<128x64xf32, #tpu.memory_space<vmem>>) target(%dma_start3A_3399 : memref<10240x64xf32, #tpu.memory_space<vmem_shared>>) offsets(%arg10 : memref<128xi32, #tpu.memory_space<vmem>>) semaphore(%run_scoped3A : memref<!tpu.dma_semaphore, #tpu.memory_space<semaphore_mem>>) {add = true}
        %dma_wait3A_3400 = arith.constant 0 : i32
        %dma_wait3A_3401 = arith.constant 0 : i32
        %dma_wait3A_3402 = tpu.memref_slice %arg20[%dma_wait3A_3400, %dma_wait3A_3401] : memref<10240x64xf32, #tpu.memory_space<vmem_shared>> -> memref<10240x64xf32, #tpu.memory_space<vmem_shared>>
        tpu.wait_indirect_dma semaphore(%run_scoped3A : memref<!tpu.dma_semaphore, #tpu.memory_space<semaphore_mem>>) src(%arg13 : memref<128x64xf32, #tpu.memory_space<vmem>>) dst(%dma_wait3A_3402 : memref<10240x64xf32, #tpu.memory_space<vmem_shared>>)
        tpu.yield
      }) : () -> ()
      %dma_start3A_2894 = arith.constant 1 : i32
      %dma_start3A_2895 = arith.constant 0 : i32
      %dma_start3A_2896 = tpu.memref_slice %arg6[%dma_start3A_2894, %dma_start3A_2895] : memref<16x128xi32, #tpu.memory_space<vmem>> -> memref<1x128xi32, #tpu.memory_space<vmem>>
      %dma_start3A_2897 = tpu.memref_squeeze %dma_start3A_2896 : memref<1x128xi32, #tpu.memory_space<vmem>> -> memref<128xi32, #tpu.memory_space<vmem>>
      %dma_start3A_2898 = arith.constant 0 : i32
      %dma_start3A_2899 = arith.constant 0 : i32
      %dma_start3A_2900 = tpu.memref_slice %arg4[%arg0, %dma_start3A_2898, %dma_start3A_2899] : memref<2x10000x64xf32, #tpu.memory_space<hbm>> -> memref<1x10000x64xf32, #tpu.memory_space<hbm>>
      %dma_start3A_2901 = tpu.memref_squeeze %dma_start3A_2900 : memref<1x10000x64xf32, #tpu.memory_space<hbm>> -> memref<10000x64xf32, #tpu.memory_space<hbm>>
      %dma_start3A_2902 = arith.constant 0 : i32
      %dma_start3A_2903 = arith.constant 0 : i32
      %dma_start3A_2904 = tpu.memref_slice %dma_start3A_2901[%dma_start3A_2902, %dma_start3A_2903] : memref<10000x64xf32, #tpu.memory_space<hbm>> -> memref<10000x64xf32, #tpu.memory_space<hbm>>
      tpu.enqueue_indirect_dma source(%dma_start3A_2904 : memref<10000x64xf32, #tpu.memory_space<hbm>>) target(%arg12 : memref<128x64xf32, #tpu.memory_space<vmem>>) offsets(%dma_start3A_2897 : memref<128xi32, #tpu.memory_space<vmem>>) semaphore(%arg26 : memref<!tpu.dma_semaphore, #tpu.memory_space<semaphore_mem>>)
      %dma_wait3A_2905 = arith.constant 11 : i32
      %dma_wait3A_2906 = arith.constant 0 : i32
      %dma_wait3A_2907 = tpu.memref_slice %arg7[%dma_wait3A_2905, %dma_wait3A_2906] : memref<16x128xi32, #tpu.memory_space<vmem>> -> memref<1x128xi32, #tpu.memory_space<vmem>>
      %dma_wait3A_2908 = tpu.memref_squeeze %dma_wait3A_2907 : memref<1x128xi32, #tpu.memory_space<vmem>> -> memref<128xi32, #tpu.memory_space<vmem>>
      %dma_wait3A_2909 = arith.constant 0 : i32
      %dma_wait3A_2910 = arith.constant 0 : i32
      %dma_wait3A_2911 = tpu.memref_slice %arg4[%arg0, %dma_wait3A_2909, %dma_wait3A_2910] : memref<2x10000x64xf32, #tpu.memory_space<hbm>> -> memref<1x10000x64xf32, #tpu.memory_space<hbm>>
      %dma_wait3A_2912 = tpu.memref_squeeze %dma_wait3A_2911 : memref<1x10000x64xf32, #tpu.memory_space<hbm>> -> memref<10000x64xf32, #tpu.memory_space<hbm>>
      %dma_wait3A_2913 = arith.constant 0 : i32
      %dma_wait3A_2914 = arith.constant 0 : i32
      %dma_wait3A_2915 = tpu.memref_slice %dma_wait3A_2912[%dma_wait3A_2913, %dma_wait3A_2914] : memref<10000x64xf32, #tpu.memory_space<hbm>> -> memref<10000x64xf32, #tpu.memory_space<hbm>>
      tpu.wait_indirect_dma semaphore(%arg28 : memref<!tpu.dma_semaphore, #tpu.memory_space<semaphore_mem>>) src(%dma_wait3A_2915 : memref<10000x64xf32, #tpu.memory_space<hbm>>) dst(%arg14 : memref<128x64xf32, #tpu.memory_space<vmem>>)
      %get3A_2916 = arith.constant 11 : i32
      %get3A_2917 = arith.index_cast %get3A_2916 : i32 to index
      %get3A_2918 = arith.constant 0 : index
      %get3A_2919 = tpu.vector_load %arg9[%get3A_2917, %get3A_2918] {strides = array<i32>} : memref<16x128xi32, #tpu.memory_space<vmem>>, vector<1x16xi32>,
      %get3A_2920 = vector.shape_cast %get3A_2919 : vector<1x16xi32> to vector<16xi32>
      %swap3A_2921 = arith.constant 0 : index
      %swap3A_2922 = tpu.vector_load %arg10[%swap3A_2921] {strides = array<i32>} : memref<128xi32, #tpu.memory_space<vmem>>, vector<16xi32>,
      %swap3A_2923 = vector.shape_cast %swap3A_2922 : vector<16xi32> to vector<16xi32>
      %swap3A_2924 = vector.shape_cast %get3A_2920 : vector<16xi32> to vector<16xi32>
      tpu.vector_store %arg10[%swap3A_2921], %swap3A_2924 {strides = array<i32>} : memref<128xi32, #tpu.memory_space<vmem>>, vector<16xi32>,
      %get3A_2925 = arith.constant 11 : i32
      %get3A_2926 = arith.index_cast %get3A_2925 : i32 to index
      %get3A_2927 = arith.constant 16 : index
      %get3A_2928 = tpu.vector_load %arg9[%get3A_2926, %get3A_2927] {strides = array<i32>} : memref<16x128xi32, #tpu.memory_space<vmem>>, vector<1x16xi32>,
      %get3A_2929 = vector.shape_cast %get3A_2928 : vector<1x16xi32> to vector<16xi32>
      %swap3A_2930 = arith.constant 16 : index
      %swap3A_2931 = tpu.vector_load %arg10[%swap3A_2930] {strides = array<i32>} : memref<128xi32, #tpu.memory_space<vmem>>, vector<16xi32>,
      %swap3A_2932 = vector.shape_cast %swap3A_2931 : vector<16xi32> to vector<16xi32>
      %swap3A_2933 = vector.shape_cast %get3A_2929 : vector<16xi32> to vector<16xi32>
      tpu.vector_store %arg10[%swap3A_2930], %swap3A_2933 {strides = array<i32>} : memref<128xi32, #tpu.memory_space<vmem>>, vector<16xi32>,
      %get3A_2934 = arith.constant 11 : i32
      %get3A_2935 = arith.index_cast %get3A_2934 : i32 to index
      %get3A_2936 = arith.constant 32 : index
      %get3A_2937 = tpu.vector_load %arg9[%get3A_2935, %get3A_2936] {strides = array<i32>} : memref<16x128xi32, #tpu.memory_space<vmem>>, vector<1x16xi32>,
      %get3A_2938 = vector.shape_cast %get3A_2937 : vector<1x16xi32> to vector<16xi32>
      %swap3A_2939 = arith.constant 32 : index
      %swap3A_2940 = tpu.vector_load %arg10[%swap3A_2939] {strides = array<i32>} : memref<128xi32, #tpu.memory_space<vmem>>, vector<16xi32>,
      %swap3A_2941 = vector.shape_cast %swap3A_2940 : vector<16xi32> to vector<16xi32>
      %swap3A_2942 = vector.shape_cast %get3A_2938 : vector<16xi32> to vector<16xi32>
      tpu.vector_store %arg10[%swap3A_2939], %swap3A_2942 {strides = array<i32>} : memref<128xi32, #tpu.memory_space<vmem>>, vector<16xi32>,
      %get3A_2943 = arith.constant 11 : i32
      %get3A_2944 = arith.index_cast %get3A_2943 : i32 to index
      %get3A_2945 = arith.constant 48 : index
      %get3A_2946 = tpu.vector_load %arg9[%get3A_2944, %get3A_2945] {strides = array<i32>} : memref<16x128xi32, #tpu.memory_space<vmem>>, vector<1x16xi32>,
      %get3A_2947 = vector.shape_cast %get3A_2946 : vector<1x16xi32> to vector<16xi32>
      %swap3A_2948 = arith.constant 48 : index
      %swap3A_2949 = tpu.vector_load %arg10[%swap3A_2948] {strides = array<i32>} : memref<128xi32, #tpu.memory_space<vmem>>, vector<16xi32>,
      %swap3A_2950 = vector.shape_cast %swap3A_2949 : vector<16xi32> to vector<16xi32>
      %swap3A_2951 = vector.shape_cast %get3A_2947 : vector<16xi32> to vector<16xi32>
      tpu.vector_store %arg10[%swap3A_2948], %swap3A_2951 {strides = array<i32>} : memref<128xi32, #tpu.memory_space<vmem>>, vector<16xi32>,
      %get3A_2952 = arith.constant 11 : i32
      %get3A_2953 = arith.index_cast %get3A_2952 : i32 to index
      %get3A_2954 = arith.constant 64 : index
      %get3A_2955 = tpu.vector_load %arg9[%get3A_2953, %get3A_2954] {strides = array<i32>} : memref<16x128xi32, #tpu.memory_space<vmem>>, vector<1x16xi32>,
      %get3A_2956 = vector.shape_cast %get3A_2955 : vector<1x16xi32> to vector<16xi32>
      %swap3A_2957 = arith.constant 64 : index
      %swap3A_2958 = tpu.vector_load %arg10[%swap3A_2957] {strides = array<i32>} : memref<128xi32, #tpu.memory_space<vmem>>, vector<16xi32>,
      %swap3A_2959 = vector.shape_cast %swap3A_2958 : vector<16xi32> to vector<16xi32>
      %swap3A_2960 = vector.shape_cast %get3A_2956 : vector<16xi32> to vector<16xi32>
      tpu.vector_store %arg10[%swap3A_2957], %swap3A_2960 {strides = array<i32>} : memref<128xi32, #tpu.memory_space<vmem>>, vector<16xi32>,
      %get3A_2961 = arith.constant 11 : i32
      %get3A_2962 = arith.index_cast %get3A_2961 : i32 to index
      %get3A_2963 = arith.constant 80 : index
      %get3A_2964 = tpu.vector_load %arg9[%get3A_2962, %get3A_2963] {strides = array<i32>} : memref<16x128xi32, #tpu.memory_space<vmem>>, vector<1x16xi32>,
      %get3A_2965 = vector.shape_cast %get3A_2964 : vector<1x16xi32> to vector<16xi32>
      %swap3A_2966 = arith.constant 80 : index
      %swap3A_2967 = tpu.vector_load %arg10[%swap3A_2966] {strides = array<i32>} : memref<128xi32, #tpu.memory_space<vmem>>, vector<16xi32>,
      %swap3A_2968 = vector.shape_cast %swap3A_2967 : vector<16xi32> to vector<16xi32>
      %swap3A_2969 = vector.shape_cast %get3A_2965 : vector<16xi32> to vector<16xi32>
      tpu.vector_store %arg10[%swap3A_2966], %swap3A_2969 {strides = array<i32>} : memref<128xi32, #tpu.memory_space<vmem>>, vector<16xi32>,
      %get3A_2970 = arith.constant 11 : i32
      %get3A_2971 = arith.index_cast %get3A_2970 : i32 to index
      %get3A_2972 = arith.constant 96 : index
      %get3A_2973 = tpu.vector_load %arg9[%get3A_2971, %get3A_2972] {strides = array<i32>} : memref<16x128xi32, #tpu.memory_space<vmem>>, vector<1x16xi32>,
      %get3A_2974 = vector.shape_cast %get3A_2973 : vector<1x16xi32> to vector<16xi32>
      %swap3A_2975 = arith.constant 96 : index
      %swap3A_2976 = tpu.vector_load %arg10[%swap3A_2975] {strides = array<i32>} : memref<128xi32, #tpu.memory_space<vmem>>, vector<16xi32>,
      %swap3A_2977 = vector.shape_cast %swap3A_2976 : vector<16xi32> to vector<16xi32>
      %swap3A_2978 = vector.shape_cast %get3A_2974 : vector<16xi32> to vector<16xi32>
      tpu.vector_store %arg10[%swap3A_2975], %swap3A_2978 {strides = array<i32>} : memref<128xi32, #tpu.memory_space<vmem>>, vector<16xi32>,
      %get3A_2979 = arith.constant 11 : i32
      %get3A_2980 = arith.index_cast %get3A_2979 : i32 to index
      %get3A_2981 = arith.constant 112 : index
      %get3A_2982 = tpu.vector_load %arg9[%get3A_2980, %get3A_2981] {strides = array<i32>} : memref<16x128xi32, #tpu.memory_space<vmem>>, vector<1x16xi32>,
      %get3A_2983 = vector.shape_cast %get3A_2982 : vector<1x16xi32> to vector<16xi32>
      %swap3A_2984 = arith.constant 112 : index
      %swap3A_2985 = tpu.vector_load %arg10[%swap3A_2984] {strides = array<i32>} : memref<128xi32, #tpu.memory_space<vmem>>, vector<16xi32>,
      %swap3A_2986 = vector.shape_cast %swap3A_2985 : vector<16xi32> to vector<16xi32>
      %swap3A_2987 = vector.shape_cast %get3A_2983 : vector<16xi32> to vector<16xi32>
      tpu.vector_store %arg10[%swap3A_2984], %swap3A_2987 {strides = array<i32>} : memref<128xi32, #tpu.memory_space<vmem>>, vector<16xi32>,
      "tpu.region"() ({
        %run_scoped3A = tpu.sem_alloc : memref<!tpu.dma_semaphore, #tpu.memory_space<semaphore_mem>>
        %dma_start3A_3397 = arith.constant 0 : i32
        %dma_start3A_3398 = arith.constant 0 : i32
        %dma_start3A_3399 = tpu.memref_slice %arg20[%dma_start3A_3397, %dma_start3A_3398] : memref<10240x64xf32, #tpu.memory_space<vmem_shared>> -> memref<10240x64xf32, #tpu.memory_space<vmem_shared>>
        tpu.enqueue_indirect_dma source(%arg14 : memref<128x64xf32, #tpu.memory_space<vmem>>) target(%dma_start3A_3399 : memref<10240x64xf32, #tpu.memory_space<vmem_shared>>) offsets(%arg10 : memref<128xi32, #tpu.memory_space<vmem>>) semaphore(%run_scoped3A : memref<!tpu.dma_semaphore, #tpu.memory_space<semaphore_mem>>) {add = true}
        %dma_wait3A_3400 = arith.constant 0 : i32
        %dma_wait3A_3401 = arith.constant 0 : i32
        %dma_wait3A_3402 = tpu.memref_slice %arg20[%dma_wait3A_3400, %dma_wait3A_3401] : memref<10240x64xf32, #tpu.memory_space<vmem_shared>> -> memref<10240x64xf32, #tpu.memory_space<vmem_shared>>
        tpu.wait_indirect_dma semaphore(%run_scoped3A : memref<!tpu.dma_semaphore, #tpu.memory_space<semaphore_mem>>) src(%arg14 : memref<128x64xf32, #tpu.memory_space<vmem>>) dst(%dma_wait3A_3402 : memref<10240x64xf32, #tpu.memory_space<vmem_shared>>)
        tpu.yield
      }) : () -> ()
      %dma_start3A_2988 = arith.constant 2 : i32
      %dma_start3A_2989 = arith.constant 0 : i32
      %dma_start3A_2990 = tpu.memref_slice %arg6[%dma_start3A_2988, %dma_start3A_2989] : memref<16x128xi32, #tpu.memory_space<vmem>> -> memref<1x128xi32, #tpu.memory_space<vmem>>
      %dma_start3A_2991 = tpu.memref_squeeze %dma_start3A_2990 : memref<1x128xi32, #tpu.memory_space<vmem>> -> memref<128xi32, #tpu.memory_space<vmem>>
      %dma_start3A_2992 = arith.constant 0 : i32
      %dma_start3A_2993 = arith.constant 0 : i32
      %dma_start3A_2994 = tpu.memref_slice %arg4[%arg0, %dma_start3A_2992, %dma_start3A_2993] : memref<2x10000x64xf32, #tpu.memory_space<hbm>> -> memref<1x10000x64xf32, #tpu.memory_space<hbm>>
      %dma_start3A_2995 = tpu.memref_squeeze %dma_start3A_2994 : memref<1x10000x64xf32, #tpu.memory_space<hbm>> -> memref<10000x64xf32, #tpu.memory_space<hbm>>
      %dma_start3A_2996 = arith.constant 0 : i32
      %dma_start3A_2997 = arith.constant 0 : i32
      %dma_start3A_2998 = tpu.memref_slice %dma_start3A_2995[%dma_start3A_2996, %dma_start3A_2997] : memref<10000x64xf32, #tpu.memory_space<hbm>> -> memref<10000x64xf32, #tpu.memory_space<hbm>>
      tpu.enqueue_indirect_dma source(%dma_start3A_2998 : memref<10000x64xf32, #tpu.memory_space<hbm>>) target(%arg13 : memref<128x64xf32, #tpu.memory_space<vmem>>) offsets(%dma_start3A_2991 : memref<128xi32, #tpu.memory_space<vmem>>) semaphore(%arg27 : memref<!tpu.dma_semaphore, #tpu.memory_space<semaphore_mem>>)
      %dma_wait3A_2999 = arith.constant 12 : i32
      %dma_wait3A_3000 = arith.constant 0 : i32
      %dma_wait3A_3001 = tpu.memref_slice %arg7[%dma_wait3A_2999, %dma_wait3A_3000] : memref<16x128xi32, #tpu.memory_space<vmem>> -> memref<1x128xi32, #tpu.memory_space<vmem>>
      %dma_wait3A_3002 = tpu.memref_squeeze %dma_wait3A_3001 : memref<1x128xi32, #tpu.memory_space<vmem>> -> memref<128xi32, #tpu.memory_space<vmem>>
      %dma_wait3A_3003 = arith.constant 0 : i32
      %dma_wait3A_3004 = arith.constant 0 : i32
      %dma_wait3A_3005 = tpu.memref_slice %arg4[%arg0, %dma_wait3A_3003, %dma_wait3A_3004] : memref<2x10000x64xf32, #tpu.memory_space<hbm>> -> memref<1x10000x64xf32, #tpu.memory_space<hbm>>
      %dma_wait3A_3006 = tpu.memref_squeeze %dma_wait3A_3005 : memref<1x10000x64xf32, #tpu.memory_space<hbm>> -> memref<10000x64xf32, #tpu.memory_space<hbm>>
      %dma_wait3A_3007 = arith.constant 0 : i32
      %dma_wait3A_3008 = arith.constant 0 : i32
      %dma_wait3A_3009 = tpu.memref_slice %dma_wait3A_3006[%dma_wait3A_3007, %dma_wait3A_3008] : memref<10000x64xf32, #tpu.memory_space<hbm>> -> memref<10000x64xf32, #tpu.memory_space<hbm>>
      tpu.wait_indirect_dma semaphore(%arg29 : memref<!tpu.dma_semaphore, #tpu.memory_space<semaphore_mem>>) src(%dma_wait3A_3009 : memref<10000x64xf32, #tpu.memory_space<hbm>>) dst(%arg15 : memref<128x64xf32, #tpu.memory_space<vmem>>)
      %get3A_3010 = arith.constant 12 : i32
      %get3A_3011 = arith.index_cast %get3A_3010 : i32 to index
      %get3A_3012 = arith.constant 0 : index
      %get3A_3013 = tpu.vector_load %arg9[%get3A_3011, %get3A_3012] {strides = array<i32>} : memref<16x128xi32, #tpu.memory_space<vmem>>, vector<1x16xi32>,
      %get3A_3014 = vector.shape_cast %get3A_3013 : vector<1x16xi32> to vector<16xi32>
      %swap3A_3015 = arith.constant 0 : index
      %swap3A_3016 = tpu.vector_load %arg10[%swap3A_3015] {strides = array<i32>} : memref<128xi32, #tpu.memory_space<vmem>>, vector<16xi32>,
      %swap3A_3017 = vector.shape_cast %swap3A_3016 : vector<16xi32> to vector<16xi32>
      %swap3A_3018 = vector.shape_cast %get3A_3014 : vector<16xi32> to vector<16xi32>
      tpu.vector_store %arg10[%swap3A_3015], %swap3A_3018 {strides = array<i32>} : memref<128xi32, #tpu.memory_space<vmem>>, vector<16xi32>,
      %get3A_3019 = arith.constant 12 : i32
      %get3A_3020 = arith.index_cast %get3A_3019 : i32 to index
      %get3A_3021 = arith.constant 16 : index
      %get3A_3022 = tpu.vector_load %arg9[%get3A_3020, %get3A_3021] {strides = array<i32>} : memref<16x128xi32, #tpu.memory_space<vmem>>, vector<1x16xi32>,
      %get3A_3023 = vector.shape_cast %get3A_3022 : vector<1x16xi32> to vector<16xi32>
      %swap3A_3024 = arith.constant 16 : index
      %swap3A_3025 = tpu.vector_load %arg10[%swap3A_3024] {strides = array<i32>} : memref<128xi32, #tpu.memory_space<vmem>>, vector<16xi32>,
      %swap3A_3026 = vector.shape_cast %swap3A_3025 : vector<16xi32> to vector<16xi32>
      %swap3A_3027 = vector.shape_cast %get3A_3023 : vector<16xi32> to vector<16xi32>
      tpu.vector_store %arg10[%swap3A_3024], %swap3A_3027 {strides = array<i32>} : memref<128xi32, #tpu.memory_space<vmem>>, vector<16xi32>,
      %get3A_3028 = arith.constant 12 : i32
      %get3A_3029 = arith.index_cast %get3A_3028 : i32 to index
      %get3A_3030 = arith.constant 32 : index
      %get3A_3031 = tpu.vector_load %arg9[%get3A_3029, %get3A_3030] {strides = array<i32>} : memref<16x128xi32, #tpu.memory_space<vmem>>, vector<1x16xi32>,
      %get3A_3032 = vector.shape_cast %get3A_3031 : vector<1x16xi32> to vector<16xi32>
      %swap3A_3033 = arith.constant 32 : index
      %swap3A_3034 = tpu.vector_load %arg10[%swap3A_3033] {strides = array<i32>} : memref<128xi32, #tpu.memory_space<vmem>>, vector<16xi32>,
      %swap3A_3035 = vector.shape_cast %swap3A_3034 : vector<16xi32> to vector<16xi32>
      %swap3A_3036 = vector.shape_cast %get3A_3032 : vector<16xi32> to vector<16xi32>
      tpu.vector_store %arg10[%swap3A_3033], %swap3A_3036 {strides = array<i32>} : memref<128xi32, #tpu.memory_space<vmem>>, vector<16xi32>,
      %get3A_3037 = arith.constant 12 : i32
      %get3A_3038 = arith.index_cast %get3A_3037 : i32 to index
      %get3A_3039 = arith.constant 48 : index
      %get3A_3040 = tpu.vector_load %arg9[%get3A_3038, %get3A_3039] {strides = array<i32>} : memref<16x128xi32, #tpu.memory_space<vmem>>, vector<1x16xi32>,
      %get3A_3041 = vector.shape_cast %get3A_3040 : vector<1x16xi32> to vector<16xi32>
      %swap3A_3042 = arith.constant 48 : index
      %swap3A_3043 = tpu.vector_load %arg10[%swap3A_3042] {strides = array<i32>} : memref<128xi32, #tpu.memory_space<vmem>>, vector<16xi32>,
      %swap3A_3044 = vector.shape_cast %swap3A_3043 : vector<16xi32> to vector<16xi32>
      %swap3A_3045 = vector.shape_cast %get3A_3041 : vector<16xi32> to vector<16xi32>
      tpu.vector_store %arg10[%swap3A_3042], %swap3A_3045 {strides = array<i32>} : memref<128xi32, #tpu.memory_space<vmem>>, vector<16xi32>,
      %get3A_3046 = arith.constant 12 : i32
      %get3A_3047 = arith.index_cast %get3A_3046 : i32 to index
      %get3A_3048 = arith.constant 64 : index
      %get3A_3049 = tpu.vector_load %arg9[%get3A_3047, %get3A_3048] {strides = array<i32>} : memref<16x128xi32, #tpu.memory_space<vmem>>, vector<1x16xi32>,
      %get3A_3050 = vector.shape_cast %get3A_3049 : vector<1x16xi32> to vector<16xi32>
      %swap3A_3051 = arith.constant 64 : index
      %swap3A_3052 = tpu.vector_load %arg10[%swap3A_3051] {strides = array<i32>} : memref<128xi32, #tpu.memory_space<vmem>>, vector<16xi32>,
      %swap3A_3053 = vector.shape_cast %swap3A_3052 : vector<16xi32> to vector<16xi32>
      %swap3A_3054 = vector.shape_cast %get3A_3050 : vector<16xi32> to vector<16xi32>
      tpu.vector_store %arg10[%swap3A_3051], %swap3A_3054 {strides = array<i32>} : memref<128xi32, #tpu.memory_space<vmem>>, vector<16xi32>,
      %get3A_3055 = arith.constant 12 : i32
      %get3A_3056 = arith.index_cast %get3A_3055 : i32 to index
      %get3A_3057 = arith.constant 80 : index
      %get3A_3058 = tpu.vector_load %arg9[%get3A_3056, %get3A_3057] {strides = array<i32>} : memref<16x128xi32, #tpu.memory_space<vmem>>, vector<1x16xi32>,
      %get3A_3059 = vector.shape_cast %get3A_3058 : vector<1x16xi32> to vector<16xi32>
      %swap3A_3060 = arith.constant 80 : index
      %swap3A_3061 = tpu.vector_load %arg10[%swap3A_3060] {strides = array<i32>} : memref<128xi32, #tpu.memory_space<vmem>>, vector<16xi32>,
      %swap3A_3062 = vector.shape_cast %swap3A_3061 : vector<16xi32> to vector<16xi32>
      %swap3A_3063 = vector.shape_cast %get3A_3059 : vector<16xi32> to vector<16xi32>
      tpu.vector_store %arg10[%swap3A_3060], %swap3A_3063 {strides = array<i32>} : memref<128xi32, #tpu.memory_space<vmem>>, vector<16xi32>,
      %get3A_3064 = arith.constant 12 : i32
      %get3A_3065 = arith.index_cast %get3A_3064 : i32 to index
      %get3A_3066 = arith.constant 96 : index
      %get3A_3067 = tpu.vector_load %arg9[%get3A_3065, %get3A_3066] {strides = array<i32>} : memref<16x128xi32, #tpu.memory_space<vmem>>, vector<1x16xi32>,
      %get3A_3068 = vector.shape_cast %get3A_3067 : vector<1x16xi32> to vector<16xi32>
      %swap3A_3069 = arith.constant 96 : index
      %swap3A_3070 = tpu.vector_load %arg10[%swap3A_3069] {strides = array<i32>} : memref<128xi32, #tpu.memory_space<vmem>>, vector<16xi32>,
      %swap3A_3071 = vector.shape_cast %swap3A_3070 : vector<16xi32> to vector<16xi32>
      %swap3A_3072 = vector.shape_cast %get3A_3068 : vector<16xi32> to vector<16xi32>
      tpu.vector_store %arg10[%swap3A_3069], %swap3A_3072 {strides = array<i32>} : memref<128xi32, #tpu.memory_space<vmem>>, vector<16xi32>,
      %get3A_3073 = arith.constant 12 : i32
      %get3A_3074 = arith.index_cast %get3A_3073 : i32 to index
      %get3A_3075 = arith.constant 112 : index
      %get3A_3076 = tpu.vector_load %arg9[%get3A_3074, %get3A_3075] {strides = array<i32>} : memref<16x128xi32, #tpu.memory_space<vmem>>, vector<1x16xi32>,
      %get3A_3077 = vector.shape_cast %get3A_3076 : vector<1x16xi32> to vector<16xi32>
      %swap3A_3078 = arith.constant 112 : index
      %swap3A_3079 = tpu.vector_load %arg10[%swap3A_3078] {strides = array<i32>} : memref<128xi32, #tpu.memory_space<vmem>>, vector<16xi32>,
      %swap3A_3080 = vector.shape_cast %swap3A_3079 : vector<16xi32> to vector<16xi32>
      %swap3A_3081 = vector.shape_cast %get3A_3077 : vector<16xi32> to vector<16xi32>
      tpu.vector_store %arg10[%swap3A_3078], %swap3A_3081 {strides = array<i32>} : memref<128xi32, #tpu.memory_space<vmem>>, vector<16xi32>,
      "tpu.region"() ({
        %run_scoped3A = tpu.sem_alloc : memref<!tpu.dma_semaphore, #tpu.memory_space<semaphore_mem>>
        %dma_start3A_3397 = arith.constant 0 : i32
        %dma_start3A_3398 = arith.constant 0 : i32
        %dma_start3A_3399 = tpu.memref_slice %arg20[%dma_start3A_3397, %dma_start3A_3398] : memref<10240x64xf32, #tpu.memory_space<vmem_shared>> -> memref<10240x64xf32, #tpu.memory_space<vmem_shared>>
        tpu.enqueue_indirect_dma source(%arg15 : memref<128x64xf32, #tpu.memory_space<vmem>>) target(%dma_start3A_3399 : memref<10240x64xf32, #tpu.memory_space<vmem_shared>>) offsets(%arg10 : memref<128xi32, #tpu.memory_space<vmem>>) semaphore(%run_scoped3A : memref<!tpu.dma_semaphore, #tpu.memory_space<semaphore_mem>>) {add = true}
        %dma_wait3A_3400 = arith.constant 0 : i32
        %dma_wait3A_3401 = arith.constant 0 : i32
        %dma_wait3A_3402 = tpu.memref_slice %arg20[%dma_wait3A_3400, %dma_wait3A_3401] : memref<10240x64xf32, #tpu.memory_space<vmem_shared>> -> memref<10240x64xf32, #tpu.memory_space<vmem_shared>>
        tpu.wait_indirect_dma semaphore(%run_scoped3A : memref<!tpu.dma_semaphore, #tpu.memory_space<semaphore_mem>>) src(%arg15 : memref<128x64xf32, #tpu.memory_space<vmem>>) dst(%dma_wait3A_3402 : memref<10240x64xf32, #tpu.memory_space<vmem_shared>>)
        tpu.yield
      }) : () -> ()
      %dma_start3A_3082 = arith.constant 3 : i32
      %dma_start3A_3083 = arith.constant 0 : i32
      %dma_start3A_3084 = tpu.memref_slice %arg6[%dma_start3A_3082, %dma_start3A_3083] : memref<16x128xi32, #tpu.memory_space<vmem>> -> memref<1x128xi32, #tpu.memory_space<vmem>>
      %dma_start3A_3085 = tpu.memref_squeeze %dma_start3A_3084 : memref<1x128xi32, #tpu.memory_space<vmem>> -> memref<128xi32, #tpu.memory_space<vmem>>
      %dma_start3A_3086 = arith.constant 0 : i32
      %dma_start3A_3087 = arith.constant 0 : i32
      %dma_start3A_3088 = tpu.memref_slice %arg4[%arg0, %dma_start3A_3086, %dma_start3A_3087] : memref<2x10000x64xf32, #tpu.memory_space<hbm>> -> memref<1x10000x64xf32, #tpu.memory_space<hbm>>
      %dma_start3A_3089 = tpu.memref_squeeze %dma_start3A_3088 : memref<1x10000x64xf32, #tpu.memory_space<hbm>> -> memref<10000x64xf32, #tpu.memory_space<hbm>>
      %dma_start3A_3090 = arith.constant 0 : i32
      %dma_start3A_3091 = arith.constant 0 : i32
      %dma_start3A_3092 = tpu.memref_slice %dma_start3A_3089[%dma_start3A_3090, %dma_start3A_3091] : memref<10000x64xf32, #tpu.memory_space<hbm>> -> memref<10000x64xf32, #tpu.memory_space<hbm>>
      tpu.enqueue_indirect_dma source(%dma_start3A_3092 : memref<10000x64xf32, #tpu.memory_space<hbm>>) target(%arg14 : memref<128x64xf32, #tpu.memory_space<vmem>>) offsets(%dma_start3A_3085 : memref<128xi32, #tpu.memory_space<vmem>>) semaphore(%arg28 : memref<!tpu.dma_semaphore, #tpu.memory_space<semaphore_mem>>)
      %dma_wait3A_3093 = arith.constant 13 : i32
      %dma_wait3A_3094 = arith.constant 0 : i32
      %dma_wait3A_3095 = tpu.memref_slice %arg7[%dma_wait3A_3093, %dma_wait3A_3094] : memref<16x128xi32, #tpu.memory_space<vmem>> -> memref<1x128xi32, #tpu.memory_space<vmem>>
      %dma_wait3A_3096 = tpu.memref_squeeze %dma_wait3A_3095 : memref<1x128xi32, #tpu.memory_space<vmem>> -> memref<128xi32, #tpu.memory_space<vmem>>
      %dma_wait3A_3097 = arith.constant 0 : i32
      %dma_wait3A_3098 = arith.constant 0 : i32
      %dma_wait3A_3099 = tpu.memref_slice %arg4[%arg0, %dma_wait3A_3097, %dma_wait3A_3098] : memref<2x10000x64xf32, #tpu.memory_space<hbm>> -> memref<1x10000x64xf32, #tpu.memory_space<hbm>>
      %dma_wait3A_3100 = tpu.memref_squeeze %dma_wait3A_3099 : memref<1x10000x64xf32, #tpu.memory_space<hbm>> -> memref<10000x64xf32, #tpu.memory_space<hbm>>
      %dma_wait3A_3101 = arith.constant 0 : i32
      %dma_wait3A_3102 = arith.constant 0 : i32
      %dma_wait3A_3103 = tpu.memref_slice %dma_wait3A_3100[%dma_wait3A_3101, %dma_wait3A_3102] : memref<10000x64xf32, #tpu.memory_space<hbm>> -> memref<10000x64xf32, #tpu.memory_space<hbm>>
      tpu.wait_indirect_dma semaphore(%arg30 : memref<!tpu.dma_semaphore, #tpu.memory_space<semaphore_mem>>) src(%dma_wait3A_3103 : memref<10000x64xf32, #tpu.memory_space<hbm>>) dst(%arg16 : memref<128x64xf32, #tpu.memory_space<vmem>>)
      %get3A_3104 = arith.constant 13 : i32
      %get3A_3105 = arith.index_cast %get3A_3104 : i32 to index
      %get3A_3106 = arith.constant 0 : index
      %get3A_3107 = tpu.vector_load %arg9[%get3A_3105, %get3A_3106] {strides = array<i32>} : memref<16x128xi32, #tpu.memory_space<vmem>>, vector<1x16xi32>,
      %get3A_3108 = vector.shape_cast %get3A_3107 : vector<1x16xi32> to vector<16xi32>
      %swap3A_3109 = arith.constant 0 : index
      %swap3A_3110 = tpu.vector_load %arg10[%swap3A_3109] {strides = array<i32>} : memref<128xi32, #tpu.memory_space<vmem>>, vector<16xi32>,
      %swap3A_3111 = vector.shape_cast %swap3A_3110 : vector<16xi32> to vector<16xi32>
      %swap3A_3112 = vector.shape_cast %get3A_3108 : vector<16xi32> to vector<16xi32>
      tpu.vector_store %arg10[%swap3A_3109], %swap3A_3112 {strides = array<i32>} : memref<128xi32, #tpu.memory_space<vmem>>, vector<16xi32>,
      %get3A_3113 = arith.constant 13 : i32
      %get3A_3114 = arith.index_cast %get3A_3113 : i32 to index
      %get3A_3115 = arith.constant 16 : index
      %get3A_3116 = tpu.vector_load %arg9[%get3A_3114, %get3A_3115] {strides = array<i32>} : memref<16x128xi32, #tpu.memory_space<vmem>>, vector<1x16xi32>,
      %get3A_3117 = vector.shape_cast %get3A_3116 : vector<1x16xi32> to vector<16xi32>
      %swap3A_3118 = arith.constant 16 : index
      %swap3A_3119 = tpu.vector_load %arg10[%swap3A_3118] {strides = array<i32>} : memref<128xi32, #tpu.memory_space<vmem>>, vector<16xi32>,
      %swap3A_3120 = vector.shape_cast %swap3A_3119 : vector<16xi32> to vector<16xi32>
      %swap3A_3121 = vector.shape_cast %get3A_3117 : vector<16xi32> to vector<16xi32>
      tpu.vector_store %arg10[%swap3A_3118], %swap3A_3121 {strides = array<i32>} : memref<128xi32, #tpu.memory_space<vmem>>, vector<16xi32>,
      %get3A_3122 = arith.constant 13 : i32
      %get3A_3123 = arith.index_cast %get3A_3122 : i32 to index
      %get3A_3124 = arith.constant 32 : index
      %get3A_3125 = tpu.vector_load %arg9[%get3A_3123, %get3A_3124] {strides = array<i32>} : memref<16x128xi32, #tpu.memory_space<vmem>>, vector<1x16xi32>,
      %get3A_3126 = vector.shape_cast %get3A_3125 : vector<1x16xi32> to vector<16xi32>
      %swap3A_3127 = arith.constant 32 : index
      %swap3A_3128 = tpu.vector_load %arg10[%swap3A_3127] {strides = array<i32>} : memref<128xi32, #tpu.memory_space<vmem>>, vector<16xi32>,
      %swap3A_3129 = vector.shape_cast %swap3A_3128 : vector<16xi32> to vector<16xi32>
      %swap3A_3130 = vector.shape_cast %get3A_3126 : vector<16xi32> to vector<16xi32>
      tpu.vector_store %arg10[%swap3A_3127], %swap3A_3130 {strides = array<i32>} : memref<128xi32, #tpu.memory_space<vmem>>, vector<16xi32>,
      %get3A_3131 = arith.constant 13 : i32
      %get3A_3132 = arith.index_cast %get3A_3131 : i32 to index
      %get3A_3133 = arith.constant 48 : index
      %get3A_3134 = tpu.vector_load %arg9[%get3A_3132, %get3A_3133] {strides = array<i32>} : memref<16x128xi32, #tpu.memory_space<vmem>>, vector<1x16xi32>,
      %get3A_3135 = vector.shape_cast %get3A_3134 : vector<1x16xi32> to vector<16xi32>
      %swap3A_3136 = arith.constant 48 : index
      %swap3A_3137 = tpu.vector_load %arg10[%swap3A_3136] {strides = array<i32>} : memref<128xi32, #tpu.memory_space<vmem>>, vector<16xi32>,
      %swap3A_3138 = vector.shape_cast %swap3A_3137 : vector<16xi32> to vector<16xi32>
      %swap3A_3139 = vector.shape_cast %get3A_3135 : vector<16xi32> to vector<16xi32>
      tpu.vector_store %arg10[%swap3A_3136], %swap3A_3139 {strides = array<i32>} : memref<128xi32, #tpu.memory_space<vmem>>, vector<16xi32>,
      %get3A_3140 = arith.constant 13 : i32
      %get3A_3141 = arith.index_cast %get3A_3140 : i32 to index
      %get3A_3142 = arith.constant 64 : index
      %get3A_3143 = tpu.vector_load %arg9[%get3A_3141, %get3A_3142] {strides = array<i32>} : memref<16x128xi32, #tpu.memory_space<vmem>>, vector<1x16xi32>,
      %get3A_3144 = vector.shape_cast %get3A_3143 : vector<1x16xi32> to vector<16xi32>
      %swap3A_3145 = arith.constant 64 : index
      %swap3A_3146 = tpu.vector_load %arg10[%swap3A_3145] {strides = array<i32>} : memref<128xi32, #tpu.memory_space<vmem>>, vector<16xi32>,
      %swap3A_3147 = vector.shape_cast %swap3A_3146 : vector<16xi32> to vector<16xi32>
      %swap3A_3148 = vector.shape_cast %get3A_3144 : vector<16xi32> to vector<16xi32>
      tpu.vector_store %arg10[%swap3A_3145], %swap3A_3148 {strides = array<i32>} : memref<128xi32, #tpu.memory_space<vmem>>, vector<16xi32>,
      %get3A_3149 = arith.constant 13 : i32
      %get3A_3150 = arith.index_cast %get3A_3149 : i32 to index
      %get3A_3151 = arith.constant 80 : index
      %get3A_3152 = tpu.vector_load %arg9[%get3A_3150, %get3A_3151] {strides = array<i32>} : memref<16x128xi32, #tpu.memory_space<vmem>>, vector<1x16xi32>,
      %get3A_3153 = vector.shape_cast %get3A_3152 : vector<1x16xi32> to vector<16xi32>
      %swap3A_3154 = arith.constant 80 : index
      %swap3A_3155 = tpu.vector_load %arg10[%swap3A_3154] {strides = array<i32>} : memref<128xi32, #tpu.memory_space<vmem>>, vector<16xi32>,
      %swap3A_3156 = vector.shape_cast %swap3A_3155 : vector<16xi32> to vector<16xi32>
      %swap3A_3157 = vector.shape_cast %get3A_3153 : vector<16xi32> to vector<16xi32>
      tpu.vector_store %arg10[%swap3A_3154], %swap3A_3157 {strides = array<i32>} : memref<128xi32, #tpu.memory_space<vmem>>, vector<16xi32>,
      %get3A_3158 = arith.constant 13 : i32
      %get3A_3159 = arith.index_cast %get3A_3158 : i32 to index
      %get3A_3160 = arith.constant 96 : index
      %get3A_3161 = tpu.vector_load %arg9[%get3A_3159, %get3A_3160] {strides = array<i32>} : memref<16x128xi32, #tpu.memory_space<vmem>>, vector<1x16xi32>,
      %get3A_3162 = vector.shape_cast %get3A_3161 : vector<1x16xi32> to vector<16xi32>
      %swap3A_3163 = arith.constant 96 : index
      %swap3A_3164 = tpu.vector_load %arg10[%swap3A_3163] {strides = array<i32>} : memref<128xi32, #tpu.memory_space<vmem>>, vector<16xi32>,
      %swap3A_3165 = vector.shape_cast %swap3A_3164 : vector<16xi32> to vector<16xi32>
      %swap3A_3166 = vector.shape_cast %get3A_3162 : vector<16xi32> to vector<16xi32>
      tpu.vector_store %arg10[%swap3A_3163], %swap3A_3166 {strides = array<i32>} : memref<128xi32, #tpu.memory_space<vmem>>, vector<16xi32>,
      %get3A_3167 = arith.constant 13 : i32
      %get3A_3168 = arith.index_cast %get3A_3167 : i32 to index
      %get3A_3169 = arith.constant 112 : index
      %get3A_3170 = tpu.vector_load %arg9[%get3A_3168, %get3A_3169] {strides = array<i32>} : memref<16x128xi32, #tpu.memory_space<vmem>>, vector<1x16xi32>,
      %get3A_3171 = vector.shape_cast %get3A_3170 : vector<1x16xi32> to vector<16xi32>
      %swap3A_3172 = arith.constant 112 : index
      %swap3A_3173 = tpu.vector_load %arg10[%swap3A_3172] {strides = array<i32>} : memref<128xi32, #tpu.memory_space<vmem>>, vector<16xi32>,
      %swap3A_3174 = vector.shape_cast %swap3A_3173 : vector<16xi32> to vector<16xi32>
      %swap3A_3175 = vector.shape_cast %get3A_3171 : vector<16xi32> to vector<16xi32>
      tpu.vector_store %arg10[%swap3A_3172], %swap3A_3175 {strides = array<i32>} : memref<128xi32, #tpu.memory_space<vmem>>, vector<16xi32>,
      "tpu.region"() ({
        %run_scoped3A = tpu.sem_alloc : memref<!tpu.dma_semaphore, #tpu.memory_space<semaphore_mem>>
        %dma_start3A_3397 = arith.constant 0 : i32
        %dma_start3A_3398 = arith.constant 0 : i32
        %dma_start3A_3399 = tpu.memref_slice %arg20[%dma_start3A_3397, %dma_start3A_3398] : memref<10240x64xf32, #tpu.memory_space<vmem_shared>> -> memref<10240x64xf32, #tpu.memory_space<vmem_shared>>
        tpu.enqueue_indirect_dma source(%arg16 : memref<128x64xf32, #tpu.memory_space<vmem>>) target(%dma_start3A_3399 : memref<10240x64xf32, #tpu.memory_space<vmem_shared>>) offsets(%arg10 : memref<128xi32, #tpu.memory_space<vmem>>) semaphore(%run_scoped3A : memref<!tpu.dma_semaphore, #tpu.memory_space<semaphore_mem>>) {add = true}
        %dma_wait3A_3400 = arith.constant 0 : i32
        %dma_wait3A_3401 = arith.constant 0 : i32
        %dma_wait3A_3402 = tpu.memref_slice %arg20[%dma_wait3A_3400, %dma_wait3A_3401] : memref<10240x64xf32, #tpu.memory_space<vmem_shared>> -> memref<10240x64xf32, #tpu.memory_space<vmem_shared>>
        tpu.wait_indirect_dma semaphore(%run_scoped3A : memref<!tpu.dma_semaphore, #tpu.memory_space<semaphore_mem>>) src(%arg16 : memref<128x64xf32, #tpu.memory_space<vmem>>) dst(%dma_wait3A_3402 : memref<10240x64xf32, #tpu.memory_space<vmem_shared>>)
        tpu.yield
      }) : () -> ()
      %dma_start3A_3176 = arith.constant 4 : i32
      %dma_start3A_3177 = arith.constant 0 : i32
      %dma_start3A_3178 = tpu.memref_slice %arg6[%dma_start3A_3176, %dma_start3A_3177] : memref<16x128xi32, #tpu.memory_space<vmem>> -> memref<1x128xi32, #tpu.memory_space<vmem>>
      %dma_start3A_3179 = tpu.memref_squeeze %dma_start3A_3178 : memref<1x128xi32, #tpu.memory_space<vmem>> -> memref<128xi32, #tpu.memory_space<vmem>>
      %dma_start3A_3180 = arith.constant 0 : i32
      %dma_start3A_3181 = arith.constant 0 : i32
      %dma_start3A_3182 = tpu.memref_slice %arg4[%arg0, %dma_start3A_3180, %dma_start3A_3181] : memref<2x10000x64xf32, #tpu.memory_space<hbm>> -> memref<1x10000x64xf32, #tpu.memory_space<hbm>>
      %dma_start3A_3183 = tpu.memref_squeeze %dma_start3A_3182 : memref<1x10000x64xf32, #tpu.memory_space<hbm>> -> memref<10000x64xf32, #tpu.memory_space<hbm>>
      %dma_start3A_3184 = arith.constant 0 : i32
      %dma_start3A_3185 = arith.constant 0 : i32
      %dma_start3A_3186 = tpu.memref_slice %dma_start3A_3183[%dma_start3A_3184, %dma_start3A_3185] : memref<10000x64xf32, #tpu.memory_space<hbm>> -> memref<10000x64xf32, #tpu.memory_space<hbm>>
      tpu.enqueue_indirect_dma source(%dma_start3A_3186 : memref<10000x64xf32, #tpu.memory_space<hbm>>) target(%arg15 : memref<128x64xf32, #tpu.memory_space<vmem>>) offsets(%dma_start3A_3179 : memref<128xi32, #tpu.memory_space<vmem>>) semaphore(%arg29 : memref<!tpu.dma_semaphore, #tpu.memory_space<semaphore_mem>>)
      %dma_wait3A_3187 = arith.constant 14 : i32
      %dma_wait3A_3188 = arith.constant 0 : i32
      %dma_wait3A_3189 = tpu.memref_slice %arg7[%dma_wait3A_3187, %dma_wait3A_3188] : memref<16x128xi32, #tpu.memory_space<vmem>> -> memref<1x128xi32, #tpu.memory_space<vmem>>
      %dma_wait3A_3190 = tpu.memref_squeeze %dma_wait3A_3189 : memref<1x128xi32, #tpu.memory_space<vmem>> -> memref<128xi32, #tpu.memory_space<vmem>>
      %dma_wait3A_3191 = arith.constant 0 : i32
      %dma_wait3A_3192 = arith.constant 0 : i32
      %dma_wait3A_3193 = tpu.memref_slice %arg4[%arg0, %dma_wait3A_3191, %dma_wait3A_3192] : memref<2x10000x64xf32, #tpu.memory_space<hbm>> -> memref<1x10000x64xf32, #tpu.memory_space<hbm>>
      %dma_wait3A_3194 = tpu.memref_squeeze %dma_wait3A_3193 : memref<1x10000x64xf32, #tpu.memory_space<hbm>> -> memref<10000x64xf32, #tpu.memory_space<hbm>>
      %dma_wait3A_3195 = arith.constant 0 : i32
      %dma_wait3A_3196 = arith.constant 0 : i32
      %dma_wait3A_3197 = tpu.memref_slice %dma_wait3A_3194[%dma_wait3A_3195, %dma_wait3A_3196] : memref<10000x64xf32, #tpu.memory_space<hbm>> -> memref<10000x64xf32, #tpu.memory_space<hbm>>
      tpu.wait_indirect_dma semaphore(%arg31 : memref<!tpu.dma_semaphore, #tpu.memory_space<semaphore_mem>>) src(%dma_wait3A_3197 : memref<10000x64xf32, #tpu.memory_space<hbm>>) dst(%arg17 : memref<128x64xf32, #tpu.memory_space<vmem>>)
      %get3A_3198 = arith.constant 14 : i32
      %get3A_3199 = arith.index_cast %get3A_3198 : i32 to index
      %get3A_3200 = arith.constant 0 : index
      %get3A_3201 = tpu.vector_load %arg9[%get3A_3199, %get3A_3200] {strides = array<i32>} : memref<16x128xi32, #tpu.memory_space<vmem>>, vector<1x16xi32>,
      %get3A_3202 = vector.shape_cast %get3A_3201 : vector<1x16xi32> to vector<16xi32>
      %swap3A_3203 = arith.constant 0 : index
      %swap3A_3204 = tpu.vector_load %arg10[%swap3A_3203] {strides = array<i32>} : memref<128xi32, #tpu.memory_space<vmem>>, vector<16xi32>,
      %swap3A_3205 = vector.shape_cast %swap3A_3204 : vector<16xi32> to vector<16xi32>
      %swap3A_3206 = vector.shape_cast %get3A_3202 : vector<16xi32> to vector<16xi32>
      tpu.vector_store %arg10[%swap3A_3203], %swap3A_3206 {strides = array<i32>} : memref<128xi32, #tpu.memory_space<vmem>>, vector<16xi32>,
      %get3A_3207 = arith.constant 14 : i32
      %get3A_3208 = arith.index_cast %get3A_3207 : i32 to index
      %get3A_3209 = arith.constant 16 : index
      %get3A_3210 = tpu.vector_load %arg9[%get3A_3208, %get3A_3209] {strides = array<i32>} : memref<16x128xi32, #tpu.memory_space<vmem>>, vector<1x16xi32>,
      %get3A_3211 = vector.shape_cast %get3A_3210 : vector<1x16xi32> to vector<16xi32>
      %swap3A_3212 = arith.constant 16 : index
      %swap3A_3213 = tpu.vector_load %arg10[%swap3A_3212] {strides = array<i32>} : memref<128xi32, #tpu.memory_space<vmem>>, vector<16xi32>,
      %swap3A_3214 = vector.shape_cast %swap3A_3213 : vector<16xi32> to vector<16xi32>
      %swap3A_3215 = vector.shape_cast %get3A_3211 : vector<16xi32> to vector<16xi32>
      tpu.vector_store %arg10[%swap3A_3212], %swap3A_3215 {strides = array<i32>} : memref<128xi32, #tpu.memory_space<vmem>>, vector<16xi32>,
      %get3A_3216 = arith.constant 14 : i32
      %get3A_3217 = arith.index_cast %get3A_3216 : i32 to index
      %get3A_3218 = arith.constant 32 : index
      %get3A_3219 = tpu.vector_load %arg9[%get3A_3217, %get3A_3218] {strides = array<i32>} : memref<16x128xi32, #tpu.memory_space<vmem>>, vector<1x16xi32>,
      %get3A_3220 = vector.shape_cast %get3A_3219 : vector<1x16xi32> to vector<16xi32>
      %swap3A_3221 = arith.constant 32 : index
      %swap3A_3222 = tpu.vector_load %arg10[%swap3A_3221] {strides = array<i32>} : memref<128xi32, #tpu.memory_space<vmem>>, vector<16xi32>,
      %swap3A_3223 = vector.shape_cast %swap3A_3222 : vector<16xi32> to vector<16xi32>
      %swap3A_3224 = vector.shape_cast %get3A_3220 : vector<16xi32> to vector<16xi32>
      tpu.vector_store %arg10[%swap3A_3221], %swap3A_3224 {strides = array<i32>} : memref<128xi32, #tpu.memory_space<vmem>>, vector<16xi32>,
      %get3A_3225 = arith.constant 14 : i32
      %get3A_3226 = arith.index_cast %get3A_3225 : i32 to index
      %get3A_3227 = arith.constant 48 : index
      %get3A_3228 = tpu.vector_load %arg9[%get3A_3226, %get3A_3227] {strides = array<i32>} : memref<16x128xi32, #tpu.memory_space<vmem>>, vector<1x16xi32>,
      %get3A_3229 = vector.shape_cast %get3A_3228 : vector<1x16xi32> to vector<16xi32>
      %swap3A_3230 = arith.constant 48 : index
      %swap3A_3231 = tpu.vector_load %arg10[%swap3A_3230] {strides = array<i32>} : memref<128xi32, #tpu.memory_space<vmem>>, vector<16xi32>,
      %swap3A_3232 = vector.shape_cast %swap3A_3231 : vector<16xi32> to vector<16xi32>
      %swap3A_3233 = vector.shape_cast %get3A_3229 : vector<16xi32> to vector<16xi32>
      tpu.vector_store %arg10[%swap3A_3230], %swap3A_3233 {strides = array<i32>} : memref<128xi32, #tpu.memory_space<vmem>>, vector<16xi32>,
      %get3A_3234 = arith.constant 14 : i32
      %get3A_3235 = arith.index_cast %get3A_3234 : i32 to index
      %get3A_3236 = arith.constant 64 : index
      %get3A_3237 = tpu.vector_load %arg9[%get3A_3235, %get3A_3236] {strides = array<i32>} : memref<16x128xi32, #tpu.memory_space<vmem>>, vector<1x16xi32>,
      %get3A_3238 = vector.shape_cast %get3A_3237 : vector<1x16xi32> to vector<16xi32>
      %swap3A_3239 = arith.constant 64 : index
      %swap3A_3240 = tpu.vector_load %arg10[%swap3A_3239] {strides = array<i32>} : memref<128xi32, #tpu.memory_space<vmem>>, vector<16xi32>,
      %swap3A_3241 = vector.shape_cast %swap3A_3240 : vector<16xi32> to vector<16xi32>
      %swap3A_3242 = vector.shape_cast %get3A_3238 : vector<16xi32> to vector<16xi32>
      tpu.vector_store %arg10[%swap3A_3239], %swap3A_3242 {strides = array<i32>} : memref<128xi32, #tpu.memory_space<vmem>>, vector<16xi32>,
      %get3A_3243 = arith.constant 14 : i32
      %get3A_3244 = arith.index_cast %get3A_3243 : i32 to index
      %get3A_3245 = arith.constant 80 : index
      %get3A_3246 = tpu.vector_load %arg9[%get3A_3244, %get3A_3245] {strides = array<i32>} : memref<16x128xi32, #tpu.memory_space<vmem>>, vector<1x16xi32>,
      %get3A_3247 = vector.shape_cast %get3A_3246 : vector<1x16xi32> to vector<16xi32>
      %swap3A_3248 = arith.constant 80 : index
      %swap3A_3249 = tpu.vector_load %arg10[%swap3A_3248] {strides = array<i32>} : memref<128xi32, #tpu.memory_space<vmem>>, vector<16xi32>,
      %swap3A_3250 = vector.shape_cast %swap3A_3249 : vector<16xi32> to vector<16xi32>
      %swap3A_3251 = vector.shape_cast %get3A_3247 : vector<16xi32> to vector<16xi32>
      tpu.vector_store %arg10[%swap3A_3248], %swap3A_3251 {strides = array<i32>} : memref<128xi32, #tpu.memory_space<vmem>>, vector<16xi32>,
      %get3A_3252 = arith.constant 14 : i32
      %get3A_3253 = arith.index_cast %get3A_3252 : i32 to index
      %get3A_3254 = arith.constant 96 : index
      %get3A_3255 = tpu.vector_load %arg9[%get3A_3253, %get3A_3254] {strides = array<i32>} : memref<16x128xi32, #tpu.memory_space<vmem>>, vector<1x16xi32>,
      %get3A_3256 = vector.shape_cast %get3A_3255 : vector<1x16xi32> to vector<16xi32>
      %swap3A_3257 = arith.constant 96 : index
      %swap3A_3258 = tpu.vector_load %arg10[%swap3A_3257] {strides = array<i32>} : memref<128xi32, #tpu.memory_space<vmem>>, vector<16xi32>,
      %swap3A_3259 = vector.shape_cast %swap3A_3258 : vector<16xi32> to vector<16xi32>
      %swap3A_3260 = vector.shape_cast %get3A_3256 : vector<16xi32> to vector<16xi32>
      tpu.vector_store %arg10[%swap3A_3257], %swap3A_3260 {strides = array<i32>} : memref<128xi32, #tpu.memory_space<vmem>>, vector<16xi32>,
      %get3A_3261 = arith.constant 14 : i32
      %get3A_3262 = arith.index_cast %get3A_3261 : i32 to index
      %get3A_3263 = arith.constant 112 : index
      %get3A_3264 = tpu.vector_load %arg9[%get3A_3262, %get3A_3263] {strides = array<i32>} : memref<16x128xi32, #tpu.memory_space<vmem>>, vector<1x16xi32>,
      %get3A_3265 = vector.shape_cast %get3A_3264 : vector<1x16xi32> to vector<16xi32>
      %swap3A_3266 = arith.constant 112 : index
      %swap3A_3267 = tpu.vector_load %arg10[%swap3A_3266] {strides = array<i32>} : memref<128xi32, #tpu.memory_space<vmem>>, vector<16xi32>,
      %swap3A_3268 = vector.shape_cast %swap3A_3267 : vector<16xi32> to vector<16xi32>
      %swap3A_3269 = vector.shape_cast %get3A_3265 : vector<16xi32> to vector<16xi32>
      tpu.vector_store %arg10[%swap3A_3266], %swap3A_3269 {strides = array<i32>} : memref<128xi32, #tpu.memory_space<vmem>>, vector<16xi32>,
      "tpu.region"() ({
        %run_scoped3A = tpu.sem_alloc : memref<!tpu.dma_semaphore, #tpu.memory_space<semaphore_mem>>
        %dma_start3A_3397 = arith.constant 0 : i32
        %dma_start3A_3398 = arith.constant 0 : i32
        %dma_start3A_3399 = tpu.memref_slice %arg20[%dma_start3A_3397, %dma_start3A_3398] : memref<10240x64xf32, #tpu.memory_space<vmem_shared>> -> memref<10240x64xf32, #tpu.memory_space<vmem_shared>>
        tpu.enqueue_indirect_dma source(%arg17 : memref<128x64xf32, #tpu.memory_space<vmem>>) target(%dma_start3A_3399 : memref<10240x64xf32, #tpu.memory_space<vmem_shared>>) offsets(%arg10 : memref<128xi32, #tpu.memory_space<vmem>>) semaphore(%run_scoped3A : memref<!tpu.dma_semaphore, #tpu.memory_space<semaphore_mem>>) {add = true}
        %dma_wait3A_3400 = arith.constant 0 : i32
        %dma_wait3A_3401 = arith.constant 0 : i32
        %dma_wait3A_3402 = tpu.memref_slice %arg20[%dma_wait3A_3400, %dma_wait3A_3401] : memref<10240x64xf32, #tpu.memory_space<vmem_shared>> -> memref<10240x64xf32, #tpu.memory_space<vmem_shared>>
        tpu.wait_indirect_dma semaphore(%run_scoped3A : memref<!tpu.dma_semaphore, #tpu.memory_space<semaphore_mem>>) src(%arg17 : memref<128x64xf32, #tpu.memory_space<vmem>>) dst(%dma_wait3A_3402 : memref<10240x64xf32, #tpu.memory_space<vmem_shared>>)
        tpu.yield
      }) : () -> ()
      %dma_start3A_3270 = arith.constant 5 : i32
      %dma_start3A_3271 = arith.constant 0 : i32
      %dma_start3A_3272 = tpu.memref_slice %arg6[%dma_start3A_3270, %dma_start3A_3271] : memref<16x128xi32, #tpu.memory_space<vmem>> -> memref<1x128xi32, #tpu.memory_space<vmem>>
      %dma_start3A_3273 = tpu.memref_squeeze %dma_start3A_3272 : memref<1x128xi32, #tpu.memory_space<vmem>> -> memref<128xi32, #tpu.memory_space<vmem>>
      %dma_start3A_3274 = arith.constant 0 : i32
      %dma_start3A_3275 = arith.constant 0 : i32
      %dma_start3A_3276 = tpu.memref_slice %arg4[%arg0, %dma_start3A_3274, %dma_start3A_3275] : memref<2x10000x64xf32, #tpu.memory_space<hbm>> -> memref<1x10000x64xf32, #tpu.memory_space<hbm>>
      %dma_start3A_3277 = tpu.memref_squeeze %dma_start3A_3276 : memref<1x10000x64xf32, #tpu.memory_space<hbm>> -> memref<10000x64xf32, #tpu.memory_space<hbm>>
      %dma_start3A_3278 = arith.constant 0 : i32
      %dma_start3A_3279 = arith.constant 0 : i32
      %dma_start3A_3280 = tpu.memref_slice %dma_start3A_3277[%dma_start3A_3278, %dma_start3A_3279] : memref<10000x64xf32, #tpu.memory_space<hbm>> -> memref<10000x64xf32, #tpu.memory_space<hbm>>
      tpu.enqueue_indirect_dma source(%dma_start3A_3280 : memref<10000x64xf32, #tpu.memory_space<hbm>>) target(%arg16 : memref<128x64xf32, #tpu.memory_space<vmem>>) offsets(%dma_start3A_3273 : memref<128xi32, #tpu.memory_space<vmem>>) semaphore(%arg30 : memref<!tpu.dma_semaphore, #tpu.memory_space<semaphore_mem>>)
      %dma_wait3A_3281 = arith.constant 15 : i32
      %dma_wait3A_3282 = arith.constant 0 : i32
      %dma_wait3A_3283 = tpu.memref_slice %arg7[%dma_wait3A_3281, %dma_wait3A_3282] : memref<16x128xi32, #tpu.memory_space<vmem>> -> memref<1x128xi32, #tpu.memory_space<vmem>>
      %dma_wait3A_3284 = tpu.memref_squeeze %dma_wait3A_3283 : memref<1x128xi32, #tpu.memory_space<vmem>> -> memref<128xi32, #tpu.memory_space<vmem>>
      %dma_wait3A_3285 = arith.constant 0 : i32
      %dma_wait3A_3286 = arith.constant 0 : i32
      %dma_wait3A_3287 = tpu.memref_slice %arg4[%arg0, %dma_wait3A_3285, %dma_wait3A_3286] : memref<2x10000x64xf32, #tpu.memory_space<hbm>> -> memref<1x10000x64xf32, #tpu.memory_space<hbm>>
      %dma_wait3A_3288 = tpu.memref_squeeze %dma_wait3A_3287 : memref<1x10000x64xf32, #tpu.memory_space<hbm>> -> memref<10000x64xf32, #tpu.memory_space<hbm>>
      %dma_wait3A_3289 = arith.constant 0 : i32
      %dma_wait3A_3290 = arith.constant 0 : i32
      %dma_wait3A_3291 = tpu.memref_slice %dma_wait3A_3288[%dma_wait3A_3289, %dma_wait3A_3290] : memref<10000x64xf32, #tpu.memory_space<hbm>> -> memref<10000x64xf32, #tpu.memory_space<hbm>>
      tpu.wait_indirect_dma semaphore(%arg32 : memref<!tpu.dma_semaphore, #tpu.memory_space<semaphore_mem>>) src(%dma_wait3A_3291 : memref<10000x64xf32, #tpu.memory_space<hbm>>) dst(%arg18 : memref<128x64xf32, #tpu.memory_space<vmem>>)
      %get3A_3292 = arith.constant 15 : i32
      %get3A_3293 = arith.index_cast %get3A_3292 : i32 to index
      %get3A_3294 = arith.constant 0 : index
      %get3A_3295 = tpu.vector_load %arg9[%get3A_3293, %get3A_3294] {strides = array<i32>} : memref<16x128xi32, #tpu.memory_space<vmem>>, vector<1x16xi32>,
      %get3A_3296 = vector.shape_cast %get3A_3295 : vector<1x16xi32> to vector<16xi32>
      %swap3A_3297 = arith.constant 0 : index
      %swap3A_3298 = tpu.vector_load %arg10[%swap3A_3297] {strides = array<i32>} : memref<128xi32, #tpu.memory_space<vmem>>, vector<16xi32>,
      %swap3A_3299 = vector.shape_cast %swap3A_3298 : vector<16xi32> to vector<16xi32>
      %swap3A_3300 = vector.shape_cast %get3A_3296 : vector<16xi32> to vector<16xi32>
      tpu.vector_store %arg10[%swap3A_3297], %swap3A_3300 {strides = array<i32>} : memref<128xi32, #tpu.memory_space<vmem>>, vector<16xi32>,
      %get3A_3301 = arith.constant 15 : i32
      %get3A_3302 = arith.index_cast %get3A_3301 : i32 to index
      %get3A_3303 = arith.constant 16 : index
      %get3A_3304 = tpu.vector_load %arg9[%get3A_3302, %get3A_3303] {strides = array<i32>} : memref<16x128xi32, #tpu.memory_space<vmem>>, vector<1x16xi32>,
      %get3A_3305 = vector.shape_cast %get3A_3304 : vector<1x16xi32> to vector<16xi32>
      %swap3A_3306 = arith.constant 16 : index
      %swap3A_3307 = tpu.vector_load %arg10[%swap3A_3306] {strides = array<i32>} : memref<128xi32, #tpu.memory_space<vmem>>, vector<16xi32>,
      %swap3A_3308 = vector.shape_cast %swap3A_3307 : vector<16xi32> to vector<16xi32>
      %swap3A_3309 = vector.shape_cast %get3A_3305 : vector<16xi32> to vector<16xi32>
      tpu.vector_store %arg10[%swap3A_3306], %swap3A_3309 {strides = array<i32>} : memref<128xi32, #tpu.memory_space<vmem>>, vector<16xi32>,
      %get3A_3310 = arith.constant 15 : i32
      %get3A_3311 = arith.index_cast %get3A_3310 : i32 to index
      %get3A_3312 = arith.constant 32 : index
      %get3A_3313 = tpu.vector_load %arg9[%get3A_3311, %get3A_3312] {strides = array<i32>} : memref<16x128xi32, #tpu.memory_space<vmem>>, vector<1x16xi32>,
      %get3A_3314 = vector.shape_cast %get3A_3313 : vector<1x16xi32> to vector<16xi32>
      %swap3A_3315 = arith.constant 32 : index
      %swap3A_3316 = tpu.vector_load %arg10[%swap3A_3315] {strides = array<i32>} : memref<128xi32, #tpu.memory_space<vmem>>, vector<16xi32>,
      %swap3A_3317 = vector.shape_cast %swap3A_3316 : vector<16xi32> to vector<16xi32>
      %swap3A_3318 = vector.shape_cast %get3A_3314 : vector<16xi32> to vector<16xi32>
      tpu.vector_store %arg10[%swap3A_3315], %swap3A_3318 {strides = array<i32>} : memref<128xi32, #tpu.memory_space<vmem>>, vector<16xi32>,
      %get3A_3319 = arith.constant 15 : i32
      %get3A_3320 = arith.index_cast %get3A_3319 : i32 to index
      %get3A_3321 = arith.constant 48 : index
      %get3A_3322 = tpu.vector_load %arg9[%get3A_3320, %get3A_3321] {strides = array<i32>} : memref<16x128xi32, #tpu.memory_space<vmem>>, vector<1x16xi32>,
      %get3A_3323 = vector.shape_cast %get3A_3322 : vector<1x16xi32> to vector<16xi32>
      %swap3A_3324 = arith.constant 48 : index
      %swap3A_3325 = tpu.vector_load %arg10[%swap3A_3324] {strides = array<i32>} : memref<128xi32, #tpu.memory_space<vmem>>, vector<16xi32>,
      %swap3A_3326 = vector.shape_cast %swap3A_3325 : vector<16xi32> to vector<16xi32>
      %swap3A_3327 = vector.shape_cast %get3A_3323 : vector<16xi32> to vector<16xi32>
      tpu.vector_store %arg10[%swap3A_3324], %swap3A_3327 {strides = array<i32>} : memref<128xi32, #tpu.memory_space<vmem>>, vector<16xi32>,
      %get3A_3328 = arith.constant 15 : i32
      %get3A_3329 = arith.index_cast %get3A_3328 : i32 to index
      %get3A_3330 = arith.constant 64 : index
      %get3A_3331 = tpu.vector_load %arg9[%get3A_3329, %get3A_3330] {strides = array<i32>} : memref<16x128xi32, #tpu.memory_space<vmem>>, vector<1x16xi32>,
      %get3A_3332 = vector.shape_cast %get3A_3331 : vector<1x16xi32> to vector<16xi32>
      %swap3A_3333 = arith.constant 64 : index
      %swap3A_3334 = tpu.vector_load %arg10[%swap3A_3333] {strides = array<i32>} : memref<128xi32, #tpu.memory_space<vmem>>, vector<16xi32>,
      %swap3A_3335 = vector.shape_cast %swap3A_3334 : vector<16xi32> to vector<16xi32>
      %swap3A_3336 = vector.shape_cast %get3A_3332 : vector<16xi32> to vector<16xi32>
      tpu.vector_store %arg10[%swap3A_3333], %swap3A_3336 {strides = array<i32>} : memref<128xi32, #tpu.memory_space<vmem>>, vector<16xi32>,
      %get3A_3337 = arith.constant 15 : i32
      %get3A_3338 = arith.index_cast %get3A_3337 : i32 to index
      %get3A_3339 = arith.constant 80 : index
      %get3A_3340 = tpu.vector_load %arg9[%get3A_3338, %get3A_3339] {strides = array<i32>} : memref<16x128xi32, #tpu.memory_space<vmem>>, vector<1x16xi32>,
      %get3A_3341 = vector.shape_cast %get3A_3340 : vector<1x16xi32> to vector<16xi32>
      %swap3A_3342 = arith.constant 80 : index
      %swap3A_3343 = tpu.vector_load %arg10[%swap3A_3342] {strides = array<i32>} : memref<128xi32, #tpu.memory_space<vmem>>, vector<16xi32>,
      %swap3A_3344 = vector.shape_cast %swap3A_3343 : vector<16xi32> to vector<16xi32>
      %swap3A_3345 = vector.shape_cast %get3A_3341 : vector<16xi32> to vector<16xi32>
      tpu.vector_store %arg10[%swap3A_3342], %swap3A_3345 {strides = array<i32>} : memref<128xi32, #tpu.memory_space<vmem>>, vector<16xi32>,
      %get3A_3346 = arith.constant 15 : i32
      %get3A_3347 = arith.index_cast %get3A_3346 : i32 to index
      %get3A_3348 = arith.constant 96 : index
      %get3A_3349 = tpu.vector_load %arg9[%get3A_3347, %get3A_3348] {strides = array<i32>} : memref<16x128xi32, #tpu.memory_space<vmem>>, vector<1x16xi32>,
      %get3A_3350 = vector.shape_cast %get3A_3349 : vector<1x16xi32> to vector<16xi32>
      %swap3A_3351 = arith.constant 96 : index
      %swap3A_3352 = tpu.vector_load %arg10[%swap3A_3351] {strides = array<i32>} : memref<128xi32, #tpu.memory_space<vmem>>, vector<16xi32>,
      %swap3A_3353 = vector.shape_cast %swap3A_3352 : vector<16xi32> to vector<16xi32>
      %swap3A_3354 = vector.shape_cast %get3A_3350 : vector<16xi32> to vector<16xi32>
      tpu.vector_store %arg10[%swap3A_3351], %swap3A_3354 {strides = array<i32>} : memref<128xi32, #tpu.memory_space<vmem>>, vector<16xi32>,
      %get3A_3355 = arith.constant 15 : i32
      %get3A_3356 = arith.index_cast %get3A_3355 : i32 to index
      %get3A_3357 = arith.constant 112 : index
      %get3A_3358 = tpu.vector_load %arg9[%get3A_3356, %get3A_3357] {strides = array<i32>} : memref<16x128xi32, #tpu.memory_space<vmem>>, vector<1x16xi32>,
      %get3A_3359 = vector.shape_cast %get3A_3358 : vector<1x16xi32> to vector<16xi32>
      %swap3A_3360 = arith.constant 112 : index
      %swap3A_3361 = tpu.vector_load %arg10[%swap3A_3360] {strides = array<i32>} : memref<128xi32, #tpu.memory_space<vmem>>, vector<16xi32>,
      %swap3A_3362 = vector.shape_cast %swap3A_3361 : vector<16xi32> to vector<16xi32>
      %swap3A_3363 = vector.shape_cast %get3A_3359 : vector<16xi32> to vector<16xi32>
      tpu.vector_store %arg10[%swap3A_3360], %swap3A_3363 {strides = array<i32>} : memref<128xi32, #tpu.memory_space<vmem>>, vector<16xi32>,
      "tpu.region"() ({
        %run_scoped3A = tpu.sem_alloc : memref<!tpu.dma_semaphore, #tpu.memory_space<semaphore_mem>>
        %dma_start3A_3397 = arith.constant 0 : i32
        %dma_start3A_3398 = arith.constant 0 : i32
        %dma_start3A_3399 = tpu.memref_slice %arg20[%dma_start3A_3397, %dma_start3A_3398] : memref<10240x64xf32, #tpu.memory_space<vmem_shared>> -> memref<10240x64xf32, #tpu.memory_space<vmem_shared>>
        tpu.enqueue_indirect_dma source(%arg18 : memref<128x64xf32, #tpu.memory_space<vmem>>) target(%dma_start3A_3399 : memref<10240x64xf32, #tpu.memory_space<vmem_shared>>) offsets(%arg10 : memref<128xi32, #tpu.memory_space<vmem>>) semaphore(%run_scoped3A : memref<!tpu.dma_semaphore, #tpu.memory_space<semaphore_mem>>) {add = true}
        %dma_wait3A_3400 = arith.constant 0 : i32
        %dma_wait3A_3401 = arith.constant 0 : i32
        %dma_wait3A_3402 = tpu.memref_slice %arg20[%dma_wait3A_3400, %dma_wait3A_3401] : memref<10240x64xf32, #tpu.memory_space<vmem_shared>> -> memref<10240x64xf32, #tpu.memory_space<vmem_shared>>
        tpu.wait_indirect_dma semaphore(%run_scoped3A : memref<!tpu.dma_semaphore, #tpu.memory_space<semaphore_mem>>) src(%arg18 : memref<128x64xf32, #tpu.memory_space<vmem>>) dst(%dma_wait3A_3402 : memref<10240x64xf32, #tpu.memory_space<vmem_shared>>)
        tpu.yield
      }) : () -> ()
      %dma_start3A_3364 = arith.constant 6 : i32
      %dma_start3A_3365 = arith.constant 0 : i32
      %dma_start3A_3366 = tpu.memref_slice %arg6[%dma_start3A_3364, %dma_start3A_3365] : memref<16x128xi32, #tpu.memory_space<vmem>> -> memref<1x128xi32, #tpu.memory_space<vmem>>
      %dma_start3A_3367 = tpu.memref_squeeze %dma_start3A_3366 : memref<1x128xi32, #tpu.memory_space<vmem>> -> memref<128xi32, #tpu.memory_space<vmem>>
      %dma_start3A_3368 = arith.constant 0 : i32
      %dma_start3A_3369 = arith.constant 0 : i32
      %dma_start3A_3370 = tpu.memref_slice %arg4[%arg0, %dma_start3A_3368, %dma_start3A_3369] : memref<2x10000x64xf32, #tpu.memory_space<hbm>> -> memref<1x10000x64xf32, #tpu.memory_space<hbm>>
      %dma_start3A_3371 = tpu.memref_squeeze %dma_start3A_3370 : memref<1x10000x64xf32, #tpu.memory_space<hbm>> -> memref<10000x64xf32, #tpu.memory_space<hbm>>
      %dma_start3A_3372 = arith.constant 0 : i32
      %dma_start3A_3373 = arith.constant 0 : i32
      %dma_start3A_3374 = tpu.memref_slice %dma_start3A_3371[%dma_start3A_3372, %dma_start3A_3373] : memref<10000x64xf32, #tpu.memory_space<hbm>> -> memref<10000x64xf32, #tpu.memory_space<hbm>>
      tpu.enqueue_indirect_dma source(%dma_start3A_3374 : memref<10000x64xf32, #tpu.memory_space<hbm>>) target(%arg17 : memref<128x64xf32, #tpu.memory_space<vmem>>) offsets(%dma_start3A_3367 : memref<128xi32, #tpu.memory_space<vmem>>) semaphore(%arg31 : memref<!tpu.dma_semaphore, #tpu.memory_space<semaphore_mem>>)
      %add3A_3375 = arith.constant 1 : i32
      %add3A_3376 = arith.addi %add3A_302, %add3A_3375 : i32
      %add3A_3377 = arith.constant 2 : i32
      %add3A_3378 = arith.addi %add3A_3376, %add3A_3377 : i32
      %mul3A_3379 = arith.constant 16 : i32
      %mul3A_3380 = arith.muli %add3A_3378, %mul3A_3379 : i32
      %add3A_3381 = arith.addi %mul3A_83, %mul3A_3380 : i32
      %dma_start3A_3382 = arith.constant 0 : i32
      %dma_start3A_3383 = tpu.memref_slice %arg2[%add3A_3381, %dma_start3A_3382] : memref<2592x128xi32, #tpu.memory_space<hbm>> -> memref<16x128xi32, #tpu.memory_space<hbm>>
      %dma_start3A_3384 = arith.constant 0 : i32
      %dma_start3A_3385 = tpu.memref_slice %arg2[%add3A_3381, %dma_start3A_3384] : memref<2592x128xi32, #tpu.memory_space<hbm>> -> memref<16x128xi32, #tpu.memory_space<hbm>>
      tpu.enqueue_dma source(%dma_start3A_3385 : memref<16x128xi32, #tpu.memory_space<hbm>>) target(%arg7 : memref<16x128xi32, #tpu.memory_space<vmem>>) target_semaphore(%arg22 : memref<!tpu.dma_semaphore, #tpu.memory_space<semaphore_mem>>)
      %add3A_3386 = arith.constant 1 : i32
      %add3A_3387 = arith.addi %add3A_302, %add3A_3386 : i32
      %add3A_3388 = arith.constant 2 : i32
      %add3A_3389 = arith.addi %add3A_3387, %add3A_3388 : i32
      %mul3A_3390 = arith.constant 16 : i32
      %mul3A_3391 = arith.muli %add3A_3389, %mul3A_3390 : i32
      %add3A_3392 = arith.addi %mul3A_83, %mul3A_3391 : i32
      %dma_start3A_3393 = arith.constant 0 : i32
      %dma_start3A_3394 = tpu.memref_slice %arg3[%add3A_3392, %dma_start3A_3393] : memref<2592x128xi32, #tpu.memory_space<hbm>> -> memref<16x128xi32, #tpu.memory_space<hbm>>
      %dma_start3A_3395 = arith.constant 0 : i32
      %dma_start3A_3396 = tpu.memref_slice %arg3[%add3A_3392, %dma_start3A_3395] : memref<2592x128xi32, #tpu.memory_space<hbm>> -> memref<16x128xi32, #tpu.memory_space<hbm>>
      tpu.enqueue_dma source(%dma_start3A_3396 : memref<16x128xi32, #tpu.memory_space<hbm>>) target(%arg9 : memref<16x128xi32, #tpu.memory_space<vmem>>) target_semaphore(%arg24 : memref<!tpu.dma_semaphore, #tpu.memory_space<semaphore_mem>>)
    }
    %scan3A_201 = arith.constant 5 : i32
    %dma_wait3A_202 = arith.constant 0 : i32
    %dma_wait3A_203 = arith.constant 0 : i32
    %dma_wait3A_204 = tpu.memref_slice %arg6[%dma_wait3A_202, %dma_wait3A_203] : memref<16x128xi32, #tpu.memory_space<vmem>> -> memref<1x128xi32, #tpu.memory_space<vmem>>
    %dma_wait3A_205 = tpu.memref_squeeze %dma_wait3A_204 : memref<1x128xi32, #tpu.memory_space<vmem>> -> memref<128xi32, #tpu.memory_space<vmem>>
    %dma_wait3A_206 = arith.constant 0 : i32
    %dma_wait3A_207 = arith.constant 0 : i32
    %dma_wait3A_208 = tpu.memref_slice %arg4[%arg0, %dma_wait3A_206, %dma_wait3A_207] : memref<2x10000x64xf32, #tpu.memory_space<hbm>> -> memref<1x10000x64xf32, #tpu.memory_space<hbm>>
    %dma_wait3A_209 = tpu.memref_squeeze %dma_wait3A_208 : memref<1x10000x64xf32, #tpu.memory_space<hbm>> -> memref<10000x64xf32, #tpu.memory_space<hbm>>
    %dma_wait3A_210 = arith.constant 0 : i32
    %dma_wait3A_211 = arith.constant 0 : i32
    %dma_wait3A_212 = tpu.memref_slice %dma_wait3A_209[%dma_wait3A_210, %dma_wait3A_211] : memref<10000x64xf32, #tpu.memory_space<hbm>> -> memref<10000x64xf32, #tpu.memory_space<hbm>>
    tpu.wait_indirect_dma semaphore(%arg25 : memref<!tpu.dma_semaphore, #tpu.memory_space<semaphore_mem>>) src(%dma_wait3A_212 : memref<10000x64xf32, #tpu.memory_space<hbm>>) dst(%arg11 : memref<128x64xf32, #tpu.memory_space<vmem>>)
    %dma_wait3A_213 = arith.constant 1 : i32
    %dma_wait3A_214 = arith.constant 0 : i32
    %dma_wait3A_215 = tpu.memref_slice %arg6[%dma_wait3A_213, %dma_wait3A_214] : memref<16x128xi32, #tpu.memory_space<vmem>> -> memref<1x128xi32, #tpu.memory_space<vmem>>
    %dma_wait3A_216 = tpu.memref_squeeze %dma_wait3A_215 : memref<1x128xi32, #tpu.memory_space<vmem>> -> memref<128xi32, #tpu.memory_space<vmem>>
    %dma_wait3A_217 = arith.constant 0 : i32
    %dma_wait3A_218 = arith.constant 0 : i32
    %dma_wait3A_219 = tpu.memref_slice %arg4[%arg0, %dma_wait3A_217, %dma_wait3A_218] : memref<2x10000x64xf32, #tpu.memory_space<hbm>> -> memref<1x10000x64xf32, #tpu.memory_space<hbm>>
    %dma_wait3A_220 = tpu.memref_squeeze %dma_wait3A_219 : memref<1x10000x64xf32, #tpu.memory_space<hbm>> -> memref<10000x64xf32, #tpu.memory_space<hbm>>
    %dma_wait3A_221 = arith.constant 0 : i32
    %dma_wait3A_222 = arith.constant 0 : i32
    %dma_wait3A_223 = tpu.memref_slice %dma_wait3A_220[%dma_wait3A_221, %dma_wait3A_222] : memref<10000x64xf32, #tpu.memory_space<hbm>> -> memref<10000x64xf32, #tpu.memory_space<hbm>>
    tpu.wait_indirect_dma semaphore(%arg26 : memref<!tpu.dma_semaphore, #tpu.memory_space<semaphore_mem>>) src(%dma_wait3A_223 : memref<10000x64xf32, #tpu.memory_space<hbm>>) dst(%arg12 : memref<128x64xf32, #tpu.memory_space<vmem>>)
    %dma_wait3A_224 = arith.constant 2 : i32
    %dma_wait3A_225 = arith.constant 0 : i32
    %dma_wait3A_226 = tpu.memref_slice %arg6[%dma_wait3A_224, %dma_wait3A_225] : memref<16x128xi32, #tpu.memory_space<vmem>> -> memref<1x128xi32, #tpu.memory_space<vmem>>
    %dma_wait3A_227 = tpu.memref_squeeze %dma_wait3A_226 : memref<1x128xi32, #tpu.memory_space<vmem>> -> memref<128xi32, #tpu.memory_space<vmem>>
    %dma_wait3A_228 = arith.constant 0 : i32
    %dma_wait3A_229 = arith.constant 0 : i32
    %dma_wait3A_230 = tpu.memref_slice %arg4[%arg0, %dma_wait3A_228, %dma_wait3A_229] : memref<2x10000x64xf32, #tpu.memory_space<hbm>> -> memref<1x10000x64xf32, #tpu.memory_space<hbm>>
    %dma_wait3A_231 = tpu.memref_squeeze %dma_wait3A_230 : memref<1x10000x64xf32, #tpu.memory_space<hbm>> -> memref<10000x64xf32, #tpu.memory_space<hbm>>
    %dma_wait3A_232 = arith.constant 0 : i32
    %dma_wait3A_233 = arith.constant 0 : i32
    %dma_wait3A_234 = tpu.memref_slice %dma_wait3A_231[%dma_wait3A_232, %dma_wait3A_233] : memref<10000x64xf32, #tpu.memory_space<hbm>> -> memref<10000x64xf32, #tpu.memory_space<hbm>>
    tpu.wait_indirect_dma semaphore(%arg27 : memref<!tpu.dma_semaphore, #tpu.memory_space<semaphore_mem>>) src(%dma_wait3A_234 : memref<10000x64xf32, #tpu.memory_space<hbm>>) dst(%arg13 : memref<128x64xf32, #tpu.memory_space<vmem>>)
    %dma_wait3A_235 = arith.constant 3 : i32
    %dma_wait3A_236 = arith.constant 0 : i32
    %dma_wait3A_237 = tpu.memref_slice %arg6[%dma_wait3A_235, %dma_wait3A_236] : memref<16x128xi32, #tpu.memory_space<vmem>> -> memref<1x128xi32, #tpu.memory_space<vmem>>
    %dma_wait3A_238 = tpu.memref_squeeze %dma_wait3A_237 : memref<1x128xi32, #tpu.memory_space<vmem>> -> memref<128xi32, #tpu.memory_space<vmem>>
    %dma_wait3A_239 = arith.constant 0 : i32
    %dma_wait3A_240 = arith.constant 0 : i32
    %dma_wait3A_241 = tpu.memref_slice %arg4[%arg0, %dma_wait3A_239, %dma_wait3A_240] : memref<2x10000x64xf32, #tpu.memory_space<hbm>> -> memref<1x10000x64xf32, #tpu.memory_space<hbm>>
    %dma_wait3A_242 = tpu.memref_squeeze %dma_wait3A_241 : memref<1x10000x64xf32, #tpu.memory_space<hbm>> -> memref<10000x64xf32, #tpu.memory_space<hbm>>
    %dma_wait3A_243 = arith.constant 0 : i32
    %dma_wait3A_244 = arith.constant 0 : i32
    %dma_wait3A_245 = tpu.memref_slice %dma_wait3A_242[%dma_wait3A_243, %dma_wait3A_244] : memref<10000x64xf32, #tpu.memory_space<hbm>> -> memref<10000x64xf32, #tpu.memory_space<hbm>>
    tpu.wait_indirect_dma semaphore(%arg28 : memref<!tpu.dma_semaphore, #tpu.memory_space<semaphore_mem>>) src(%dma_wait3A_245 : memref<10000x64xf32, #tpu.memory_space<hbm>>) dst(%arg14 : memref<128x64xf32, #tpu.memory_space<vmem>>)
    %dma_wait3A_246 = arith.constant 4 : i32
    %dma_wait3A_247 = arith.constant 0 : i32
    %dma_wait3A_248 = tpu.memref_slice %arg6[%dma_wait3A_246, %dma_wait3A_247] : memref<16x128xi32, #tpu.memory_space<vmem>> -> memref<1x128xi32, #tpu.memory_space<vmem>>
    %dma_wait3A_249 = tpu.memref_squeeze %dma_wait3A_248 : memref<1x128xi32, #tpu.memory_space<vmem>> -> memref<128xi32, #tpu.memory_space<vmem>>
    %dma_wait3A_250 = arith.constant 0 : i32
    %dma_wait3A_251 = arith.constant 0 : i32
    %dma_wait3A_252 = tpu.memref_slice %arg4[%arg0, %dma_wait3A_250, %dma_wait3A_251] : memref<2x10000x64xf32, #tpu.memory_space<hbm>> -> memref<1x10000x64xf32, #tpu.memory_space<hbm>>
    %dma_wait3A_253 = tpu.memref_squeeze %dma_wait3A_252 : memref<1x10000x64xf32, #tpu.memory_space<hbm>> -> memref<10000x64xf32, #tpu.memory_space<hbm>>
    %dma_wait3A_254 = arith.constant 0 : i32
    %dma_wait3A_255 = arith.constant 0 : i32
    %dma_wait3A_256 = tpu.memref_slice %dma_wait3A_253[%dma_wait3A_254, %dma_wait3A_255] : memref<10000x64xf32, #tpu.memory_space<hbm>> -> memref<10000x64xf32, #tpu.memory_space<hbm>>
    tpu.wait_indirect_dma semaphore(%arg29 : memref<!tpu.dma_semaphore, #tpu.memory_space<semaphore_mem>>) src(%dma_wait3A_256 : memref<10000x64xf32, #tpu.memory_space<hbm>>) dst(%arg15 : memref<128x64xf32, #tpu.memory_space<vmem>>)
    %dma_wait3A_257 = arith.constant 5 : i32
    %dma_wait3A_258 = arith.constant 0 : i32
    %dma_wait3A_259 = tpu.memref_slice %arg6[%dma_wait3A_257, %dma_wait3A_258] : memref<16x128xi32, #tpu.memory_space<vmem>> -> memref<1x128xi32, #tpu.memory_space<vmem>>
    %dma_wait3A_260 = tpu.memref_squeeze %dma_wait3A_259 : memref<1x128xi32, #tpu.memory_space<vmem>> -> memref<128xi32, #tpu.memory_space<vmem>>
    %dma_wait3A_261 = arith.constant 0 : i32
    %dma_wait3A_262 = arith.constant 0 : i32
    %dma_wait3A_263 = tpu.memref_slice %arg4[%arg0, %dma_wait3A_261, %dma_wait3A_262] : memref<2x10000x64xf32, #tpu.memory_space<hbm>> -> memref<1x10000x64xf32, #tpu.memory_space<hbm>>
    %dma_wait3A_264 = tpu.memref_squeeze %dma_wait3A_263 : memref<1x10000x64xf32, #tpu.memory_space<hbm>> -> memref<10000x64xf32, #tpu.memory_space<hbm>>
    %dma_wait3A_265 = arith.constant 0 : i32
    %dma_wait3A_266 = arith.constant 0 : i32
    %dma_wait3A_267 = tpu.memref_slice %dma_wait3A_264[%dma_wait3A_265, %dma_wait3A_266] : memref<10000x64xf32, #tpu.memory_space<hbm>> -> memref<10000x64xf32, #tpu.memory_space<hbm>>
    tpu.wait_indirect_dma semaphore(%arg30 : memref<!tpu.dma_semaphore, #tpu.memory_space<semaphore_mem>>) src(%dma_wait3A_267 : memref<10000x64xf32, #tpu.memory_space<hbm>>) dst(%arg16 : memref<128x64xf32, #tpu.memory_space<vmem>>)
    %dma_wait3A_268 = arith.constant 6 : i32
    %dma_wait3A_269 = arith.constant 0 : i32
    %dma_wait3A_270 = tpu.memref_slice %arg6[%dma_wait3A_268, %dma_wait3A_269] : memref<16x128xi32, #tpu.memory_space<vmem>> -> memref<1x128xi32, #tpu.memory_space<vmem>>
    %dma_wait3A_271 = tpu.memref_squeeze %dma_wait3A_270 : memref<1x128xi32, #tpu.memory_space<vmem>> -> memref<128xi32, #tpu.memory_space<vmem>>
    %dma_wait3A_272 = arith.constant 0 : i32
    %dma_wait3A_273 = arith.constant 0 : i32
    %dma_wait3A_274 = tpu.memref_slice %arg4[%arg0, %dma_wait3A_272, %dma_wait3A_273] : memref<2x10000x64xf32, #tpu.memory_space<hbm>> -> memref<1x10000x64xf32, #tpu.memory_space<hbm>>
    %dma_wait3A_275 = tpu.memref_squeeze %dma_wait3A_274 : memref<1x10000x64xf32, #tpu.memory_space<hbm>> -> memref<10000x64xf32, #tpu.memory_space<hbm>>
    %dma_wait3A_276 = arith.constant 0 : i32
    %dma_wait3A_277 = arith.constant 0 : i32
    %dma_wait3A_278 = tpu.memref_slice %dma_wait3A_275[%dma_wait3A_276, %dma_wait3A_277] : memref<10000x64xf32, #tpu.memory_space<hbm>> -> memref<10000x64xf32, #tpu.memory_space<hbm>>
    tpu.wait_indirect_dma semaphore(%arg31 : memref<!tpu.dma_semaphore, #tpu.memory_space<semaphore_mem>>) src(%dma_wait3A_278 : memref<10000x64xf32, #tpu.memory_space<hbm>>) dst(%arg17 : memref<128x64xf32, #tpu.memory_space<vmem>>)
    %add3A_279 = arith.constant 176 : i32
    %add3A_280 = arith.addi %mul3A_83, %add3A_279 : i32
    %dma_wait3A_281 = arith.constant 0 : i32
    %dma_wait3A_282 = tpu.memref_slice %arg2[%add3A_280, %dma_wait3A_281] : memref<2592x128xi32, #tpu.memory_space<hbm>> -> memref<16x128xi32, #tpu.memory_space<hbm>>
    %dma_wait3A_283 = arith.constant 0 : i32
    %dma_wait3A_284 = tpu.memref_slice %arg2[%add3A_280, %dma_wait3A_283] : memref<2592x128xi32, #tpu.memory_space<hbm>> -> memref<16x128xi32, #tpu.memory_space<hbm>>
    tpu.wait_dma2 semaphore(%arg22 : memref<!tpu.dma_semaphore, #tpu.memory_space<semaphore_mem>>) src(%dma_wait3A_284 : memref<16x128xi32, #tpu.memory_space<hbm>>) dst(%arg7 : memref<16x128xi32, #tpu.memory_space<vmem>>)
    %add3A_285 = arith.constant 176 : i32
    %add3A_286 = arith.addi %mul3A_83, %add3A_285 : i32
    %dma_wait3A_287 = arith.constant 0 : i32
    %dma_wait3A_288 = tpu.memref_slice %arg3[%add3A_286, %dma_wait3A_287] : memref<2592x128xi32, #tpu.memory_space<hbm>> -> memref<16x128xi32, #tpu.memory_space<hbm>>
    %dma_wait3A_289 = arith.constant 0 : i32
    %dma_wait3A_290 = tpu.memref_slice %arg3[%add3A_286, %dma_wait3A_289] : memref<2592x128xi32, #tpu.memory_space<hbm>> -> memref<16x128xi32, #tpu.memory_space<hbm>>
    tpu.wait_dma2 semaphore(%arg24 : memref<!tpu.dma_semaphore, #tpu.memory_space<semaphore_mem>>) src(%dma_wait3A_290 : memref<16x128xi32, #tpu.memory_space<hbm>>) dst(%arg9 : memref<16x128xi32, #tpu.memory_space<vmem>>)
    %barrier3A_291 = arith.constant 0 : index
    tpu.barrier barrier_id(%barrier3A_291)
    %mul3A_292 = arith.constant 624 : i32
    %mul3A_293 = arith.muli %arg1, %mul3A_292 : i32
    %mul3A_294 = arith.constant 624 : i32
    %mul3A_295 = arith.muli %arg1, %mul3A_294 : i32
    "tpu.region"() ({
      %run_scoped3A = tpu.sem_alloc : memref<!tpu.dma_semaphore, #tpu.memory_space<semaphore_mem>>
      %dma_start3A_298 = arith.constant 0 : i32
      %dma_start3A_299 = tpu.memref_slice %arg5[%arg0, %mul3A_295, %dma_start3A_298] : memref<2x10000x64xf32, #tpu.memory_space<hbm>> -> memref<1x624x64xf32, #tpu.memory_space<hbm>>
      %dma_start3A_300 = tpu.memref_squeeze %dma_start3A_299 : memref<1x624x64xf32, #tpu.memory_space<hbm>> -> memref<624x64xf32, #tpu.memory_space<hbm>>
      %dma_start3A_301 = arith.constant 0 : i32
      %dma_start3A_302 = tpu.memref_slice %arg20[%mul3A_293, %dma_start3A_301] : memref<10240x64xf32, #tpu.memory_space<vmem_shared>> -> memref<624x64xf32, #tpu.memory_space<vmem_shared>>
      tpu.enqueue_dma source(%dma_start3A_302 : memref<624x64xf32, #tpu.memory_space<vmem_shared>>) target(%dma_start3A_300 : memref<624x64xf32, #tpu.memory_space<hbm>>) target_semaphore(%run_scoped3A : memref<!tpu.dma_semaphore, #tpu.memory_space<semaphore_mem>>)
      %dma_wait3A_303 = arith.constant 0 : i32
      %dma_wait3A_304 = tpu.memref_slice %arg5[%arg0, %mul3A_295, %dma_wait3A_303] : memref<2x10000x64xf32, #tpu.memory_space<hbm>> -> memref<1x624x64xf32, #tpu.memory_space<hbm>>
      %dma_wait3A_305 = tpu.memref_squeeze %dma_wait3A_304 : memref<1x624x64xf32, #tpu.memory_space<hbm>> -> memref<624x64xf32, #tpu.memory_space<hbm>>
      %dma_wait3A_306 = arith.constant 0 : i32
      %dma_wait3A_307 = tpu.memref_slice %arg20[%mul3A_293, %dma_wait3A_306] : memref<10240x64xf32, #tpu.memory_space<vmem_shared>> -> memref<624x64xf32, #tpu.memory_space<vmem_shared>>
      tpu.wait_dma2 semaphore(%run_scoped3A : memref<!tpu.dma_semaphore, #tpu.memory_space<semaphore_mem>>) src(%dma_wait3A_307 : memref<624x64xf32, #tpu.memory_space<vmem_shared>>) dst(%dma_wait3A_305 : memref<624x64xf32, #tpu.memory_space<hbm>>)
      tpu.yield
    }) : () -> ()
    %eq3A = arith.constant 0 : i32
    %eq3A_296 = arith.cmpi eq, %arg1, %eq3A : i32
    %convert_element_type3A = arith.extui %eq3A_296 : i1 to i32
    %cond3A = arith.constant 0 : i32
    %cond3A_297 = arith.cmpi ne, %convert_element_type3A, %cond3A : i32
    scf.if %cond3A_297 {
      "tpu.region"() ({
        %run_scoped3A = tpu.sem_alloc : memref<!tpu.dma_semaphore, #tpu.memory_space<semaphore_mem>>
        %dma_start3A_298 = arith.constant 9984 : i32
        %dma_start3A_299 = arith.constant 0 : i32
        %dma_start3A_300 = tpu.memref_slice %arg5[%arg0, %dma_start3A_298, %dma_start3A_299] : memref<2x10000x64xf32, #tpu.memory_space<hbm>> -> memref<1x16x64xf32, #tpu.memory_space<hbm>>
        %dma_start3A_301 = tpu.memref_squeeze %dma_start3A_300 : memref<1x16x64xf32, #tpu.memory_space<hbm>> -> memref<16x64xf32, #tpu.memory_space<hbm>>
        %dma_start3A_302 = arith.constant 9984 : i32
        %dma_start3A_303 = arith.constant 0 : i32
        %dma_start3A_304 = tpu.memref_slice %arg20[%dma_start3A_302, %dma_start3A_303] : memref<10240x64xf32, #tpu.memory_space<vmem_shared>> -> memref<16x64xf32, #tpu.memory_space<vmem_shared>>
        tpu.enqueue_dma source(%dma_start3A_304 : memref<16x64xf32, #tpu.memory_space<vmem_shared>>) target(%dma_start3A_301 : memref<16x64xf32, #tpu.memory_space<hbm>>) target_semaphore(%run_scoped3A : memref<!tpu.dma_semaphore, #tpu.memory_space<semaphore_mem>>)
        %dma_wait3A_305 = arith.constant 9984 : i32
        %dma_wait3A_306 = arith.constant 0 : i32
        %dma_wait3A_307 = tpu.memref_slice %arg5[%arg0, %dma_wait3A_305, %dma_wait3A_306] : memref<2x10000x64xf32, #tpu.memory_space<hbm>> -> memref<1x16x64xf32, #tpu.memory_space<hbm>>
        %dma_wait3A_308 = tpu.memref_squeeze %dma_wait3A_307 : memref<1x16x64xf32, #tpu.memory_space<hbm>> -> memref<16x64xf32, #tpu.memory_space<hbm>>
        %dma_wait3A_309 = arith.constant 9984 : i32
        %dma_wait3A_310 = arith.constant 0 : i32
        %dma_wait3A_311 = tpu.memref_slice %arg20[%dma_wait3A_309, %dma_wait3A_310] : memref<10240x64xf32, #tpu.memory_space<vmem_shared>> -> memref<16x64xf32, #tpu.memory_space<vmem_shared>>
        tpu.wait_dma2 semaphore(%run_scoped3A : memref<!tpu.dma_semaphore, #tpu.memory_space<semaphore_mem>>) src(%dma_wait3A_311 : memref<16x64xf32, #tpu.memory_space<vmem_shared>>) dst(%dma_wait3A_308 : memref<16x64xf32, #tpu.memory_space<hbm>>)
        tpu.yield
      }) : () -> ()
    } else {
    }
    return
  }
}

module attributes {stable_mosaic.version = 14 : i64} {
  func.func @_tc_dense(%arg0: memref<10000x128xf32, #tpu.memory_space<vmem>>, %arg1: memref<2x10000x64xf32, #tpu.memory_space<vmem>>, %arg2: memref<10000x1xi32, #tpu.memory_space<vmem>>, %arg3: memref<1x10000xi32, #tpu.memory_space<vmem>>, %arg4: memref<128x128xf32, #tpu.memory_space<vmem>>, %arg5: memref<1x128xf32, #tpu.memory_space<vmem>>, %arg6: memref<1x128xf32, #tpu.memory_space<vmem>>, %arg7: memref<1x128xf32, #tpu.memory_space<vmem>>, %arg8: memref<128x128xf32, #tpu.memory_space<vmem>>, %arg9: memref<1x128xf32, #tpu.memory_space<vmem>>, %arg10: memref<256x256xf32, #tpu.memory_space<vmem>>, %arg11: memref<1x256xf32, #tpu.memory_space<vmem>>, %arg12: memref<256x1xf32, #tpu.memory_space<vmem>>, %arg13: memref<1x1xf32, #tpu.memory_space<vmem>>, %arg14: memref<64x1xf32, #tpu.memory_space<vmem>>, %arg15: memref<64x1xf32, #tpu.memory_space<vmem>>) attributes {dimension_semantics = [], scalar_prefetch = 0 : i64, scratch_operands = 0 : i64, tpu.core_type = #tpu.core_type<tc>} {
    %get3A = arith.constant 0 : index
    %get3A_0 = arith.constant 0 : index
    %get3A_1 = vector.load %arg0[%get3A, %get3A_0] : memref<10000x128xf32, #tpu.memory_space<vmem>>, vector<10000x128xf32>
    %get3A_2 = arith.constant 0 : index
    %get3A_3 = arith.constant 0 : index
    %get3A_4 = arith.constant 0 : index
    %get3A_5 = vector.load %arg1[%get3A_2, %get3A_3, %get3A_4] : memref<2x10000x64xf32, #tpu.memory_space<vmem>>, vector<1x10000x64xf32>
    %get3A_6 = vector.shape_cast %get3A_5 : vector<1x10000x64xf32> to vector<10000x64xf32>
    %get3A_7 = arith.constant 1 : index
    %get3A_8 = arith.constant 0 : index
    %get3A_9 = arith.constant 0 : index
    %get3A_10 = vector.load %arg1[%get3A_7, %get3A_8, %get3A_9] : memref<2x10000x64xf32, #tpu.memory_space<vmem>>, vector<1x10000x64xf32>
    %get3A_11 = vector.shape_cast %get3A_10 : vector<1x10000x64xf32> to vector<10000x64xf32>
    %concatenate3A = tpu.concatenate %get3A_6, %get3A_11 in 1 : vector<10000x64xf32>, vector<10000x64xf32> -> vector<10000x128xf32>
    %add3A = arith.addf %get3A_1, %concatenate3A : vector<10000x128xf32>
    %get3A_12 = arith.constant 0 : index
    %get3A_13 = arith.constant 0 : index
    %get3A_14 = vector.load %arg4[%get3A_12, %get3A_13] : memref<128x128xf32, #tpu.memory_space<vmem>>, vector<128x128xf32>
    %dot_general3A = arith.constant dense<0.000000e+00> : vector<10000x128xf32>
    %dot_general3A_15 = tpu.matmul %add3A, %get3A_14, %dot_general3A {dimension_numbers = #tpu.dot_dimension_numbers<[1], [0], [0], [1], [0, 0, 1, 1], [], []>, transpose_lhs_hint = false} : vector<10000x128xf32>, vector<128x128xf32>, vector<10000x128xf32> -> vector<10000x128xf32>
    %get3A_16 = arith.constant 0 : index
    %get3A_17 = arith.constant 0 : index
    %get3A_18 = vector.load %arg5[%get3A_16, %get3A_17] : memref<1x128xf32, #tpu.memory_space<vmem>>, vector<1x128xf32>
    %add3A_19 = vector.broadcast %get3A_18 : vector<1x128xf32> to vector<10000x128xf32>
    %add3A_20 = arith.addf %dot_general3A_15, %add3A_19 : vector<10000x128xf32>
    %reduce_sum3A = arith.constant dense<0.000000e+00> : vector<128xf32>
    %reduce_sum3A_21 = vector.multi_reduction <add>, %add3A_20, %reduce_sum3A [0] : vector<10000x128xf32> to vector<128xf32>
    %div3A = arith.constant 1.000000e+04 : f32
    %div3A_22 = vector.broadcast %div3A : f32 to vector<128xf32>
    %div3A_23 = arith.divf %reduce_sum3A_21, %div3A_22 : vector<128xf32>
    %broadcast_in_dim3A = vector.shape_cast %div3A_23 : vector<128xf32> to vector<1x128xf32>
    %sub3A = vector.broadcast %broadcast_in_dim3A : vector<1x128xf32> to vector<10000x128xf32>
    %sub3A_24 = arith.subf %add3A_20, %sub3A : vector<10000x128xf32>
    %mul3A = arith.mulf %sub3A_24, %sub3A_24 : vector<10000x128xf32>
    %reduce_sum3A_25 = arith.constant dense<0.000000e+00> : vector<128xf32>
    %reduce_sum3A_26 = vector.multi_reduction <add>, %mul3A, %reduce_sum3A_25 [0] : vector<10000x128xf32> to vector<128xf32>
    %div3A_27 = arith.constant 1.000000e+04 : f32
    %div3A_28 = vector.broadcast %div3A_27 : f32 to vector<128xf32>
    %div3A_29 = arith.divf %reduce_sum3A_26, %div3A_28 : vector<128xf32>
    %get3A_30 = arith.constant 0 : index
    %get3A_31 = arith.constant 0 : index
    %get3A_32 = vector.load %arg6[%get3A_30, %get3A_31] : memref<1x128xf32, #tpu.memory_space<vmem>>, vector<1x128xf32>
    %add3A_33 = arith.constant 9.99999974E-6 : f32
    %add3A_34 = vector.broadcast %add3A_33 : f32 to vector<128xf32>
    %add3A_35 = arith.addf %div3A_29, %add3A_34 : vector<128xf32>
    %rsqrt3A = math.rsqrt %add3A_35 : vector<128xf32>
    %broadcast_in_dim3A_36 = vector.shape_cast %rsqrt3A : vector<128xf32> to vector<1x128xf32>
    %mul3A_37 = arith.mulf %get3A_32, %broadcast_in_dim3A_36 : vector<1x128xf32>
    %mul3A_38 = vector.broadcast %mul3A_37 : vector<1x128xf32> to vector<10000x128xf32>
    %mul3A_39 = arith.mulf %sub3A_24, %mul3A_38 : vector<10000x128xf32>
    %get3A_40 = arith.constant 0 : index
    %get3A_41 = arith.constant 0 : index
    %get3A_42 = vector.load %arg7[%get3A_40, %get3A_41] : memref<1x128xf32, #tpu.memory_space<vmem>>, vector<1x128xf32>
    %add3A_43 = vector.broadcast %get3A_42 : vector<1x128xf32> to vector<10000x128xf32>
    %add3A_44 = arith.addf %mul3A_39, %add3A_43 : vector<10000x128xf32>
    %max3A = arith.constant 0.000000e+00 : f32
    %max3A_45 = vector.broadcast %max3A : f32 to vector<10000x128xf32>
    %max3A_46 = arith.maximumf %add3A_44, %max3A_45 : vector<10000x128xf32>
    %get3A_47 = arith.constant 0 : index
    %get3A_48 = arith.constant 0 : index
    %get3A_49 = vector.load %arg8[%get3A_47, %get3A_48] : memref<128x128xf32, #tpu.memory_space<vmem>>, vector<128x128xf32>
    %dot_general3A_50 = arith.constant dense<0.000000e+00> : vector<10000x128xf32>
    %dot_general3A_51 = tpu.matmul %max3A_46, %get3A_49, %dot_general3A_50 {dimension_numbers = #tpu.dot_dimension_numbers<[1], [0], [0], [1], [0, 0, 1, 1], [], []>, transpose_lhs_hint = false} : vector<10000x128xf32>, vector<128x128xf32>, vector<10000x128xf32> -> vector<10000x128xf32>
    %get3A_52 = arith.constant 0 : index
    %get3A_53 = arith.constant 0 : index
    %get3A_54 = vector.load %arg9[%get3A_52, %get3A_53] : memref<1x128xf32, #tpu.memory_space<vmem>>, vector<1x128xf32>
    %add3A_55 = vector.broadcast %get3A_54 : vector<1x128xf32> to vector<10000x128xf32>
    %add3A_56 = arith.addf %dot_general3A_51, %add3A_55 : vector<10000x128xf32>
    %max3A_57 = arith.constant 0.000000e+00 : f32
    %max3A_58 = vector.broadcast %max3A_57 : f32 to vector<10000x128xf32>
    %max3A_59 = arith.maximumf %add3A_56, %max3A_58 : vector<10000x128xf32>
    %get3A_60 = arith.constant 0 : index
    %get3A_61 = arith.constant 0 : index
    %get3A_62 = vector.load %arg2[%get3A_60, %get3A_61] : memref<10000x1xi32, #tpu.memory_space<vmem>>, vector<10000x1xi32>
    %iota3A = tpu.iota {dimensions = array<i32: 0>} : vector<64x10000xi32>
    %get3A_63 = arith.constant 0 : index
    %get3A_64 = arith.constant 0 : index
    %get3A_65 = vector.load %arg3[%get3A_63, %get3A_64] : memref<1x10000xi32, #tpu.memory_space<vmem>>, vector<1x10000xi32>
    %eq3A = vector.broadcast %get3A_65 : vector<1x10000xi32> to vector<64x10000xi32>
    %eq3A_66 = arith.cmpi eq, %eq3A, %iota3A : vector<64x10000xi32>
    %convert_element_type3A = arith.extui %eq3A_66 : vector<64x10000xi1> to vector<64x10000xi32>
    %convert_element_type3A_67 = arith.sitofp %convert_element_type3A : vector<64x10000xi32> to vector<64x10000xf32>
    %dot_general3A_68 = arith.constant dense<0.000000e+00> : vector<64x128xf32>
    %dot_general3A_69 = tpu.matmul %convert_element_type3A_67, %max3A_59, %dot_general3A_68 {dimension_numbers = #tpu.dot_dimension_numbers<[1], [0], [0], [1], [0, 0, 1, 1], [], []>, precision = #tpu.contract_precision<fp32>, transpose_lhs_hint = false} : vector<64x10000xf32>, vector<10000x128xf32>, vector<64x128xf32> -> vector<64x128xf32>
    %iota3A_70 = tpu.iota {dimensions = array<i32: 0>} : vector<64x1xi32>
    %broadcast_in_dim3A_71 = arith.constant 0xFF800000 : f32
    %broadcast_in_dim3A_72 = vector.broadcast %broadcast_in_dim3A_71 : f32 to vector<64x128xf32>
    %scan3A = arith.constant 0 : i32
    %scan3A_73 = arith.constant 64 : i32
    %scan3A_74 = arith.addi %scan3A, %scan3A_73 : i32
    %scan3A_75 = arith.constant 1 : i32
    %scan3A_76 = scf.for %scan3A_115 = %scan3A to %scan3A_74 step %scan3A_75 iter_args(%scan3A_116 = %broadcast_in_dim3A_72) -> (vector<64x128xf32>)  : i32 {
      %eq3A_117 = vector.broadcast %scan3A_115 : i32 to vector<10000x1xi32>
      %eq3A_118 = arith.cmpi eq, %get3A_62, %eq3A_117 : vector<10000x1xi32>
      %jit3A = arith.constant 0xFF800000 : f32
      %broadcast_in_dim3A_119 = vector.shape_cast %eq3A_118 : vector<10000x1xi1> to vector<10000x1xi1>
      %broadcast_in_dim3A_120 = vector.broadcast %broadcast_in_dim3A_119 : vector<10000x1xi1> to vector<10000x128xi1>
      %broadcast_in_dim3A_121 = vector.broadcast %jit3A : f32 to vector<10000x128xf32>
      %select_n3A = arith.select %broadcast_in_dim3A_120, %max3A_59, %broadcast_in_dim3A_121 : vector<10000x128xi1>, vector<10000x128xf32>
      %reduce_max3A = arith.constant dense<0xFF800000> : vector<128xf32>
      %reduce_max3A_122 = vector.multi_reduction <maximumf>, %select_n3A, %reduce_max3A [0] : vector<10000x128xf32> to vector<128xf32>
      %eq3A_123 = vector.broadcast %scan3A_115 : i32 to vector<64x1xi32>
      %eq3A_124 = arith.cmpi eq, %iota3A_70, %eq3A_123 : vector<64x1xi32>
      %reshape3A = vector.shape_cast %reduce_max3A_122 : vector<128xf32> to vector<1x128xf32>
      %broadcast_in_dim3A_125 = vector.shape_cast %eq3A_124 : vector<64x1xi1> to vector<64x1xi1>
      %broadcast_in_dim3A_126 = vector.broadcast %broadcast_in_dim3A_125 : vector<64x1xi1> to vector<64x128xi1>
      %broadcast_in_dim3A_127 = vector.shape_cast %reshape3A : vector<1x128xf32> to vector<1x128xf32>
      %broadcast_in_dim3A_128 = vector.broadcast %broadcast_in_dim3A_127 : vector<1x128xf32> to vector<64x128xf32>
      %select_n3A_129 = arith.select %broadcast_in_dim3A_126, %broadcast_in_dim3A_128, %scan3A_116 : vector<64x128xi1>, vector<64x128xf32>
      scf.yield %select_n3A_129 : vector<64x128xf32>
    }
    %scan3A_77 = arith.constant 64 : i32
    %concatenate3A_78 = tpu.concatenate %dot_general3A_69, %scan3A_76 in 1 : vector<64x128xf32>, vector<64x128xf32> -> vector<64x256xf32>
    %get3A_79 = arith.constant 0 : index
    %get3A_80 = arith.constant 0 : index
    %get3A_81 = vector.load %arg10[%get3A_79, %get3A_80] : memref<256x256xf32, #tpu.memory_space<vmem>>, vector<256x256xf32>
    %dot_general3A_82 = arith.constant dense<0.000000e+00> : vector<64x256xf32>
    %dot_general3A_83 = tpu.matmul %concatenate3A_78, %get3A_81, %dot_general3A_82 {dimension_numbers = #tpu.dot_dimension_numbers<[1], [0], [0], [1], [0, 0, 1, 1], [], []>, transpose_lhs_hint = false} : vector<64x256xf32>, vector<256x256xf32>, vector<64x256xf32> -> vector<64x256xf32>
    %get3A_84 = arith.constant 0 : index
    %get3A_85 = arith.constant 0 : index
    %get3A_86 = vector.load %arg11[%get3A_84, %get3A_85] : memref<1x256xf32, #tpu.memory_space<vmem>>, vector<1x256xf32>
    %add3A_87 = vector.broadcast %get3A_86 : vector<1x256xf32> to vector<64x256xf32>
    %add3A_88 = arith.addf %dot_general3A_83, %add3A_87 : vector<64x256xf32>
    %max3A_89 = arith.constant 0.000000e+00 : f32
    %max3A_90 = vector.broadcast %max3A_89 : f32 to vector<64x256xf32>
    %max3A_91 = arith.maximumf %add3A_88, %max3A_90 : vector<64x256xf32>
    %get3A_92 = arith.constant 0 : index
    %get3A_93 = arith.constant 0 : index
    %get3A_94 = vector.load %arg12[%get3A_92, %get3A_93] : memref<256x1xf32, #tpu.memory_space<vmem>>, vector<256x1xf32>
    %dot_general3A_95 = arith.constant dense<0.000000e+00> : vector<64x1xf32>
    %dot_general3A_96 = tpu.matmul %max3A_91, %get3A_94, %dot_general3A_95 {dimension_numbers = #tpu.dot_dimension_numbers<[1], [0], [0], [1], [0, 0, 1, 1], [], []>, transpose_lhs_hint = false} : vector<64x256xf32>, vector<256x1xf32>, vector<64x1xf32> -> vector<64x1xf32>
    %get3A_97 = arith.constant 0 : index
    %get3A_98 = arith.constant 0 : index
    %get3A_99 = vector.load %arg13[%get3A_97, %get3A_98] : memref<1x1xf32, #tpu.memory_space<vmem>>, vector<1x1xf32>
    %add3A_100 = vector.broadcast %get3A_99 : vector<1x1xf32> to vector<64x1xf32>
    %add3A_101 = arith.addf %dot_general3A_96, %add3A_100 : vector<64x1xf32>
    %swap3A = arith.constant 0 : index
    %swap3A_102 = arith.constant 0 : index
    %swap3A_103 = vector.load %arg15[%swap3A, %swap3A_102] : memref<64x1xf32, #tpu.memory_space<vmem>>, vector<64x1xf32>
    tpu.vector_store %arg15[%swap3A, %swap3A_102], %add3A_101 {strides = array<i32>} : memref<64x1xf32, #tpu.memory_space<vmem>>, vector<64x1xf32>,
    %neg3A = arith.constant 0.000000e+00 : f32
    %neg3A_104 = vector.broadcast %neg3A : f32 to vector<64x1xf32>
    %neg3A_105 = arith.subf %neg3A_104, %add3A_101 : vector<64x1xf32>
    %exp3A = math.exp %neg3A_105 : vector<64x1xf32>
    %add3A_106 = arith.constant 1.000000e+00 : f32
    %add3A_107 = vector.broadcast %add3A_106 : f32 to vector<64x1xf32>
    %add3A_108 = arith.addf %add3A_107, %exp3A : vector<64x1xf32>
    %div3A_109 = arith.constant 1.000000e+00 : f32
    %div3A_110 = vector.broadcast %div3A_109 : f32 to vector<64x1xf32>
    %div3A_111 = arith.divf %div3A_110, %add3A_108 : vector<64x1xf32>
    %swap3A_112 = arith.constant 0 : index
    %swap3A_113 = arith.constant 0 : index
    %swap3A_114 = vector.load %arg14[%swap3A_112, %swap3A_113] : memref<64x1xf32, #tpu.memory_space<vmem>>, vector<64x1xf32>
    tpu.vector_store %arg14[%swap3A_112, %swap3A_113], %div3A_111 {strides = array<i32>} : memref<64x1xf32, #tpu.memory_space<vmem>>, vector<64x1xf32>,
    return
  }
}

</mosaic_0001>

<sc_bundles>
// kernel: kernel.4.cloned.1.call-start
scs
__scs_entry_jumppad:
0x0: {  	(pc) =	sbr.rel $0x88, $3  }
0x1: {  	(tag) =	ssettag $0x0;
	lr =	simm.s32 $0x1  }
0x2: {  	[smem:$0x3F94] =	sst lr;
	_ =	strace $0xD0000000  }
0x3: {  	_ = 	snop  }
0x4: {  	_ = 	snop  }
0x5: {  	_ = 	snop  }
0x6: {  	_ = 	snop  }
0x7: {  	_ = 	snop  }
__scs_overlays_trampoline_lowered:
0x8: {  	[smem:$0x3FA3] =	sst s0  }
0x9: {  	[smem:$0x3FA4] =	sst s1  }
0xa: {  	[smem:$0x3FA5] =	sst s2  }
0xb: {  	[smem:$0x3FA6] =	sst s3  }
0xc: {  	[smem:$0x3FA7] =	sst s4  }
0xd: {  	[smem:$0x3FA8] =	sst s5  }
0xe: {  	[smem:$0x3FA9] =	sst s6  }
0xf: {  	[smem:$0x3FAA] =	sst s7  }
0x10: {  	[smem:$0x3FAB] =	sst s8  }
0x11: {  	[smem:$0x3FAC] =	sst s9;
	s0 =	simm.s32 @!p0 $0x0  }
0x12: {  	s1 =	sld [smem:$0x3F92];
	s0 =	simm.s32 @p0 $0x1  }
0x13: {  	[smem:$0x3FAD] =	sst s0;
	s0 =	simm.s32 @!p1 $0x0  }
0x14: {  	s2 =	sld [smem:$0x3F91];
	s0 =	simm.s32 @p1 $0x1  }
0x15: {  	[smem:$0x3FAE] =	sst s0;
	s0 =	simm.s32 @!p2 $0x0  }
0x16: {  	s3 =	sld [smem:$0x3FDB];
	s0 =	simm.s32 @p2 $0x1  }
0x17: {  	s4 =	simm.s32 $0x1BF5;
	[smem:$0x3FB0] =	sst s0  }
0x18: {  	s0 =	sld [smem:$0x3F93];
	_ =	swait.ge [sflag:s4], $0x0  }
0x19: {  	s7 =	sld [smem:$0x3F94]  }
0x1a: {  	s8 =	sadd.s32 $0xFFFFE003, lr  }
0x1b: {  	s9 =	sadd.s32 $0xFFFFFEF7, lr;
	s5 =	simm.s32 $0xFFFFFFFF;
	p2 =	slt.u32 s8, $0xFFFFF086  }
0x1c: {  	p1 =	slt.u32 s9, $0xF7A;
	s5 =	simm.s32 @!p2 $0x0  }
0x1d: {  	s5 =	simm.s32 @p1 $0x1;
	p0 =	seq.s32 s7, s2  }
0x1e: {  	s7 =	smul.u32 @!p0 $0xF7A, s2;
	p2 =	seq.s32 @!p0 s5, $0x0  }
0x1f: {  	s9 =	smul.u32 $0xF7A, s1;
	s8 =	simm.s32 @!p0 $0x1BF5;
	p2 =	por !p2, p0  }
0x20: {  	[sflag:s8] =	ssyncset.s32 @!p0 $0xFFFFF086;
	s6 =	sadd.s32 @!p0 s3, s7;
	s7 =	simm.s32 @!p0 $0x108  }
0x21: {  	s3 =	sadd.s32 s3, s9;
	s6 =	sadd.s32 @!p0 $0x88, s6;
	s7 =	simm.s32 @p2 $0x1082  }
0x22: {  	[simem:s7], [sflag:s8] =	dma.local @!p0 [hbm:s6], $0xF7A  }
0x23: {  	s9 =	sor.u32 $0xD0000000, s2;
	s6 =	simm.s32 $0x108;
	_ =	swait.ge @!p0 [sflag:s8], $0x0  }
0x24: {  	s3 =	sadd.s32 $0x88, s3;
	s6 =	simm.s32 @!p1 $0x1082;
	[sflag:s4] =	ssyncset.s32 $0xFFFFF086  }
0x25: {  	[simem:s6], [sflag:s4] =	dma.local [hbm:s3], $0xF7A  }
0x26: {  	[smem:$0x3F94] =	sst s1;
	(tag) =	ssettag s2;
	_ =	strace s9  }
0x27: {  	s1 =	sld [smem:$0x3FA4]  }
0x28: {  	s2 =	sld [smem:$0x3FA5]  }
0x29: {  	s4 =	sld [smem:$0x3FA7]  }
0x2a: {  	p0 =	seq.s32 s5, $0x0;
	s5 =	sld [smem:$0x3FA8]  }
0x2b: {  	s6 =	sld [smem:$0x3FA9]  }
0x2c: {  	s7 =	sld [smem:$0x3FAA]  }
0x2d: {  	s3 =	simm.s32 $0x108;
	s8 =	sld [smem:$0x3FAB]  }
0x2e: {  	s3 =	simm.s32 @!p0 $0x1082;
	s9 =	sld [smem:$0x3FAC]  }
0x2f: {  	lr =	sadd.s32 s0, s3;
	s0 =	sld [smem:$0x3FA3]  }
0x30: {  	s3 =	sld [smem:$0x3FA6]  }
0x31: {  	[smem:$0x3FAF] =	sst s10  }
0x32: {  	s10 =	sld [smem:$0x3FAD];
	_ =	sdelay $0x3  }
0x33: {  	p0 =	seq.s32 s10, $0x1;
	s10 =	sld [smem:$0x3FAF];
	_ =	sdelay $0x3  }
0x34: {  	[smem:$0x3FAF] =	sst s10  }
0x35: {  	s10 =	sld [smem:$0x3FAE];
	_ =	sdelay $0x3  }
0x36: {  	p1 =	seq.s32 s10, $0x1;
	s10 =	sld [smem:$0x3FAF];
	_ =	sdelay $0x3  }
0x37: {  	[smem:$0x3FAF] =	sst s10  }
0x38: {  	s10 =	sld [smem:$0x3FB0]  }
0x39: {  	_ = 	snop;
	(pc) =	sbr.ind lr, $3  }
0x3a: {  	_ = 	snop  }
0x3b: {  	_ = 	snop  }
0x3c: {  	p2 =	seq.s32 s10, $0x1;
	s10 =	sld [smem:$0x3FAF]  }
0x3d: {  	_ =	shalt  }
0x3e: {  	_ =	shalt  }
0x3f: {  	_ =	shalt  }
0x40: {  	_ =	shalt  }
0x41: {  	_ =	shalt  }
0x42: {  	_ =	shalt  }
0x43: {  	_ =	shalt  }
0x44: {  	_ =	shalt  }
0x45: {  	_ =	shalt  }
0x46: {  	_ =	shalt  }
0x47: {  	_ =	shalt  }
0x48: {  	_ =	shalt  }
0x49: {  	_ =	shalt  }
0x4a: {  	_ =	shalt  }
0x4b: {  	_ =	shalt  }
0x4c: {  	_ =	shalt  }
0x4d: {  	_ =	shalt  }
0x4e: {  	_ =	shalt  }
0x4f: {  	_ =	shalt  }
0x50: {  	_ =	shalt  }
0x51: {  	_ =	shalt  }
0x52: {  	_ =	shalt  }
0x53: {  	_ =	shalt  }
0x54: {  	_ =	shalt  }
0x55: {  	_ =	shalt  }
0x56: {  	_ =	shalt  }
0x57: {  	_ =	shalt  }
0x58: {  	_ =	shalt  }
0x59: {  	_ =	shalt  }
0x5a: {  	_ =	shalt  }
0x5b: {  	_ =	shalt  }
0x5c: {  	_ =	shalt  }
0x5d: {  	_ =	shalt  }
0x5e: {  	_ =	shalt  }
0x5f: {  	_ =	shalt  }
0x60: {  	_ =	shalt  }
0x61: {  	_ =	shalt  }
0x62: {  	_ =	shalt  }
0x63: {  	_ =	shalt  }
0x64: {  	_ =	shalt  }
0x65: {  	_ =	shalt  }
0x66: {  	_ =	shalt  }
0x67: {  	_ =	shalt  }
0x68: {  	_ =	shalt  }
0x69: {  	_ =	shalt  }
0x6a: {  	_ =	shalt  }
0x6b: {  	_ =	shalt  }
0x6c: {  	_ =	shalt  }
0x6d: {  	_ =	shalt  }
0x6e: {  	_ =	shalt  }
0x6f: {  	_ =	shalt  }
0x70: {  	_ =	shalt  }
0x71: {  	_ =	shalt  }
0x72: {  	_ =	shalt  }
0x73: {  	_ =	shalt  }
0x74: {  	_ =	shalt  }
0x75: {  	_ =	shalt  }
0x76: {  	_ =	shalt  }
0x77: {  	_ =	shalt  }
0x78: {  	_ =	shalt  }
0x79: {  	_ =	shalt  }
0x7a: {  	_ =	shalt  }
0x7b: {  	_ =	shalt  }
0x7c: {  	_ =	shalt  }
0x7d: {  	_ =	shalt  }
0x7e: {  	_ =	shalt  }
0x7f: {  	_ =	shalt  }
0x80: {  	_ =	shalt  }
0x81: {  	_ =	shalt  }
0x82: {  	_ =	shalt  }
0x83: {  	_ =	shalt  }
0x84: {  	_ =	shalt  }
0x85: {  	_ =	shalt  }
0x86: {  	_ =	shalt  }
0x87: {  	_ =	shalt  }
.Lfunc_end0:
.L_simem_size_0:
called_computation_lowered:
.L_overlay_start_0:
0x88: {  	s2 =	sld [smem:$0x3FD9]  }
0x89: {  	s3 =	sld [smem:$0x3FFE];
	_ =	sdelay $0x1  }
0x8a: {  	s1 =	srdreg.scid  }
0x8b: {  	s0 =	sand.u32 $0x1, s1  }
0x8c: {  	s16 =	sshll.u32 s0, $0xA;
	s2 =	sadd.s32 s3, s2  }
0x8d: {  	s2 =	sadd.s32 s2, s16  }
0x8e: {  	[smem:$0x3FBB] =	sst s2  }
0x8f: {  	_ = 	snop  }
0x90: {  	(tm) =	ssettm $0x1  }
0x91: {  	s17 =	sld [smem:$0x3FFB];
	_ =	sdelay $0x3  }
0x92: {  	_ =	strace s17  }
0x93: {  	s2 =	sld [smem:$0x3FFC];
	_ =	sdelay $0x3  }
0x94: {  	_ =	strace s2  }
0x95: {  	s2 =	sld [smem:$0x3FFD];
	_ =	sdelay $0x3  }
0x96: {  	_ =	strace s2  }
0x97: {  	_ =	strace $0x8FFFFFFF  }
0x98: {  	s18 =	sld [smem:$0x3FDB];
	_ =	sdelay $0x1  }
0x99: {  	s19 =	simm.s32 $_scs_section_size  }
0x9a: {  	s4 =	simm.s32 $_size__tile_overlayer_lowered;
	s5 =	simm.s32 $_tile_overlayer_lowered  }
0x9b: {  	s22 =	simm.s32 $0x1BFF;
	s21 =	sshll.u32 s5, $0x1;
	s2 =	sadd.s32 s19, s18  }
0x9c: {  	s6 =	simm.s32 $0x0;
	s20 =	sshll.u32 s4, $0x1;
	s4 =	sadd.s32 s21, s2  }
0x9d: {  	[timem:s6], [sflag:s22] =	dma.local [hbm:s4], s20  }
0x9e: {  	_ =	swait.ge [sflag:s22], s20  }
0x9f: {  	s3 =	ssub.s32 $0x0, s20;
	[sflag:s22] =	ssyncset.done $0x0  }
0xa0: {  	[sflag:s22] =	ssyncadd.s32 s3;
	_ =	sdelay $0x1  }
0xa1: {  	s23 =	simm.s32 $0x1B8B  }
0xa2: {  	_ =	swait.ge [sflag:s23], $0x1  }
0xa3: {  	[sflag:s23] =	ssyncset.done $0x0  }
0xa4: {  	s25 =	simm.s32 $0x1B8E;
	s24 =	sld [smem:$0x3FFE];
	[sflag:s23] =	ssyncadd.s32 $0xFFFFFFFF  }
0xa5: {  	s26 =	simm.s32 $execute0_lowered;
	[smem:$0x3FD2] =	sst s25  }
0xa6: {  	s4 =	sshll.u32 s26, $0x1;
	_ =	strace $0x80000046;
	[dreg:$0x1] =	wrdreg $0xFFFFFFFF  }
0xa7: {  	s28 =	simm.s32 $_size_execute0_lowered;
	s2 =	sadd.s32 s2, s4;
	[dreg:$0x0] =	wrdreg $0x0  }
0xa8: {  	s4 =	sshll.u32 s28, $0x1;
	[dreg:$0x2] =	wrdreg s2  }
0xa9: {  	[dreg:$0x3] =	wrdreg s4  }
0xaa: {  	[dreg:$0x4] =	wrdreg $0xC0  }
0xab: {  	_ =	task [dreg:s6], $0x5FFFF  }
0xac: {  	[dreg:$0x1] =	wrdreg $0xFFFFFFFF  }
0xad: {  	[dreg:$0x0] =	wrdreg $0x60  }
0xae: {  	[dreg:$0x2] =	wrdreg s24  }
0xaf: {  	[dreg:$0x3] =	wrdreg $0x140800  }
0xb0: {  	[dreg:$0x4] =	wrdreg $0x9  }
0xb1: {  	_ =	task.clear_ibuf [dreg:s6], $0x5FFFF;
	_ =	strace $0x90000046  }
0xb2: {  	s29 =	simm.s32 $0x9;
	_ =	strace $0x80000048  }
0xb3: {  	_ =	swait.ge [sflag:s29], $0x1  }
0xb4: {  	[sflag:s29] =	ssyncadd.s32 $0xFFFFFFFF  }
0xb5: {  	_ =	strace $0x90000048  }
0xb6: {  	_ =	sfence  }
0xb7: {  	s30 =	sld [smem:$0x0];
	_ =	sdelay $0x2  }
0xb8: {  	s31 =	sshll.u32 s1, $0xD;
	s1 =	sshrl.u32 s1, $0x2  }
0xb9: {  	s3 =	sand.u32 $0x4000, s31;
	s1 =	sadd.s32 s1, s30  }
0xba: {  	s0 =	sor.u32 s3, s0;
	s1 =	sshll.u32 s1, $0x11  }
0xbb: {  	s0 =	sor.u32 s1, s0  }
0xbc: {  	s0 =	sadd.s32 $0x8F2B, s0  }
0xbd: {  	[sflag:s0] =	ssyncadd.remote.s32 $0x1  }
0xbe: {  	_ =	sfence.sel $0xFFFF  }
0xbf: {  	[dreg:$0x0] =	wrdreg $0xFFFFFFFF;
	(pc) =	sbr.abs _section_cstart, $3  }
0xc0: {  	[dreg:$0x1] =	wrdreg $0xFFFFFFFF  }
0xc1: {  	_ =	task.clear_ibuf [dreg:s6], $0x2FFFF;
	_ =	strace $0x9FFFFFFF  }
0xc2: {  	(tm) =	ssettm $0x7FFFFFFF  }
0xc3: {  	_ =	shalt  }
tec
execute0_lowered:
.L_overlay_start_1:
0x0: {  	(tag) =	ssettag $0x1  }
0x1: {  	s0 =	rddreg [dreg:$0x0]  }
0x2: {  	s1 =	rddreg [dreg:$0x1];
	s2 =	simm.s32 $0x0  }
0x3: {  	s3 =	srdreg.scid;
	s12 =	stileid.u32;
	s24 =	simm.s32 $0x380  }
0x4: {  	s26 =	simm.s32 $0x400;
	s14 =	simm.s32 $0x480;
	[smem:$0x7FF] =	sst s2  }
0x5: {  	s15 =	simm.s32 $0x500;
	_ =	strace $0x80000047;
	[dreg:$0x3] =	wrdreg s24  }
0x6: {  	s17 =	simm.s32 $0x580;
	s18 =	simm.s32 $0x600;
	[dreg:$0x4] =	wrdreg s26  }
0x7: {  	s19 =	simm.s32 $0x680;
	s20 =	simm.s32 $0x700;
	[dreg:$0x5] =	wrdreg s14  }
0x8: {  	s21 =	simm.s32 $0x780;
	s23 =	simm.s32 $0x880;
	[dreg:$0x6] =	wrdreg s15  }
0x9: {  	s29 =	simm.s32 $0x1000;
	s31 =	simm.s32 $0x80;
	[dreg:$0x7] =	wrdreg s17  }
0xa: {  	s28 =	simm.s32 $0xB;
	s30 =	simm.s32 $0x1;
	[dreg:$0x8] =	wrdreg s18  }
0xb: {  	s3 =	sand.u32 $0x1, s3;
	s5 =	smul.u32 $0x28000, s12;
	[dreg:$0x9] =	wrdreg s19  }
0xc: {  	s6 =	sadd.s32 $0x33200, s0;
	s7 =	sadd.s32 $0x29000, s0;
	[dreg:$0xa] =	wrdreg s20  }
0xd: {  	p0 =	sne.s32 s12, $0x0;
	s4 =	smul.u32 $0x9C400, s3;
	[dreg:$0xb] =	wrdreg s21  }
0xe: {  	s3 =	ssub.s32 $0x2, s3;
	[dreg:$0xc] =	wrdreg s23;
	s14 =	simm.s32 $0xB00  }
0xf: {  	s24 =	smul.u32 $0x9C00, s12;
	s17 =	simm.s32 $0xC00;
	[dreg:$0x11] =	wrdreg s14  }
0x10: {  	s18 =	simm.s32 $0xC80;
	s19 =	simm.s32 $0xD00;
	[dreg:$0x13] =	wrdreg s17  }
0x11: {  	s20 =	simm.s32 $0xD80;
	s21 =	simm.s32 $0xE00;
	[dreg:$0x14] =	wrdreg s18  }
0x12: {  	s23 =	simm.s32 $0xF00;
	s5 =	sshrl.u32 s5, $0x2;
	[dreg:$0x15] =	wrdreg s19  }
0x13: {  	s10 =	sshrl.u32 s3, $0x1;
	[dreg:$0x16] =	wrdreg s20;
	s18 =	simm.s32 $0x5  }
0x14: {  	[dreg:$0x17] =	wrdreg s21;
	s19 =	simm.s32 $0x6;
	s20 =	simm.s32 $0x7  }
0x15: {  	[dreg:$0x19] =	wrdreg s23;
	s21 =	simm.s32 $0x8;
	s17 =	simm.s32 $0x10080  }
0x16: {  	s8 =	sshrl.u32 s4, $0x3;
	s13 =	sadd.s32 s5, s1;
	s4 =	sadd.s32 s24, s4  }
0x17: {  	s15 =	sadd.s32 s24, s1;
	s24 =	simm.s32 $0xF80;
	[dreg:$0x1b] =	wrdreg s13  }
0x18: {  	s23 =	simm.s32 $0xA;
	s5 =	sadd.s32 $0x2000, s13;
	[dreg:$0x1a] =	wrdreg s24  }
0x19: {  	s3 =	ssub.s32 s3, s10;
	s25 =	sadd.s32 $0x4000, s13;
	[dreg:$0x1c] =	wrdreg s5  }
0x1a: {  	s9 =	sadd.s32 s8, s0;
	s11 =	sadd.s32 $0x6000, s13;
	[dreg:$0x1d] =	wrdreg s25  }
0x1b: {  	s0 =	sadd.s32 $0x3D400, s0;
	s16 =	sadd.s32 $0x8000, s13;
	[dreg:$0x1e] =	wrdreg s11  }
0x1c: {  	s4 =	sshrl.u32 s4, $0x3;
	s3 =	smax.u32 s3, $0x1;
	[dreg:$0x1f] =	wrdreg s16  }
0x1d: {  	s24 =	simm.s32 $0xE080;
	s25 =	simm.s32 $0x900;
	[smem:$0x7FB] =	sst s3  }
0x1e: {  	s13 =	sadd.s32 $0x1E00, s9;
	s9 =	simm.s32 $0xA00;
	[dreg:$0xd] =	wrdreg s25  }
0x1f: {  	s11 =	smul.u32 $0xA00, s12;
	s4 =	sadd.s32 s0, s4;
	[dreg:$0xf] =	wrdreg s9  }
0x20: {  	s16 =	simm.s32 $0xB80;
	s0 =	sadd.s32 s0, s8;
	[smem:$0x7F9] =	sst s4  }
0x21: {  	s3 =	simm.s32 $0x4080;
	s8 =	simm.s32 $0x8080;
	[dreg:$0x12] =	wrdreg s16  }
0x22: {  	s0 =	sadd.s32 $0x13800, s0;
	s4 =	sadd.s32 $0x9C000, s1;
	s25 =	sshrl.u32 s15, $0x3  }
0x23: {  	s10 =	sadd.s32 s6, s11;
	s26 =	sadd.s32 s7, s11;
	[smem:$0x7FA] =	sst s0  }
0x24: {  	s11 =	sor.u32 $0x100, s11;
	[smem:$0x7FC] =	sst s25;
	s0 =	sshrl.u32 @!p0 s4, $0x3  }
0x25: {  	s12 =	simm.s32 $0xA080;
	s6 =	sadd.s32 s6, s11;
	[smem:$0x7FD] =	sst s0  }
0x26: {  	s5 =	simm.s32 $0xC;
	s22 =	sadd.s32 s7, s11;
	[smem:$0x7F7] =	sst s6  }
0x27: {  	s15 =	simm.s32 $0xC080;
	s7 =	simm.s32 $0x980;
	[smem:$0x7F8] =	sst s22  }
0x28: {  	s25 =	simm.s32 $0x2000;
	s11 =	simm.s32 $0xA80;
	[dreg:$0xe] =	wrdreg s7  }
0x29: {  	s4 =	simm.s32 $0xD;
	s0 =	simm.s32 $0x2080;
	[dreg:$0x10] =	wrdreg s11  }
0x2a: {  	s22 =	simm.s32 $0xE80;
	s6 =	simm.s32 $0x6080;
	s7 =	simm.s32 $0x0  }
0x2b: {  	v0 =	vimm.f32 $0.0e+00;
	s11 =	simm.s32 $0x1000;
	[dreg:$0x18] =	wrdreg s22;
	s22 =	simm.s32 $0x9  }
.LBB2_1:
0x2c: {  	[smem:$0x7F6] =	sst s7;
	s14 =	simm.s32 $0x100;
	s9 =	simm.s32 $0x0  }
.LBB2_2:
0x2d: {  	p1 =	sne.s32 s14, $0x7F00;
	[tilespmem:s9+$0x120B0] =	vst v0;
	s16 =	smov.u32 s14;
	s14 =	sadd.s32 $0x100, s14  }
.Ltmp0:
0x2e: {  	[tilespmem:s9+$0x120A0] =	vst v0;
	(pc) =	sbr.rel @p1 .LBB2_2-.Ltmp0, $3  }
0x2f: {  	[tilespmem:s9+$0x12080] =	vst v0  }
0x30: {  	[tilespmem:s9+$0x12090] =	vst v0;
	_ =	sdelay $0x1  }
0x31: {  	s9 =	sshra.s32 s16, $0x2  }
0x32: {  	[tilespmem:s9+$0x120B0] =	vst v0  }
0x33: {  	[tilespmem:s9+$0x120A0] =	vst v0  }
0x34: {  	[tilespmem:s9+$0x12080] =	vst v0  }
0x35: {  	[tilespmem:s9+$0x12090] =	vst v0;
	s16 =	rddreg [dreg:$0x1b];
	s14 =	simm.s32 $0x12080  }
0x36: {  	[spmem:s16] =	stream.linear.scatter [tilespmem:s14], [sflag:$0x5], $0x2000, $0x38;
	[tilespmem:$0x1E080] =	vst v63  }
0x37: {  	s7 =	rddreg [dreg:$0x1c]  }
0x38: {  	[spmem:s7] =	stream.linear.scatter [tilespmem:s14], [sflag:$0x6], $0x2000, $0x38;
	[tilespmem:$0x1E080] =	vst v63  }
0x39: {  	s16 =	rddreg [dreg:$0x1d]  }
0x3a: {  	[spmem:s16] =	stream.linear.scatter [tilespmem:s14], [sflag:$0x7], $0x2000, $0x38;
	[tilespmem:$0x1E080] =	vst v63  }
0x3b: {  	s7 =	rddreg [dreg:$0x1e]  }
0x3c: {  	[spmem:s7] =	stream.linear.scatter [tilespmem:s14], [sflag:$0x8], $0x2000, $0x38;
	[tilespmem:$0x1E080] =	vst v63  }
0x3d: {  	s16 =	rddreg [dreg:$0x1f]  }
0x3e: {  	[spmem:s16] =	stream.linear.scatter [tilespmem:s14], [sflag:$0x9], $0x2000, $0x38;
	[tilespmem:$0x1E080] =	vst v63  }
0x3f: {  	_ =	swait.ge [sflag:s18], $0x2000  }
0x40: {  	[sflag:s18] =	ssyncset.done $0x0  }
0x41: {  	[sflag:s18] =	ssyncadd.s32 $0xFFFFE000  }
0x42: {  	_ =	swait.ge [sflag:s19], $0x2000  }
0x43: {  	[sflag:s19] =	ssyncset.done $0x0  }
0x44: {  	[sflag:s19] =	ssyncadd.s32 $0xFFFFE000  }
0x45: {  	_ =	swait.ge [sflag:s20], $0x2000  }
0x46: {  	[sflag:s20] =	ssyncset.done $0x0  }
0x47: {  	[sflag:s20] =	ssyncadd.s32 $0xFFFFE000  }
0x48: {  	_ =	swait.ge [sflag:s21], $0x2000  }
0x49: {  	[sflag:s21] =	ssyncset.done $0x0  }
0x4a: {  	[sflag:s21] =	ssyncadd.s32 $0xFFFFE000  }
0x4b: {  	_ =	swait.ge [sflag:s22], $0x2000  }
0x4c: {  	[sflag:s22] =	ssyncset.done $0x0  }
0x4d: {  	[sflag:s22] =	ssyncadd.s32 $0xFFFFE000  }
0x4e: {  	[bflag:$0x0] =	sbarrier.arrive $0xFFFF  }
0x4f: {  	[tilespmem:s2], [sflag:$0x1] =	stream.linear.gather [hbm4b:s10+s2], $0x800, $0x38;
	[tilespmem:$0x1E080] =	vst v63  }
0x50: {  	s7 =	sld [smem:$0x7F7]  }
0x51: {  	[tilespmem:s29], [sflag:$0x3] =	stream.linear.gather [hbm4b:s26+s2], $0x800, $0x38;
	[tilespmem:$0x1E080] =	vst v63  }
0x52: {  	s16 =	simm.s32 $0x800;
	s14 =	sld [smem:$0x7F8]  }
0x53: {  	[tilespmem:s16], [sflag:$0x2] =	stream.linear.gather [hbm4b:s7+s2], $0x800, $0x38;
	[tilespmem:$0x1E080] =	vst v63  }
0x54: {  	s7 =	simm.s32 $0x1800  }
0x55: {  	[tilespmem:s7], [sflag:$0x4] =	stream.linear.gather [hbm4b:s14+s2], $0x800, $0x38;
	[tilespmem:$0x1E080] =	vst v63  }
0x56: {  	_ =	swait.ge [sflag:s30], $0x800  }
0x57: {  	[sflag:s30] =	ssyncset.done $0x0  }
0x58: {  	s7 =	simm.s32 $0x3;
	[sflag:s30] =	ssyncadd.s32 $0xFFFFF800  }
0x59: {  	_ =	swait.ge [sflag:s7], $0x800  }
0x5a: {  	[sflag:s7] =	ssyncset.done $0x0  }
0x5b: {  	[sflag:s7] =	ssyncadd.s32 $0xFFFFF800  }
0x5c: {  	[tilespmem:s0], [sflag:$0x5] =	stream.indirect.gather [hbm4b:s13+s31], $0x40, s2, s31, $0xb8;
	[tilespmem:$0x1E080] =	vst v63  }
0x5d: {  	_ = 	snop  }
0x5e: {  	[tilespmem:s3], [sflag:$0x6] =	stream.indirect.gather [hbm4b:s13+s31], $0x40, s31, s31, $0xb8;
	[tilespmem:$0x1E080] =	vst v63  }
0x5f: {  	s29 =	simm.s32 $0x100  }
0x60: {  	[tilespmem:s6], [sflag:$0x7] =	stream.indirect.gather [hbm4b:s13+s31], $0x40, s29, s31, $0xb8;
	[tilespmem:$0x1E080] =	vst v63  }
0x61: {  	s14 =	simm.s32 $0x180  }
0x62: {  	[tilespmem:s8], [sflag:$0x8] =	stream.indirect.gather [hbm4b:s13+s31], $0x40, s14, s31, $0xb8;
	[tilespmem:$0x1E080] =	vst v63  }
0x63: {  	s29 =	simm.s32 $0x200  }
0x64: {  	[tilespmem:s12], [sflag:$0x9] =	stream.indirect.gather [hbm4b:s13+s31], $0x40, s29, s31, $0xb8;
	[tilespmem:$0x1E080] =	vst v63  }
0x65: {  	s14 =	simm.s32 $0x280  }
0x66: {  	[tilespmem:s15], [sflag:$0xA] =	stream.indirect.gather [hbm4b:s13+s31], $0x40, s14, s31, $0xb8;
	[tilespmem:$0x1E080] =	vst v63  }
0x67: {  	s29 =	simm.s32 $0x300;
	s14 =	simm.s32 $0xFFFFF600  }
0x68: {  	[tilespmem:s24], [sflag:$0xB] =	stream.indirect.gather [hbm4b:s13+s31], $0x40, s29, s31, $0xb8;
	[tilespmem:$0x1E080] =	vst v63  }
.LBB2_4:
0x69: {  	_ =	swait.ge [sflag:s18], $0x2000  }
0x6a: {  	[sflag:s18] =	ssyncset.done $0x0  }
0x6b: {  	[sflag:s18] =	ssyncadd.s32 $0xFFFFE000  }
0x6c: {  	v1 =	vld [tilespmem:$0x1000]  }
0x6d: {  	v2 =	vld [tilespmem:$0x1010]  }
0x6e: {  	v3 =	vld [tilespmem:$0x1020]  }
0x6f: {  	v4 =	vld [tilespmem:$0x1030]  }
0x70: {  	v5 =	vld [tilespmem:$0x1040]  }
0x71: {  	[tilespmem:$0x2000] =	vst v1;
	v1 =	vld [tilespmem:$0x1050]  }
0x72: {  	[tilespmem:$0x2010] =	vst v2;
	v2 =	vld [tilespmem:$0x1060]  }
0x73: {  	[tilespmem:$0x2020] =	vst v3;
	v3 =	vld [tilespmem:$0x1070]  }
0x74: {  	[tilespmem:$0x2030] =	vst v4  }
0x75: {  	[tilespmem:$0x2040] =	vst v5  }
0x76: {  	[tilespmem:$0x2050] =	vst v1  }
0x77: {  	[tilespmem:$0x2060] =	vst v2  }
0x78: {  	[tilespmem:$0x2070] =	vst v3  }
0x79: {  	[spmem:s1] =	stream.indirect.scatter.add.f32 [tilespmem:s0], [sflag:$0xD], $0x40, s25, s31, $0xb8;
	[tilespmem:$0x1E080] =	vst v63  }
0x7a: {  	_ =	swait.ge [sflag:s4], $0x2000  }
0x7b: {  	[sflag:s4] =	ssyncset.done $0x0  }
0x7c: {  	s9 =	rddreg [dreg:$0x3];
	[sflag:s4] =	ssyncadd.s32 $0xFFFFE000  }
0x7d: {  	[tilespmem:s17], [sflag:$0xC] =	stream.indirect.gather [hbm4b:s13+s31], $0x40, s9, s31, $0xb8;
	[tilespmem:$0x1E080] =	vst v63  }
0x7e: {  	_ =	swait.ge [sflag:s19], $0x2000  }
0x7f: {  	[sflag:s19] =	ssyncset.done $0x0  }
0x80: {  	[sflag:s19] =	ssyncadd.s32 $0xFFFFE000  }
0x81: {  	v1 =	vld [tilespmem:$0x1080]  }
0x82: {  	v2 =	vld [tilespmem:$0x1090]  }
0x83: {  	v3 =	vld [tilespmem:$0x10A0]  }
0x84: {  	v58 =	vld [tilespmem:$0x10B0]  }
0x85: {  	v59 =	vld [tilespmem:$0x10C0]  }
0x86: {  	[tilespmem:$0x2000] =	vst v1;
	v1 =	vld [tilespmem:$0x10D0]  }
0x87: {  	[tilespmem:$0x2010] =	vst v2;
	v2 =	vld [tilespmem:$0x10E0]  }
0x88: {  	[tilespmem:$0x2020] =	vst v3;
	v3 =	vld [tilespmem:$0x10F0]  }
0x89: {  	[tilespmem:$0x2030] =	vst v58  }
0x8a: {  	[tilespmem:$0x2040] =	vst v59  }
0x8b: {  	[tilespmem:$0x2050] =	vst v1  }
0x8c: {  	[tilespmem:$0x2060] =	vst v2  }
0x8d: {  	[tilespmem:$0x2070] =	vst v3  }
0x8e: {  	[spmem:s1] =	stream.indirect.scatter.add.f32 [tilespmem:s3], [sflag:$0xD], $0x40, s25, s31, $0xb8;
	[tilespmem:$0x1E080] =	vst v63  }
0x8f: {  	_ =	swait.ge [sflag:s4], $0x2000  }
0x90: {  	[sflag:s4] =	ssyncset.done $0x0  }
0x91: {  	s29 =	rddreg [dreg:$0x4];
	[sflag:s4] =	ssyncadd.s32 $0xFFFFE000  }
0x92: {  	[tilespmem:s0], [sflag:$0x5] =	stream.indirect.gather [hbm4b:s13+s31], $0x40, s29, s31, $0xb8;
	[tilespmem:$0x1E080] =	vst v63  }
0x93: {  	_ =	swait.ge [sflag:s20], $0x2000  }
0x94: {  	[sflag:s20] =	ssyncset.done $0x0  }
0x95: {  	[sflag:s20] =	ssyncadd.s32 $0xFFFFE000  }
0x96: {  	v1 =	vld [tilespmem:$0x1100]  }
0x97: {  	v2 =	vld [tilespmem:$0x1110]  }
0x98: {  	v3 =	vld [tilespmem:$0x1120]  }
0x99: {  	v60 =	vld [tilespmem:$0x1130]  }
0x9a: {  	v61 =	vld [tilespmem:$0x1140]  }
0x9b: {  	[tilespmem:$0x2000] =	vst v1;
	v1 =	vld [tilespmem:$0x1150]  }
0x9c: {  	[tilespmem:$0x2010] =	vst v2;
	v2 =	vld [tilespmem:$0x1160]  }
0x9d: {  	[tilespmem:$0x2020] =	vst v3;
	v3 =	vld [tilespmem:$0x1170]  }
0x9e: {  	[tilespmem:$0x2030] =	vst v60  }
0x9f: {  	[tilespmem:$0x2040] =	vst v61  }
0xa0: {  	[tilespmem:$0x2050] =	vst v1  }
0xa1: {  	[tilespmem:$0x2060] =	vst v2  }
0xa2: {  	[tilespmem:$0x2070] =	vst v3  }
0xa3: {  	[spmem:s1] =	stream.indirect.scatter.add.f32 [tilespmem:s6], [sflag:$0xD], $0x40, s25, s31, $0xb8;
	[tilespmem:$0x1E080] =	vst v63  }
0xa4: {  	_ =	swait.ge [sflag:s4], $0x2000  }
0xa5: {  	[sflag:s4] =	ssyncset.done $0x0  }
0xa6: {  	s29 =	rddreg [dreg:$0x5];
	[sflag:s4] =	ssyncadd.s32 $0xFFFFE000  }
0xa7: {  	[tilespmem:s3], [sflag:$0x6] =	stream.indirect.gather [hbm4b:s13+s31], $0x40, s29, s31, $0xb8;
	[tilespmem:$0x1E080] =	vst v63  }
0xa8: {  	_ =	swait.ge [sflag:s21], $0x2000  }
0xa9: {  	[sflag:s21] =	ssyncset.done $0x0  }
0xaa: {  	[sflag:s21] =	ssyncadd.s32 $0xFFFFE000  }
0xab: {  	v1 =	vld [tilespmem:$0x1180]  }
0xac: {  	v2 =	vld [tilespmem:$0x1190]  }
0xad: {  	v3 =	vld [tilespmem:$0x11A0]  }
0xae: {  	v62 =	vld [tilespmem:$0x11B0]  }
0xaf: {  	v63 =	vld [tilespmem:$0x11C0]  }
0xb0: {  	[tilespmem:$0x2000] =	vst v1;
	v1 =	vld [tilespmem:$0x11D0]  }
0xb1: {  	[tilespmem:$0x2010] =	vst v2;
	v2 =	vld [tilespmem:$0x11E0]  }
0xb2: {  	[tilespmem:$0x2020] =	vst v3;
	v3 =	vld [tilespmem:$0x11F0]  }
0xb3: {  	[tilespmem:$0x2030] =	vst v62  }
0xb4: {  	[tilespmem:$0x2040] =	vst v63  }
0xb5: {  	[tilespmem:$0x2050] =	vst v1  }
0xb6: {  	[tilespmem:$0x2060] =	vst v2  }
0xb7: {  	[tilespmem:$0x2070] =	vst v3  }
0xb8: {  	[spmem:s1] =	stream.indirect.scatter.add.f32 [tilespmem:s8], [sflag:$0xD], $0x40, s25, s31, $0xb8;
	[tilespmem:$0x1E080] =	vst v63  }
0xb9: {  	_ =	swait.ge [sflag:s4], $0x2000  }
0xba: {  	[sflag:s4] =	ssyncset.done $0x0  }
0xbb: {  	s29 =	rddreg [dreg:$0x6];
	[sflag:s4] =	ssyncadd.s32 $0xFFFFE000  }
0xbc: {  	[tilespmem:s6], [sflag:$0x7] =	stream.indirect.gather [hbm4b:s13+s31], $0x40, s29, s31, $0xb8;
	[tilespmem:$0x1E080] =	vst v63  }
0xbd: {  	_ =	swait.ge [sflag:s22], $0x2000  }
0xbe: {  	[sflag:s22] =	ssyncset.done $0x0  }
0xbf: {  	[sflag:s22] =	ssyncadd.s32 $0xFFFFE000  }
0xc0: {  	v1 =	vld [tilespmem:$0x1200]  }
0xc1: {  	v2 =	vld [tilespmem:$0x1210]  }
0xc2: {  	v3 =	vld [tilespmem:$0x1220]  }
0xc3: {  	v8 =	vld [tilespmem:$0x1230]  }
0xc4: {  	v9 =	vld [tilespmem:$0x1240]  }
0xc5: {  	[tilespmem:$0x2000] =	vst v1;
	v1 =	vld [tilespmem:$0x1250]  }
0xc6: {  	[tilespmem:$0x2010] =	vst v2;
	v2 =	vld [tilespmem:$0x1260]  }
0xc7: {  	[tilespmem:$0x2020] =	vst v3;
	v3 =	vld [tilespmem:$0x1270]  }
0xc8: {  	[tilespmem:$0x2030] =	vst v8  }
0xc9: {  	[tilespmem:$0x2040] =	vst v9  }
0xca: {  	[tilespmem:$0x2050] =	vst v1  }
0xcb: {  	[tilespmem:$0x2060] =	vst v2  }
0xcc: {  	[tilespmem:$0x2070] =	vst v3  }
0xcd: {  	[spmem:s1] =	stream.indirect.scatter.add.f32 [tilespmem:s12], [sflag:$0xD], $0x40, s25, s31, $0xb8;
	[tilespmem:$0x1E080] =	vst v63  }
0xce: {  	_ =	swait.ge [sflag:s4], $0x2000  }
0xcf: {  	[sflag:s4] =	ssyncset.done $0x0  }
0xd0: {  	s29 =	rddreg [dreg:$0x7];
	[sflag:s4] =	ssyncadd.s32 $0xFFFFE000  }
0xd1: {  	[tilespmem:s8], [sflag:$0x8] =	stream.indirect.gather [hbm4b:s13+s31], $0x40, s29, s31, $0xb8;
	[tilespmem:$0x1E080] =	vst v63  }
0xd2: {  	_ =	swait.ge [sflag:s23], $0x2000  }
0xd3: {  	[sflag:s23] =	ssyncset.done $0x0  }
0xd4: {  	[sflag:s23] =	ssyncadd.s32 $0xFFFFE000  }
0xd5: {  	v1 =	vld [tilespmem:$0x1280]  }
0xd6: {  	v2 =	vld [tilespmem:$0x1290]  }
0xd7: {  	v3 =	vld [tilespmem:$0x12A0]  }
0xd8: {  	v10 =	vld [tilespmem:$0x12B0]  }
0xd9: {  	v11 =	vld [tilespmem:$0x12C0]  }
0xda: {  	[tilespmem:$0x2000] =	vst v1;
	v1 =	vld [tilespmem:$0x12D0]  }
0xdb: {  	[tilespmem:$0x2010] =	vst v2;
	v2 =	vld [tilespmem:$0x12E0]  }
0xdc: {  	[tilespmem:$0x2020] =	vst v3;
	v3 =	vld [tilespmem:$0x12F0]  }
0xdd: {  	[tilespmem:$0x2030] =	vst v10  }
0xde: {  	[tilespmem:$0x2040] =	vst v11  }
0xdf: {  	[tilespmem:$0x2050] =	vst v1  }
0xe0: {  	[tilespmem:$0x2060] =	vst v2  }
0xe1: {  	[tilespmem:$0x2070] =	vst v3  }
0xe2: {  	[spmem:s1] =	stream.indirect.scatter.add.f32 [tilespmem:s15], [sflag:$0xD], $0x40, s25, s31, $0xb8;
	[tilespmem:$0x1E080] =	vst v63  }
0xe3: {  	_ =	swait.ge [sflag:s4], $0x2000  }
0xe4: {  	[sflag:s4] =	ssyncset.done $0x0  }
0xe5: {  	s29 =	rddreg [dreg:$0x8];
	[sflag:s4] =	ssyncadd.s32 $0xFFFFE000  }
0xe6: {  	[tilespmem:s12], [sflag:$0x9] =	stream.indirect.gather [hbm4b:s13+s31], $0x40, s29, s31, $0xb8;
	[tilespmem:$0x1E080] =	vst v63  }
0xe7: {  	_ =	swait.ge [sflag:s28], $0x2000  }
0xe8: {  	[sflag:s28] =	ssyncset.done $0x0  }
0xe9: {  	[sflag:s28] =	ssyncadd.s32 $0xFFFFE000  }
0xea: {  	v1 =	vld [tilespmem:$0x1300]  }
0xeb: {  	v2 =	vld [tilespmem:$0x1310]  }
0xec: {  	v3 =	vld [tilespmem:$0x1320]  }
0xed: {  	v12 =	vld [tilespmem:$0x1330]  }
0xee: {  	v13 =	vld [tilespmem:$0x1340]  }
0xef: {  	[tilespmem:$0x2000] =	vst v1;
	v1 =	vld [tilespmem:$0x1350]  }
0xf0: {  	[tilespmem:$0x2010] =	vst v2;
	v2 =	vld [tilespmem:$0x1360]  }
0xf1: {  	[tilespmem:$0x2020] =	vst v3;
	v3 =	vld [tilespmem:$0x1370]  }
0xf2: {  	[tilespmem:$0x2030] =	vst v12  }
0xf3: {  	[tilespmem:$0x2040] =	vst v13  }
0xf4: {  	[tilespmem:$0x2050] =	vst v1  }
0xf5: {  	[tilespmem:$0x2060] =	vst v2  }
0xf6: {  	[tilespmem:$0x2070] =	vst v3  }
0xf7: {  	[spmem:s1] =	stream.indirect.scatter.add.f32 [tilespmem:s24], [sflag:$0xD], $0x40, s25, s31, $0xb8;
	[tilespmem:$0x1E080] =	vst v63  }
0xf8: {  	_ =	swait.ge [sflag:s4], $0x2000  }
0xf9: {  	[sflag:s4] =	ssyncset.done $0x0  }
0xfa: {  	s29 =	rddreg [dreg:$0x9];
	[sflag:s4] =	ssyncadd.s32 $0xFFFFE000  }
0xfb: {  	[tilespmem:s15], [sflag:$0xA] =	stream.indirect.gather [hbm4b:s13+s31], $0x40, s29, s31, $0xb8;
	[tilespmem:$0x1E080] =	vst v63  }
0xfc: {  	_ =	swait.ge [sflag:s5], $0x2000  }
0xfd: {  	[sflag:s5] =	ssyncset.done $0x0  }
0xfe: {  	[sflag:s5] =	ssyncadd.s32 $0xFFFFE000  }
0xff: {  	v1 =	vld [tilespmem:$0x1380]  }
0x100: {  	v2 =	vld [tilespmem:$0x1390]  }
0x101: {  	v3 =	vld [tilespmem:$0x13A0]  }
0x102: {  	v14 =	vld [tilespmem:$0x13B0]  }
0x103: {  	v15 =	vld [tilespmem:$0x13C0]  }
0x104: {  	[tilespmem:$0x2000] =	vst v1;
	v1 =	vld [tilespmem:$0x13D0]  }
0x105: {  	[tilespmem:$0x2010] =	vst v2;
	v2 =	vld [tilespmem:$0x13E0]  }
0x106: {  	[tilespmem:$0x2020] =	vst v3;
	v3 =	vld [tilespmem:$0x13F0]  }
0x107: {  	[tilespmem:$0x2030] =	vst v14  }
0x108: {  	[tilespmem:$0x2040] =	vst v15  }
0x109: {  	[tilespmem:$0x2050] =	vst v1  }
0x10a: {  	[tilespmem:$0x2060] =	vst v2  }
0x10b: {  	[tilespmem:$0x2070] =	vst v3  }
0x10c: {  	[spmem:s1] =	stream.indirect.scatter.add.f32 [tilespmem:s17], [sflag:$0xD], $0x40, s25, s31, $0xb8;
	[tilespmem:$0x1E080] =	vst v63  }
0x10d: {  	_ =	swait.ge [sflag:s4], $0x2000  }
0x10e: {  	[sflag:s4] =	ssyncset.done $0x0  }
0x10f: {  	s29 =	rddreg [dreg:$0xa];
	[sflag:s4] =	ssyncadd.s32 $0xFFFFE000  }
0x110: {  	[tilespmem:s24], [sflag:$0xB] =	stream.indirect.gather [hbm4b:s13+s31], $0x40, s29, s31, $0xb8;
	[tilespmem:$0x1E080] =	vst v63  }
0x111: {  	_ =	swait.ge [sflag:s18], $0x2000  }
0x112: {  	[sflag:s18] =	ssyncset.done $0x0  }
0x113: {  	s29 =	simm.s32 $0x2;
	[sflag:s18] =	ssyncadd.s32 $0xFFFFE000  }
0x114: {  	_ =	swait.ge [sflag:s29], $0x800  }
0x115: {  	[sflag:s29] =	ssyncset.done $0x0  }
0x116: {  	[sflag:s29] =	ssyncadd.s32 $0xFFFFF800;
	s29 =	simm.s32 $0x4  }
0x117: {  	_ =	swait.ge [sflag:s29], $0x800  }
0x118: {  	[sflag:s29] =	ssyncset.done $0x0  }
0x119: {  	[sflag:s29] =	ssyncadd.s32 $0xFFFFF800  }
0x11a: {  	v1 =	vld [tilespmem:$0x1400]  }
0x11b: {  	v2 =	vld [tilespmem:$0x1410]  }
0x11c: {  	v3 =	vld [tilespmem:$0x1420]  }
0x11d: {  	v16 =	vld [tilespmem:$0x1430]  }
0x11e: {  	v17 =	vld [tilespmem:$0x1440]  }
0x11f: {  	[tilespmem:$0x2000] =	vst v1;
	v1 =	vld [tilespmem:$0x1450]  }
0x120: {  	[tilespmem:$0x2010] =	vst v2;
	v2 =	vld [tilespmem:$0x1460]  }
0x121: {  	[tilespmem:$0x2020] =	vst v3;
	v3 =	vld [tilespmem:$0x1470]  }
0x122: {  	[tilespmem:$0x2030] =	vst v16  }
0x123: {  	[tilespmem:$0x2040] =	vst v17  }
0x124: {  	[tilespmem:$0x2050] =	vst v1  }
0x125: {  	[tilespmem:$0x2060] =	vst v2  }
0x126: {  	[tilespmem:$0x2070] =	vst v3  }
0x127: {  	[spmem:s1] =	stream.indirect.scatter.add.f32 [tilespmem:s0], [sflag:$0xD], $0x40, s25, s31, $0xb8;
	[tilespmem:$0x1E080] =	vst v63  }
0x128: {  	_ =	swait.ge [sflag:s4], $0x2000  }
0x129: {  	[sflag:s4] =	ssyncset.done $0x0  }
0x12a: {  	s29 =	rddreg [dreg:$0xb];
	[sflag:s4] =	ssyncadd.s32 $0xFFFFE000  }
0x12b: {  	[tilespmem:s17], [sflag:$0xC] =	stream.indirect.gather [hbm4b:s13+s31], $0x40, s29, s31, $0xb8;
	[tilespmem:$0x1E080] =	vst v63  }
0x12c: {  	_ =	swait.ge [sflag:s19], $0x2000  }
0x12d: {  	[sflag:s19] =	ssyncset.done $0x0  }
0x12e: {  	[sflag:s19] =	ssyncadd.s32 $0xFFFFE000  }
0x12f: {  	v1 =	vld [tilespmem:$0x1480]  }
0x130: {  	v2 =	vld [tilespmem:$0x1490]  }
0x131: {  	v3 =	vld [tilespmem:$0x14A0]  }
0x132: {  	v18 =	vld [tilespmem:$0x14B0]  }
0x133: {  	v19 =	vld [tilespmem:$0x14C0]  }
0x134: {  	[tilespmem:$0x2000] =	vst v1;
	v1 =	vld [tilespmem:$0x14D0]  }
0x135: {  	[tilespmem:$0x2010] =	vst v2;
	v2 =	vld [tilespmem:$0x14E0]  }
0x136: {  	[tilespmem:$0x2020] =	vst v3;
	v3 =	vld [tilespmem:$0x14F0]  }
0x137: {  	[tilespmem:$0x2030] =	vst v18  }
0x138: {  	[tilespmem:$0x2040] =	vst v19  }
0x139: {  	[tilespmem:$0x2050] =	vst v1  }
0x13a: {  	[tilespmem:$0x2060] =	vst v2  }
0x13b: {  	[tilespmem:$0x2070] =	vst v3  }
0x13c: {  	[spmem:s1] =	stream.indirect.scatter.add.f32 [tilespmem:s3], [sflag:$0xD], $0x40, s25, s31, $0xb8;
	[tilespmem:$0x1E080] =	vst v63  }
0x13d: {  	_ =	swait.ge [sflag:s4], $0x2000  }
0x13e: {  	[sflag:s4] =	ssyncset.done $0x0  }
0x13f: {  	[sflag:s4] =	ssyncadd.s32 $0xFFFFE000  }
0x140: {  	[tilespmem:s0], [sflag:$0x5] =	stream.indirect.gather [hbm4b:s13+s31], $0x40, s16, s31, $0xb8;
	[tilespmem:$0x1E080] =	vst v63  }
0x141: {  	_ =	swait.ge [sflag:s20], $0x2000  }
0x142: {  	[sflag:s20] =	ssyncset.done $0x0  }
0x143: {  	[sflag:s20] =	ssyncadd.s32 $0xFFFFE000  }
0x144: {  	v1 =	vld [tilespmem:$0x1500]  }
0x145: {  	v2 =	vld [tilespmem:$0x1510]  }
0x146: {  	v3 =	vld [tilespmem:$0x1520];
	_ =	sdelay $0x2  }
0x147: {  	[tilespmem:$0x2000] =	vst v1  }
0x148: {  	[tilespmem:$0x2010] =	vst v2  }
0x149: {  	[tilespmem:$0x2020] =	vst v3  }
0x14a: {  	v1 =	vld [tilespmem:$0x1530]  }
0x14b: {  	v2 =	vld [tilespmem:$0x1540]  }
0x14c: {  	v3 =	vld [tilespmem:$0x1550]  }
0x14d: {  	v20 =	vld [tilespmem:$0x1560]  }
0x14e: {  	v21 =	vld [tilespmem:$0x1570]  }
0x14f: {  	[tilespmem:$0x2030] =	vst v1  }
0x150: {  	[tilespmem:$0x2040] =	vst v2  }
0x151: {  	[tilespmem:$0x2050] =	vst v3  }
0x152: {  	[tilespmem:$0x2060] =	vst v20  }
0x153: {  	[tilespmem:$0x2070] =	vst v21  }
0x154: {  	[spmem:s1] =	stream.indirect.scatter.add.f32 [tilespmem:s6], [sflag:$0xD], $0x40, s25, s31, $0xb8;
	[tilespmem:$0x1E080] =	vst v63  }
0x155: {  	_ =	swait.ge [sflag:s4], $0x2000  }
0x156: {  	[sflag:s4] =	ssyncset.done $0x0  }
0x157: {  	s29 =	rddreg [dreg:$0xc];
	[sflag:s4] =	ssyncadd.s32 $0xFFFFE000  }
0x158: {  	[tilespmem:s3], [sflag:$0x6] =	stream.indirect.gather [hbm4b:s13+s31], $0x40, s29, s31, $0xb8;
	[tilespmem:$0x1E080] =	vst v63  }
0x159: {  	_ =	swait.ge [sflag:s21], $0x2000  }
0x15a: {  	[sflag:s21] =	ssyncset.done $0x0  }
0x15b: {  	[sflag:s21] =	ssyncadd.s32 $0xFFFFE000  }
0x15c: {  	v1 =	vld [tilespmem:$0x1580]  }
0x15d: {  	v2 =	vld [tilespmem:$0x1590]  }
0x15e: {  	v3 =	vld [tilespmem:$0x15A0]  }
0x15f: {  	v22 =	vld [tilespmem:$0x15B0]  }
0x160: {  	v23 =	vld [tilespmem:$0x15C0]  }
0x161: {  	[tilespmem:$0x2000] =	vst v1;
	v1 =	vld [tilespmem:$0x15D0]  }
0x162: {  	[tilespmem:$0x2010] =	vst v2;
	v2 =	vld [tilespmem:$0x15E0]  }
0x163: {  	[tilespmem:$0x2020] =	vst v3;
	v3 =	vld [tilespmem:$0x15F0]  }
0x164: {  	[tilespmem:$0x2030] =	vst v22  }
0x165: {  	[tilespmem:$0x2040] =	vst v23  }
0x166: {  	[tilespmem:$0x2050] =	vst v1  }
0x167: {  	[tilespmem:$0x2060] =	vst v2  }
0x168: {  	[tilespmem:$0x2070] =	vst v3  }
0x169: {  	[spmem:s1] =	stream.indirect.scatter.add.f32 [tilespmem:s8], [sflag:$0xD], $0x40, s25, s31, $0xb8;
	[tilespmem:$0x1E080] =	vst v63  }
0x16a: {  	_ =	swait.ge [sflag:s4], $0x2000  }
0x16b: {  	[sflag:s4] =	ssyncset.done $0x0  }
0x16c: {  	s16 =	rddreg [dreg:$0xd];
	[sflag:s4] =	ssyncadd.s32 $0xFFFFE000  }
0x16d: {  	[tilespmem:s6], [sflag:$0x7] =	stream.indirect.gather [hbm4b:s13+s31], $0x40, s16, s31, $0xb8;
	[tilespmem:$0x1E080] =	vst v63  }
0x16e: {  	_ =	swait.ge [sflag:s22], $0x2000  }
0x16f: {  	[sflag:s22] =	ssyncset.done $0x0  }
0x170: {  	[sflag:s22] =	ssyncadd.s32 $0xFFFFE000  }
0x171: {  	v1 =	vld [tilespmem:$0x1600]  }
0x172: {  	v2 =	vld [tilespmem:$0x1610]  }
0x173: {  	v3 =	vld [tilespmem:$0x1620]  }
0x174: {  	v24 =	vld [tilespmem:$0x1630]  }
0x175: {  	v25 =	vld [tilespmem:$0x1640]  }
0x176: {  	[tilespmem:$0x2000] =	vst v1;
	v1 =	vld [tilespmem:$0x1650]  }
0x177: {  	[tilespmem:$0x2010] =	vst v2;
	v2 =	vld [tilespmem:$0x1660]  }
0x178: {  	[tilespmem:$0x2020] =	vst v3;
	v3 =	vld [tilespmem:$0x1670]  }
0x179: {  	[tilespmem:$0x2030] =	vst v24  }
0x17a: {  	[tilespmem:$0x2040] =	vst v25  }
0x17b: {  	[tilespmem:$0x2050] =	vst v1  }
0x17c: {  	[tilespmem:$0x2060] =	vst v2  }
0x17d: {  	[tilespmem:$0x2070] =	vst v3  }
0x17e: {  	[spmem:s1] =	stream.indirect.scatter.add.f32 [tilespmem:s12], [sflag:$0xD], $0x40, s25, s31, $0xb8;
	[tilespmem:$0x1E080] =	vst v63  }
0x17f: {  	_ =	swait.ge [sflag:s4], $0x2000  }
0x180: {  	[sflag:s4] =	ssyncset.done $0x0  }
0x181: {  	s29 =	rddreg [dreg:$0xe];
	[sflag:s4] =	ssyncadd.s32 $0xFFFFE000  }
0x182: {  	[tilespmem:s8], [sflag:$0x8] =	stream.indirect.gather [hbm4b:s13+s31], $0x40, s29, s31, $0xb8;
	[tilespmem:$0x1E080] =	vst v63  }
0x183: {  	_ =	swait.ge [sflag:s23], $0x2000  }
0x184: {  	[sflag:s23] =	ssyncset.done $0x0  }
0x185: {  	[sflag:s23] =	ssyncadd.s32 $0xFFFFE000  }
0x186: {  	v1 =	vld [tilespmem:$0x1680]  }
0x187: {  	v2 =	vld [tilespmem:$0x1690]  }
0x188: {  	v3 =	vld [tilespmem:$0x16A0]  }
0x189: {  	v26 =	vld [tilespmem:$0x16B0]  }
0x18a: {  	v27 =	vld [tilespmem:$0x16C0]  }
0x18b: {  	[tilespmem:$0x2000] =	vst v1;
	v1 =	vld [tilespmem:$0x16D0]  }
0x18c: {  	[tilespmem:$0x2010] =	vst v2;
	v2 =	vld [tilespmem:$0x16E0]  }
0x18d: {  	[tilespmem:$0x2020] =	vst v3;
	v3 =	vld [tilespmem:$0x16F0]  }
0x18e: {  	[tilespmem:$0x2030] =	vst v26  }
0x18f: {  	[tilespmem:$0x2040] =	vst v27  }
0x190: {  	[tilespmem:$0x2050] =	vst v1  }
0x191: {  	[tilespmem:$0x2060] =	vst v2  }
0x192: {  	[tilespmem:$0x2070] =	vst v3  }
0x193: {  	[spmem:s1] =	stream.indirect.scatter.add.f32 [tilespmem:s15], [sflag:$0xD], $0x40, s25, s31, $0xb8;
	[tilespmem:$0x1E080] =	vst v63  }
0x194: {  	_ =	swait.ge [sflag:s4], $0x2000  }
0x195: {  	[sflag:s4] =	ssyncset.done $0x0  }
0x196: {  	s16 =	rddreg [dreg:$0xf];
	[sflag:s4] =	ssyncadd.s32 $0xFFFFE000  }
0x197: {  	[tilespmem:s12], [sflag:$0x9] =	stream.indirect.gather [hbm4b:s13+s31], $0x40, s16, s31, $0xb8;
	[tilespmem:$0x1E080] =	vst v63  }
0x198: {  	_ =	swait.ge [sflag:s28], $0x2000  }
0x199: {  	[sflag:s28] =	ssyncset.done $0x0  }
0x19a: {  	[sflag:s28] =	ssyncadd.s32 $0xFFFFE000  }
0x19b: {  	v1 =	vld [tilespmem:$0x1700]  }
0x19c: {  	v2 =	vld [tilespmem:$0x1710]  }
0x19d: {  	v3 =	vld [tilespmem:$0x1720]  }
0x19e: {  	v28 =	vld [tilespmem:$0x1730]  }
0x19f: {  	v29 =	vld [tilespmem:$0x1740]  }
0x1a0: {  	[tilespmem:$0x2000] =	vst v1;
	v1 =	vld [tilespmem:$0x1750]  }
0x1a1: {  	[tilespmem:$0x2010] =	vst v2;
	v2 =	vld [tilespmem:$0x1760]  }
0x1a2: {  	[tilespmem:$0x2020] =	vst v3;
	v3 =	vld [tilespmem:$0x1770]  }
0x1a3: {  	[tilespmem:$0x2030] =	vst v28  }
0x1a4: {  	[tilespmem:$0x2040] =	vst v29  }
0x1a5: {  	[tilespmem:$0x2050] =	vst v1  }
0x1a6: {  	[tilespmem:$0x2060] =	vst v2  }
0x1a7: {  	[tilespmem:$0x2070] =	vst v3  }
0x1a8: {  	[spmem:s1] =	stream.indirect.scatter.add.f32 [tilespmem:s24], [sflag:$0xD], $0x40, s25, s31, $0xb8;
	[tilespmem:$0x1E080] =	vst v63  }
0x1a9: {  	_ =	swait.ge [sflag:s4], $0x2000  }
0x1aa: {  	[sflag:s4] =	ssyncset.done $0x0  }
0x1ab: {  	s29 =	rddreg [dreg:$0x10];
	[sflag:s4] =	ssyncadd.s32 $0xFFFFE000  }
0x1ac: {  	[tilespmem:s15], [sflag:$0xA] =	stream.indirect.gather [hbm4b:s13+s31], $0x40, s29, s31, $0xb8;
	[tilespmem:$0x1E080] =	vst v63  }
0x1ad: {  	_ =	swait.ge [sflag:s5], $0x2000  }
0x1ae: {  	[sflag:s5] =	ssyncset.done $0x0  }
0x1af: {  	[sflag:s5] =	ssyncadd.s32 $0xFFFFE000  }
0x1b0: {  	v1 =	vld [tilespmem:$0x1780]  }
0x1b1: {  	v2 =	vld [tilespmem:$0x1790]  }
0x1b2: {  	v3 =	vld [tilespmem:$0x17A0]  }
0x1b3: {  	v30 =	vld [tilespmem:$0x17B0]  }
0x1b4: {  	v31 =	vld [tilespmem:$0x17C0]  }
0x1b5: {  	[tilespmem:$0x2000] =	vst v1;
	v1 =	vld [tilespmem:$0x17D0]  }
0x1b6: {  	[tilespmem:$0x2010] =	vst v2;
	v2 =	vld [tilespmem:$0x17E0]  }
0x1b7: {  	[tilespmem:$0x2020] =	vst v3;
	v3 =	vld [tilespmem:$0x17F0]  }
0x1b8: {  	[tilespmem:$0x2030] =	vst v30  }
0x1b9: {  	[tilespmem:$0x2040] =	vst v31  }
0x1ba: {  	[tilespmem:$0x2050] =	vst v1  }
0x1bb: {  	[tilespmem:$0x2060] =	vst v2  }
0x1bc: {  	[tilespmem:$0x2070] =	vst v3  }
0x1bd: {  	[spmem:s1] =	stream.indirect.scatter.add.f32 [tilespmem:s17], [sflag:$0xD], $0x40, s25, s31, $0xb8;
	[tilespmem:$0x1E080] =	vst v63  }
0x1be: {  	_ =	swait.ge [sflag:s4], $0x2000  }
0x1bf: {  	[sflag:s4] =	ssyncset.done $0x0  }
0x1c0: {  	s16 =	rddreg [dreg:$0x11];
	[sflag:s4] =	ssyncadd.s32 $0xFFFFE000  }
0x1c1: {  	[tilespmem:s24], [sflag:$0xB] =	stream.indirect.gather [hbm4b:s13+s31], $0x40, s16, s31, $0xb8;
	[tilespmem:$0x1E080] =	vst v63  }
0x1c2: {  	s16 =	sadd.s32 s14, s10  }
0x1c3: {  	s9 =	sadd.s32 s14, s26;
	s29 =	sadd.s32 $0xC00, s16  }
0x1c4: {  	[tilespmem:s2], [sflag:$0x1] =	stream.linear.gather [hbm4b:s29+s2], $0x800, $0x38;
	[tilespmem:$0x1E080] =	vst v63  }
0x1c5: {  	s29 =	smov.u32 s26;
	s26 =	smov.u32 s10;
	s10 =	sadd.s32 $0xC00, s9  }
0x1c6: {  	[tilespmem:s11], [sflag:$0x3] =	stream.linear.gather [hbm4b:s10+s2], $0x800, $0x38;
	[tilespmem:$0x1E080] =	vst v63  }
0x1c7: {  	_ =	swait.ge [sflag:s18], $0x2000  }
0x1c8: {  	[sflag:s18] =	ssyncset.done $0x0  }
0x1c9: {  	[sflag:s18] =	ssyncadd.s32 $0xFFFFE000  }
0x1ca: {  	v1 =	vld [tilespmem:$0x1800]  }
0x1cb: {  	v2 =	vld [tilespmem:$0x1810]  }
0x1cc: {  	v3 =	vld [tilespmem:$0x1820]  }
0x1cd: {  	v32 =	vld [tilespmem:$0x1830]  }
0x1ce: {  	v33 =	vld [tilespmem:$0x1840]  }
0x1cf: {  	[tilespmem:$0x2000] =	vst v1;
	v1 =	vld [tilespmem:$0x1850]  }
0x1d0: {  	[tilespmem:$0x2010] =	vst v2;
	v2 =	vld [tilespmem:$0x1860]  }
0x1d1: {  	[tilespmem:$0x2020] =	vst v3;
	v3 =	vld [tilespmem:$0x1870]  }
0x1d2: {  	[tilespmem:$0x2030] =	vst v32  }
0x1d3: {  	[tilespmem:$0x2040] =	vst v33  }
0x1d4: {  	[tilespmem:$0x2050] =	vst v1  }
0x1d5: {  	[tilespmem:$0x2060] =	vst v2  }
0x1d6: {  	[tilespmem:$0x2070] =	vst v3  }
0x1d7: {  	[spmem:s1] =	stream.indirect.scatter.add.f32 [tilespmem:s0], [sflag:$0xD], $0x40, s25, s31, $0xb8;
	[tilespmem:$0x1E080] =	vst v63  }
0x1d8: {  	_ =	swait.ge [sflag:s4], $0x2000  }
0x1d9: {  	[sflag:s4] =	ssyncset.done $0x0  }
0x1da: {  	s10 =	rddreg [dreg:$0x12];
	[sflag:s4] =	ssyncadd.s32 $0xFFFFE000  }
0x1db: {  	[tilespmem:s17], [sflag:$0xC] =	stream.indirect.gather [hbm4b:s13+s31], $0x40, s10, s31, $0xb8;
	[tilespmem:$0x1E080] =	vst v63  }
0x1dc: {  	_ =	swait.ge [sflag:s19], $0x2000  }
0x1dd: {  	[sflag:s19] =	ssyncset.done $0x0  }
0x1de: {  	[sflag:s19] =	ssyncadd.s32 $0xFFFFE000  }
0x1df: {  	v1 =	vld [tilespmem:$0x1880]  }
0x1e0: {  	v2 =	vld [tilespmem:$0x1890]  }
0x1e1: {  	v3 =	vld [tilespmem:$0x18A0]  }
0x1e2: {  	v34 =	vld [tilespmem:$0x18B0]  }
0x1e3: {  	v35 =	vld [tilespmem:$0x18C0]  }
0x1e4: {  	[tilespmem:$0x2000] =	vst v1;
	v1 =	vld [tilespmem:$0x18D0]  }
0x1e5: {  	[tilespmem:$0x2010] =	vst v2;
	v2 =	vld [tilespmem:$0x18E0]  }
0x1e6: {  	[tilespmem:$0x2020] =	vst v3;
	v3 =	vld [tilespmem:$0x18F0]  }
0x1e7: {  	[tilespmem:$0x2030] =	vst v34  }
0x1e8: {  	[tilespmem:$0x2040] =	vst v35  }
0x1e9: {  	[tilespmem:$0x2050] =	vst v1  }
0x1ea: {  	[tilespmem:$0x2060] =	vst v2  }
0x1eb: {  	[tilespmem:$0x2070] =	vst v3  }
0x1ec: {  	[spmem:s1] =	stream.indirect.scatter.add.f32 [tilespmem:s3], [sflag:$0xD], $0x40, s25, s31, $0xb8;
	[tilespmem:$0x1E080] =	vst v63  }
0x1ed: {  	_ =	swait.ge [sflag:s4], $0x2000  }
0x1ee: {  	[sflag:s4] =	ssyncset.done $0x0  }
0x1ef: {  	s10 =	rddreg [dreg:$0x13];
	[sflag:s4] =	ssyncadd.s32 $0xFFFFE000  }
0x1f0: {  	[tilespmem:s0], [sflag:$0x5] =	stream.indirect.gather [hbm4b:s13+s31], $0x40, s10, s31, $0xb8;
	[tilespmem:$0x1E080] =	vst v63  }
0x1f1: {  	_ =	swait.ge [sflag:s20], $0x2000  }
0x1f2: {  	[sflag:s20] =	ssyncset.done $0x0  }
0x1f3: {  	[sflag:s20] =	ssyncadd.s32 $0xFFFFE000  }
0x1f4: {  	v1 =	vld [tilespmem:$0x1900]  }
0x1f5: {  	v2 =	vld [tilespmem:$0x1910]  }
0x1f6: {  	v3 =	vld [tilespmem:$0x1920]  }
0x1f7: {  	v36 =	vld [tilespmem:$0x1930]  }
0x1f8: {  	v37 =	vld [tilespmem:$0x1940]  }
0x1f9: {  	[tilespmem:$0x2000] =	vst v1;
	v1 =	vld [tilespmem:$0x1950]  }
0x1fa: {  	[tilespmem:$0x2010] =	vst v2;
	v2 =	vld [tilespmem:$0x1960]  }
0x1fb: {  	[tilespmem:$0x2020] =	vst v3;
	v3 =	vld [tilespmem:$0x1970]  }
0x1fc: {  	[tilespmem:$0x2030] =	vst v36  }
0x1fd: {  	[tilespmem:$0x2040] =	vst v37  }
0x1fe: {  	[tilespmem:$0x2050] =	vst v1  }
0x1ff: {  	[tilespmem:$0x2060] =	vst v2  }
0x200: {  	[tilespmem:$0x2070] =	vst v3  }
0x201: {  	[spmem:s1] =	stream.indirect.scatter.add.f32 [tilespmem:s6], [sflag:$0xD], $0x40, s25, s31, $0xb8;
	[tilespmem:$0x1E080] =	vst v63  }
0x202: {  	_ =	swait.ge [sflag:s4], $0x2000  }
0x203: {  	[sflag:s4] =	ssyncset.done $0x0  }
0x204: {  	s10 =	rddreg [dreg:$0x14];
	[sflag:s4] =	ssyncadd.s32 $0xFFFFE000  }
0x205: {  	[tilespmem:s3], [sflag:$0x6] =	stream.indirect.gather [hbm4b:s13+s31], $0x40, s10, s31, $0xb8;
	[tilespmem:$0x1E080] =	vst v63  }
0x206: {  	_ =	swait.ge [sflag:s21], $0x2000  }
0x207: {  	[sflag:s21] =	ssyncset.done $0x0  }
0x208: {  	[sflag:s21] =	ssyncadd.s32 $0xFFFFE000  }
0x209: {  	v1 =	vld [tilespmem:$0x1980]  }
0x20a: {  	v2 =	vld [tilespmem:$0x1990]  }
0x20b: {  	v3 =	vld [tilespmem:$0x19A0]  }
0x20c: {  	v38 =	vld [tilespmem:$0x19B0]  }
0x20d: {  	v39 =	vld [tilespmem:$0x19C0]  }
0x20e: {  	[tilespmem:$0x2000] =	vst v1;
	v1 =	vld [tilespmem:$0x19D0]  }
0x20f: {  	[tilespmem:$0x2010] =	vst v2;
	v2 =	vld [tilespmem:$0x19E0]  }
0x210: {  	[tilespmem:$0x2020] =	vst v3;
	v3 =	vld [tilespmem:$0x19F0]  }
0x211: {  	[tilespmem:$0x2030] =	vst v38  }
0x212: {  	[tilespmem:$0x2040] =	vst v39  }
0x213: {  	[tilespmem:$0x2050] =	vst v1  }
0x214: {  	[tilespmem:$0x2060] =	vst v2  }
0x215: {  	[tilespmem:$0x2070] =	vst v3  }
0x216: {  	[spmem:s1] =	stream.indirect.scatter.add.f32 [tilespmem:s8], [sflag:$0xD], $0x40, s25, s31, $0xb8;
	[tilespmem:$0x1E080] =	vst v63  }
0x217: {  	_ =	swait.ge [sflag:s4], $0x2000  }
0x218: {  	[sflag:s4] =	ssyncset.done $0x0  }
0x219: {  	s10 =	rddreg [dreg:$0x15];
	[sflag:s4] =	ssyncadd.s32 $0xFFFFE000  }
0x21a: {  	[tilespmem:s6], [sflag:$0x7] =	stream.indirect.gather [hbm4b:s13+s31], $0x40, s10, s31, $0xb8;
	[tilespmem:$0x1E080] =	vst v63  }
0x21b: {  	_ =	swait.ge [sflag:s22], $0x2000  }
0x21c: {  	[sflag:s22] =	ssyncset.done $0x0  }
0x21d: {  	[sflag:s22] =	ssyncadd.s32 $0xFFFFE000  }
0x21e: {  	v1 =	vld [tilespmem:$0x1A00]  }
0x21f: {  	v2 =	vld [tilespmem:$0x1A10]  }
0x220: {  	v3 =	vld [tilespmem:$0x1A20]  }
0x221: {  	v40 =	vld [tilespmem:$0x1A30]  }
0x222: {  	v41 =	vld [tilespmem:$0x1A40]  }
0x223: {  	[tilespmem:$0x2000] =	vst v1;
	v1 =	vld [tilespmem:$0x1A50]  }
0x224: {  	[tilespmem:$0x2010] =	vst v2;
	v2 =	vld [tilespmem:$0x1A60]  }
0x225: {  	[tilespmem:$0x2020] =	vst v3;
	v3 =	vld [tilespmem:$0x1A70]  }
0x226: {  	[tilespmem:$0x2030] =	vst v40  }
0x227: {  	[tilespmem:$0x2040] =	vst v41  }
0x228: {  	[tilespmem:$0x2050] =	vst v1  }
0x229: {  	[tilespmem:$0x2060] =	vst v2  }
0x22a: {  	[tilespmem:$0x2070] =	vst v3  }
0x22b: {  	[spmem:s1] =	stream.indirect.scatter.add.f32 [tilespmem:s12], [sflag:$0xD], $0x40, s25, s31, $0xb8;
	[tilespmem:$0x1E080] =	vst v63  }
0x22c: {  	_ =	swait.ge [sflag:s4], $0x2000  }
0x22d: {  	[sflag:s4] =	ssyncset.done $0x0  }
0x22e: {  	s10 =	rddreg [dreg:$0x16];
	[sflag:s4] =	ssyncadd.s32 $0xFFFFE000  }
0x22f: {  	[tilespmem:s8], [sflag:$0x8] =	stream.indirect.gather [hbm4b:s13+s31], $0x40, s10, s31, $0xb8;
	[tilespmem:$0x1E080] =	vst v63  }
0x230: {  	_ =	swait.ge [sflag:s23], $0x2000  }
0x231: {  	[sflag:s23] =	ssyncset.done $0x0  }
0x232: {  	[sflag:s23] =	ssyncadd.s32 $0xFFFFE000  }
0x233: {  	v1 =	vld [tilespmem:$0x1A80]  }
0x234: {  	v2 =	vld [tilespmem:$0x1A90]  }
0x235: {  	v3 =	vld [tilespmem:$0x1AA0]  }
0x236: {  	v42 =	vld [tilespmem:$0x1AB0]  }
0x237: {  	v43 =	vld [tilespmem:$0x1AC0]  }
0x238: {  	[tilespmem:$0x2000] =	vst v1;
	v1 =	vld [tilespmem:$0x1AD0]  }
0x239: {  	[tilespmem:$0x2010] =	vst v2;
	v2 =	vld [tilespmem:$0x1AE0]  }
0x23a: {  	[tilespmem:$0x2020] =	vst v3;
	v3 =	vld [tilespmem:$0x1AF0]  }
0x23b: {  	[tilespmem:$0x2030] =	vst v42  }
0x23c: {  	[tilespmem:$0x2040] =	vst v43  }
0x23d: {  	[tilespmem:$0x2050] =	vst v1  }
0x23e: {  	[tilespmem:$0x2060] =	vst v2  }
0x23f: {  	[tilespmem:$0x2070] =	vst v3  }
0x240: {  	[spmem:s1] =	stream.indirect.scatter.add.f32 [tilespmem:s15], [sflag:$0xD], $0x40, s25, s31, $0xb8;
	[tilespmem:$0x1E080] =	vst v63  }
0x241: {  	_ =	swait.ge [sflag:s4], $0x2000  }
0x242: {  	[sflag:s4] =	ssyncset.done $0x0  }
0x243: {  	s10 =	rddreg [dreg:$0x17];
	[sflag:s4] =	ssyncadd.s32 $0xFFFFE000  }
0x244: {  	[tilespmem:s12], [sflag:$0x9] =	stream.indirect.gather [hbm4b:s13+s31], $0x40, s10, s31, $0xb8;
	[tilespmem:$0x1E080] =	vst v63  }
0x245: {  	_ =	swait.ge [sflag:s28], $0x2000  }
0x246: {  	[sflag:s28] =	ssyncset.done $0x0  }
0x247: {  	[sflag:s28] =	ssyncadd.s32 $0xFFFFE000  }
0x248: {  	v1 =	vld [tilespmem:$0x1B00]  }
0x249: {  	v2 =	vld [tilespmem:$0x1B10]  }
0x24a: {  	v3 =	vld [tilespmem:$0x1B20]  }
0x24b: {  	v44 =	vld [tilespmem:$0x1B30]  }
0x24c: {  	v45 =	vld [tilespmem:$0x1B40]  }
0x24d: {  	[tilespmem:$0x2000] =	vst v1;
	v1 =	vld [tilespmem:$0x1B50]  }
0x24e: {  	[tilespmem:$0x2010] =	vst v2;
	v2 =	vld [tilespmem:$0x1B60]  }
0x24f: {  	[tilespmem:$0x2020] =	vst v3;
	v3 =	vld [tilespmem:$0x1B70]  }
0x250: {  	[tilespmem:$0x2030] =	vst v44  }
0x251: {  	[tilespmem:$0x2040] =	vst v45  }
0x252: {  	[tilespmem:$0x2050] =	vst v1  }
0x253: {  	[tilespmem:$0x2060] =	vst v2  }
0x254: {  	[tilespmem:$0x2070] =	vst v3  }
0x255: {  	[spmem:s1] =	stream.indirect.scatter.add.f32 [tilespmem:s24], [sflag:$0xD], $0x40, s25, s31, $0xb8;
	[tilespmem:$0x1E080] =	vst v63  }
0x256: {  	_ =	swait.ge [sflag:s4], $0x2000  }
0x257: {  	[sflag:s4] =	ssyncset.done $0x0  }
0x258: {  	s10 =	rddreg [dreg:$0x18];
	[sflag:s4] =	ssyncadd.s32 $0xFFFFE000  }
0x259: {  	[tilespmem:s15], [sflag:$0xA] =	stream.indirect.gather [hbm4b:s13+s31], $0x40, s10, s31, $0xb8;
	[tilespmem:$0x1E080] =	vst v63  }
0x25a: {  	_ =	swait.ge [sflag:s5], $0x2000  }
0x25b: {  	[sflag:s5] =	ssyncset.done $0x0  }
0x25c: {  	[sflag:s5] =	ssyncadd.s32 $0xFFFFE000  }
0x25d: {  	v1 =	vld [tilespmem:$0x1B80]  }
0x25e: {  	v2 =	vld [tilespmem:$0x1B90]  }
0x25f: {  	v3 =	vld [tilespmem:$0x1BA0]  }
0x260: {  	v46 =	vld [tilespmem:$0x1BB0]  }
0x261: {  	v47 =	vld [tilespmem:$0x1BC0]  }
0x262: {  	[tilespmem:$0x2000] =	vst v1;
	v1 =	vld [tilespmem:$0x1BD0]  }
0x263: {  	[tilespmem:$0x2010] =	vst v2;
	v2 =	vld [tilespmem:$0x1BE0]  }
0x264: {  	[tilespmem:$0x2020] =	vst v3;
	v3 =	vld [tilespmem:$0x1BF0]  }
0x265: {  	[tilespmem:$0x2030] =	vst v46  }
0x266: {  	[tilespmem:$0x2040] =	vst v47  }
0x267: {  	[tilespmem:$0x2050] =	vst v1  }
0x268: {  	[tilespmem:$0x2060] =	vst v2  }
0x269: {  	[tilespmem:$0x2070] =	vst v3  }
0x26a: {  	[spmem:s1] =	stream.indirect.scatter.add.f32 [tilespmem:s17], [sflag:$0xD], $0x40, s25, s31, $0xb8;
	[tilespmem:$0x1E080] =	vst v63  }
0x26b: {  	_ =	swait.ge [sflag:s4], $0x2000  }
0x26c: {  	[sflag:s4] =	ssyncset.done $0x0  }
0x26d: {  	s10 =	rddreg [dreg:$0x19];
	[sflag:s4] =	ssyncadd.s32 $0xFFFFE000  }
0x26e: {  	[tilespmem:s24], [sflag:$0xB] =	stream.indirect.gather [hbm4b:s13+s31], $0x40, s10, s31, $0xb8;
	[tilespmem:$0x1E080] =	vst v63  }
0x26f: {  	_ =	swait.ge [sflag:s18], $0x2000  }
0x270: {  	[sflag:s18] =	ssyncset.done $0x0  }
0x271: {  	[sflag:s18] =	ssyncadd.s32 $0xFFFFE000  }
0x272: {  	_ =	swait.ge [sflag:s30], $0x800  }
0x273: {  	[sflag:s30] =	ssyncset.done $0x0  }
0x274: {  	[sflag:s30] =	ssyncadd.s32 $0xFFFFF800  }
0x275: {  	_ =	swait.ge [sflag:s7], $0x800  }
0x276: {  	[sflag:s7] =	ssyncset.done $0x0  }
0x277: {  	[sflag:s7] =	ssyncadd.s32 $0xFFFFF800  }
0x278: {  	v1 =	vld [tilespmem:$0x1C00]  }
0x279: {  	v2 =	vld [tilespmem:$0x1C10]  }
0x27a: {  	v3 =	vld [tilespmem:$0x1C20]  }
0x27b: {  	v48 =	vld [tilespmem:$0x1C30]  }
0x27c: {  	v49 =	vld [tilespmem:$0x1C40]  }
0x27d: {  	[tilespmem:$0x2000] =	vst v1;
	v1 =	vld [tilespmem:$0x1C50]  }
0x27e: {  	[tilespmem:$0x2010] =	vst v2;
	v2 =	vld [tilespmem:$0x1C60]  }
0x27f: {  	[tilespmem:$0x2020] =	vst v3;
	v3 =	vld [tilespmem:$0x1C70]  }
0x280: {  	[tilespmem:$0x2030] =	vst v48  }
0x281: {  	[tilespmem:$0x2040] =	vst v49  }
0x282: {  	[tilespmem:$0x2050] =	vst v1  }
0x283: {  	[tilespmem:$0x2060] =	vst v2  }
0x284: {  	[tilespmem:$0x2070] =	vst v3  }
0x285: {  	[spmem:s1] =	stream.indirect.scatter.add.f32 [tilespmem:s0], [sflag:$0xD], $0x40, s25, s31, $0xb8;
	[tilespmem:$0x1E080] =	vst v63  }
0x286: {  	_ =	swait.ge [sflag:s4], $0x2000  }
0x287: {  	[sflag:s4] =	ssyncset.done $0x0  }
0x288: {  	s10 =	rddreg [dreg:$0x1a];
	[sflag:s4] =	ssyncadd.s32 $0xFFFFE000  }
0x289: {  	[tilespmem:s17], [sflag:$0xC] =	stream.indirect.gather [hbm4b:s13+s31], $0x40, s10, s31, $0xb8;
	[tilespmem:$0x1E080] =	vst v63  }
0x28a: {  	_ =	swait.ge [sflag:s19], $0x2000  }
0x28b: {  	[sflag:s19] =	ssyncset.done $0x0  }
0x28c: {  	[sflag:s19] =	ssyncadd.s32 $0xFFFFE000  }
0x28d: {  	v1 =	vld [tilespmem:$0x1C80]  }
0x28e: {  	v2 =	vld [tilespmem:$0x1C90]  }
0x28f: {  	v3 =	vld [tilespmem:$0x1CA0]  }
0x290: {  	v50 =	vld [tilespmem:$0x1CB0]  }
0x291: {  	v51 =	vld [tilespmem:$0x1CC0]  }
0x292: {  	[tilespmem:$0x2000] =	vst v1;
	v1 =	vld [tilespmem:$0x1CD0]  }
0x293: {  	[tilespmem:$0x2010] =	vst v2;
	v2 =	vld [tilespmem:$0x1CE0]  }
0x294: {  	[tilespmem:$0x2020] =	vst v3;
	v3 =	vld [tilespmem:$0x1CF0]  }
0x295: {  	[tilespmem:$0x2030] =	vst v50  }
0x296: {  	[tilespmem:$0x2040] =	vst v51  }
0x297: {  	[tilespmem:$0x2050] =	vst v1  }
0x298: {  	[tilespmem:$0x2060] =	vst v2  }
0x299: {  	[tilespmem:$0x2070] =	vst v3  }
0x29a: {  	[spmem:s1] =	stream.indirect.scatter.add.f32 [tilespmem:s3], [sflag:$0xD], $0x40, s25, s31, $0xb8;
	[tilespmem:$0x1E080] =	vst v63  }
0x29b: {  	_ =	swait.ge [sflag:s4], $0x2000  }
0x29c: {  	[sflag:s4] =	ssyncset.done $0x0  }
0x29d: {  	[sflag:s4] =	ssyncadd.s32 $0xFFFFE000  }
0x29e: {  	[tilespmem:s0], [sflag:$0x5] =	stream.indirect.gather [hbm4b:s13+s31], $0x40, s2, s31, $0xb8;
	[tilespmem:$0x1E080] =	vst v63  }
0x29f: {  	_ =	swait.ge [sflag:s20], $0x2000  }
0x2a0: {  	[sflag:s20] =	ssyncset.done $0x0  }
0x2a1: {  	[sflag:s20] =	ssyncadd.s32 $0xFFFFE000  }
0x2a2: {  	v1 =	vld [tilespmem:$0x1D00]  }
0x2a3: {  	v2 =	vld [tilespmem:$0x1D10]  }
0x2a4: {  	v3 =	vld [tilespmem:$0x1D20]  }
0x2a5: {  	v52 =	vld [tilespmem:$0x1D30]  }
0x2a6: {  	v53 =	vld [tilespmem:$0x1D40]  }
0x2a7: {  	[tilespmem:$0x2000] =	vst v1;
	v1 =	vld [tilespmem:$0x1D50]  }
0x2a8: {  	[tilespmem:$0x2010] =	vst v2;
	v2 =	vld [tilespmem:$0x1D60]  }
0x2a9: {  	[tilespmem:$0x2020] =	vst v3;
	v3 =	vld [tilespmem:$0x1D70]  }
0x2aa: {  	[tilespmem:$0x2030] =	vst v52  }
0x2ab: {  	[tilespmem:$0x2040] =	vst v53  }
0x2ac: {  	[tilespmem:$0x2050] =	vst v1  }
0x2ad: {  	[tilespmem:$0x2060] =	vst v2  }
0x2ae: {  	[tilespmem:$0x2070] =	vst v3  }
0x2af: {  	[spmem:s1] =	stream.indirect.scatter.add.f32 [tilespmem:s6], [sflag:$0xD], $0x40, s25, s31, $0xb8;
	[tilespmem:$0x1E080] =	vst v63  }
0x2b0: {  	_ =	swait.ge [sflag:s4], $0x2000  }
0x2b1: {  	[sflag:s4] =	ssyncset.done $0x0  }
0x2b2: {  	[sflag:s4] =	ssyncadd.s32 $0xFFFFE000  }
0x2b3: {  	[tilespmem:s3], [sflag:$0x6] =	stream.indirect.gather [hbm4b:s13+s31], $0x40, s31, s31, $0xb8;
	[tilespmem:$0x1E080] =	vst v63  }
0x2b4: {  	_ =	swait.ge [sflag:s21], $0x2000  }
0x2b5: {  	[sflag:s21] =	ssyncset.done $0x0  }
0x2b6: {  	[sflag:s21] =	ssyncadd.s32 $0xFFFFE000  }
0x2b7: {  	v1 =	vld [tilespmem:$0x1D80]  }
0x2b8: {  	v2 =	vld [tilespmem:$0x1D90]  }
0x2b9: {  	v3 =	vld [tilespmem:$0x1DA0]  }
0x2ba: {  	v54 =	vld [tilespmem:$0x1DB0]  }
0x2bb: {  	v55 =	vld [tilespmem:$0x1DC0]  }
0x2bc: {  	[tilespmem:$0x2000] =	vst v1;
	v1 =	vld [tilespmem:$0x1DD0]  }
0x2bd: {  	[tilespmem:$0x2010] =	vst v2;
	v2 =	vld [tilespmem:$0x1DE0]  }
0x2be: {  	[tilespmem:$0x2020] =	vst v3;
	v3 =	vld [tilespmem:$0x1DF0]  }
0x2bf: {  	[tilespmem:$0x2030] =	vst v54  }
0x2c0: {  	[tilespmem:$0x2040] =	vst v55  }
0x2c1: {  	[tilespmem:$0x2050] =	vst v1  }
0x2c2: {  	[tilespmem:$0x2060] =	vst v2  }
0x2c3: {  	[tilespmem:$0x2070] =	vst v3  }
0x2c4: {  	[spmem:s1] =	stream.indirect.scatter.add.f32 [tilespmem:s8], [sflag:$0xD], $0x40, s25, s31, $0xb8;
	[tilespmem:$0x1E080] =	vst v63  }
0x2c5: {  	_ =	swait.ge [sflag:s4], $0x2000  }
0x2c6: {  	[sflag:s4] =	ssyncset.done $0x0  }
0x2c7: {  	s10 =	simm.s32 $0x100;
	[sflag:s4] =	ssyncadd.s32 $0xFFFFE000  }
0x2c8: {  	[tilespmem:s6], [sflag:$0x7] =	stream.indirect.gather [hbm4b:s13+s31], $0x40, s10, s31, $0xb8;
	[tilespmem:$0x1E080] =	vst v63  }
0x2c9: {  	_ =	swait.ge [sflag:s22], $0x2000  }
0x2ca: {  	[sflag:s22] =	ssyncset.done $0x0  }
0x2cb: {  	[sflag:s22] =	ssyncadd.s32 $0xFFFFE000  }
0x2cc: {  	v1 =	vld [tilespmem:$0x1E00]  }
0x2cd: {  	v2 =	vld [tilespmem:$0x1E10]  }
0x2ce: {  	v3 =	vld [tilespmem:$0x1E20]  }
0x2cf: {  	v56 =	vld [tilespmem:$0x1E30]  }
0x2d0: {  	v57 =	vld [tilespmem:$0x1E40]  }
0x2d1: {  	[tilespmem:$0x2000] =	vst v1;
	v1 =	vld [tilespmem:$0x1E50]  }
0x2d2: {  	[tilespmem:$0x2010] =	vst v2;
	v2 =	vld [tilespmem:$0x1E60]  }
0x2d3: {  	[tilespmem:$0x2020] =	vst v3;
	v3 =	vld [tilespmem:$0x1E70]  }
0x2d4: {  	[tilespmem:$0x2030] =	vst v56  }
0x2d5: {  	[tilespmem:$0x2040] =	vst v57  }
0x2d6: {  	[tilespmem:$0x2050] =	vst v1  }
0x2d7: {  	[tilespmem:$0x2060] =	vst v2  }
0x2d8: {  	[tilespmem:$0x2070] =	vst v3  }
0x2d9: {  	[spmem:s1] =	stream.indirect.scatter.add.f32 [tilespmem:s12], [sflag:$0xD], $0x40, s25, s31, $0xb8;
	[tilespmem:$0x1E080] =	vst v63  }
0x2da: {  	_ =	swait.ge [sflag:s4], $0x2000  }
0x2db: {  	[sflag:s4] =	ssyncset.done $0x0  }
0x2dc: {  	s10 =	simm.s32 $0x180;
	[sflag:s4] =	ssyncadd.s32 $0xFFFFE000  }
0x2dd: {  	[tilespmem:s8], [sflag:$0x8] =	stream.indirect.gather [hbm4b:s13+s31], $0x40, s10, s31, $0xb8;
	[tilespmem:$0x1E080] =	vst v63  }
0x2de: {  	_ =	swait.ge [sflag:s23], $0x2000  }
0x2df: {  	[sflag:s23] =	ssyncset.done $0x0  }
0x2e0: {  	[sflag:s23] =	ssyncadd.s32 $0xFFFFE000  }
0x2e1: {  	v1 =	vld [tilespmem:$0x1E80]  }
0x2e2: {  	v2 =	vld [tilespmem:$0x1E90]  }
0x2e3: {  	v3 =	vld [tilespmem:$0x1EA0]  }
0x2e4: {  	v58 =	vld [tilespmem:$0x1EB0]  }
0x2e5: {  	v59 =	vld [tilespmem:$0x1EC0]  }
0x2e6: {  	[tilespmem:$0x2000] =	vst v1;
	v1 =	vld [tilespmem:$0x1ED0]  }
0x2e7: {  	[tilespmem:$0x2010] =	vst v2;
	v2 =	vld [tilespmem:$0x1EE0]  }
0x2e8: {  	[tilespmem:$0x2020] =	vst v3;
	v3 =	vld [tilespmem:$0x1EF0]  }
0x2e9: {  	[tilespmem:$0x2030] =	vst v58  }
0x2ea: {  	[tilespmem:$0x2040] =	vst v59  }
0x2eb: {  	[tilespmem:$0x2050] =	vst v1  }
0x2ec: {  	[tilespmem:$0x2060] =	vst v2  }
0x2ed: {  	[tilespmem:$0x2070] =	vst v3  }
0x2ee: {  	[spmem:s1] =	stream.indirect.scatter.add.f32 [tilespmem:s15], [sflag:$0xD], $0x40, s25, s31, $0xb8;
	[tilespmem:$0x1E080] =	vst v63  }
0x2ef: {  	_ =	swait.ge [sflag:s4], $0x2000  }
0x2f0: {  	[sflag:s4] =	ssyncset.done $0x0  }
0x2f1: {  	s10 =	simm.s32 $0x200;
	[sflag:s4] =	ssyncadd.s32 $0xFFFFE000  }
0x2f2: {  	[tilespmem:s12], [sflag:$0x9] =	stream.indirect.gather [hbm4b:s13+s31], $0x40, s10, s31, $0xb8;
	[tilespmem:$0x1E080] =	vst v63  }
0x2f3: {  	_ =	swait.ge [sflag:s28], $0x2000  }
0x2f4: {  	[sflag:s28] =	ssyncset.done $0x0  }
0x2f5: {  	[sflag:s28] =	ssyncadd.s32 $0xFFFFE000  }
0x2f6: {  	v1 =	vld [tilespmem:$0x1F00]  }
0x2f7: {  	v2 =	vld [tilespmem:$0x1F10]  }
0x2f8: {  	v3 =	vld [tilespmem:$0x1F20]  }
0x2f9: {  	v60 =	vld [tilespmem:$0x1F30]  }
0x2fa: {  	v61 =	vld [tilespmem:$0x1F40]  }
0x2fb: {  	[tilespmem:$0x2000] =	vst v1;
	v1 =	vld [tilespmem:$0x1F50]  }
0x2fc: {  	[tilespmem:$0x2010] =	vst v2;
	v2 =	vld [tilespmem:$0x1F60]  }
0x2fd: {  	[tilespmem:$0x2020] =	vst v3;
	v3 =	vld [tilespmem:$0x1F70]  }
0x2fe: {  	[tilespmem:$0x2030] =	vst v60  }
0x2ff: {  	[tilespmem:$0x2040] =	vst v61  }
0x300: {  	[tilespmem:$0x2050] =	vst v1  }
0x301: {  	[tilespmem:$0x2060] =	vst v2  }
0x302: {  	[tilespmem:$0x2070] =	vst v3  }
0x303: {  	[spmem:s1] =	stream.indirect.scatter.add.f32 [tilespmem:s24], [sflag:$0xD], $0x40, s25, s31, $0xb8;
	[tilespmem:$0x1E080] =	vst v63  }
0x304: {  	_ =	swait.ge [sflag:s4], $0x2000  }
0x305: {  	[sflag:s4] =	ssyncset.done $0x0  }
0x306: {  	s10 =	simm.s32 $0x280;
	[sflag:s4] =	ssyncadd.s32 $0xFFFFE000  }
0x307: {  	[tilespmem:s15], [sflag:$0xA] =	stream.indirect.gather [hbm4b:s13+s31], $0x40, s10, s31, $0xb8;
	[tilespmem:$0x1E080] =	vst v63  }
0x308: {  	_ =	swait.ge [sflag:s5], $0x2000  }
0x309: {  	[sflag:s5] =	ssyncset.done $0x0  }
0x30a: {  	[sflag:s5] =	ssyncadd.s32 $0xFFFFE000  }
0x30b: {  	v1 =	vld [tilespmem:$0x1F80]  }
0x30c: {  	v2 =	vld [tilespmem:$0x1F90]  }
0x30d: {  	v3 =	vld [tilespmem:$0x1FA0]  }
0x30e: {  	v62 =	vld [tilespmem:$0x1FB0]  }
0x30f: {  	v63 =	vld [tilespmem:$0x1FC0]  }
0x310: {  	[tilespmem:$0x2000] =	vst v1;
	v1 =	vld [tilespmem:$0x1FD0]  }
0x311: {  	[tilespmem:$0x2010] =	vst v2;
	v2 =	vld [tilespmem:$0x1FE0]  }
0x312: {  	[tilespmem:$0x2020] =	vst v3;
	v3 =	vld [tilespmem:$0x1FF0]  }
0x313: {  	[tilespmem:$0x2030] =	vst v62  }
0x314: {  	[tilespmem:$0x2040] =	vst v63  }
0x315: {  	[tilespmem:$0x2050] =	vst v1  }
0x316: {  	[tilespmem:$0x2060] =	vst v2  }
0x317: {  	[tilespmem:$0x2070] =	vst v3  }
0x318: {  	[spmem:s1] =	stream.indirect.scatter.add.f32 [tilespmem:s17], [sflag:$0xD], $0x40, s25, s31, $0xb8;
	[tilespmem:$0x1E080] =	vst v63  }
0x319: {  	_ =	swait.ge [sflag:s4], $0x2000  }
0x31a: {  	[sflag:s4] =	ssyncset.done $0x0  }
0x31b: {  	p1 =	sne.s32 s14, $0xFFFFFE00;
	s10 =	simm.s32 $0x300;
	[sflag:s4] =	ssyncadd.s32 $0xFFFFE000  }
0x31c: {  	[tilespmem:s24], [sflag:$0xB] =	stream.indirect.gather [hbm4b:s13+s31], $0x40, s10, s31, $0xb8;
	[tilespmem:$0x1E080] =	vst v63  }
.Ltmp1:
0x31d: {  	s14 =	sadd.s32 $0x200, s14;
	(pc) =	sbr.rel @p1 .LBB2_4-.Ltmp1, $4  }
0x31e: {  	s9 =	sadd.s32 $0xD00, s9;
	s10 =	sadd.s32 $0xD00, s16;
	s16 =	simm.s32 $0x800  }
0x31f: {  	[tilespmem:s16], [sflag:$0x2] =	stream.linear.gather [hbm4b:s10+s2], $0x800, $0x38;
	[tilespmem:$0x1E080] =	vst v63  }
0x320: {  	s10 =	smov.u32 s26;
	s26 =	smov.u32 s29;
	s29 =	simm.s32 $0x1800  }
0x321: {  	[tilespmem:s29], [sflag:$0x4] =	stream.linear.gather [hbm4b:s9+s2], $0x800, $0x38;
	[tilespmem:$0x1E080] =	vst v63  }
0x322: {  	_ =	swait.ge [sflag:s18], $0x2000  }
0x323: {  	[sflag:s18] =	ssyncset.done $0x0  }
0x324: {  	[sflag:s18] =	ssyncadd.s32 $0xFFFFE000  }
0x325: {  	_ =	swait.ge [sflag:s19], $0x2000  }
0x326: {  	[sflag:s19] =	ssyncset.done $0x0  }
0x327: {  	[sflag:s19] =	ssyncadd.s32 $0xFFFFE000  }
0x328: {  	_ =	swait.ge [sflag:s20], $0x2000  }
0x329: {  	[sflag:s20] =	ssyncset.done $0x0  }
0x32a: {  	[sflag:s20] =	ssyncadd.s32 $0xFFFFE000  }
0x32b: {  	_ =	swait.ge [sflag:s21], $0x2000  }
0x32c: {  	[sflag:s21] =	ssyncset.done $0x0  }
0x32d: {  	[sflag:s21] =	ssyncadd.s32 $0xFFFFE000  }
0x32e: {  	_ =	swait.ge [sflag:s22], $0x2000  }
0x32f: {  	[sflag:s22] =	ssyncset.done $0x0  }
0x330: {  	[sflag:s22] =	ssyncadd.s32 $0xFFFFE000  }
0x331: {  	_ =	swait.ge [sflag:s23], $0x2000  }
0x332: {  	[sflag:s23] =	ssyncset.done $0x0  }
0x333: {  	[sflag:s23] =	ssyncadd.s32 $0xFFFFE000  }
0x334: {  	_ =	swait.ge [sflag:s28], $0x2000  }
0x335: {  	[sflag:s28] =	ssyncset.done $0x0  }
0x336: {  	s7 =	simm.s32 $0x2;
	[sflag:s28] =	ssyncadd.s32 $0xFFFFE000  }
0x337: {  	_ =	swait.ge [sflag:s7], $0x800  }
0x338: {  	[sflag:s7] =	ssyncset.done $0x0  }
0x339: {  	s9 =	simm.s32 $0x4;
	[sflag:s7] =	ssyncadd.s32 $0xFFFFF800  }
0x33a: {  	_ =	swait.ge [sflag:s9], $0x800  }
0x33b: {  	[sflag:s9] =	ssyncset.done $0x0  }
0x33c: {  	[sflag:s9] =	ssyncadd.s32 $0xFFFFF800  }
0x33d: {  	[bflag:$0x0] =	sbarrier.arrive $0xFFFF  }
0x33e: {  	s14 =	sld [smem:$0x7F9]  }
0x33f: {  	s9 =	stileid.u32;
	s16 =	sld [smem:$0x7FC]  }
0x340: {  	s9 =	sshll.u32 s9, $0x6  }
0x341: {  	s9 =	sor.u32 $0x1C0D, s9  }
0x342: {  	[hbm:s14], [sflag:s9] =	dma.local [spmem:s16], $0x1380  }
0x343: {  	_ =	swait.ge [sflag:s4], $0x1380  }
0x344: {  	s14 =	sld [smem:$0x7FA]  }
0x345: {  	s16 =	sld [smem:$0x7FD]  }
0x346: {  	[sflag:s4] =	ssyncset.done $0x0  }
0x347: {  	[sflag:s4] =	ssyncadd.s32 $0xFFFFEC80  }
0x348: {  	[hbm:s14], [sflag:s9] =	dma.local @!p0 [spmem:s16], $0x80  }
0x349: {  	s9 =	simm.s32 @!p0 $0xD  }
0x34a: {  	_ =	swait.ge @!p0 [sflag:s9], $0x80  }
0x34b: {  	s14 =	sld [smem:$0x7F6]  }
0x34c: {  	s16 =	sld [smem:$0x7FB];
	_ =	sdelay $0x1  }
0x34d: {  	s7 =	sadd.s32 $0x1, s14  }
0x34e: {  	p1 =	sne.s32 s7, s16  }
.Ltmp2:
0x34f: {  	_ = 	snop;
	(pc) =	sbr.rel @p1 .LBB2_1-.Ltmp2, $3  }
0x350: {  	_ =	sdelay $0x1  }
0x351: {  	[sflag:s9] =	ssyncset.done @!p0 $0x0  }
0x352: {  	s29 =	simm.s32 $0x1000;
	[sflag:s9] =	ssyncadd.s32 @!p0 $0xFFFFFF80  }
0x353: {  	_ =	sfence.sel $0x180000  }
0x354: {  	[bflag:$0x0] =	sbarrier.arrive $0xFFFF  }
0x355: {  	_ =	strace $0x90000047  }
0x356: {  	[bflag:$0x2] =	sbarrier.arrive $0xFFFF  }
0x357: {  	s0 =	rddreg [dreg:$0x2]  }
0x358: {  	s0 =	sadd.s32 @!p0 $0x100000, s0  }
0x359: {  	[sflag:s0] =	ssyncadd.tile.s32 @!p0 $0x1;
	_ =	shalt  }
.Lfunc_end2:
_tile_overlayer_lowered:
.L_overlay_start_2:
0x35a: {  	(tag) =	ssettag $0x2  }
0x35b: {  	s0 =	rddreg [dreg:$0x0];
	s2 =	stileid.u32  }
0x35c: {  	s1 =	rddreg [dreg:$0x1];
	p0 =	sne.s32 s2, $0x0  }
0x35d: {  	s3 =	rddreg [dreg:$0x2];
	[bflag:$0x3] =	sbarrier.arrive $0xFFFF;
	s2 =	simm.s32 @!p0 $0x1C0D  }
0x35e: {  	[timem:s3], [sflag:s2] =	dma.local @!p0 [hbm:s0], s1  }
0x35f: {  	s0 =	simm.s32 @!p0 $0xD  }
0x360: {  	_ =	swait.ge @!p0 [sflag:s0], s1  }
0x361: {  	s1 =	ssub.s32 @!p0 $0x0, s1;
	[sflag:s0] =	ssyncset.done @!p0 $0x0  }
0x362: {  	[sflag:s0] =	ssyncadd.s32 @!p0 s1  }
0x363: {  	[bflag:$0x3] =	sbarrier.arrive $0xFFFF  }
0x364: {  	_ =	shalt  }

</sc_bundles>
